<compile_context>
chip_gen: v7x
topology: tpu7x:2x2x1
jax: 0.10.2.dev20260603
libtpu: 0.0.44.dev20260713+nightly
codegen_flags: <defaults>
</compile_context>

<pallas_src>
import functools

import jax
import jax.numpy as jnp
from jax import lax
from jax.experimental import pallas as pl
from jax.experimental.pallas import tpu as pltpu
from jax.experimental.pallas import tpu_sc as plsc

F32 = jnp.float32
HID, H, C, NGRAPH = 16, 8, 16, 16
NC, NS = 2, 16
NW = NC * NS
CHUNK = 128
N_PAD = 10112
RPT = N_PAD // NS
BR = 2528
GRID = N_PAD // BR

_mesh = functools.partial(
    plsc.VectorSubcoreMesh, core_axis_name="c", subcore_axis_name="s")

_PERM_DNUMS = lax.GatherDimensionNumbers(
    offset_dims=(), collapsed_slice_dims=(0,), start_index_map=(0,))


def _lane_shuffle(v, idx):
    return lax.gather(v, idx[:, None], _PERM_DNUMS, (1,),
                      mode=lax.GatherScatterMode.PROMISE_IN_BOUNDS)


def _lane_allsum(v, perms):
    for p in perms:
        v = v + _lane_shuffle(v, p)
    return v


def _mm(a, b):
    return jnp.dot(a, b, precision=jax.lax.Precision.HIGHEST,
                   preferred_element_type=F32)



def _make_gather_scatter(width, n_chunks):
    cpt = n_chunks // NW

    @functools.partial(
        pl.kernel,
        out_type=jax.ShapeDtypeStruct((NC, N_PAD, width), F32),
        mesh=_mesh(),
        scratch_types=[
            pltpu.VMEM((CHUNK,), jnp.int32),
            pltpu.VMEM((CHUNK,), jnp.int32),
            pltpu.VMEM((CHUNK, width), F32),
            pltpu.VMEM_SHARED((N_PAD, width), F32),
            pltpu.SemaphoreType.DMA,
        ],
    )
    def k(table, srcl, dstl, zrows, out, idx_s, idx_d, rows, accum, sem):
        cid = lax.axis_index("c")
        sid = lax.axis_index("s")
        wid = cid * NS + sid
        r0 = sid * RPT
        pltpu.sync_copy(zrows.at[pl.ds(r0, RPT)], accum.at[pl.ds(r0, RPT)])
        plsc.subcore_barrier()

        def chunk(i, carry):
            base = (wid * cpt + i) * CHUNK
            pltpu.sync_copy(srcl.at[pl.ds(base, CHUNK)], idx_s)
            pltpu.sync_copy(dstl.at[pl.ds(base, CHUNK)], idx_d)
            pltpu.async_copy(table.at[idx_s], rows, sem).wait()
            pltpu.sync_copy(rows, accum.at[idx_d], add=True)
            return carry

        lax.fori_loop(0, cpt, chunk, 0)
        plsc.subcore_barrier()
        pltpu.sync_copy(accum.at[pl.ds(r0, RPT)],
                        out.at[cid, pl.ds(r0, RPT)])

    return k


def _make_gat_pass(n_chunks):
    cpt = n_chunks // NS
    HH = H // NC

    @functools.partial(
        pl.kernel,
        out_type=jax.ShapeDtypeStruct((NC, N_PAD, H * C), F32),
        mesh=_mesh(),
        scratch_types=[
            pltpu.VMEM((CHUNK,), jnp.int32),
            pltpu.VMEM((CHUNK,), jnp.int32),
            pltpu.VMEM((CHUNK, H * C), F32),
            pltpu.VMEM((CHUNK, H * C), F32),
            pltpu.VMEM((H, C), F32),
            pltpu.VMEM_SHARED((N_PAD, H * C), F32),
            pltpu.SemaphoreType.DMA,
            pltpu.SemaphoreType.DMA,
        ],
    )
    def k(xl, xr, srcl, dstl, att, zrows, out,
          idx_s, idx_d, rows_l, rows_r, att_v, accum, sem1, sem2):
        cid = lax.axis_index("c")
        sid = lax.axis_index("s")
        r0 = sid * RPT
        pltpu.sync_copy(att, att_v)
        pltpu.sync_copy(zrows.at[pl.ds(r0, RPT)], accum.at[pl.ds(r0, RPT)])
        plsc.subcore_barrier()

        lane = jax.lax.iota(jnp.int32, 16)
        perms = [jnp.bitwise_xor(lane, k) for k in (8, 4, 2, 1)]
        atts = [att_v[h, :] for h in range(H)]

        def edge_body(h_base):
            def edge(e, ecarry):
                for hk in range(HH):
                    off = (h_base + hk) * C
                    a = rows_l[e, pl.ds(off, 16)]
                    b = rows_r[e, pl.ds(off, 16)]
                    z = a + b
                    z = jnp.maximum(z, 0.2 * z)
                    w = jnp.exp(_lane_allsum(z * atts[h_base + hk], perms))
                    rows_l[e, pl.ds(16 * hk, 16)] = a * w
                    rows_l[e, pl.ds(64 + 16 * hk, 16)] = w
                return ecarry
            return edge

        def chunk(i, carry):
            base = (sid * cpt + i) * CHUNK
            pltpu.sync_copy(srcl.at[pl.ds(base, CHUNK)], idx_s)
            pltpu.sync_copy(dstl.at[pl.ds(base, CHUNK)], idx_d)
            cp1 = pltpu.async_copy(xl.at[idx_s], rows_l, sem1)
            cp2 = pltpu.async_copy(xr.at[idx_d], rows_r, sem2)
            cp1.wait()
            cp2.wait()

            @pl.when(cid == 0)
            def _():
                lax.fori_loop(0, CHUNK, edge_body(0), 0)

            @pl.when(cid != 0)
            def _():
                lax.fori_loop(0, CHUNK, edge_body(HH), 0)

            pltpu.sync_copy(rows_l, accum.at[idx_d], add=True)
            return carry

        lax.fori_loop(0, cpt, chunk, 0)
        plsc.subcore_barrier()
        pltpu.sync_copy(accum.at[pl.ds(r0, RPT)],
                        out.at[cid, pl.ds(r0, RPT)])

    return k



def _mpnn_pre(x_ref, w_ref, b_ref, o_ref):
    h = _mm(x_ref[...], w_ref[...]) + b_ref[...]
    n = h.shape[0]
    o_ref[...] = jnp.concatenate(
        [h, jnp.ones((n, 1), F32), jnp.zeros((n, 111), F32)], axis=1)


def _mpnn_update(part_ref, hext_ref, wu_ref, bu_ref, wl_ref, wr_ref,
                 h0_ref, xl_ref, xr_ref, deg_ref):
    acc = part_ref[0] + part_ref[1]
    cat = jnp.concatenate([hext_ref[:, :16], acc[:, :16]], axis=1)
    u = _mm(cat, wu_ref[...]) + bu_ref[...]
    u = jnp.maximum(u, 0.1 * u)
    h0 = jnp.maximum(u, 0.0)
    h0_ref[...] = h0
    xl_ref[...] = _mm(h0, wl_ref[...])
    xr_ref[...] = _mm(h0, wr_ref[...])
    deg_ref[...] = acc[:, 16:17]


def _elu(x):
    return jnp.where(x > 0, x, jnp.exp(jnp.minimum(x, 0.0)) - 1.0)


def _make_gat_finalize(act, emit_next):
    def _gat(part_ref):
        p0, p1 = part_ref[0], part_ref[1]
        return jnp.concatenate(
            [p0[:, :64] / (p0[:, 64:] + 1e-16),
             p1[:, :64] / (p1[:, 64:] + 1e-16)], axis=1)

    if emit_next:
        def body(part_ref, hin_ref, wres_ref, bias_ref, wl_ref, wr_ref,
                 hout_ref, xl_ref, xr_ref):
            h = act(_gat(part_ref) + _mm(hin_ref[...], wres_ref[...])
                    + bias_ref[...])
            hout_ref[...] = h
            xl_ref[...] = _mm(h, wl_ref[...])
            xr_ref[...] = _mm(h, wr_ref[...])
    else:
        def body(part_ref, hin_ref, wres_ref, bias_ref, hout_ref):
            hout_ref[...] = act(
                _gat(part_ref) + _mm(hin_ref[...], wres_ref[...])
                + bias_ref[...])
    return body


def _sage_pool(h3_ref, part_ref, deg_ref, batch_ref, wl_ref, bl_ref,
               wr_ref, ow_ref, ob_ref, out_ref, sums, cnt):
    i = pl.program_id(0)
    nb = part_ref[0] + part_ref[1]
    mean = nb / jnp.maximum(deg_ref[...], 1.0)
    h4 = _mm(mean, wl_ref[...]) + bl_ref[...] + _mm(h3_ref[...], wr_ref[...])
    h4 = jnp.maximum(h4, 0.0)
    n = h4.shape[0]
    onehot = (batch_ref[...] ==
              jax.lax.broadcasted_iota(jnp.int32, (n, NGRAPH), 1)).astype(F32)
    s_c = jax.lax.dot_general(onehot, h4, (((0,), (0,)), ((), ())),
                              precision=jax.lax.Precision.HIGHEST,
                              preferred_element_type=F32)
    c_c = jax.lax.dot_general(onehot, jnp.ones((n, 1), F32),
                              (((0,), (0,)), ((), ())),
                              precision=jax.lax.Precision.HIGHEST,
                              preferred_element_type=F32)

    @pl.when(i == 0)
    def _():
        sums[...] = s_c
        cnt[...] = c_c

    @pl.when(i > 0)
    def _():
        sums[...] += s_c
        cnt[...] += c_c

    @pl.when(i == GRID - 1)
    def _():
        pooled = sums[...] / jnp.maximum(cnt[...], 1.0)
        logits = _mm(pooled, ow_ref[...]) + ob_ref[...]
        m = jnp.max(logits, axis=1, keepdims=True)
        lse = jnp.log(jnp.sum(jnp.exp(logits - m), axis=1, keepdims=True)) + m
        out_ref[...] = logits - lse


def _full(shape):
    return pl.BlockSpec(shape, lambda i: tuple(0 for _ in shape))


def _rows(width):
    return pl.BlockSpec((BR, width), lambda i: (i, 0))


def _rows3(lead, width):
    return pl.BlockSpec((lead, BR, width), lambda i: (0, i, 0))



def kernel(x, edge_index, batch, mpnn_W, mpnn_b, mpnn_Wu, mpnn_bu,
           g1_Wl, g1_Wr, g1_att, g1_Wres, g1_bias,
           g2_Wl, g2_Wr, g2_att, g2_Wres, g2_bias,
           g3_Wl, g3_Wr, g3_att, g3_Wres, g3_bias,
           sage_Wl, sage_bl, sage_Wr, out_W, out_b):
    n = x.shape[0]
    e = edge_index.shape[1]
    src, dst = edge_index[0], edge_index[1]

    unit = CHUNK * NW
    e_pad = ((e + unit - 1) // unit) * unit
    pe = e_pad - e
    src_e = jnp.concatenate([src, jnp.zeros((pe,), jnp.int32)])
    dst_e = jnp.concatenate([dst, jnp.full((pe,), n, jnp.int32)])

    esl = e + n
    esl_pad = ((esl + unit - 1) // unit) * unit
    pg = esl_pad - esl
    loop = jnp.arange(n, dtype=jnp.int32)
    gat_src = jnp.concatenate([src, loop, jnp.zeros((pg,), jnp.int32)])
    gat_dst = jnp.concatenate([jnp.where(src != dst, dst, n), loop,
                               jnp.full((pg,), n, jnp.int32)])

    x_pad = jnp.pad(x, ((0, N_PAD - n), (0, 0)))
    batch_col = jnp.pad(batch, (0, N_PAD - n),
                        constant_values=NGRAPH).reshape(N_PAD, 1)
    z128 = jnp.zeros((N_PAD, H * C), F32)
    b2 = lambda v: v.reshape(1, -1)

    seg128 = _make_gather_scatter(H * C, e_pad // CHUNK)
    gat_pass = _make_gat_pass(esl_pad // CHUNK)

    h_ext = pl.pallas_call(
        _mpnn_pre,
        out_shape=jax.ShapeDtypeStruct((N_PAD, H * C), F32),
    )(x_pad, mpnn_W, b2(mpnn_b))

    mpnn_part = seg128(h_ext, src_e, dst_e, z128)

    h0, xl1, xr1, deg = pl.pallas_call(
        _mpnn_update,
        grid=(GRID,),
        in_specs=[_rows3(2, 128), _rows(128), _full((32, 16)), _full((1, 16)),
                  _full((16, 128)), _full((16, 128))],
        out_specs=[_rows(16), _rows(128), _rows(128), _rows(1)],
        out_shape=[jax.ShapeDtypeStruct((N_PAD, 16), F32),
                   jax.ShapeDtypeStruct((N_PAD, 128), F32),
                   jax.ShapeDtypeStruct((N_PAD, 128), F32),
                   jax.ShapeDtypeStruct((N_PAD, 1), F32)],
    )(mpnn_part, h_ext, mpnn_Wu, b2(mpnn_bu), g1_Wl, g1_Wr)

    h_in = h0
    xl, xr = xl1, xr1
    layers = [
        (g1_att, g1_Wres, g1_bias, _elu, g2_Wl, g2_Wr),
        (g2_att, g2_Wres, g2_bias,
         lambda v: jnp.maximum(v, 0.01 * v), g3_Wl, g3_Wr),
        (g3_att, g3_Wres, g3_bias, _elu, None, None),
    ]
    for li, (att, wres, bias, act, wln, wrn) in enumerate(layers):
        part = gat_pass(xl, xr, gat_src, gat_dst, att.reshape(H, C), z128)
        emit_next = wln is not None
        din = h_in.shape[1]
        ins = [part, h_in, wres, b2(bias)]
        specs = [_rows3(2, H * C), _rows(din), _full((din, 128)),
                 _full((1, 128))]
        nout = 1
        if emit_next:
            ins += [wln, wrn]
            specs += [_full((128, 128)), _full((128, 128))]
            nout = 3
        res = pl.pallas_call(
            _make_gat_finalize(act, emit_next),
            grid=(GRID,),
            in_specs=specs,
            out_specs=[_rows(128)] * nout,
            out_shape=[jax.ShapeDtypeStruct((N_PAD, 128), F32)] * nout,
        )(*ins)
        if emit_next:
            h_in, xl, xr = res
        else:
            h_in = res[0]
    h3 = h_in

    sage_part = seg128(h3, src_e, dst_e, z128)

    out = pl.pallas_call(
        _sage_pool,
        grid=(GRID,),
        in_specs=[_rows(128), _rows3(2, 128), _rows(1),
                  pl.BlockSpec((BR, 1), lambda i: (i, 0)),
                  _full((128, 16)), _full((1, 16)), _full((128, 16)),
                  _full((16, 2)), _full((1, 2))],
        out_specs=_full((NGRAPH, 2)),
        out_shape=jax.ShapeDtypeStruct((NGRAPH, 2), F32),
        scratch_shapes=[pltpu.VMEM((NGRAPH, NGRAPH), F32),
                        pltpu.VMEM((NGRAPH, 1), F32)],
    )(h3, sage_part, deg, batch_col, sage_Wl, b2(sage_bl), sage_Wr,
      out_W, b2(out_b))
    return out

# --- scband reference (transcript-rebuilt; emitter-appended) ---
"""Pipeline reference for scband-explainable-dumpling-gnn-80238579024180 (READ-ONLY COPY).

The authoritative reference and input builder live on the scoring server;
editing this copy changes nothing except your own understanding.
"""

import jax, jax.numpy as jnp
import numpy as np

N = 10000
E = 160000
HID = 16
H = 8
C = 16
G = 16


def _param(key, shape, scale=0.1):
    return jax.random.normal(key, shape, dtype=jnp.float32) * scale


def setup_inputs(seed: int = 0):
    key = jax.random.key(seed)
    ks = jax.random.split(key, 30)
    inp = {}
    inp['x'] = jax.random.normal(ks[0], (N, 8), dtype=jnp.float32)
    inp['edge_index'] = jax.random.randint(ks[1], (2, E), 0, N, dtype=jnp.int32)
    inp['batch'] = jnp.sort(jax.random.randint(ks[2], (N,), 0, G, dtype=jnp.int32))
    inp['mpnn_W'] = _param(ks[3], (8, HID))
    inp['mpnn_b'] = jnp.zeros((HID,), jnp.float32)
    inp['mpnn_Wu'] = _param(ks[4], (2 * HID, HID))
    inp['mpnn_bu'] = jnp.zeros((HID,), jnp.float32)
    i = 5
    for name, din in (('g1', HID), ('g2', H * C), ('g3', H * C)):
        inp[name + '_Wl'] = _param(ks[i], (din, H * C)); i += 1
        inp[name + '_Wr'] = _param(ks[i], (din, H * C)); i += 1
        inp[name + '_att'] = _param(ks[i], (1, H, C)); i += 1
        inp[name + '_Wres'] = _param(ks[i], (din, H * C)); i += 1
        inp[name + '_bias'] = jnp.zeros((H * C,), jnp.float32)
    inp['sage_Wl'] = _param(ks[i], (H * C, HID)); i += 1
    inp['sage_bl'] = jnp.zeros((HID,), jnp.float32)
    inp['sage_Wr'] = _param(ks[i], (H * C, HID)); i += 1
    inp['out_W'] = _param(ks[i], (HID, 2)); i += 1
    inp['out_b'] = jnp.zeros((2,), jnp.float32)
    return inp


def _gat(x, src, dst, n, Wl, Wr, att, Wres, b):
    # GATv2-style ExplainableGATConv, heads=8, concat=True, residual=True, eval mode (dropout off)
    ns = n + 1
    xl = (x @ Wl).reshape(n, H, C)
    xr = (x @ Wr).reshape(n, H, C)
    xj = xl[src]  # messages from source nodes
    xi = xr[dst]  # destination node features
    e = jax.nn.leaky_relu(xi + xj, negative_slope=0.2)
    alpha = (e * att).sum(axis=-1)  # [E, H]
    amax = jax.ops.segment_max(alpha, dst, num_segments=ns)
    alpha = jnp.exp(alpha - amax[dst])
    denom = jax.ops.segment_sum(alpha, dst, num_segments=ns)
    alpha = alpha / (denom[dst] + 1e-16)
    out = jax.ops.segment_sum(xj * alpha[:, :, None], dst, num_segments=ns)[:n]
    return out.reshape(n, H * C) + x @ Wres + b


def reference(x, edge_index, batch,
              mpnn_W, mpnn_b, mpnn_Wu, mpnn_bu,
              g1_Wl, g1_Wr, g1_att, g1_Wres, g1_bias,
              g2_Wl, g2_Wr, g2_att, g2_Wres, g2_bias,
              g3_Wl, g3_Wr, g3_att, g3_Wres, g3_bias,
              sage_Wl, sage_bl, sage_Wr, out_W, out_b):
    n = x.shape[0]
    src, dst = edge_index[0], edge_index[1]
    # GAT layers: remove self loops then add one per node
    mask = src != dst
    loop = jnp.arange(n, dtype=src.dtype)
    src_sl = jnp.concatenate([src, loop])
    dst_sl = jnp.concatenate([jnp.where(mask, dst, jnp.asarray(n, dst.dtype)), loop])
    # MPNN: m = sum_j lin(x_j); x = lin_update([lin(x), m]); leaky_relu(0.1)
    h = x @ mpnn_W + mpnn_b
    m = jax.ops.segment_sum(h[src], dst, num_segments=n)
    h = jnp.concatenate([h, m], axis=1) @ mpnn_Wu + mpnn_bu
    h = jax.nn.leaky_relu(h, negative_slope=0.1)
    h = jax.nn.relu(h)
    h = jax.nn.elu(_gat(h, src_sl, dst_sl, n, g1_Wl, g1_Wr, g1_att, g1_Wres, g1_bias))
    h = jax.nn.leaky_relu(_gat(h, src_sl, dst_sl, n, g2_Wl, g2_Wr, g2_att, g2_Wres, g2_bias), negative_slope=0.01)
    h = jax.nn.elu(_gat(h, src_sl, dst_sl, n, g3_Wl, g3_Wr, g3_att, g3_Wres, g3_bias))
    # SAGEConv (mean aggregation, no self loops)
    nb = jax.ops.segment_sum(h[src], dst, num_segments=n)
    deg = jax.ops.segment_sum(jnp.ones((src.shape[0],), jnp.float32), dst, num_segments=n)
    mean = nb / jnp.maximum(deg, 1.0)[:, None]
    h = mean @ sage_Wl + sage_bl + h @ sage_Wr
    h = jax.nn.relu(h)
    # global mean pool over graphs
    sums = jax.ops.segment_sum(h, batch, num_segments=G)
    cnt = jax.ops.segment_sum(jnp.ones((n,), jnp.float32), batch, num_segments=G)
    pooled = sums / jnp.maximum(cnt, 1.0)[:, None]
    logits = pooled @ out_W + out_b
    return jax.nn.log_softmax(logits, axis=1)

if __name__ == "__main__":
    import jax
    _d = setup_inputs()
    print(jax.jit(kernel)(*tuple(_d.values())))

</pallas_src>

<mosaic_0001>
#map = affine_map<(d0, d1) -> (0, 0)>
#map1 = affine_map<(d0, d1) -> (0)>
#map2 = affine_map<(d0, d1) -> (0, 0, 0)>
module attributes {stable_mosaic.version = 14 : i64} {
  func.func @k(%arg0: i32, %arg1: i32, %arg2: memref<10112x128xf32, #tpu.memory_space<hbm>>, %arg3: memref<10112x128xf32, #tpu.memory_space<hbm>>, %arg4: memref<172032xi32, #tpu.memory_space<hbm>>, %arg5: memref<172032xi32, #tpu.memory_space<hbm>>, %arg6: memref<8x16xf32, #tpu.memory_space<hbm>>, %arg7: memref<10112x128xf32, #tpu.memory_space<hbm>>, %arg8: memref<2x10112x128xf32, #tpu.memory_space<hbm>>, %arg9: memref<128xi32, #tpu.memory_space<vmem>>, %arg10: memref<128xi32, #tpu.memory_space<vmem>>, %arg11: memref<128x128xf32, #tpu.memory_space<vmem>>, %arg12: memref<128x128xf32, #tpu.memory_space<vmem>>, %arg13: memref<8x16xf32, #tpu.memory_space<vmem>>, %arg14: memref<10112x128xf32, #tpu.memory_space<vmem_shared>>, %arg15: memref<!tpu.dma_semaphore, #tpu.memory_space<semaphore_mem>>, %arg16: memref<!tpu.dma_semaphore, #tpu.memory_space<semaphore_mem>>) attributes {dimension_semantics = [#tpu.dimension_semantics<core_parallel>, #tpu.dimension_semantics<subcore_parallel>], iteration_bounds = array<i64: 2, 16>, scalar_prefetch = 0 : i64, scratch_operands = 8 : i64, tpu.core_type = #tpu.core_type<sc_vector_subcore>, window_params = [{transform_indices = #map}, {transform_indices = #map}, {transform_indices = #map1}, {transform_indices = #map1}, {transform_indices = #map}, {transform_indices = #map}, {transform_indices = #map2}]} {
    %mul3A = arith.constant 632 : i32
    %mul3A_0 = arith.muli %arg1, %mul3A : i32
    "tpu.region"() ({
      %run_scoped3A = tpu.sem_alloc : memref<!tpu.dma_semaphore, #tpu.memory_space<semaphore_mem>>
      tpu.enqueue_dma source(%arg6 : memref<8x16xf32, #tpu.memory_space<hbm>>) target(%arg13 : memref<8x16xf32, #tpu.memory_space<vmem>>) target_semaphore(%run_scoped3A : memref<!tpu.dma_semaphore, #tpu.memory_space<semaphore_mem>>)
      tpu.wait_dma2 semaphore(%run_scoped3A : memref<!tpu.dma_semaphore, #tpu.memory_space<semaphore_mem>>) src(%arg6 : memref<8x16xf32, #tpu.memory_space<hbm>>) dst(%arg13 : memref<8x16xf32, #tpu.memory_space<vmem>>)
      tpu.yield
    }) : () -> ()
    "tpu.region"() ({
      %run_scoped3A = tpu.sem_alloc : memref<!tpu.dma_semaphore, #tpu.memory_space<semaphore_mem>>
      %dma_start3A = arith.constant 0 : i32
      %dma_start3A_57 = tpu.memref_slice %arg14[%mul3A_0, %dma_start3A] : memref<10112x128xf32, #tpu.memory_space<vmem_shared>> -> memref<632x128xf32, #tpu.memory_space<vmem_shared>>
      %dma_start3A_58 = arith.constant 0 : i32
      %dma_start3A_59 = tpu.memref_slice %arg7[%mul3A_0, %dma_start3A_58] : memref<10112x128xf32, #tpu.memory_space<hbm>> -> memref<632x128xf32, #tpu.memory_space<hbm>>
      tpu.enqueue_dma source(%dma_start3A_59 : memref<632x128xf32, #tpu.memory_space<hbm>>) target(%dma_start3A_57 : memref<632x128xf32, #tpu.memory_space<vmem_shared>>) target_semaphore(%run_scoped3A : memref<!tpu.dma_semaphore, #tpu.memory_space<semaphore_mem>>)
      %dma_wait3A = arith.constant 0 : i32
      %dma_wait3A_60 = tpu.memref_slice %arg14[%mul3A_0, %dma_wait3A] : memref<10112x128xf32, #tpu.memory_space<vmem_shared>> -> memref<632x128xf32, #tpu.memory_space<vmem_shared>>
      %dma_wait3A_61 = arith.constant 0 : i32
      %dma_wait3A_62 = tpu.memref_slice %arg7[%mul3A_0, %dma_wait3A_61] : memref<10112x128xf32, #tpu.memory_space<hbm>> -> memref<632x128xf32, #tpu.memory_space<hbm>>
      tpu.wait_dma2 semaphore(%run_scoped3A : memref<!tpu.dma_semaphore, #tpu.memory_space<semaphore_mem>>) src(%dma_wait3A_62 : memref<632x128xf32, #tpu.memory_space<hbm>>) dst(%dma_wait3A_60 : memref<632x128xf32, #tpu.memory_space<vmem_shared>>)
      tpu.yield
    }) : () -> ()
    %barrier3A = arith.constant 0 : index
    tpu.barrier barrier_id(%barrier3A)
    %iota3A = tpu.iota {dimensions = array<i32: 0>} : vector<16xi32>
    %xor3A = arith.constant 8 : i32
    %xor3A_1 = vector.broadcast %xor3A : i32 to vector<16xi32>
    %xor3A_2 = arith.xori %iota3A, %xor3A_1 : vector<16xi32>
    %xor3A_3 = arith.constant 4 : i32
    %xor3A_4 = vector.broadcast %xor3A_3 : i32 to vector<16xi32>
    %xor3A_5 = arith.xori %iota3A, %xor3A_4 : vector<16xi32>
    %xor3A_6 = arith.constant 2 : i32
    %xor3A_7 = vector.broadcast %xor3A_6 : i32 to vector<16xi32>
    %xor3A_8 = arith.xori %iota3A, %xor3A_7 : vector<16xi32>
    %xor3A_9 = arith.constant 1 : i32
    %xor3A_10 = vector.broadcast %xor3A_9 : i32 to vector<16xi32>
    %xor3A_11 = arith.xori %iota3A, %xor3A_10 : vector<16xi32>
    %get3A = arith.constant 0 : i32
    %get3A_12 = arith.index_cast %get3A : i32 to index
    %get3A_13 = arith.constant 0 : index
    %get3A_14 = tpu.vector_load %arg13[%get3A_12, %get3A_13] {strides = array<i32>} : memref<8x16xf32, #tpu.memory_space<vmem>>, vector<1x16xf32>,
    %get3A_15 = vector.shape_cast %get3A_14 : vector<1x16xf32> to vector<16xf32>
    %get3A_16 = arith.constant 1 : i32
    %get3A_17 = arith.index_cast %get3A_16 : i32 to index
    %get3A_18 = arith.constant 0 : index
    %get3A_19 = tpu.vector_load %arg13[%get3A_17, %get3A_18] {strides = array<i32>} : memref<8x16xf32, #tpu.memory_space<vmem>>, vector<1x16xf32>,
    %get3A_20 = vector.shape_cast %get3A_19 : vector<1x16xf32> to vector<16xf32>
    %get3A_21 = arith.constant 2 : i32
    %get3A_22 = arith.index_cast %get3A_21 : i32 to index
    %get3A_23 = arith.constant 0 : index
    %get3A_24 = tpu.vector_load %arg13[%get3A_22, %get3A_23] {strides = array<i32>} : memref<8x16xf32, #tpu.memory_space<vmem>>, vector<1x16xf32>,
    %get3A_25 = vector.shape_cast %get3A_24 : vector<1x16xf32> to vector<16xf32>
    %get3A_26 = arith.constant 3 : i32
    %get3A_27 = arith.index_cast %get3A_26 : i32 to index
    %get3A_28 = arith.constant 0 : index
    %get3A_29 = tpu.vector_load %arg13[%get3A_27, %get3A_28] {strides = array<i32>} : memref<8x16xf32, #tpu.memory_space<vmem>>, vector<1x16xf32>,
    %get3A_30 = vector.shape_cast %get3A_29 : vector<1x16xf32> to vector<16xf32>
    %get3A_31 = arith.constant 4 : i32
    %get3A_32 = arith.index_cast %get3A_31 : i32 to index
    %get3A_33 = arith.constant 0 : index
    %get3A_34 = tpu.vector_load %arg13[%get3A_32, %get3A_33] {strides = array<i32>} : memref<8x16xf32, #tpu.memory_space<vmem>>, vector<1x16xf32>,
    %get3A_35 = vector.shape_cast %get3A_34 : vector<1x16xf32> to vector<16xf32>
    %get3A_36 = arith.constant 5 : i32
    %get3A_37 = arith.index_cast %get3A_36 : i32 to index
    %get3A_38 = arith.constant 0 : index
    %get3A_39 = tpu.vector_load %arg13[%get3A_37, %get3A_38] {strides = array<i32>} : memref<8x16xf32, #tpu.memory_space<vmem>>, vector<1x16xf32>,
    %get3A_40 = vector.shape_cast %get3A_39 : vector<1x16xf32> to vector<16xf32>
    %get3A_41 = arith.constant 6 : i32
    %get3A_42 = arith.index_cast %get3A_41 : i32 to index
    %get3A_43 = arith.constant 0 : index
    %get3A_44 = tpu.vector_load %arg13[%get3A_42, %get3A_43] {strides = array<i32>} : memref<8x16xf32, #tpu.memory_space<vmem>>, vector<1x16xf32>,
    %get3A_45 = vector.shape_cast %get3A_44 : vector<1x16xf32> to vector<16xf32>
    %get3A_46 = arith.constant 7 : i32
    %get3A_47 = arith.index_cast %get3A_46 : i32 to index
    %get3A_48 = arith.constant 0 : index
    %get3A_49 = tpu.vector_load %arg13[%get3A_47, %get3A_48] {strides = array<i32>} : memref<8x16xf32, #tpu.memory_space<vmem>>, vector<1x16xf32>,
    %get3A_50 = vector.shape_cast %get3A_49 : vector<1x16xf32> to vector<16xf32>
    %scan3A = arith.constant 0 : i32
    %scan3A_51 = arith.constant 0 : i32
    %scan3A_52 = arith.constant 84 : i32
    %scan3A_53 = arith.addi %scan3A_51, %scan3A_52 : i32
    %scan3A_54 = arith.constant 1 : i32
    scf.for %scan3A_57 = %scan3A_51 to %scan3A_53 step %scan3A_54  : i32 {
      %mul3A_58 = arith.constant 84 : i32
      %mul3A_59 = arith.muli %arg1, %mul3A_58 : i32
      %add3A = arith.addi %mul3A_59, %scan3A_57 : i32
      %mul3A_60 = arith.constant 128 : i32
      %mul3A_61 = arith.muli %add3A, %mul3A_60 : i32
      "tpu.region"() ({
        %run_scoped3A = tpu.sem_alloc : memref<!tpu.dma_semaphore, #tpu.memory_space<semaphore_mem>>
        %dma_start3A_78 = tpu.memref_slice %arg4[%mul3A_61] : memref<172032xi32, #tpu.memory_space<hbm>> -> memref<128xi32, #tpu.memory_space<hbm>>
        %dma_start3A_79 = tpu.memref_slice %arg4[%mul3A_61] : memref<172032xi32, #tpu.memory_space<hbm>> -> memref<128xi32, #tpu.memory_space<hbm>>
        tpu.enqueue_dma source(%dma_start3A_79 : memref<128xi32, #tpu.memory_space<hbm>>) target(%arg9 : memref<128xi32, #tpu.memory_space<vmem>>) target_semaphore(%run_scoped3A : memref<!tpu.dma_semaphore, #tpu.memory_space<semaphore_mem>>)
        %dma_wait3A_80 = tpu.memref_slice %arg4[%mul3A_61] : memref<172032xi32, #tpu.memory_space<hbm>> -> memref<128xi32, #tpu.memory_space<hbm>>
        %dma_wait3A_81 = tpu.memref_slice %arg4[%mul3A_61] : memref<172032xi32, #tpu.memory_space<hbm>> -> memref<128xi32, #tpu.memory_space<hbm>>
        tpu.wait_dma2 semaphore(%run_scoped3A : memref<!tpu.dma_semaphore, #tpu.memory_space<semaphore_mem>>) src(%dma_wait3A_81 : memref<128xi32, #tpu.memory_space<hbm>>) dst(%arg9 : memref<128xi32, #tpu.memory_space<vmem>>)
        tpu.yield
      }) : () -> ()
      "tpu.region"() ({
        %run_scoped3A = tpu.sem_alloc : memref<!tpu.dma_semaphore, #tpu.memory_space<semaphore_mem>>
        %dma_start3A_78 = tpu.memref_slice %arg5[%mul3A_61] : memref<172032xi32, #tpu.memory_space<hbm>> -> memref<128xi32, #tpu.memory_space<hbm>>
        %dma_start3A_79 = tpu.memref_slice %arg5[%mul3A_61] : memref<172032xi32, #tpu.memory_space<hbm>> -> memref<128xi32, #tpu.memory_space<hbm>>
        tpu.enqueue_dma source(%dma_start3A_79 : memref<128xi32, #tpu.memory_space<hbm>>) target(%arg10 : memref<128xi32, #tpu.memory_space<vmem>>) target_semaphore(%run_scoped3A : memref<!tpu.dma_semaphore, #tpu.memory_space<semaphore_mem>>)
        %dma_wait3A_80 = tpu.memref_slice %arg5[%mul3A_61] : memref<172032xi32, #tpu.memory_space<hbm>> -> memref<128xi32, #tpu.memory_space<hbm>>
        %dma_wait3A_81 = tpu.memref_slice %arg5[%mul3A_61] : memref<172032xi32, #tpu.memory_space<hbm>> -> memref<128xi32, #tpu.memory_space<hbm>>
        tpu.wait_dma2 semaphore(%run_scoped3A : memref<!tpu.dma_semaphore, #tpu.memory_space<semaphore_mem>>) src(%dma_wait3A_81 : memref<128xi32, #tpu.memory_space<hbm>>) dst(%arg10 : memref<128xi32, #tpu.memory_space<vmem>>)
        tpu.yield
      }) : () -> ()
      %dma_start3A = arith.constant 0 : i32
      %dma_start3A_62 = arith.constant 0 : i32
      %dma_start3A_63 = tpu.memref_slice %arg2[%dma_start3A, %dma_start3A_62] : memref<10112x128xf32, #tpu.memory_space<hbm>> -> memref<10112x128xf32, #tpu.memory_space<hbm>>
      tpu.enqueue_indirect_dma source(%dma_start3A_63 : memref<10112x128xf32, #tpu.memory_space<hbm>>) target(%arg11 : memref<128x128xf32, #tpu.memory_space<vmem>>) offsets(%arg9 : memref<128xi32, #tpu.memory_space<vmem>>) semaphore(%arg15 : memref<!tpu.dma_semaphore, #tpu.memory_space<semaphore_mem>>)
      %dma_start3A_64 = arith.constant 0 : i32
      %dma_start3A_65 = arith.constant 0 : i32
      %dma_start3A_66 = tpu.memref_slice %arg3[%dma_start3A_64, %dma_start3A_65] : memref<10112x128xf32, #tpu.memory_space<hbm>> -> memref<10112x128xf32, #tpu.memory_space<hbm>>
      tpu.enqueue_indirect_dma source(%dma_start3A_66 : memref<10112x128xf32, #tpu.memory_space<hbm>>) target(%arg12 : memref<128x128xf32, #tpu.memory_space<vmem>>) offsets(%arg10 : memref<128xi32, #tpu.memory_space<vmem>>) semaphore(%arg16 : memref<!tpu.dma_semaphore, #tpu.memory_space<semaphore_mem>>)
      %dma_wait3A = arith.constant 0 : i32
      %dma_wait3A_67 = arith.constant 0 : i32
      %dma_wait3A_68 = tpu.memref_slice %arg2[%dma_wait3A, %dma_wait3A_67] : memref<10112x128xf32, #tpu.memory_space<hbm>> -> memref<10112x128xf32, #tpu.memory_space<hbm>>
      tpu.wait_indirect_dma semaphore(%arg15 : memref<!tpu.dma_semaphore, #tpu.memory_space<semaphore_mem>>) src(%dma_wait3A_68 : memref<10112x128xf32, #tpu.memory_space<hbm>>) dst(%arg11 : memref<128x128xf32, #tpu.memory_space<vmem>>)
      %dma_wait3A_69 = arith.constant 0 : i32
      %dma_wait3A_70 = arith.constant 0 : i32
      %dma_wait3A_71 = tpu.memref_slice %arg3[%dma_wait3A_69, %dma_wait3A_70] : memref<10112x128xf32, #tpu.memory_space<hbm>> -> memref<10112x128xf32, #tpu.memory_space<hbm>>
      tpu.wait_indirect_dma semaphore(%arg16 : memref<!tpu.dma_semaphore, #tpu.memory_space<semaphore_mem>>) src(%dma_wait3A_71 : memref<10112x128xf32, #tpu.memory_space<hbm>>) dst(%arg12 : memref<128x128xf32, #tpu.memory_space<vmem>>)
      %eq3A = arith.constant 0 : i32
      %eq3A_72 = arith.cmpi eq, %arg0, %eq3A : i32
      %convert_element_type3A = arith.extui %eq3A_72 : i1 to i32
      %cond3A = arith.constant 0 : i32
      %cond3A_73 = arith.cmpi ne, %convert_element_type3A, %cond3A : i32
      scf.if %cond3A_73 {
        %scan3A_78 = arith.constant 0 : i32
        %scan3A_79 = arith.constant 0 : i32
        %scan3A_80 = arith.constant 128 : i32
        %scan3A_81 = arith.addi %scan3A_79, %scan3A_80 : i32
        %scan3A_82 = arith.constant 1 : i32
        scf.for %scan3A_84 = %scan3A_79 to %scan3A_81 step %scan3A_82  : i32 {
          %get3A_85 = arith.index_cast %scan3A_84 : i32 to index
          %get3A_86 = arith.constant 0 : index
          %get3A_87 = tpu.vector_load %arg11[%get3A_85, %get3A_86] {strides = array<i32>} : memref<128x128xf32, #tpu.memory_space<vmem>>, vector<1x16xf32>,
          %get3A_88 = vector.shape_cast %get3A_87 : vector<1x16xf32> to vector<16xf32>
          %get3A_89 = arith.index_cast %scan3A_84 : i32 to index
          %get3A_90 = arith.constant 0 : index
          %get3A_91 = tpu.vector_load %arg12[%get3A_89, %get3A_90] {strides = array<i32>} : memref<128x128xf32, #tpu.memory_space<vmem>>, vector<1x16xf32>,
          %get3A_92 = vector.shape_cast %get3A_91 : vector<1x16xf32> to vector<16xf32>
          %add3A_93 = arith.addf %get3A_88, %get3A_92 : vector<16xf32>
          %mul3A_94 = arith.constant 2.000000e-01 : f32
          %mul3A_95 = vector.broadcast %mul3A_94 : f32 to vector<16xf32>
          %mul3A_96 = arith.mulf %mul3A_95, %add3A_93 : vector<16xf32>
          %max3A = arith.maximumf %add3A_93, %mul3A_96 : vector<16xf32>
          %mul3A_97 = arith.mulf %max3A, %get3A_15 : vector<16xf32>
          %broadcast_in_dim3A = vector.shape_cast %xor3A_2 : vector<16xi32> to vector<16x1xi32>
          %gather3A = vector.shape_cast %broadcast_in_dim3A : vector<16x1xi32> to vector<16xi32>
          %gather3A_98 = tpu.dynamic_gather %mul3A_97[%gather3A] in [0] : vector<16xf32>, vector<16xi32> -> vector<16xf32>
          %add3A_99 = arith.addf %mul3A_97, %gather3A_98 : vector<16xf32>
          %broadcast_in_dim3A_100 = vector.shape_cast %xor3A_5 : vector<16xi32> to vector<16x1xi32>
          %gather3A_101 = vector.shape_cast %broadcast_in_dim3A_100 : vector<16x1xi32> to vector<16xi32>
          %gather3A_102 = tpu.dynamic_gather %add3A_99[%gather3A_101] in [0] : vector<16xf32>, vector<16xi32> -> vector<16xf32>
          %add3A_103 = arith.addf %add3A_99, %gather3A_102 : vector<16xf32>
          %broadcast_in_dim3A_104 = vector.shape_cast %xor3A_8 : vector<16xi32> to vector<16x1xi32>
          %gather3A_105 = vector.shape_cast %broadcast_in_dim3A_104 : vector<16x1xi32> to vector<16xi32>
          %gather3A_106 = tpu.dynamic_gather %add3A_103[%gather3A_105] in [0] : vector<16xf32>, vector<16xi32> -> vector<16xf32>
          %add3A_107 = arith.addf %add3A_103, %gather3A_106 : vector<16xf32>
          %broadcast_in_dim3A_108 = vector.shape_cast %xor3A_11 : vector<16xi32> to vector<16x1xi32>
          %gather3A_109 = vector.shape_cast %broadcast_in_dim3A_108 : vector<16x1xi32> to vector<16xi32>
          %gather3A_110 = tpu.dynamic_gather %add3A_107[%gather3A_109] in [0] : vector<16xf32>, vector<16xi32> -> vector<16xf32>
          %add3A_111 = arith.addf %add3A_107, %gather3A_110 : vector<16xf32>
          %exp3A = math.exp %add3A_111 : vector<16xf32>
          %mul3A_112 = arith.mulf %get3A_88, %exp3A : vector<16xf32>
          %swap3A = arith.index_cast %scan3A_84 : i32 to index
          %swap3A_113 = arith.constant 0 : index
          %swap3A_114 = tpu.vector_load %arg11[%swap3A, %swap3A_113] {strides = array<i32>} : memref<128x128xf32, #tpu.memory_space<vmem>>, vector<1x16xf32>,
          %swap3A_115 = vector.shape_cast %swap3A_114 : vector<1x16xf32> to vector<16xf32>
          %swap3A_116 = vector.shape_cast %mul3A_112 : vector<16xf32> to vector<1x16xf32>
          tpu.vector_store %arg11[%swap3A, %swap3A_113], %swap3A_116 {strides = array<i32>} : memref<128x128xf32, #tpu.memory_space<vmem>>, vector<1x16xf32>,
          %swap3A_117 = arith.index_cast %scan3A_84 : i32 to index
          %swap3A_118 = arith.constant 64 : index
          %swap3A_119 = tpu.vector_load %arg11[%swap3A_117, %swap3A_118] {strides = array<i32>} : memref<128x128xf32, #tpu.memory_space<vmem>>, vector<1x16xf32>,
          %swap3A_120 = vector.shape_cast %swap3A_119 : vector<1x16xf32> to vector<16xf32>
          %swap3A_121 = vector.shape_cast %exp3A : vector<16xf32> to vector<1x16xf32>
          tpu.vector_store %arg11[%swap3A_117, %swap3A_118], %swap3A_121 {strides = array<i32>} : memref<128x128xf32, #tpu.memory_space<vmem>>, vector<1x16xf32>,
          %get3A_122 = arith.index_cast %scan3A_84 : i32 to index
          %get3A_123 = arith.constant 16 : index
          %get3A_124 = tpu.vector_load %arg11[%get3A_122, %get3A_123] {strides = array<i32>} : memref<128x128xf32, #tpu.memory_space<vmem>>, vector<1x16xf32>,
          %get3A_125 = vector.shape_cast %get3A_124 : vector<1x16xf32> to vector<16xf32>
          %get3A_126 = arith.index_cast %scan3A_84 : i32 to index
          %get3A_127 = arith.constant 16 : index
          %get3A_128 = tpu.vector_load %arg12[%get3A_126, %get3A_127] {strides = array<i32>} : memref<128x128xf32, #tpu.memory_space<vmem>>, vector<1x16xf32>,
          %get3A_129 = vector.shape_cast %get3A_128 : vector<1x16xf32> to vector<16xf32>
          %add3A_130 = arith.addf %get3A_125, %get3A_129 : vector<16xf32>
          %mul3A_131 = arith.constant 2.000000e-01 : f32
          %mul3A_132 = vector.broadcast %mul3A_131 : f32 to vector<16xf32>
          %mul3A_133 = arith.mulf %mul3A_132, %add3A_130 : vector<16xf32>
          %max3A_134 = arith.maximumf %add3A_130, %mul3A_133 : vector<16xf32>
          %mul3A_135 = arith.mulf %max3A_134, %get3A_20 : vector<16xf32>
          %broadcast_in_dim3A_136 = vector.shape_cast %xor3A_2 : vector<16xi32> to vector<16x1xi32>
          %gather3A_137 = vector.shape_cast %broadcast_in_dim3A_136 : vector<16x1xi32> to vector<16xi32>
          %gather3A_138 = tpu.dynamic_gather %mul3A_135[%gather3A_137] in [0] : vector<16xf32>, vector<16xi32> -> vector<16xf32>
          %add3A_139 = arith.addf %mul3A_135, %gather3A_138 : vector<16xf32>
          %broadcast_in_dim3A_140 = vector.shape_cast %xor3A_5 : vector<16xi32> to vector<16x1xi32>
          %gather3A_141 = vector.shape_cast %broadcast_in_dim3A_140 : vector<16x1xi32> to vector<16xi32>
          %gather3A_142 = tpu.dynamic_gather %add3A_139[%gather3A_141] in [0] : vector<16xf32>, vector<16xi32> -> vector<16xf32>
          %add3A_143 = arith.addf %add3A_139, %gather3A_142 : vector<16xf32>
          %broadcast_in_dim3A_144 = vector.shape_cast %xor3A_8 : vector<16xi32> to vector<16x1xi32>
          %gather3A_145 = vector.shape_cast %broadcast_in_dim3A_144 : vector<16x1xi32> to vector<16xi32>
          %gather3A_146 = tpu.dynamic_gather %add3A_143[%gather3A_145] in [0] : vector<16xf32>, vector<16xi32> -> vector<16xf32>
          %add3A_147 = arith.addf %add3A_143, %gather3A_146 : vector<16xf32>
          %broadcast_in_dim3A_148 = vector.shape_cast %xor3A_11 : vector<16xi32> to vector<16x1xi32>
          %gather3A_149 = vector.shape_cast %broadcast_in_dim3A_148 : vector<16x1xi32> to vector<16xi32>
          %gather3A_150 = tpu.dynamic_gather %add3A_147[%gather3A_149] in [0] : vector<16xf32>, vector<16xi32> -> vector<16xf32>
          %add3A_151 = arith.addf %add3A_147, %gather3A_150 : vector<16xf32>
          %exp3A_152 = math.exp %add3A_151 : vector<16xf32>
          %mul3A_153 = arith.mulf %get3A_125, %exp3A_152 : vector<16xf32>
          %swap3A_154 = arith.index_cast %scan3A_84 : i32 to index
          %swap3A_155 = arith.constant 16 : index
          %swap3A_156 = tpu.vector_load %arg11[%swap3A_154, %swap3A_155] {strides = array<i32>} : memref<128x128xf32, #tpu.memory_space<vmem>>, vector<1x16xf32>,
          %swap3A_157 = vector.shape_cast %swap3A_156 : vector<1x16xf32> to vector<16xf32>
          %swap3A_158 = vector.shape_cast %mul3A_153 : vector<16xf32> to vector<1x16xf32>
          tpu.vector_store %arg11[%swap3A_154, %swap3A_155], %swap3A_158 {strides = array<i32>} : memref<128x128xf32, #tpu.memory_space<vmem>>, vector<1x16xf32>,
          %swap3A_159 = arith.index_cast %scan3A_84 : i32 to index
          %swap3A_160 = arith.constant 80 : index
          %swap3A_161 = tpu.vector_load %arg11[%swap3A_159, %swap3A_160] {strides = array<i32>} : memref<128x128xf32, #tpu.memory_space<vmem>>, vector<1x16xf32>,
          %swap3A_162 = vector.shape_cast %swap3A_161 : vector<1x16xf32> to vector<16xf32>
          %swap3A_163 = vector.shape_cast %exp3A_152 : vector<16xf32> to vector<1x16xf32>
          tpu.vector_store %arg11[%swap3A_159, %swap3A_160], %swap3A_163 {strides = array<i32>} : memref<128x128xf32, #tpu.memory_space<vmem>>, vector<1x16xf32>,
          %get3A_164 = arith.index_cast %scan3A_84 : i32 to index
          %get3A_165 = arith.constant 32 : index
          %get3A_166 = tpu.vector_load %arg11[%get3A_164, %get3A_165] {strides = array<i32>} : memref<128x128xf32, #tpu.memory_space<vmem>>, vector<1x16xf32>,
          %get3A_167 = vector.shape_cast %get3A_166 : vector<1x16xf32> to vector<16xf32>
          %get3A_168 = arith.index_cast %scan3A_84 : i32 to index
          %get3A_169 = arith.constant 32 : index
          %get3A_170 = tpu.vector_load %arg12[%get3A_168, %get3A_169] {strides = array<i32>} : memref<128x128xf32, #tpu.memory_space<vmem>>, vector<1x16xf32>,
          %get3A_171 = vector.shape_cast %get3A_170 : vector<1x16xf32> to vector<16xf32>
          %add3A_172 = arith.addf %get3A_167, %get3A_171 : vector<16xf32>
          %mul3A_173 = arith.constant 2.000000e-01 : f32
          %mul3A_174 = vector.broadcast %mul3A_173 : f32 to vector<16xf32>
          %mul3A_175 = arith.mulf %mul3A_174, %add3A_172 : vector<16xf32>
          %max3A_176 = arith.maximumf %add3A_172, %mul3A_175 : vector<16xf32>
          %mul3A_177 = arith.mulf %max3A_176, %get3A_25 : vector<16xf32>
          %broadcast_in_dim3A_178 = vector.shape_cast %xor3A_2 : vector<16xi32> to vector<16x1xi32>
          %gather3A_179 = vector.shape_cast %broadcast_in_dim3A_178 : vector<16x1xi32> to vector<16xi32>
          %gather3A_180 = tpu.dynamic_gather %mul3A_177[%gather3A_179] in [0] : vector<16xf32>, vector<16xi32> -> vector<16xf32>
          %add3A_181 = arith.addf %mul3A_177, %gather3A_180 : vector<16xf32>
          %broadcast_in_dim3A_182 = vector.shape_cast %xor3A_5 : vector<16xi32> to vector<16x1xi32>
          %gather3A_183 = vector.shape_cast %broadcast_in_dim3A_182 : vector<16x1xi32> to vector<16xi32>
          %gather3A_184 = tpu.dynamic_gather %add3A_181[%gather3A_183] in [0] : vector<16xf32>, vector<16xi32> -> vector<16xf32>
          %add3A_185 = arith.addf %add3A_181, %gather3A_184 : vector<16xf32>
          %broadcast_in_dim3A_186 = vector.shape_cast %xor3A_8 : vector<16xi32> to vector<16x1xi32>
          %gather3A_187 = vector.shape_cast %broadcast_in_dim3A_186 : vector<16x1xi32> to vector<16xi32>
          %gather3A_188 = tpu.dynamic_gather %add3A_185[%gather3A_187] in [0] : vector<16xf32>, vector<16xi32> -> vector<16xf32>
          %add3A_189 = arith.addf %add3A_185, %gather3A_188 : vector<16xf32>
          %broadcast_in_dim3A_190 = vector.shape_cast %xor3A_11 : vector<16xi32> to vector<16x1xi32>
          %gather3A_191 = vector.shape_cast %broadcast_in_dim3A_190 : vector<16x1xi32> to vector<16xi32>
          %gather3A_192 = tpu.dynamic_gather %add3A_189[%gather3A_191] in [0] : vector<16xf32>, vector<16xi32> -> vector<16xf32>
          %add3A_193 = arith.addf %add3A_189, %gather3A_192 : vector<16xf32>
          %exp3A_194 = math.exp %add3A_193 : vector<16xf32>
          %mul3A_195 = arith.mulf %get3A_167, %exp3A_194 : vector<16xf32>
          %swap3A_196 = arith.index_cast %scan3A_84 : i32 to index
          %swap3A_197 = arith.constant 32 : index
          %swap3A_198 = tpu.vector_load %arg11[%swap3A_196, %swap3A_197] {strides = array<i32>} : memref<128x128xf32, #tpu.memory_space<vmem>>, vector<1x16xf32>,
          %swap3A_199 = vector.shape_cast %swap3A_198 : vector<1x16xf32> to vector<16xf32>
          %swap3A_200 = vector.shape_cast %mul3A_195 : vector<16xf32> to vector<1x16xf32>
          tpu.vector_store %arg11[%swap3A_196, %swap3A_197], %swap3A_200 {strides = array<i32>} : memref<128x128xf32, #tpu.memory_space<vmem>>, vector<1x16xf32>,
          %swap3A_201 = arith.index_cast %scan3A_84 : i32 to index
          %swap3A_202 = arith.constant 96 : index
          %swap3A_203 = tpu.vector_load %arg11[%swap3A_201, %swap3A_202] {strides = array<i32>} : memref<128x128xf32, #tpu.memory_space<vmem>>, vector<1x16xf32>,
          %swap3A_204 = vector.shape_cast %swap3A_203 : vector<1x16xf32> to vector<16xf32>
          %swap3A_205 = vector.shape_cast %exp3A_194 : vector<16xf32> to vector<1x16xf32>
          tpu.vector_store %arg11[%swap3A_201, %swap3A_202], %swap3A_205 {strides = array<i32>} : memref<128x128xf32, #tpu.memory_space<vmem>>, vector<1x16xf32>,
          %get3A_206 = arith.index_cast %scan3A_84 : i32 to index
          %get3A_207 = arith.constant 48 : index
          %get3A_208 = tpu.vector_load %arg11[%get3A_206, %get3A_207] {strides = array<i32>} : memref<128x128xf32, #tpu.memory_space<vmem>>, vector<1x16xf32>,
          %get3A_209 = vector.shape_cast %get3A_208 : vector<1x16xf32> to vector<16xf32>
          %get3A_210 = arith.index_cast %scan3A_84 : i32 to index
          %get3A_211 = arith.constant 48 : index
          %get3A_212 = tpu.vector_load %arg12[%get3A_210, %get3A_211] {strides = array<i32>} : memref<128x128xf32, #tpu.memory_space<vmem>>, vector<1x16xf32>,
          %get3A_213 = vector.shape_cast %get3A_212 : vector<1x16xf32> to vector<16xf32>
          %add3A_214 = arith.addf %get3A_209, %get3A_213 : vector<16xf32>
          %mul3A_215 = arith.constant 2.000000e-01 : f32
          %mul3A_216 = vector.broadcast %mul3A_215 : f32 to vector<16xf32>
          %mul3A_217 = arith.mulf %mul3A_216, %add3A_214 : vector<16xf32>
          %max3A_218 = arith.maximumf %add3A_214, %mul3A_217 : vector<16xf32>
          %mul3A_219 = arith.mulf %max3A_218, %get3A_30 : vector<16xf32>
          %broadcast_in_dim3A_220 = vector.shape_cast %xor3A_2 : vector<16xi32> to vector<16x1xi32>
          %gather3A_221 = vector.shape_cast %broadcast_in_dim3A_220 : vector<16x1xi32> to vector<16xi32>
          %gather3A_222 = tpu.dynamic_gather %mul3A_219[%gather3A_221] in [0] : vector<16xf32>, vector<16xi32> -> vector<16xf32>
          %add3A_223 = arith.addf %mul3A_219, %gather3A_222 : vector<16xf32>
          %broadcast_in_dim3A_224 = vector.shape_cast %xor3A_5 : vector<16xi32> to vector<16x1xi32>
          %gather3A_225 = vector.shape_cast %broadcast_in_dim3A_224 : vector<16x1xi32> to vector<16xi32>
          %gather3A_226 = tpu.dynamic_gather %add3A_223[%gather3A_225] in [0] : vector<16xf32>, vector<16xi32> -> vector<16xf32>
          %add3A_227 = arith.addf %add3A_223, %gather3A_226 : vector<16xf32>
          %broadcast_in_dim3A_228 = vector.shape_cast %xor3A_8 : vector<16xi32> to vector<16x1xi32>
          %gather3A_229 = vector.shape_cast %broadcast_in_dim3A_228 : vector<16x1xi32> to vector<16xi32>
          %gather3A_230 = tpu.dynamic_gather %add3A_227[%gather3A_229] in [0] : vector<16xf32>, vector<16xi32> -> vector<16xf32>
          %add3A_231 = arith.addf %add3A_227, %gather3A_230 : vector<16xf32>
          %broadcast_in_dim3A_232 = vector.shape_cast %xor3A_11 : vector<16xi32> to vector<16x1xi32>
          %gather3A_233 = vector.shape_cast %broadcast_in_dim3A_232 : vector<16x1xi32> to vector<16xi32>
          %gather3A_234 = tpu.dynamic_gather %add3A_231[%gather3A_233] in [0] : vector<16xf32>, vector<16xi32> -> vector<16xf32>
          %add3A_235 = arith.addf %add3A_231, %gather3A_234 : vector<16xf32>
          %exp3A_236 = math.exp %add3A_235 : vector<16xf32>
          %mul3A_237 = arith.mulf %get3A_209, %exp3A_236 : vector<16xf32>
          %swap3A_238 = arith.index_cast %scan3A_84 : i32 to index
          %swap3A_239 = arith.constant 48 : index
          %swap3A_240 = tpu.vector_load %arg11[%swap3A_238, %swap3A_239] {strides = array<i32>} : memref<128x128xf32, #tpu.memory_space<vmem>>, vector<1x16xf32>,
          %swap3A_241 = vector.shape_cast %swap3A_240 : vector<1x16xf32> to vector<16xf32>
          %swap3A_242 = vector.shape_cast %mul3A_237 : vector<16xf32> to vector<1x16xf32>
          tpu.vector_store %arg11[%swap3A_238, %swap3A_239], %swap3A_242 {strides = array<i32>} : memref<128x128xf32, #tpu.memory_space<vmem>>, vector<1x16xf32>,
          %swap3A_243 = arith.index_cast %scan3A_84 : i32 to index
          %swap3A_244 = arith.constant 112 : index
          %swap3A_245 = tpu.vector_load %arg11[%swap3A_243, %swap3A_244] {strides = array<i32>} : memref<128x128xf32, #tpu.memory_space<vmem>>, vector<1x16xf32>,
          %swap3A_246 = vector.shape_cast %swap3A_245 : vector<1x16xf32> to vector<16xf32>
          %swap3A_247 = vector.shape_cast %exp3A_236 : vector<16xf32> to vector<1x16xf32>
          tpu.vector_store %arg11[%swap3A_243, %swap3A_244], %swap3A_247 {strides = array<i32>} : memref<128x128xf32, #tpu.memory_space<vmem>>, vector<1x16xf32>,
        }
        %scan3A_83 = arith.constant 128 : i32
      } else {
      }
      %ne3A = arith.constant 0 : i32
      %ne3A_74 = arith.cmpi ne, %arg0, %ne3A : i32
      %convert_element_type3A_75 = arith.extui %ne3A_74 : i1 to i32
      %cond3A_76 = arith.constant 0 : i32
      %cond3A_77 = arith.cmpi ne, %convert_element_type3A_75, %cond3A_76 : i32
      scf.if %cond3A_77 {
        %scan3A_78 = arith.constant 0 : i32
        %scan3A_79 = arith.constant 0 : i32
        %scan3A_80 = arith.constant 128 : i32
        %scan3A_81 = arith.addi %scan3A_79, %scan3A_80 : i32
        %scan3A_82 = arith.constant 1 : i32
        scf.for %scan3A_84 = %scan3A_79 to %scan3A_81 step %scan3A_82  : i32 {
          %get3A_85 = arith.index_cast %scan3A_84 : i32 to index
          %get3A_86 = arith.constant 64 : index
          %get3A_87 = tpu.vector_load %arg11[%get3A_85, %get3A_86] {strides = array<i32>} : memref<128x128xf32, #tpu.memory_space<vmem>>, vector<1x16xf32>,
          %get3A_88 = vector.shape_cast %get3A_87 : vector<1x16xf32> to vector<16xf32>
          %get3A_89 = arith.index_cast %scan3A_84 : i32 to index
          %get3A_90 = arith.constant 64 : index
          %get3A_91 = tpu.vector_load %arg12[%get3A_89, %get3A_90] {strides = array<i32>} : memref<128x128xf32, #tpu.memory_space<vmem>>, vector<1x16xf32>,
          %get3A_92 = vector.shape_cast %get3A_91 : vector<1x16xf32> to vector<16xf32>
          %add3A_93 = arith.addf %get3A_88, %get3A_92 : vector<16xf32>
          %mul3A_94 = arith.constant 2.000000e-01 : f32
          %mul3A_95 = vector.broadcast %mul3A_94 : f32 to vector<16xf32>
          %mul3A_96 = arith.mulf %mul3A_95, %add3A_93 : vector<16xf32>
          %max3A = arith.maximumf %add3A_93, %mul3A_96 : vector<16xf32>
          %mul3A_97 = arith.mulf %max3A, %get3A_35 : vector<16xf32>
          %broadcast_in_dim3A = vector.shape_cast %xor3A_2 : vector<16xi32> to vector<16x1xi32>
          %gather3A = vector.shape_cast %broadcast_in_dim3A : vector<16x1xi32> to vector<16xi32>
          %gather3A_98 = tpu.dynamic_gather %mul3A_97[%gather3A] in [0] : vector<16xf32>, vector<16xi32> -> vector<16xf32>
          %add3A_99 = arith.addf %mul3A_97, %gather3A_98 : vector<16xf32>
          %broadcast_in_dim3A_100 = vector.shape_cast %xor3A_5 : vector<16xi32> to vector<16x1xi32>
          %gather3A_101 = vector.shape_cast %broadcast_in_dim3A_100 : vector<16x1xi32> to vector<16xi32>
          %gather3A_102 = tpu.dynamic_gather %add3A_99[%gather3A_101] in [0] : vector<16xf32>, vector<16xi32> -> vector<16xf32>
          %add3A_103 = arith.addf %add3A_99, %gather3A_102 : vector<16xf32>
          %broadcast_in_dim3A_104 = vector.shape_cast %xor3A_8 : vector<16xi32> to vector<16x1xi32>
          %gather3A_105 = vector.shape_cast %broadcast_in_dim3A_104 : vector<16x1xi32> to vector<16xi32>
          %gather3A_106 = tpu.dynamic_gather %add3A_103[%gather3A_105] in [0] : vector<16xf32>, vector<16xi32> -> vector<16xf32>
          %add3A_107 = arith.addf %add3A_103, %gather3A_106 : vector<16xf32>
          %broadcast_in_dim3A_108 = vector.shape_cast %xor3A_11 : vector<16xi32> to vector<16x1xi32>
          %gather3A_109 = vector.shape_cast %broadcast_in_dim3A_108 : vector<16x1xi32> to vector<16xi32>
          %gather3A_110 = tpu.dynamic_gather %add3A_107[%gather3A_109] in [0] : vector<16xf32>, vector<16xi32> -> vector<16xf32>
          %add3A_111 = arith.addf %add3A_107, %gather3A_110 : vector<16xf32>
          %exp3A = math.exp %add3A_111 : vector<16xf32>
          %mul3A_112 = arith.mulf %get3A_88, %exp3A : vector<16xf32>
          %swap3A = arith.index_cast %scan3A_84 : i32 to index
          %swap3A_113 = arith.constant 0 : index
          %swap3A_114 = tpu.vector_load %arg11[%swap3A, %swap3A_113] {strides = array<i32>} : memref<128x128xf32, #tpu.memory_space<vmem>>, vector<1x16xf32>,
          %swap3A_115 = vector.shape_cast %swap3A_114 : vector<1x16xf32> to vector<16xf32>
          %swap3A_116 = vector.shape_cast %mul3A_112 : vector<16xf32> to vector<1x16xf32>
          tpu.vector_store %arg11[%swap3A, %swap3A_113], %swap3A_116 {strides = array<i32>} : memref<128x128xf32, #tpu.memory_space<vmem>>, vector<1x16xf32>,
          %swap3A_117 = arith.index_cast %scan3A_84 : i32 to index
          %swap3A_118 = arith.constant 64 : index
          %swap3A_119 = tpu.vector_load %arg11[%swap3A_117, %swap3A_118] {strides = array<i32>} : memref<128x128xf32, #tpu.memory_space<vmem>>, vector<1x16xf32>,
          %swap3A_120 = vector.shape_cast %swap3A_119 : vector<1x16xf32> to vector<16xf32>
          %swap3A_121 = vector.shape_cast %exp3A : vector<16xf32> to vector<1x16xf32>
          tpu.vector_store %arg11[%swap3A_117, %swap3A_118], %swap3A_121 {strides = array<i32>} : memref<128x128xf32, #tpu.memory_space<vmem>>, vector<1x16xf32>,
          %get3A_122 = arith.index_cast %scan3A_84 : i32 to index
          %get3A_123 = arith.constant 80 : index
          %get3A_124 = tpu.vector_load %arg11[%get3A_122, %get3A_123] {strides = array<i32>} : memref<128x128xf32, #tpu.memory_space<vmem>>, vector<1x16xf32>,
          %get3A_125 = vector.shape_cast %get3A_124 : vector<1x16xf32> to vector<16xf32>
          %get3A_126 = arith.index_cast %scan3A_84 : i32 to index
          %get3A_127 = arith.constant 80 : index
          %get3A_128 = tpu.vector_load %arg12[%get3A_126, %get3A_127] {strides = array<i32>} : memref<128x128xf32, #tpu.memory_space<vmem>>, vector<1x16xf32>,
          %get3A_129 = vector.shape_cast %get3A_128 : vector<1x16xf32> to vector<16xf32>
          %add3A_130 = arith.addf %get3A_125, %get3A_129 : vector<16xf32>
          %mul3A_131 = arith.constant 2.000000e-01 : f32
          %mul3A_132 = vector.broadcast %mul3A_131 : f32 to vector<16xf32>
          %mul3A_133 = arith.mulf %mul3A_132, %add3A_130 : vector<16xf32>
          %max3A_134 = arith.maximumf %add3A_130, %mul3A_133 : vector<16xf32>
          %mul3A_135 = arith.mulf %max3A_134, %get3A_40 : vector<16xf32>
          %broadcast_in_dim3A_136 = vector.shape_cast %xor3A_2 : vector<16xi32> to vector<16x1xi32>
          %gather3A_137 = vector.shape_cast %broadcast_in_dim3A_136 : vector<16x1xi32> to vector<16xi32>
          %gather3A_138 = tpu.dynamic_gather %mul3A_135[%gather3A_137] in [0] : vector<16xf32>, vector<16xi32> -> vector<16xf32>
          %add3A_139 = arith.addf %mul3A_135, %gather3A_138 : vector<16xf32>
          %broadcast_in_dim3A_140 = vector.shape_cast %xor3A_5 : vector<16xi32> to vector<16x1xi32>
          %gather3A_141 = vector.shape_cast %broadcast_in_dim3A_140 : vector<16x1xi32> to vector<16xi32>
          %gather3A_142 = tpu.dynamic_gather %add3A_139[%gather3A_141] in [0] : vector<16xf32>, vector<16xi32> -> vector<16xf32>
          %add3A_143 = arith.addf %add3A_139, %gather3A_142 : vector<16xf32>
          %broadcast_in_dim3A_144 = vector.shape_cast %xor3A_8 : vector<16xi32> to vector<16x1xi32>
          %gather3A_145 = vector.shape_cast %broadcast_in_dim3A_144 : vector<16x1xi32> to vector<16xi32>
          %gather3A_146 = tpu.dynamic_gather %add3A_143[%gather3A_145] in [0] : vector<16xf32>, vector<16xi32> -> vector<16xf32>
          %add3A_147 = arith.addf %add3A_143, %gather3A_146 : vector<16xf32>
          %broadcast_in_dim3A_148 = vector.shape_cast %xor3A_11 : vector<16xi32> to vector<16x1xi32>
          %gather3A_149 = vector.shape_cast %broadcast_in_dim3A_148 : vector<16x1xi32> to vector<16xi32>
          %gather3A_150 = tpu.dynamic_gather %add3A_147[%gather3A_149] in [0] : vector<16xf32>, vector<16xi32> -> vector<16xf32>
          %add3A_151 = arith.addf %add3A_147, %gather3A_150 : vector<16xf32>
          %exp3A_152 = math.exp %add3A_151 : vector<16xf32>
          %mul3A_153 = arith.mulf %get3A_125, %exp3A_152 : vector<16xf32>
          %swap3A_154 = arith.index_cast %scan3A_84 : i32 to index
          %swap3A_155 = arith.constant 16 : index
          %swap3A_156 = tpu.vector_load %arg11[%swap3A_154, %swap3A_155] {strides = array<i32>} : memref<128x128xf32, #tpu.memory_space<vmem>>, vector<1x16xf32>,
          %swap3A_157 = vector.shape_cast %swap3A_156 : vector<1x16xf32> to vector<16xf32>
          %swap3A_158 = vector.shape_cast %mul3A_153 : vector<16xf32> to vector<1x16xf32>
          tpu.vector_store %arg11[%swap3A_154, %swap3A_155], %swap3A_158 {strides = array<i32>} : memref<128x128xf32, #tpu.memory_space<vmem>>, vector<1x16xf32>,
          %swap3A_159 = arith.index_cast %scan3A_84 : i32 to index
          %swap3A_160 = arith.constant 80 : index
          %swap3A_161 = tpu.vector_load %arg11[%swap3A_159, %swap3A_160] {strides = array<i32>} : memref<128x128xf32, #tpu.memory_space<vmem>>, vector<1x16xf32>,
          %swap3A_162 = vector.shape_cast %swap3A_161 : vector<1x16xf32> to vector<16xf32>
          %swap3A_163 = vector.shape_cast %exp3A_152 : vector<16xf32> to vector<1x16xf32>
          tpu.vector_store %arg11[%swap3A_159, %swap3A_160], %swap3A_163 {strides = array<i32>} : memref<128x128xf32, #tpu.memory_space<vmem>>, vector<1x16xf32>,
          %get3A_164 = arith.index_cast %scan3A_84 : i32 to index
          %get3A_165 = arith.constant 96 : index
          %get3A_166 = tpu.vector_load %arg11[%get3A_164, %get3A_165] {strides = array<i32>} : memref<128x128xf32, #tpu.memory_space<vmem>>, vector<1x16xf32>,
          %get3A_167 = vector.shape_cast %get3A_166 : vector<1x16xf32> to vector<16xf32>
          %get3A_168 = arith.index_cast %scan3A_84 : i32 to index
          %get3A_169 = arith.constant 96 : index
          %get3A_170 = tpu.vector_load %arg12[%get3A_168, %get3A_169] {strides = array<i32>} : memref<128x128xf32, #tpu.memory_space<vmem>>, vector<1x16xf32>,
          %get3A_171 = vector.shape_cast %get3A_170 : vector<1x16xf32> to vector<16xf32>
          %add3A_172 = arith.addf %get3A_167, %get3A_171 : vector<16xf32>
          %mul3A_173 = arith.constant 2.000000e-01 : f32
          %mul3A_174 = vector.broadcast %mul3A_173 : f32 to vector<16xf32>
          %mul3A_175 = arith.mulf %mul3A_174, %add3A_172 : vector<16xf32>
          %max3A_176 = arith.maximumf %add3A_172, %mul3A_175 : vector<16xf32>
          %mul3A_177 = arith.mulf %max3A_176, %get3A_45 : vector<16xf32>
          %broadcast_in_dim3A_178 = vector.shape_cast %xor3A_2 : vector<16xi32> to vector<16x1xi32>
          %gather3A_179 = vector.shape_cast %broadcast_in_dim3A_178 : vector<16x1xi32> to vector<16xi32>
          %gather3A_180 = tpu.dynamic_gather %mul3A_177[%gather3A_179] in [0] : vector<16xf32>, vector<16xi32> -> vector<16xf32>
          %add3A_181 = arith.addf %mul3A_177, %gather3A_180 : vector<16xf32>
          %broadcast_in_dim3A_182 = vector.shape_cast %xor3A_5 : vector<16xi32> to vector<16x1xi32>
          %gather3A_183 = vector.shape_cast %broadcast_in_dim3A_182 : vector<16x1xi32> to vector<16xi32>
          %gather3A_184 = tpu.dynamic_gather %add3A_181[%gather3A_183] in [0] : vector<16xf32>, vector<16xi32> -> vector<16xf32>
          %add3A_185 = arith.addf %add3A_181, %gather3A_184 : vector<16xf32>
          %broadcast_in_dim3A_186 = vector.shape_cast %xor3A_8 : vector<16xi32> to vector<16x1xi32>
          %gather3A_187 = vector.shape_cast %broadcast_in_dim3A_186 : vector<16x1xi32> to vector<16xi32>
          %gather3A_188 = tpu.dynamic_gather %add3A_185[%gather3A_187] in [0] : vector<16xf32>, vector<16xi32> -> vector<16xf32>
          %add3A_189 = arith.addf %add3A_185, %gather3A_188 : vector<16xf32>
          %broadcast_in_dim3A_190 = vector.shape_cast %xor3A_11 : vector<16xi32> to vector<16x1xi32>
          %gather3A_191 = vector.shape_cast %broadcast_in_dim3A_190 : vector<16x1xi32> to vector<16xi32>
          %gather3A_192 = tpu.dynamic_gather %add3A_189[%gather3A_191] in [0] : vector<16xf32>, vector<16xi32> -> vector<16xf32>
          %add3A_193 = arith.addf %add3A_189, %gather3A_192 : vector<16xf32>
          %exp3A_194 = math.exp %add3A_193 : vector<16xf32>
          %mul3A_195 = arith.mulf %get3A_167, %exp3A_194 : vector<16xf32>
          %swap3A_196 = arith.index_cast %scan3A_84 : i32 to index
          %swap3A_197 = arith.constant 32 : index
          %swap3A_198 = tpu.vector_load %arg11[%swap3A_196, %swap3A_197] {strides = array<i32>} : memref<128x128xf32, #tpu.memory_space<vmem>>, vector<1x16xf32>,
          %swap3A_199 = vector.shape_cast %swap3A_198 : vector<1x16xf32> to vector<16xf32>
          %swap3A_200 = vector.shape_cast %mul3A_195 : vector<16xf32> to vector<1x16xf32>
          tpu.vector_store %arg11[%swap3A_196, %swap3A_197], %swap3A_200 {strides = array<i32>} : memref<128x128xf32, #tpu.memory_space<vmem>>, vector<1x16xf32>,
          %swap3A_201 = arith.index_cast %scan3A_84 : i32 to index
          %swap3A_202 = arith.constant 96 : index
          %swap3A_203 = tpu.vector_load %arg11[%swap3A_201, %swap3A_202] {strides = array<i32>} : memref<128x128xf32, #tpu.memory_space<vmem>>, vector<1x16xf32>,
          %swap3A_204 = vector.shape_cast %swap3A_203 : vector<1x16xf32> to vector<16xf32>
          %swap3A_205 = vector.shape_cast %exp3A_194 : vector<16xf32> to vector<1x16xf32>
          tpu.vector_store %arg11[%swap3A_201, %swap3A_202], %swap3A_205 {strides = array<i32>} : memref<128x128xf32, #tpu.memory_space<vmem>>, vector<1x16xf32>,
          %get3A_206 = arith.index_cast %scan3A_84 : i32 to index
          %get3A_207 = arith.constant 112 : index
          %get3A_208 = tpu.vector_load %arg11[%get3A_206, %get3A_207] {strides = array<i32>} : memref<128x128xf32, #tpu.memory_space<vmem>>, vector<1x16xf32>,
          %get3A_209 = vector.shape_cast %get3A_208 : vector<1x16xf32> to vector<16xf32>
          %get3A_210 = arith.index_cast %scan3A_84 : i32 to index
          %get3A_211 = arith.constant 112 : index
          %get3A_212 = tpu.vector_load %arg12[%get3A_210, %get3A_211] {strides = array<i32>} : memref<128x128xf32, #tpu.memory_space<vmem>>, vector<1x16xf32>,
          %get3A_213 = vector.shape_cast %get3A_212 : vector<1x16xf32> to vector<16xf32>
          %add3A_214 = arith.addf %get3A_209, %get3A_213 : vector<16xf32>
          %mul3A_215 = arith.constant 2.000000e-01 : f32
          %mul3A_216 = vector.broadcast %mul3A_215 : f32 to vector<16xf32>
          %mul3A_217 = arith.mulf %mul3A_216, %add3A_214 : vector<16xf32>
          %max3A_218 = arith.maximumf %add3A_214, %mul3A_217 : vector<16xf32>
          %mul3A_219 = arith.mulf %max3A_218, %get3A_50 : vector<16xf32>
          %broadcast_in_dim3A_220 = vector.shape_cast %xor3A_2 : vector<16xi32> to vector<16x1xi32>
          %gather3A_221 = vector.shape_cast %broadcast_in_dim3A_220 : vector<16x1xi32> to vector<16xi32>
          %gather3A_222 = tpu.dynamic_gather %mul3A_219[%gather3A_221] in [0] : vector<16xf32>, vector<16xi32> -> vector<16xf32>
          %add3A_223 = arith.addf %mul3A_219, %gather3A_222 : vector<16xf32>
          %broadcast_in_dim3A_224 = vector.shape_cast %xor3A_5 : vector<16xi32> to vector<16x1xi32>
          %gather3A_225 = vector.shape_cast %broadcast_in_dim3A_224 : vector<16x1xi32> to vector<16xi32>
          %gather3A_226 = tpu.dynamic_gather %add3A_223[%gather3A_225] in [0] : vector<16xf32>, vector<16xi32> -> vector<16xf32>
          %add3A_227 = arith.addf %add3A_223, %gather3A_226 : vector<16xf32>
          %broadcast_in_dim3A_228 = vector.shape_cast %xor3A_8 : vector<16xi32> to vector<16x1xi32>
          %gather3A_229 = vector.shape_cast %broadcast_in_dim3A_228 : vector<16x1xi32> to vector<16xi32>
          %gather3A_230 = tpu.dynamic_gather %add3A_227[%gather3A_229] in [0] : vector<16xf32>, vector<16xi32> -> vector<16xf32>
          %add3A_231 = arith.addf %add3A_227, %gather3A_230 : vector<16xf32>
          %broadcast_in_dim3A_232 = vector.shape_cast %xor3A_11 : vector<16xi32> to vector<16x1xi32>
          %gather3A_233 = vector.shape_cast %broadcast_in_dim3A_232 : vector<16x1xi32> to vector<16xi32>
          %gather3A_234 = tpu.dynamic_gather %add3A_231[%gather3A_233] in [0] : vector<16xf32>, vector<16xi32> -> vector<16xf32>
          %add3A_235 = arith.addf %add3A_231, %gather3A_234 : vector<16xf32>
          %exp3A_236 = math.exp %add3A_235 : vector<16xf32>
          %mul3A_237 = arith.mulf %get3A_209, %exp3A_236 : vector<16xf32>
          %swap3A_238 = arith.index_cast %scan3A_84 : i32 to index
          %swap3A_239 = arith.constant 48 : index
          %swap3A_240 = tpu.vector_load %arg11[%swap3A_238, %swap3A_239] {strides = array<i32>} : memref<128x128xf32, #tpu.memory_space<vmem>>, vector<1x16xf32>,
          %swap3A_241 = vector.shape_cast %swap3A_240 : vector<1x16xf32> to vector<16xf32>
          %swap3A_242 = vector.shape_cast %mul3A_237 : vector<16xf32> to vector<1x16xf32>
          tpu.vector_store %arg11[%swap3A_238, %swap3A_239], %swap3A_242 {strides = array<i32>} : memref<128x128xf32, #tpu.memory_space<vmem>>, vector<1x16xf32>,
          %swap3A_243 = arith.index_cast %scan3A_84 : i32 to index
          %swap3A_244 = arith.constant 112 : index
          %swap3A_245 = tpu.vector_load %arg11[%swap3A_243, %swap3A_244] {strides = array<i32>} : memref<128x128xf32, #tpu.memory_space<vmem>>, vector<1x16xf32>,
          %swap3A_246 = vector.shape_cast %swap3A_245 : vector<1x16xf32> to vector<16xf32>
          %swap3A_247 = vector.shape_cast %exp3A_236 : vector<16xf32> to vector<1x16xf32>
          tpu.vector_store %arg11[%swap3A_243, %swap3A_244], %swap3A_247 {strides = array<i32>} : memref<128x128xf32, #tpu.memory_space<vmem>>, vector<1x16xf32>,
        }
        %scan3A_83 = arith.constant 128 : i32
      } else {
      }
      "tpu.region"() ({
        %run_scoped3A = tpu.sem_alloc : memref<!tpu.dma_semaphore, #tpu.memory_space<semaphore_mem>>
        %dma_start3A_78 = arith.constant 0 : i32
        %dma_start3A_79 = arith.constant 0 : i32
        %dma_start3A_80 = tpu.memref_slice %arg14[%dma_start3A_78, %dma_start3A_79] : memref<10112x128xf32, #tpu.memory_space<vmem_shared>> -> memref<10112x128xf32, #tpu.memory_space<vmem_shared>>
        tpu.enqueue_indirect_dma source(%arg11 : memref<128x128xf32, #tpu.memory_space<vmem>>) target(%dma_start3A_80 : memref<10112x128xf32, #tpu.memory_space<vmem_shared>>) offsets(%arg10 : memref<128xi32, #tpu.memory_space<vmem>>) semaphore(%run_scoped3A : memref<!tpu.dma_semaphore, #tpu.memory_space<semaphore_mem>>) {add = true}
        %dma_wait3A_81 = arith.constant 0 : i32
        %dma_wait3A_82 = arith.constant 0 : i32
        %dma_wait3A_83 = tpu.memref_slice %arg14[%dma_wait3A_81, %dma_wait3A_82] : memref<10112x128xf32, #tpu.memory_space<vmem_shared>> -> memref<10112x128xf32, #tpu.memory_space<vmem_shared>>
        tpu.wait_indirect_dma semaphore(%run_scoped3A : memref<!tpu.dma_semaphore, #tpu.memory_space<semaphore_mem>>) src(%arg11 : memref<128x128xf32, #tpu.memory_space<vmem>>) dst(%dma_wait3A_83 : memref<10112x128xf32, #tpu.memory_space<vmem_shared>>)
        tpu.yield
      }) : () -> ()
    }
    %scan3A_55 = arith.constant 84 : i32
    %barrier3A_56 = arith.constant 0 : index
    tpu.barrier barrier_id(%barrier3A_56)
    "tpu.region"() ({
      %run_scoped3A = tpu.sem_alloc : memref<!tpu.dma_semaphore, #tpu.memory_space<semaphore_mem>>
      %dma_start3A = arith.constant 0 : i32
      %dma_start3A_57 = tpu.memref_slice %arg8[%arg0, %mul3A_0, %dma_start3A] : memref<2x10112x128xf32, #tpu.memory_space<hbm>> -> memref<1x632x128xf32, #tpu.memory_space<hbm>>
      %dma_start3A_58 = tpu.memref_squeeze %dma_start3A_57 : memref<1x632x128xf32, #tpu.memory_space<hbm>> -> memref<632x128xf32, #tpu.memory_space<hbm>>
      %dma_start3A_59 = arith.constant 0 : i32
      %dma_start3A_60 = tpu.memref_slice %arg14[%mul3A_0, %dma_start3A_59] : memref<10112x128xf32, #tpu.memory_space<vmem_shared>> -> memref<632x128xf32, #tpu.memory_space<vmem_shared>>
      tpu.enqueue_dma source(%dma_start3A_60 : memref<632x128xf32, #tpu.memory_space<vmem_shared>>) target(%dma_start3A_58 : memref<632x128xf32, #tpu.memory_space<hbm>>) target_semaphore(%run_scoped3A : memref<!tpu.dma_semaphore, #tpu.memory_space<semaphore_mem>>)
      %dma_wait3A = arith.constant 0 : i32
      %dma_wait3A_61 = tpu.memref_slice %arg8[%arg0, %mul3A_0, %dma_wait3A] : memref<2x10112x128xf32, #tpu.memory_space<hbm>> -> memref<1x632x128xf32, #tpu.memory_space<hbm>>
      %dma_wait3A_62 = tpu.memref_squeeze %dma_wait3A_61 : memref<1x632x128xf32, #tpu.memory_space<hbm>> -> memref<632x128xf32, #tpu.memory_space<hbm>>
      %dma_wait3A_63 = arith.constant 0 : i32
      %dma_wait3A_64 = tpu.memref_slice %arg14[%mul3A_0, %dma_wait3A_63] : memref<10112x128xf32, #tpu.memory_space<vmem_shared>> -> memref<632x128xf32, #tpu.memory_space<vmem_shared>>
      tpu.wait_dma2 semaphore(%run_scoped3A : memref<!tpu.dma_semaphore, #tpu.memory_space<semaphore_mem>>) src(%dma_wait3A_64 : memref<632x128xf32, #tpu.memory_space<vmem_shared>>) dst(%dma_wait3A_62 : memref<632x128xf32, #tpu.memory_space<hbm>>)
      tpu.yield
    }) : () -> ()
    return
  }
}

#map = affine_map<(d0, d1) -> (0, 0)>
#map1 = affine_map<(d0, d1) -> (0)>
#map2 = affine_map<(d0, d1) -> (0, 0, 0)>
module attributes {stable_mosaic.version = 14 : i64} {
  func.func @k(%arg0: i32, %arg1: i32, %arg2: memref<10112x128xf32, #tpu.memory_space<hbm>>, %arg3: memref<163840xi32, #tpu.memory_space<hbm>>, %arg4: memref<163840xi32, #tpu.memory_space<hbm>>, %arg5: memref<10112x128xf32, #tpu.memory_space<hbm>>, %arg6: memref<2x10112x128xf32, #tpu.memory_space<hbm>>, %arg7: memref<128xi32, #tpu.memory_space<vmem>>, %arg8: memref<128xi32, #tpu.memory_space<vmem>>, %arg9: memref<128x128xf32, #tpu.memory_space<vmem>>, %arg10: memref<10112x128xf32, #tpu.memory_space<vmem_shared>>, %arg11: memref<!tpu.dma_semaphore, #tpu.memory_space<semaphore_mem>>) attributes {dimension_semantics = [#tpu.dimension_semantics<core_parallel>, #tpu.dimension_semantics<subcore_parallel>], iteration_bounds = array<i64: 2, 16>, scalar_prefetch = 0 : i64, scratch_operands = 5 : i64, tpu.core_type = #tpu.core_type<sc_vector_subcore>, window_params = [{transform_indices = #map}, {transform_indices = #map1}, {transform_indices = #map1}, {transform_indices = #map}, {transform_indices = #map2}]} {
    %mul3A = arith.constant 16 : i32
    %mul3A_0 = arith.muli %arg0, %mul3A : i32
    %add3A = arith.addi %mul3A_0, %arg1 : i32
    %mul3A_1 = arith.constant 632 : i32
    %mul3A_2 = arith.muli %arg1, %mul3A_1 : i32
    "tpu.region"() ({
      %run_scoped3A = tpu.sem_alloc : memref<!tpu.dma_semaphore, #tpu.memory_space<semaphore_mem>>
      %dma_start3A = arith.constant 0 : i32
      %dma_start3A_9 = tpu.memref_slice %arg10[%mul3A_2, %dma_start3A] : memref<10112x128xf32, #tpu.memory_space<vmem_shared>> -> memref<632x128xf32, #tpu.memory_space<vmem_shared>>
      %dma_start3A_10 = arith.constant 0 : i32
      %dma_start3A_11 = tpu.memref_slice %arg5[%mul3A_2, %dma_start3A_10] : memref<10112x128xf32, #tpu.memory_space<hbm>> -> memref<632x128xf32, #tpu.memory_space<hbm>>
      tpu.enqueue_dma source(%dma_start3A_11 : memref<632x128xf32, #tpu.memory_space<hbm>>) target(%dma_start3A_9 : memref<632x128xf32, #tpu.memory_space<vmem_shared>>) target_semaphore(%run_scoped3A : memref<!tpu.dma_semaphore, #tpu.memory_space<semaphore_mem>>)
      %dma_wait3A = arith.constant 0 : i32
      %dma_wait3A_12 = tpu.memref_slice %arg10[%mul3A_2, %dma_wait3A] : memref<10112x128xf32, #tpu.memory_space<vmem_shared>> -> memref<632x128xf32, #tpu.memory_space<vmem_shared>>
      %dma_wait3A_13 = arith.constant 0 : i32
      %dma_wait3A_14 = tpu.memref_slice %arg5[%mul3A_2, %dma_wait3A_13] : memref<10112x128xf32, #tpu.memory_space<hbm>> -> memref<632x128xf32, #tpu.memory_space<hbm>>
      tpu.wait_dma2 semaphore(%run_scoped3A : memref<!tpu.dma_semaphore, #tpu.memory_space<semaphore_mem>>) src(%dma_wait3A_14 : memref<632x128xf32, #tpu.memory_space<hbm>>) dst(%dma_wait3A_12 : memref<632x128xf32, #tpu.memory_space<vmem_shared>>)
      tpu.yield
    }) : () -> ()
    %barrier3A = arith.constant 0 : index
    tpu.barrier barrier_id(%barrier3A)
    %scan3A = arith.constant 0 : i32
    %scan3A_3 = arith.constant 0 : i32
    %scan3A_4 = arith.constant 40 : i32
    %scan3A_5 = arith.addi %scan3A_3, %scan3A_4 : i32
    %scan3A_6 = arith.constant 1 : i32
    scf.for %scan3A_9 = %scan3A_3 to %scan3A_5 step %scan3A_6  : i32 {
      %mul3A_10 = arith.constant 40 : i32
      %mul3A_11 = arith.muli %add3A, %mul3A_10 : i32
      %add3A_12 = arith.addi %mul3A_11, %scan3A_9 : i32
      %mul3A_13 = arith.constant 128 : i32
      %mul3A_14 = arith.muli %add3A_12, %mul3A_13 : i32
      "tpu.region"() ({
        %run_scoped3A = tpu.sem_alloc : memref<!tpu.dma_semaphore, #tpu.memory_space<semaphore_mem>>
        %dma_start3A_19 = tpu.memref_slice %arg3[%mul3A_14] : memref<163840xi32, #tpu.memory_space<hbm>> -> memref<128xi32, #tpu.memory_space<hbm>>
        %dma_start3A_20 = tpu.memref_slice %arg3[%mul3A_14] : memref<163840xi32, #tpu.memory_space<hbm>> -> memref<128xi32, #tpu.memory_space<hbm>>
        tpu.enqueue_dma source(%dma_start3A_20 : memref<128xi32, #tpu.memory_space<hbm>>) target(%arg7 : memref<128xi32, #tpu.memory_space<vmem>>) target_semaphore(%run_scoped3A : memref<!tpu.dma_semaphore, #tpu.memory_space<semaphore_mem>>)
        %dma_wait3A_21 = tpu.memref_slice %arg3[%mul3A_14] : memref<163840xi32, #tpu.memory_space<hbm>> -> memref<128xi32, #tpu.memory_space<hbm>>
        %dma_wait3A_22 = tpu.memref_slice %arg3[%mul3A_14] : memref<163840xi32, #tpu.memory_space<hbm>> -> memref<128xi32, #tpu.memory_space<hbm>>
        tpu.wait_dma2 semaphore(%run_scoped3A : memref<!tpu.dma_semaphore, #tpu.memory_space<semaphore_mem>>) src(%dma_wait3A_22 : memref<128xi32, #tpu.memory_space<hbm>>) dst(%arg7 : memref<128xi32, #tpu.memory_space<vmem>>)
        tpu.yield
      }) : () -> ()
      "tpu.region"() ({
        %run_scoped3A = tpu.sem_alloc : memref<!tpu.dma_semaphore, #tpu.memory_space<semaphore_mem>>
        %dma_start3A_19 = tpu.memref_slice %arg4[%mul3A_14] : memref<163840xi32, #tpu.memory_space<hbm>> -> memref<128xi32, #tpu.memory_space<hbm>>
        %dma_start3A_20 = tpu.memref_slice %arg4[%mul3A_14] : memref<163840xi32, #tpu.memory_space<hbm>> -> memref<128xi32, #tpu.memory_space<hbm>>
        tpu.enqueue_dma source(%dma_start3A_20 : memref<128xi32, #tpu.memory_space<hbm>>) target(%arg8 : memref<128xi32, #tpu.memory_space<vmem>>) target_semaphore(%run_scoped3A : memref<!tpu.dma_semaphore, #tpu.memory_space<semaphore_mem>>)
        %dma_wait3A_21 = tpu.memref_slice %arg4[%mul3A_14] : memref<163840xi32, #tpu.memory_space<hbm>> -> memref<128xi32, #tpu.memory_space<hbm>>
        %dma_wait3A_22 = tpu.memref_slice %arg4[%mul3A_14] : memref<163840xi32, #tpu.memory_space<hbm>> -> memref<128xi32, #tpu.memory_space<hbm>>
        tpu.wait_dma2 semaphore(%run_scoped3A : memref<!tpu.dma_semaphore, #tpu.memory_space<semaphore_mem>>) src(%dma_wait3A_22 : memref<128xi32, #tpu.memory_space<hbm>>) dst(%arg8 : memref<128xi32, #tpu.memory_space<vmem>>)
        tpu.yield
      }) : () -> ()
      %dma_start3A = arith.constant 0 : i32
      %dma_start3A_15 = arith.constant 0 : i32
      %dma_start3A_16 = tpu.memref_slice %arg2[%dma_start3A, %dma_start3A_15] : memref<10112x128xf32, #tpu.memory_space<hbm>> -> memref<10112x128xf32, #tpu.memory_space<hbm>>
      tpu.enqueue_indirect_dma source(%dma_start3A_16 : memref<10112x128xf32, #tpu.memory_space<hbm>>) target(%arg9 : memref<128x128xf32, #tpu.memory_space<vmem>>) offsets(%arg7 : memref<128xi32, #tpu.memory_space<vmem>>) semaphore(%arg11 : memref<!tpu.dma_semaphore, #tpu.memory_space<semaphore_mem>>)
      %dma_wait3A = arith.constant 0 : i32
      %dma_wait3A_17 = arith.constant 0 : i32
      %dma_wait3A_18 = tpu.memref_slice %arg2[%dma_wait3A, %dma_wait3A_17] : memref<10112x128xf32, #tpu.memory_space<hbm>> -> memref<10112x128xf32, #tpu.memory_space<hbm>>
      tpu.wait_indirect_dma semaphore(%arg11 : memref<!tpu.dma_semaphore, #tpu.memory_space<semaphore_mem>>) src(%dma_wait3A_18 : memref<10112x128xf32, #tpu.memory_space<hbm>>) dst(%arg9 : memref<128x128xf32, #tpu.memory_space<vmem>>)
      "tpu.region"() ({
        %run_scoped3A = tpu.sem_alloc : memref<!tpu.dma_semaphore, #tpu.memory_space<semaphore_mem>>
        %dma_start3A_19 = arith.constant 0 : i32
        %dma_start3A_20 = arith.constant 0 : i32
        %dma_start3A_21 = tpu.memref_slice %arg10[%dma_start3A_19, %dma_start3A_20] : memref<10112x128xf32, #tpu.memory_space<vmem_shared>> -> memref<10112x128xf32, #tpu.memory_space<vmem_shared>>
        tpu.enqueue_indirect_dma source(%arg9 : memref<128x128xf32, #tpu.memory_space<vmem>>) target(%dma_start3A_21 : memref<10112x128xf32, #tpu.memory_space<vmem_shared>>) offsets(%arg8 : memref<128xi32, #tpu.memory_space<vmem>>) semaphore(%run_scoped3A : memref<!tpu.dma_semaphore, #tpu.memory_space<semaphore_mem>>) {add = true}
        %dma_wait3A_22 = arith.constant 0 : i32
        %dma_wait3A_23 = arith.constant 0 : i32
        %dma_wait3A_24 = tpu.memref_slice %arg10[%dma_wait3A_22, %dma_wait3A_23] : memref<10112x128xf32, #tpu.memory_space<vmem_shared>> -> memref<10112x128xf32, #tpu.memory_space<vmem_shared>>
        tpu.wait_indirect_dma semaphore(%run_scoped3A : memref<!tpu.dma_semaphore, #tpu.memory_space<semaphore_mem>>) src(%arg9 : memref<128x128xf32, #tpu.memory_space<vmem>>) dst(%dma_wait3A_24 : memref<10112x128xf32, #tpu.memory_space<vmem_shared>>)
        tpu.yield
      }) : () -> ()
    }
    %scan3A_7 = arith.constant 40 : i32
    %barrier3A_8 = arith.constant 0 : index
    tpu.barrier barrier_id(%barrier3A_8)
    "tpu.region"() ({
      %run_scoped3A = tpu.sem_alloc : memref<!tpu.dma_semaphore, #tpu.memory_space<semaphore_mem>>
      %dma_start3A = arith.constant 0 : i32
      %dma_start3A_9 = tpu.memref_slice %arg6[%arg0, %mul3A_2, %dma_start3A] : memref<2x10112x128xf32, #tpu.memory_space<hbm>> -> memref<1x632x128xf32, #tpu.memory_space<hbm>>
      %dma_start3A_10 = tpu.memref_squeeze %dma_start3A_9 : memref<1x632x128xf32, #tpu.memory_space<hbm>> -> memref<632x128xf32, #tpu.memory_space<hbm>>
      %dma_start3A_11 = arith.constant 0 : i32
      %dma_start3A_12 = tpu.memref_slice %arg10[%mul3A_2, %dma_start3A_11] : memref<10112x128xf32, #tpu.memory_space<vmem_shared>> -> memref<632x128xf32, #tpu.memory_space<vmem_shared>>
      tpu.enqueue_dma source(%dma_start3A_12 : memref<632x128xf32, #tpu.memory_space<vmem_shared>>) target(%dma_start3A_10 : memref<632x128xf32, #tpu.memory_space<hbm>>) target_semaphore(%run_scoped3A : memref<!tpu.dma_semaphore, #tpu.memory_space<semaphore_mem>>)
      %dma_wait3A = arith.constant 0 : i32
      %dma_wait3A_13 = tpu.memref_slice %arg6[%arg0, %mul3A_2, %dma_wait3A] : memref<2x10112x128xf32, #tpu.memory_space<hbm>> -> memref<1x632x128xf32, #tpu.memory_space<hbm>>
      %dma_wait3A_14 = tpu.memref_squeeze %dma_wait3A_13 : memref<1x632x128xf32, #tpu.memory_space<hbm>> -> memref<632x128xf32, #tpu.memory_space<hbm>>
      %dma_wait3A_15 = arith.constant 0 : i32
      %dma_wait3A_16 = tpu.memref_slice %arg10[%mul3A_2, %dma_wait3A_15] : memref<10112x128xf32, #tpu.memory_space<vmem_shared>> -> memref<632x128xf32, #tpu.memory_space<vmem_shared>>
      tpu.wait_dma2 semaphore(%run_scoped3A : memref<!tpu.dma_semaphore, #tpu.memory_space<semaphore_mem>>) src(%dma_wait3A_16 : memref<632x128xf32, #tpu.memory_space<vmem_shared>>) dst(%dma_wait3A_14 : memref<632x128xf32, #tpu.memory_space<hbm>>)
      tpu.yield
    }) : () -> ()
    return
  }
}

#map = affine_map<(d0, d1) -> (0, 0)>
#map1 = affine_map<(d0, d1) -> (0)>
#map2 = affine_map<(d0, d1) -> (0, 0, 0)>
module attributes {stable_mosaic.version = 14 : i64} {
  func.func @k(%arg0: i32, %arg1: i32, %arg2: memref<10112x128xf32, #tpu.memory_space<hbm>>, %arg3: memref<10112x128xf32, #tpu.memory_space<hbm>>, %arg4: memref<172032xi32, #tpu.memory_space<hbm>>, %arg5: memref<172032xi32, #tpu.memory_space<hbm>>, %arg6: memref<8x16xf32, #tpu.memory_space<hbm>>, %arg7: memref<10112x128xf32, #tpu.memory_space<hbm>>, %arg8: memref<2x10112x128xf32, #tpu.memory_space<hbm>>, %arg9: memref<128xi32, #tpu.memory_space<vmem>>, %arg10: memref<128xi32, #tpu.memory_space<vmem>>, %arg11: memref<128x128xf32, #tpu.memory_space<vmem>>, %arg12: memref<128x128xf32, #tpu.memory_space<vmem>>, %arg13: memref<8x16xf32, #tpu.memory_space<vmem>>, %arg14: memref<10112x128xf32, #tpu.memory_space<vmem_shared>>, %arg15: memref<!tpu.dma_semaphore, #tpu.memory_space<semaphore_mem>>, %arg16: memref<!tpu.dma_semaphore, #tpu.memory_space<semaphore_mem>>) attributes {dimension_semantics = [#tpu.dimension_semantics<core_parallel>, #tpu.dimension_semantics<subcore_parallel>], iteration_bounds = array<i64: 2, 16>, scalar_prefetch = 0 : i64, scratch_operands = 8 : i64, tpu.core_type = #tpu.core_type<sc_vector_subcore>, window_params = [{transform_indices = #map}, {transform_indices = #map}, {transform_indices = #map1}, {transform_indices = #map1}, {transform_indices = #map}, {transform_indices = #map}, {transform_indices = #map2}]} {
    %mul3A = arith.constant 632 : i32
    %mul3A_0 = arith.muli %arg1, %mul3A : i32
    "tpu.region"() ({
      %run_scoped3A = tpu.sem_alloc : memref<!tpu.dma_semaphore, #tpu.memory_space<semaphore_mem>>
      tpu.enqueue_dma source(%arg6 : memref<8x16xf32, #tpu.memory_space<hbm>>) target(%arg13 : memref<8x16xf32, #tpu.memory_space<vmem>>) target_semaphore(%run_scoped3A : memref<!tpu.dma_semaphore, #tpu.memory_space<semaphore_mem>>)
      tpu.wait_dma2 semaphore(%run_scoped3A : memref<!tpu.dma_semaphore, #tpu.memory_space<semaphore_mem>>) src(%arg6 : memref<8x16xf32, #tpu.memory_space<hbm>>) dst(%arg13 : memref<8x16xf32, #tpu.memory_space<vmem>>)
      tpu.yield
    }) : () -> ()
    "tpu.region"() ({
      %run_scoped3A = tpu.sem_alloc : memref<!tpu.dma_semaphore, #tpu.memory_space<semaphore_mem>>
      %dma_start3A = arith.constant 0 : i32
      %dma_start3A_57 = tpu.memref_slice %arg14[%mul3A_0, %dma_start3A] : memref<10112x128xf32, #tpu.memory_space<vmem_shared>> -> memref<632x128xf32, #tpu.memory_space<vmem_shared>>
      %dma_start3A_58 = arith.constant 0 : i32
      %dma_start3A_59 = tpu.memref_slice %arg7[%mul3A_0, %dma_start3A_58] : memref<10112x128xf32, #tpu.memory_space<hbm>> -> memref<632x128xf32, #tpu.memory_space<hbm>>
      tpu.enqueue_dma source(%dma_start3A_59 : memref<632x128xf32, #tpu.memory_space<hbm>>) target(%dma_start3A_57 : memref<632x128xf32, #tpu.memory_space<vmem_shared>>) target_semaphore(%run_scoped3A : memref<!tpu.dma_semaphore, #tpu.memory_space<semaphore_mem>>)
      %dma_wait3A = arith.constant 0 : i32
      %dma_wait3A_60 = tpu.memref_slice %arg14[%mul3A_0, %dma_wait3A] : memref<10112x128xf32, #tpu.memory_space<vmem_shared>> -> memref<632x128xf32, #tpu.memory_space<vmem_shared>>
      %dma_wait3A_61 = arith.constant 0 : i32
      %dma_wait3A_62 = tpu.memref_slice %arg7[%mul3A_0, %dma_wait3A_61] : memref<10112x128xf32, #tpu.memory_space<hbm>> -> memref<632x128xf32, #tpu.memory_space<hbm>>
      tpu.wait_dma2 semaphore(%run_scoped3A : memref<!tpu.dma_semaphore, #tpu.memory_space<semaphore_mem>>) src(%dma_wait3A_62 : memref<632x128xf32, #tpu.memory_space<hbm>>) dst(%dma_wait3A_60 : memref<632x128xf32, #tpu.memory_space<vmem_shared>>)
      tpu.yield
    }) : () -> ()
    %barrier3A = arith.constant 0 : index
    tpu.barrier barrier_id(%barrier3A)
    %iota3A = tpu.iota {dimensions = array<i32: 0>} : vector<16xi32>
    %xor3A = arith.constant 8 : i32
    %xor3A_1 = vector.broadcast %xor3A : i32 to vector<16xi32>
    %xor3A_2 = arith.xori %iota3A, %xor3A_1 : vector<16xi32>
    %xor3A_3 = arith.constant 4 : i32
    %xor3A_4 = vector.broadcast %xor3A_3 : i32 to vector<16xi32>
    %xor3A_5 = arith.xori %iota3A, %xor3A_4 : vector<16xi32>
    %xor3A_6 = arith.constant 2 : i32
    %xor3A_7 = vector.broadcast %xor3A_6 : i32 to vector<16xi32>
    %xor3A_8 = arith.xori %iota3A, %xor3A_7 : vector<16xi32>
    %xor3A_9 = arith.constant 1 : i32
    %xor3A_10 = vector.broadcast %xor3A_9 : i32 to vector<16xi32>
    %xor3A_11 = arith.xori %iota3A, %xor3A_10 : vector<16xi32>
    %get3A = arith.constant 0 : i32
    %get3A_12 = arith.index_cast %get3A : i32 to index
    %get3A_13 = arith.constant 0 : index
    %get3A_14 = tpu.vector_load %arg13[%get3A_12, %get3A_13] {strides = array<i32>} : memref<8x16xf32, #tpu.memory_space<vmem>>, vector<1x16xf32>,
    %get3A_15 = vector.shape_cast %get3A_14 : vector<1x16xf32> to vector<16xf32>
    %get3A_16 = arith.constant 1 : i32
    %get3A_17 = arith.index_cast %get3A_16 : i32 to index
    %get3A_18 = arith.constant 0 : index
    %get3A_19 = tpu.vector_load %arg13[%get3A_17, %get3A_18] {strides = array<i32>} : memref<8x16xf32, #tpu.memory_space<vmem>>, vector<1x16xf32>,
    %get3A_20 = vector.shape_cast %get3A_19 : vector<1x16xf32> to vector<16xf32>
    %get3A_21 = arith.constant 2 : i32
    %get3A_22 = arith.index_cast %get3A_21 : i32 to index
    %get3A_23 = arith.constant 0 : index
    %get3A_24 = tpu.vector_load %arg13[%get3A_22, %get3A_23] {strides = array<i32>} : memref<8x16xf32, #tpu.memory_space<vmem>>, vector<1x16xf32>,
    %get3A_25 = vector.shape_cast %get3A_24 : vector<1x16xf32> to vector<16xf32>
    %get3A_26 = arith.constant 3 : i32
    %get3A_27 = arith.index_cast %get3A_26 : i32 to index
    %get3A_28 = arith.constant 0 : index
    %get3A_29 = tpu.vector_load %arg13[%get3A_27, %get3A_28] {strides = array<i32>} : memref<8x16xf32, #tpu.memory_space<vmem>>, vector<1x16xf32>,
    %get3A_30 = vector.shape_cast %get3A_29 : vector<1x16xf32> to vector<16xf32>
    %get3A_31 = arith.constant 4 : i32
    %get3A_32 = arith.index_cast %get3A_31 : i32 to index
    %get3A_33 = arith.constant 0 : index
    %get3A_34 = tpu.vector_load %arg13[%get3A_32, %get3A_33] {strides = array<i32>} : memref<8x16xf32, #tpu.memory_space<vmem>>, vector<1x16xf32>,
    %get3A_35 = vector.shape_cast %get3A_34 : vector<1x16xf32> to vector<16xf32>
    %get3A_36 = arith.constant 5 : i32
    %get3A_37 = arith.index_cast %get3A_36 : i32 to index
    %get3A_38 = arith.constant 0 : index
    %get3A_39 = tpu.vector_load %arg13[%get3A_37, %get3A_38] {strides = array<i32>} : memref<8x16xf32, #tpu.memory_space<vmem>>, vector<1x16xf32>,
    %get3A_40 = vector.shape_cast %get3A_39 : vector<1x16xf32> to vector<16xf32>
    %get3A_41 = arith.constant 6 : i32
    %get3A_42 = arith.index_cast %get3A_41 : i32 to index
    %get3A_43 = arith.constant 0 : index
    %get3A_44 = tpu.vector_load %arg13[%get3A_42, %get3A_43] {strides = array<i32>} : memref<8x16xf32, #tpu.memory_space<vmem>>, vector<1x16xf32>,
    %get3A_45 = vector.shape_cast %get3A_44 : vector<1x16xf32> to vector<16xf32>
    %get3A_46 = arith.constant 7 : i32
    %get3A_47 = arith.index_cast %get3A_46 : i32 to index
    %get3A_48 = arith.constant 0 : index
    %get3A_49 = tpu.vector_load %arg13[%get3A_47, %get3A_48] {strides = array<i32>} : memref<8x16xf32, #tpu.memory_space<vmem>>, vector<1x16xf32>,
    %get3A_50 = vector.shape_cast %get3A_49 : vector<1x16xf32> to vector<16xf32>
    %scan3A = arith.constant 0 : i32
    %scan3A_51 = arith.constant 0 : i32
    %scan3A_52 = arith.constant 84 : i32
    %scan3A_53 = arith.addi %scan3A_51, %scan3A_52 : i32
    %scan3A_54 = arith.constant 1 : i32
    scf.for %scan3A_57 = %scan3A_51 to %scan3A_53 step %scan3A_54  : i32 {
      %mul3A_58 = arith.constant 84 : i32
      %mul3A_59 = arith.muli %arg1, %mul3A_58 : i32
      %add3A = arith.addi %mul3A_59, %scan3A_57 : i32
      %mul3A_60 = arith.constant 128 : i32
      %mul3A_61 = arith.muli %add3A, %mul3A_60 : i32
      "tpu.region"() ({
        %run_scoped3A = tpu.sem_alloc : memref<!tpu.dma_semaphore, #tpu.memory_space<semaphore_mem>>
        %dma_start3A_78 = tpu.memref_slice %arg4[%mul3A_61] : memref<172032xi32, #tpu.memory_space<hbm>> -> memref<128xi32, #tpu.memory_space<hbm>>
        %dma_start3A_79 = tpu.memref_slice %arg4[%mul3A_61] : memref<172032xi32, #tpu.memory_space<hbm>> -> memref<128xi32, #tpu.memory_space<hbm>>
        tpu.enqueue_dma source(%dma_start3A_79 : memref<128xi32, #tpu.memory_space<hbm>>) target(%arg9 : memref<128xi32, #tpu.memory_space<vmem>>) target_semaphore(%run_scoped3A : memref<!tpu.dma_semaphore, #tpu.memory_space<semaphore_mem>>)
        %dma_wait3A_80 = tpu.memref_slice %arg4[%mul3A_61] : memref<172032xi32, #tpu.memory_space<hbm>> -> memref<128xi32, #tpu.memory_space<hbm>>
        %dma_wait3A_81 = tpu.memref_slice %arg4[%mul3A_61] : memref<172032xi32, #tpu.memory_space<hbm>> -> memref<128xi32, #tpu.memory_space<hbm>>
        tpu.wait_dma2 semaphore(%run_scoped3A : memref<!tpu.dma_semaphore, #tpu.memory_space<semaphore_mem>>) src(%dma_wait3A_81 : memref<128xi32, #tpu.memory_space<hbm>>) dst(%arg9 : memref<128xi32, #tpu.memory_space<vmem>>)
        tpu.yield
      }) : () -> ()
      "tpu.region"() ({
        %run_scoped3A = tpu.sem_alloc : memref<!tpu.dma_semaphore, #tpu.memory_space<semaphore_mem>>
        %dma_start3A_78 = tpu.memref_slice %arg5[%mul3A_61] : memref<172032xi32, #tpu.memory_space<hbm>> -> memref<128xi32, #tpu.memory_space<hbm>>
        %dma_start3A_79 = tpu.memref_slice %arg5[%mul3A_61] : memref<172032xi32, #tpu.memory_space<hbm>> -> memref<128xi32, #tpu.memory_space<hbm>>
        tpu.enqueue_dma source(%dma_start3A_79 : memref<128xi32, #tpu.memory_space<hbm>>) target(%arg10 : memref<128xi32, #tpu.memory_space<vmem>>) target_semaphore(%run_scoped3A : memref<!tpu.dma_semaphore, #tpu.memory_space<semaphore_mem>>)
        %dma_wait3A_80 = tpu.memref_slice %arg5[%mul3A_61] : memref<172032xi32, #tpu.memory_space<hbm>> -> memref<128xi32, #tpu.memory_space<hbm>>
        %dma_wait3A_81 = tpu.memref_slice %arg5[%mul3A_61] : memref<172032xi32, #tpu.memory_space<hbm>> -> memref<128xi32, #tpu.memory_space<hbm>>
        tpu.wait_dma2 semaphore(%run_scoped3A : memref<!tpu.dma_semaphore, #tpu.memory_space<semaphore_mem>>) src(%dma_wait3A_81 : memref<128xi32, #tpu.memory_space<hbm>>) dst(%arg10 : memref<128xi32, #tpu.memory_space<vmem>>)
        tpu.yield
      }) : () -> ()
      %dma_start3A = arith.constant 0 : i32
      %dma_start3A_62 = arith.constant 0 : i32
      %dma_start3A_63 = tpu.memref_slice %arg2[%dma_start3A, %dma_start3A_62] : memref<10112x128xf32, #tpu.memory_space<hbm>> -> memref<10112x128xf32, #tpu.memory_space<hbm>>
      tpu.enqueue_indirect_dma source(%dma_start3A_63 : memref<10112x128xf32, #tpu.memory_space<hbm>>) target(%arg11 : memref<128x128xf32, #tpu.memory_space<vmem>>) offsets(%arg9 : memref<128xi32, #tpu.memory_space<vmem>>) semaphore(%arg15 : memref<!tpu.dma_semaphore, #tpu.memory_space<semaphore_mem>>)
      %dma_start3A_64 = arith.constant 0 : i32
      %dma_start3A_65 = arith.constant 0 : i32
      %dma_start3A_66 = tpu.memref_slice %arg3[%dma_start3A_64, %dma_start3A_65] : memref<10112x128xf32, #tpu.memory_space<hbm>> -> memref<10112x128xf32, #tpu.memory_space<hbm>>
      tpu.enqueue_indirect_dma source(%dma_start3A_66 : memref<10112x128xf32, #tpu.memory_space<hbm>>) target(%arg12 : memref<128x128xf32, #tpu.memory_space<vmem>>) offsets(%arg10 : memref<128xi32, #tpu.memory_space<vmem>>) semaphore(%arg16 : memref<!tpu.dma_semaphore, #tpu.memory_space<semaphore_mem>>)
      %dma_wait3A = arith.constant 0 : i32
      %dma_wait3A_67 = arith.constant 0 : i32
      %dma_wait3A_68 = tpu.memref_slice %arg2[%dma_wait3A, %dma_wait3A_67] : memref<10112x128xf32, #tpu.memory_space<hbm>> -> memref<10112x128xf32, #tpu.memory_space<hbm>>
      tpu.wait_indirect_dma semaphore(%arg15 : memref<!tpu.dma_semaphore, #tpu.memory_space<semaphore_mem>>) src(%dma_wait3A_68 : memref<10112x128xf32, #tpu.memory_space<hbm>>) dst(%arg11 : memref<128x128xf32, #tpu.memory_space<vmem>>)
      %dma_wait3A_69 = arith.constant 0 : i32
      %dma_wait3A_70 = arith.constant 0 : i32
      %dma_wait3A_71 = tpu.memref_slice %arg3[%dma_wait3A_69, %dma_wait3A_70] : memref<10112x128xf32, #tpu.memory_space<hbm>> -> memref<10112x128xf32, #tpu.memory_space<hbm>>
      tpu.wait_indirect_dma semaphore(%arg16 : memref<!tpu.dma_semaphore, #tpu.memory_space<semaphore_mem>>) src(%dma_wait3A_71 : memref<10112x128xf32, #tpu.memory_space<hbm>>) dst(%arg12 : memref<128x128xf32, #tpu.memory_space<vmem>>)
      %eq3A = arith.constant 0 : i32
      %eq3A_72 = arith.cmpi eq, %arg0, %eq3A : i32
      %convert_element_type3A = arith.extui %eq3A_72 : i1 to i32
      %cond3A = arith.constant 0 : i32
      %cond3A_73 = arith.cmpi ne, %convert_element_type3A, %cond3A : i32
      scf.if %cond3A_73 {
        %scan3A_78 = arith.constant 0 : i32
        %scan3A_79 = arith.constant 0 : i32
        %scan3A_80 = arith.constant 128 : i32
        %scan3A_81 = arith.addi %scan3A_79, %scan3A_80 : i32
        %scan3A_82 = arith.constant 1 : i32
        scf.for %scan3A_84 = %scan3A_79 to %scan3A_81 step %scan3A_82  : i32 {
          %get3A_85 = arith.index_cast %scan3A_84 : i32 to index
          %get3A_86 = arith.constant 0 : index
          %get3A_87 = tpu.vector_load %arg11[%get3A_85, %get3A_86] {strides = array<i32>} : memref<128x128xf32, #tpu.memory_space<vmem>>, vector<1x16xf32>,
          %get3A_88 = vector.shape_cast %get3A_87 : vector<1x16xf32> to vector<16xf32>
          %get3A_89 = arith.index_cast %scan3A_84 : i32 to index
          %get3A_90 = arith.constant 0 : index
          %get3A_91 = tpu.vector_load %arg12[%get3A_89, %get3A_90] {strides = array<i32>} : memref<128x128xf32, #tpu.memory_space<vmem>>, vector<1x16xf32>,
          %get3A_92 = vector.shape_cast %get3A_91 : vector<1x16xf32> to vector<16xf32>
          %add3A_93 = arith.addf %get3A_88, %get3A_92 : vector<16xf32>
          %mul3A_94 = arith.constant 2.000000e-01 : f32
          %mul3A_95 = vector.broadcast %mul3A_94 : f32 to vector<16xf32>
          %mul3A_96 = arith.mulf %mul3A_95, %add3A_93 : vector<16xf32>
          %max3A = arith.maximumf %add3A_93, %mul3A_96 : vector<16xf32>
          %mul3A_97 = arith.mulf %max3A, %get3A_15 : vector<16xf32>
          %broadcast_in_dim3A = vector.shape_cast %xor3A_2 : vector<16xi32> to vector<16x1xi32>
          %gather3A = vector.shape_cast %broadcast_in_dim3A : vector<16x1xi32> to vector<16xi32>
          %gather3A_98 = tpu.dynamic_gather %mul3A_97[%gather3A] in [0] : vector<16xf32>, vector<16xi32> -> vector<16xf32>
          %add3A_99 = arith.addf %mul3A_97, %gather3A_98 : vector<16xf32>
          %broadcast_in_dim3A_100 = vector.shape_cast %xor3A_5 : vector<16xi32> to vector<16x1xi32>
          %gather3A_101 = vector.shape_cast %broadcast_in_dim3A_100 : vector<16x1xi32> to vector<16xi32>
          %gather3A_102 = tpu.dynamic_gather %add3A_99[%gather3A_101] in [0] : vector<16xf32>, vector<16xi32> -> vector<16xf32>
          %add3A_103 = arith.addf %add3A_99, %gather3A_102 : vector<16xf32>
          %broadcast_in_dim3A_104 = vector.shape_cast %xor3A_8 : vector<16xi32> to vector<16x1xi32>
          %gather3A_105 = vector.shape_cast %broadcast_in_dim3A_104 : vector<16x1xi32> to vector<16xi32>
          %gather3A_106 = tpu.dynamic_gather %add3A_103[%gather3A_105] in [0] : vector<16xf32>, vector<16xi32> -> vector<16xf32>
          %add3A_107 = arith.addf %add3A_103, %gather3A_106 : vector<16xf32>
          %broadcast_in_dim3A_108 = vector.shape_cast %xor3A_11 : vector<16xi32> to vector<16x1xi32>
          %gather3A_109 = vector.shape_cast %broadcast_in_dim3A_108 : vector<16x1xi32> to vector<16xi32>
          %gather3A_110 = tpu.dynamic_gather %add3A_107[%gather3A_109] in [0] : vector<16xf32>, vector<16xi32> -> vector<16xf32>
          %add3A_111 = arith.addf %add3A_107, %gather3A_110 : vector<16xf32>
          %exp3A = math.exp %add3A_111 : vector<16xf32>
          %mul3A_112 = arith.mulf %get3A_88, %exp3A : vector<16xf32>
          %swap3A = arith.index_cast %scan3A_84 : i32 to index
          %swap3A_113 = arith.constant 0 : index
          %swap3A_114 = tpu.vector_load %arg11[%swap3A, %swap3A_113] {strides = array<i32>} : memref<128x128xf32, #tpu.memory_space<vmem>>, vector<1x16xf32>,
          %swap3A_115 = vector.shape_cast %swap3A_114 : vector<1x16xf32> to vector<16xf32>
          %swap3A_116 = vector.shape_cast %mul3A_112 : vector<16xf32> to vector<1x16xf32>
          tpu.vector_store %arg11[%swap3A, %swap3A_113], %swap3A_116 {strides = array<i32>} : memref<128x128xf32, #tpu.memory_space<vmem>>, vector<1x16xf32>,
          %swap3A_117 = arith.index_cast %scan3A_84 : i32 to index
          %swap3A_118 = arith.constant 64 : index
          %swap3A_119 = tpu.vector_load %arg11[%swap3A_117, %swap3A_118] {strides = array<i32>} : memref<128x128xf32, #tpu.memory_space<vmem>>, vector<1x16xf32>,
          %swap3A_120 = vector.shape_cast %swap3A_119 : vector<1x16xf32> to vector<16xf32>
          %swap3A_121 = vector.shape_cast %exp3A : vector<16xf32> to vector<1x16xf32>
          tpu.vector_store %arg11[%swap3A_117, %swap3A_118], %swap3A_121 {strides = array<i32>} : memref<128x128xf32, #tpu.memory_space<vmem>>, vector<1x16xf32>,
          %get3A_122 = arith.index_cast %scan3A_84 : i32 to index
          %get3A_123 = arith.constant 16 : index
          %get3A_124 = tpu.vector_load %arg11[%get3A_122, %get3A_123] {strides = array<i32>} : memref<128x128xf32, #tpu.memory_space<vmem>>, vector<1x16xf32>,
          %get3A_125 = vector.shape_cast %get3A_124 : vector<1x16xf32> to vector<16xf32>
          %get3A_126 = arith.index_cast %scan3A_84 : i32 to index
          %get3A_127 = arith.constant 16 : index
          %get3A_128 = tpu.vector_load %arg12[%get3A_126, %get3A_127] {strides = array<i32>} : memref<128x128xf32, #tpu.memory_space<vmem>>, vector<1x16xf32>,
          %get3A_129 = vector.shape_cast %get3A_128 : vector<1x16xf32> to vector<16xf32>
          %add3A_130 = arith.addf %get3A_125, %get3A_129 : vector<16xf32>
          %mul3A_131 = arith.constant 2.000000e-01 : f32
          %mul3A_132 = vector.broadcast %mul3A_131 : f32 to vector<16xf32>
          %mul3A_133 = arith.mulf %mul3A_132, %add3A_130 : vector<16xf32>
          %max3A_134 = arith.maximumf %add3A_130, %mul3A_133 : vector<16xf32>
          %mul3A_135 = arith.mulf %max3A_134, %get3A_20 : vector<16xf32>
          %broadcast_in_dim3A_136 = vector.shape_cast %xor3A_2 : vector<16xi32> to vector<16x1xi32>
          %gather3A_137 = vector.shape_cast %broadcast_in_dim3A_136 : vector<16x1xi32> to vector<16xi32>
          %gather3A_138 = tpu.dynamic_gather %mul3A_135[%gather3A_137] in [0] : vector<16xf32>, vector<16xi32> -> vector<16xf32>
          %add3A_139 = arith.addf %mul3A_135, %gather3A_138 : vector<16xf32>
          %broadcast_in_dim3A_140 = vector.shape_cast %xor3A_5 : vector<16xi32> to vector<16x1xi32>
          %gather3A_141 = vector.shape_cast %broadcast_in_dim3A_140 : vector<16x1xi32> to vector<16xi32>
          %gather3A_142 = tpu.dynamic_gather %add3A_139[%gather3A_141] in [0] : vector<16xf32>, vector<16xi32> -> vector<16xf32>
          %add3A_143 = arith.addf %add3A_139, %gather3A_142 : vector<16xf32>
          %broadcast_in_dim3A_144 = vector.shape_cast %xor3A_8 : vector<16xi32> to vector<16x1xi32>
          %gather3A_145 = vector.shape_cast %broadcast_in_dim3A_144 : vector<16x1xi32> to vector<16xi32>
          %gather3A_146 = tpu.dynamic_gather %add3A_143[%gather3A_145] in [0] : vector<16xf32>, vector<16xi32> -> vector<16xf32>
          %add3A_147 = arith.addf %add3A_143, %gather3A_146 : vector<16xf32>
          %broadcast_in_dim3A_148 = vector.shape_cast %xor3A_11 : vector<16xi32> to vector<16x1xi32>
          %gather3A_149 = vector.shape_cast %broadcast_in_dim3A_148 : vector<16x1xi32> to vector<16xi32>
          %gather3A_150 = tpu.dynamic_gather %add3A_147[%gather3A_149] in [0] : vector<16xf32>, vector<16xi32> -> vector<16xf32>
          %add3A_151 = arith.addf %add3A_147, %gather3A_150 : vector<16xf32>
          %exp3A_152 = math.exp %add3A_151 : vector<16xf32>
          %mul3A_153 = arith.mulf %get3A_125, %exp3A_152 : vector<16xf32>
          %swap3A_154 = arith.index_cast %scan3A_84 : i32 to index
          %swap3A_155 = arith.constant 16 : index
          %swap3A_156 = tpu.vector_load %arg11[%swap3A_154, %swap3A_155] {strides = array<i32>} : memref<128x128xf32, #tpu.memory_space<vmem>>, vector<1x16xf32>,
          %swap3A_157 = vector.shape_cast %swap3A_156 : vector<1x16xf32> to vector<16xf32>
          %swap3A_158 = vector.shape_cast %mul3A_153 : vector<16xf32> to vector<1x16xf32>
          tpu.vector_store %arg11[%swap3A_154, %swap3A_155], %swap3A_158 {strides = array<i32>} : memref<128x128xf32, #tpu.memory_space<vmem>>, vector<1x16xf32>,
          %swap3A_159 = arith.index_cast %scan3A_84 : i32 to index
          %swap3A_160 = arith.constant 80 : index
          %swap3A_161 = tpu.vector_load %arg11[%swap3A_159, %swap3A_160] {strides = array<i32>} : memref<128x128xf32, #tpu.memory_space<vmem>>, vector<1x16xf32>,
          %swap3A_162 = vector.shape_cast %swap3A_161 : vector<1x16xf32> to vector<16xf32>
          %swap3A_163 = vector.shape_cast %exp3A_152 : vector<16xf32> to vector<1x16xf32>
          tpu.vector_store %arg11[%swap3A_159, %swap3A_160], %swap3A_163 {strides = array<i32>} : memref<128x128xf32, #tpu.memory_space<vmem>>, vector<1x16xf32>,
          %get3A_164 = arith.index_cast %scan3A_84 : i32 to index
          %get3A_165 = arith.constant 32 : index
          %get3A_166 = tpu.vector_load %arg11[%get3A_164, %get3A_165] {strides = array<i32>} : memref<128x128xf32, #tpu.memory_space<vmem>>, vector<1x16xf32>,
          %get3A_167 = vector.shape_cast %get3A_166 : vector<1x16xf32> to vector<16xf32>
          %get3A_168 = arith.index_cast %scan3A_84 : i32 to index
          %get3A_169 = arith.constant 32 : index
          %get3A_170 = tpu.vector_load %arg12[%get3A_168, %get3A_169] {strides = array<i32>} : memref<128x128xf32, #tpu.memory_space<vmem>>, vector<1x16xf32>,
          %get3A_171 = vector.shape_cast %get3A_170 : vector<1x16xf32> to vector<16xf32>
          %add3A_172 = arith.addf %get3A_167, %get3A_171 : vector<16xf32>
          %mul3A_173 = arith.constant 2.000000e-01 : f32
          %mul3A_174 = vector.broadcast %mul3A_173 : f32 to vector<16xf32>
          %mul3A_175 = arith.mulf %mul3A_174, %add3A_172 : vector<16xf32>
          %max3A_176 = arith.maximumf %add3A_172, %mul3A_175 : vector<16xf32>
          %mul3A_177 = arith.mulf %max3A_176, %get3A_25 : vector<16xf32>
          %broadcast_in_dim3A_178 = vector.shape_cast %xor3A_2 : vector<16xi32> to vector<16x1xi32>
          %gather3A_179 = vector.shape_cast %broadcast_in_dim3A_178 : vector<16x1xi32> to vector<16xi32>
          %gather3A_180 = tpu.dynamic_gather %mul3A_177[%gather3A_179] in [0] : vector<16xf32>, vector<16xi32> -> vector<16xf32>
          %add3A_181 = arith.addf %mul3A_177, %gather3A_180 : vector<16xf32>
          %broadcast_in_dim3A_182 = vector.shape_cast %xor3A_5 : vector<16xi32> to vector<16x1xi32>
          %gather3A_183 = vector.shape_cast %broadcast_in_dim3A_182 : vector<16x1xi32> to vector<16xi32>
          %gather3A_184 = tpu.dynamic_gather %add3A_181[%gather3A_183] in [0] : vector<16xf32>, vector<16xi32> -> vector<16xf32>
          %add3A_185 = arith.addf %add3A_181, %gather3A_184 : vector<16xf32>
          %broadcast_in_dim3A_186 = vector.shape_cast %xor3A_8 : vector<16xi32> to vector<16x1xi32>
          %gather3A_187 = vector.shape_cast %broadcast_in_dim3A_186 : vector<16x1xi32> to vector<16xi32>
          %gather3A_188 = tpu.dynamic_gather %add3A_185[%gather3A_187] in [0] : vector<16xf32>, vector<16xi32> -> vector<16xf32>
          %add3A_189 = arith.addf %add3A_185, %gather3A_188 : vector<16xf32>
          %broadcast_in_dim3A_190 = vector.shape_cast %xor3A_11 : vector<16xi32> to vector<16x1xi32>
          %gather3A_191 = vector.shape_cast %broadcast_in_dim3A_190 : vector<16x1xi32> to vector<16xi32>
          %gather3A_192 = tpu.dynamic_gather %add3A_189[%gather3A_191] in [0] : vector<16xf32>, vector<16xi32> -> vector<16xf32>
          %add3A_193 = arith.addf %add3A_189, %gather3A_192 : vector<16xf32>
          %exp3A_194 = math.exp %add3A_193 : vector<16xf32>
          %mul3A_195 = arith.mulf %get3A_167, %exp3A_194 : vector<16xf32>
          %swap3A_196 = arith.index_cast %scan3A_84 : i32 to index
          %swap3A_197 = arith.constant 32 : index
          %swap3A_198 = tpu.vector_load %arg11[%swap3A_196, %swap3A_197] {strides = array<i32>} : memref<128x128xf32, #tpu.memory_space<vmem>>, vector<1x16xf32>,
          %swap3A_199 = vector.shape_cast %swap3A_198 : vector<1x16xf32> to vector<16xf32>
          %swap3A_200 = vector.shape_cast %mul3A_195 : vector<16xf32> to vector<1x16xf32>
          tpu.vector_store %arg11[%swap3A_196, %swap3A_197], %swap3A_200 {strides = array<i32>} : memref<128x128xf32, #tpu.memory_space<vmem>>, vector<1x16xf32>,
          %swap3A_201 = arith.index_cast %scan3A_84 : i32 to index
          %swap3A_202 = arith.constant 96 : index
          %swap3A_203 = tpu.vector_load %arg11[%swap3A_201, %swap3A_202] {strides = array<i32>} : memref<128x128xf32, #tpu.memory_space<vmem>>, vector<1x16xf32>,
          %swap3A_204 = vector.shape_cast %swap3A_203 : vector<1x16xf32> to vector<16xf32>
          %swap3A_205 = vector.shape_cast %exp3A_194 : vector<16xf32> to vector<1x16xf32>
          tpu.vector_store %arg11[%swap3A_201, %swap3A_202], %swap3A_205 {strides = array<i32>} : memref<128x128xf32, #tpu.memory_space<vmem>>, vector<1x16xf32>,
          %get3A_206 = arith.index_cast %scan3A_84 : i32 to index
          %get3A_207 = arith.constant 48 : index
          %get3A_208 = tpu.vector_load %arg11[%get3A_206, %get3A_207] {strides = array<i32>} : memref<128x128xf32, #tpu.memory_space<vmem>>, vector<1x16xf32>,
          %get3A_209 = vector.shape_cast %get3A_208 : vector<1x16xf32> to vector<16xf32>
          %get3A_210 = arith.index_cast %scan3A_84 : i32 to index
          %get3A_211 = arith.constant 48 : index
          %get3A_212 = tpu.vector_load %arg12[%get3A_210, %get3A_211] {strides = array<i32>} : memref<128x128xf32, #tpu.memory_space<vmem>>, vector<1x16xf32>,
          %get3A_213 = vector.shape_cast %get3A_212 : vector<1x16xf32> to vector<16xf32>
          %add3A_214 = arith.addf %get3A_209, %get3A_213 : vector<16xf32>
          %mul3A_215 = arith.constant 2.000000e-01 : f32
          %mul3A_216 = vector.broadcast %mul3A_215 : f32 to vector<16xf32>
          %mul3A_217 = arith.mulf %mul3A_216, %add3A_214 : vector<16xf32>
          %max3A_218 = arith.maximumf %add3A_214, %mul3A_217 : vector<16xf32>
          %mul3A_219 = arith.mulf %max3A_218, %get3A_30 : vector<16xf32>
          %broadcast_in_dim3A_220 = vector.shape_cast %xor3A_2 : vector<16xi32> to vector<16x1xi32>
          %gather3A_221 = vector.shape_cast %broadcast_in_dim3A_220 : vector<16x1xi32> to vector<16xi32>
          %gather3A_222 = tpu.dynamic_gather %mul3A_219[%gather3A_221] in [0] : vector<16xf32>, vector<16xi32> -> vector<16xf32>
          %add3A_223 = arith.addf %mul3A_219, %gather3A_222 : vector<16xf32>
          %broadcast_in_dim3A_224 = vector.shape_cast %xor3A_5 : vector<16xi32> to vector<16x1xi32>
          %gather3A_225 = vector.shape_cast %broadcast_in_dim3A_224 : vector<16x1xi32> to vector<16xi32>
          %gather3A_226 = tpu.dynamic_gather %add3A_223[%gather3A_225] in [0] : vector<16xf32>, vector<16xi32> -> vector<16xf32>
          %add3A_227 = arith.addf %add3A_223, %gather3A_226 : vector<16xf32>
          %broadcast_in_dim3A_228 = vector.shape_cast %xor3A_8 : vector<16xi32> to vector<16x1xi32>
          %gather3A_229 = vector.shape_cast %broadcast_in_dim3A_228 : vector<16x1xi32> to vector<16xi32>
          %gather3A_230 = tpu.dynamic_gather %add3A_227[%gather3A_229] in [0] : vector<16xf32>, vector<16xi32> -> vector<16xf32>
          %add3A_231 = arith.addf %add3A_227, %gather3A_230 : vector<16xf32>
          %broadcast_in_dim3A_232 = vector.shape_cast %xor3A_11 : vector<16xi32> to vector<16x1xi32>
          %gather3A_233 = vector.shape_cast %broadcast_in_dim3A_232 : vector<16x1xi32> to vector<16xi32>
          %gather3A_234 = tpu.dynamic_gather %add3A_231[%gather3A_233] in [0] : vector<16xf32>, vector<16xi32> -> vector<16xf32>
          %add3A_235 = arith.addf %add3A_231, %gather3A_234 : vector<16xf32>
          %exp3A_236 = math.exp %add3A_235 : vector<16xf32>
          %mul3A_237 = arith.mulf %get3A_209, %exp3A_236 : vector<16xf32>
          %swap3A_238 = arith.index_cast %scan3A_84 : i32 to index
          %swap3A_239 = arith.constant 48 : index
          %swap3A_240 = tpu.vector_load %arg11[%swap3A_238, %swap3A_239] {strides = array<i32>} : memref<128x128xf32, #tpu.memory_space<vmem>>, vector<1x16xf32>,
          %swap3A_241 = vector.shape_cast %swap3A_240 : vector<1x16xf32> to vector<16xf32>
          %swap3A_242 = vector.shape_cast %mul3A_237 : vector<16xf32> to vector<1x16xf32>
          tpu.vector_store %arg11[%swap3A_238, %swap3A_239], %swap3A_242 {strides = array<i32>} : memref<128x128xf32, #tpu.memory_space<vmem>>, vector<1x16xf32>,
          %swap3A_243 = arith.index_cast %scan3A_84 : i32 to index
          %swap3A_244 = arith.constant 112 : index
          %swap3A_245 = tpu.vector_load %arg11[%swap3A_243, %swap3A_244] {strides = array<i32>} : memref<128x128xf32, #tpu.memory_space<vmem>>, vector<1x16xf32>,
          %swap3A_246 = vector.shape_cast %swap3A_245 : vector<1x16xf32> to vector<16xf32>
          %swap3A_247 = vector.shape_cast %exp3A_236 : vector<16xf32> to vector<1x16xf32>
          tpu.vector_store %arg11[%swap3A_243, %swap3A_244], %swap3A_247 {strides = array<i32>} : memref<128x128xf32, #tpu.memory_space<vmem>>, vector<1x16xf32>,
        }
        %scan3A_83 = arith.constant 128 : i32
      } else {
      }
      %ne3A = arith.constant 0 : i32
      %ne3A_74 = arith.cmpi ne, %arg0, %ne3A : i32
      %convert_element_type3A_75 = arith.extui %ne3A_74 : i1 to i32
      %cond3A_76 = arith.constant 0 : i32
      %cond3A_77 = arith.cmpi ne, %convert_element_type3A_75, %cond3A_76 : i32
      scf.if %cond3A_77 {
        %scan3A_78 = arith.constant 0 : i32
        %scan3A_79 = arith.constant 0 : i32
        %scan3A_80 = arith.constant 128 : i32
        %scan3A_81 = arith.addi %scan3A_79, %scan3A_80 : i32
        %scan3A_82 = arith.constant 1 : i32
        scf.for %scan3A_84 = %scan3A_79 to %scan3A_81 step %scan3A_82  : i32 {
          %get3A_85 = arith.index_cast %scan3A_84 : i32 to index
          %get3A_86 = arith.constant 64 : index
          %get3A_87 = tpu.vector_load %arg11[%get3A_85, %get3A_86] {strides = array<i32>} : memref<128x128xf32, #tpu.memory_space<vmem>>, vector<1x16xf32>,
          %get3A_88 = vector.shape_cast %get3A_87 : vector<1x16xf32> to vector<16xf32>
          %get3A_89 = arith.index_cast %scan3A_84 : i32 to index
          %get3A_90 = arith.constant 64 : index
          %get3A_91 = tpu.vector_load %arg12[%get3A_89, %get3A_90] {strides = array<i32>} : memref<128x128xf32, #tpu.memory_space<vmem>>, vector<1x16xf32>,
          %get3A_92 = vector.shape_cast %get3A_91 : vector<1x16xf32> to vector<16xf32>
          %add3A_93 = arith.addf %get3A_88, %get3A_92 : vector<16xf32>
          %mul3A_94 = arith.constant 2.000000e-01 : f32
          %mul3A_95 = vector.broadcast %mul3A_94 : f32 to vector<16xf32>
          %mul3A_96 = arith.mulf %mul3A_95, %add3A_93 : vector<16xf32>
          %max3A = arith.maximumf %add3A_93, %mul3A_96 : vector<16xf32>
          %mul3A_97 = arith.mulf %max3A, %get3A_35 : vector<16xf32>
          %broadcast_in_dim3A = vector.shape_cast %xor3A_2 : vector<16xi32> to vector<16x1xi32>
          %gather3A = vector.shape_cast %broadcast_in_dim3A : vector<16x1xi32> to vector<16xi32>
          %gather3A_98 = tpu.dynamic_gather %mul3A_97[%gather3A] in [0] : vector<16xf32>, vector<16xi32> -> vector<16xf32>
          %add3A_99 = arith.addf %mul3A_97, %gather3A_98 : vector<16xf32>
          %broadcast_in_dim3A_100 = vector.shape_cast %xor3A_5 : vector<16xi32> to vector<16x1xi32>
          %gather3A_101 = vector.shape_cast %broadcast_in_dim3A_100 : vector<16x1xi32> to vector<16xi32>
          %gather3A_102 = tpu.dynamic_gather %add3A_99[%gather3A_101] in [0] : vector<16xf32>, vector<16xi32> -> vector<16xf32>
          %add3A_103 = arith.addf %add3A_99, %gather3A_102 : vector<16xf32>
          %broadcast_in_dim3A_104 = vector.shape_cast %xor3A_8 : vector<16xi32> to vector<16x1xi32>
          %gather3A_105 = vector.shape_cast %broadcast_in_dim3A_104 : vector<16x1xi32> to vector<16xi32>
          %gather3A_106 = tpu.dynamic_gather %add3A_103[%gather3A_105] in [0] : vector<16xf32>, vector<16xi32> -> vector<16xf32>
          %add3A_107 = arith.addf %add3A_103, %gather3A_106 : vector<16xf32>
          %broadcast_in_dim3A_108 = vector.shape_cast %xor3A_11 : vector<16xi32> to vector<16x1xi32>
          %gather3A_109 = vector.shape_cast %broadcast_in_dim3A_108 : vector<16x1xi32> to vector<16xi32>
          %gather3A_110 = tpu.dynamic_gather %add3A_107[%gather3A_109] in [0] : vector<16xf32>, vector<16xi32> -> vector<16xf32>
          %add3A_111 = arith.addf %add3A_107, %gather3A_110 : vector<16xf32>
          %exp3A = math.exp %add3A_111 : vector<16xf32>
          %mul3A_112 = arith.mulf %get3A_88, %exp3A : vector<16xf32>
          %swap3A = arith.index_cast %scan3A_84 : i32 to index
          %swap3A_113 = arith.constant 0 : index
          %swap3A_114 = tpu.vector_load %arg11[%swap3A, %swap3A_113] {strides = array<i32>} : memref<128x128xf32, #tpu.memory_space<vmem>>, vector<1x16xf32>,
          %swap3A_115 = vector.shape_cast %swap3A_114 : vector<1x16xf32> to vector<16xf32>
          %swap3A_116 = vector.shape_cast %mul3A_112 : vector<16xf32> to vector<1x16xf32>
          tpu.vector_store %arg11[%swap3A, %swap3A_113], %swap3A_116 {strides = array<i32>} : memref<128x128xf32, #tpu.memory_space<vmem>>, vector<1x16xf32>,
          %swap3A_117 = arith.index_cast %scan3A_84 : i32 to index
          %swap3A_118 = arith.constant 64 : index
          %swap3A_119 = tpu.vector_load %arg11[%swap3A_117, %swap3A_118] {strides = array<i32>} : memref<128x128xf32, #tpu.memory_space<vmem>>, vector<1x16xf32>,
          %swap3A_120 = vector.shape_cast %swap3A_119 : vector<1x16xf32> to vector<16xf32>
          %swap3A_121 = vector.shape_cast %exp3A : vector<16xf32> to vector<1x16xf32>
          tpu.vector_store %arg11[%swap3A_117, %swap3A_118], %swap3A_121 {strides = array<i32>} : memref<128x128xf32, #tpu.memory_space<vmem>>, vector<1x16xf32>,
          %get3A_122 = arith.index_cast %scan3A_84 : i32 to index
          %get3A_123 = arith.constant 80 : index
          %get3A_124 = tpu.vector_load %arg11[%get3A_122, %get3A_123] {strides = array<i32>} : memref<128x128xf32, #tpu.memory_space<vmem>>, vector<1x16xf32>,
          %get3A_125 = vector.shape_cast %get3A_124 : vector<1x16xf32> to vector<16xf32>
          %get3A_126 = arith.index_cast %scan3A_84 : i32 to index
          %get3A_127 = arith.constant 80 : index
          %get3A_128 = tpu.vector_load %arg12[%get3A_126, %get3A_127] {strides = array<i32>} : memref<128x128xf32, #tpu.memory_space<vmem>>, vector<1x16xf32>,
          %get3A_129 = vector.shape_cast %get3A_128 : vector<1x16xf32> to vector<16xf32>
          %add3A_130 = arith.addf %get3A_125, %get3A_129 : vector<16xf32>
          %mul3A_131 = arith.constant 2.000000e-01 : f32
          %mul3A_132 = vector.broadcast %mul3A_131 : f32 to vector<16xf32>
          %mul3A_133 = arith.mulf %mul3A_132, %add3A_130 : vector<16xf32>
          %max3A_134 = arith.maximumf %add3A_130, %mul3A_133 : vector<16xf32>
          %mul3A_135 = arith.mulf %max3A_134, %get3A_40 : vector<16xf32>
          %broadcast_in_dim3A_136 = vector.shape_cast %xor3A_2 : vector<16xi32> to vector<16x1xi32>
          %gather3A_137 = vector.shape_cast %broadcast_in_dim3A_136 : vector<16x1xi32> to vector<16xi32>
          %gather3A_138 = tpu.dynamic_gather %mul3A_135[%gather3A_137] in [0] : vector<16xf32>, vector<16xi32> -> vector<16xf32>
          %add3A_139 = arith.addf %mul3A_135, %gather3A_138 : vector<16xf32>
          %broadcast_in_dim3A_140 = vector.shape_cast %xor3A_5 : vector<16xi32> to vector<16x1xi32>
          %gather3A_141 = vector.shape_cast %broadcast_in_dim3A_140 : vector<16x1xi32> to vector<16xi32>
          %gather3A_142 = tpu.dynamic_gather %add3A_139[%gather3A_141] in [0] : vector<16xf32>, vector<16xi32> -> vector<16xf32>
          %add3A_143 = arith.addf %add3A_139, %gather3A_142 : vector<16xf32>
          %broadcast_in_dim3A_144 = vector.shape_cast %xor3A_8 : vector<16xi32> to vector<16x1xi32>
          %gather3A_145 = vector.shape_cast %broadcast_in_dim3A_144 : vector<16x1xi32> to vector<16xi32>
          %gather3A_146 = tpu.dynamic_gather %add3A_143[%gather3A_145] in [0] : vector<16xf32>, vector<16xi32> -> vector<16xf32>
          %add3A_147 = arith.addf %add3A_143, %gather3A_146 : vector<16xf32>
          %broadcast_in_dim3A_148 = vector.shape_cast %xor3A_11 : vector<16xi32> to vector<16x1xi32>
          %gather3A_149 = vector.shape_cast %broadcast_in_dim3A_148 : vector<16x1xi32> to vector<16xi32>
          %gather3A_150 = tpu.dynamic_gather %add3A_147[%gather3A_149] in [0] : vector<16xf32>, vector<16xi32> -> vector<16xf32>
          %add3A_151 = arith.addf %add3A_147, %gather3A_150 : vector<16xf32>
          %exp3A_152 = math.exp %add3A_151 : vector<16xf32>
          %mul3A_153 = arith.mulf %get3A_125, %exp3A_152 : vector<16xf32>
          %swap3A_154 = arith.index_cast %scan3A_84 : i32 to index
          %swap3A_155 = arith.constant 16 : index
          %swap3A_156 = tpu.vector_load %arg11[%swap3A_154, %swap3A_155] {strides = array<i32>} : memref<128x128xf32, #tpu.memory_space<vmem>>, vector<1x16xf32>,
          %swap3A_157 = vector.shape_cast %swap3A_156 : vector<1x16xf32> to vector<16xf32>
          %swap3A_158 = vector.shape_cast %mul3A_153 : vector<16xf32> to vector<1x16xf32>
          tpu.vector_store %arg11[%swap3A_154, %swap3A_155], %swap3A_158 {strides = array<i32>} : memref<128x128xf32, #tpu.memory_space<vmem>>, vector<1x16xf32>,
          %swap3A_159 = arith.index_cast %scan3A_84 : i32 to index
          %swap3A_160 = arith.constant 80 : index
          %swap3A_161 = tpu.vector_load %arg11[%swap3A_159, %swap3A_160] {strides = array<i32>} : memref<128x128xf32, #tpu.memory_space<vmem>>, vector<1x16xf32>,
          %swap3A_162 = vector.shape_cast %swap3A_161 : vector<1x16xf32> to vector<16xf32>
          %swap3A_163 = vector.shape_cast %exp3A_152 : vector<16xf32> to vector<1x16xf32>
          tpu.vector_store %arg11[%swap3A_159, %swap3A_160], %swap3A_163 {strides = array<i32>} : memref<128x128xf32, #tpu.memory_space<vmem>>, vector<1x16xf32>,
          %get3A_164 = arith.index_cast %scan3A_84 : i32 to index
          %get3A_165 = arith.constant 96 : index
          %get3A_166 = tpu.vector_load %arg11[%get3A_164, %get3A_165] {strides = array<i32>} : memref<128x128xf32, #tpu.memory_space<vmem>>, vector<1x16xf32>,
          %get3A_167 = vector.shape_cast %get3A_166 : vector<1x16xf32> to vector<16xf32>
          %get3A_168 = arith.index_cast %scan3A_84 : i32 to index
          %get3A_169 = arith.constant 96 : index
          %get3A_170 = tpu.vector_load %arg12[%get3A_168, %get3A_169] {strides = array<i32>} : memref<128x128xf32, #tpu.memory_space<vmem>>, vector<1x16xf32>,
          %get3A_171 = vector.shape_cast %get3A_170 : vector<1x16xf32> to vector<16xf32>
          %add3A_172 = arith.addf %get3A_167, %get3A_171 : vector<16xf32>
          %mul3A_173 = arith.constant 2.000000e-01 : f32
          %mul3A_174 = vector.broadcast %mul3A_173 : f32 to vector<16xf32>
          %mul3A_175 = arith.mulf %mul3A_174, %add3A_172 : vector<16xf32>
          %max3A_176 = arith.maximumf %add3A_172, %mul3A_175 : vector<16xf32>
          %mul3A_177 = arith.mulf %max3A_176, %get3A_45 : vector<16xf32>
          %broadcast_in_dim3A_178 = vector.shape_cast %xor3A_2 : vector<16xi32> to vector<16x1xi32>
          %gather3A_179 = vector.shape_cast %broadcast_in_dim3A_178 : vector<16x1xi32> to vector<16xi32>
          %gather3A_180 = tpu.dynamic_gather %mul3A_177[%gather3A_179] in [0] : vector<16xf32>, vector<16xi32> -> vector<16xf32>
          %add3A_181 = arith.addf %mul3A_177, %gather3A_180 : vector<16xf32>
          %broadcast_in_dim3A_182 = vector.shape_cast %xor3A_5 : vector<16xi32> to vector<16x1xi32>
          %gather3A_183 = vector.shape_cast %broadcast_in_dim3A_182 : vector<16x1xi32> to vector<16xi32>
          %gather3A_184 = tpu.dynamic_gather %add3A_181[%gather3A_183] in [0] : vector<16xf32>, vector<16xi32> -> vector<16xf32>
          %add3A_185 = arith.addf %add3A_181, %gather3A_184 : vector<16xf32>
          %broadcast_in_dim3A_186 = vector.shape_cast %xor3A_8 : vector<16xi32> to vector<16x1xi32>
          %gather3A_187 = vector.shape_cast %broadcast_in_dim3A_186 : vector<16x1xi32> to vector<16xi32>
          %gather3A_188 = tpu.dynamic_gather %add3A_185[%gather3A_187] in [0] : vector<16xf32>, vector<16xi32> -> vector<16xf32>
          %add3A_189 = arith.addf %add3A_185, %gather3A_188 : vector<16xf32>
          %broadcast_in_dim3A_190 = vector.shape_cast %xor3A_11 : vector<16xi32> to vector<16x1xi32>
          %gather3A_191 = vector.shape_cast %broadcast_in_dim3A_190 : vector<16x1xi32> to vector<16xi32>
          %gather3A_192 = tpu.dynamic_gather %add3A_189[%gather3A_191] in [0] : vector<16xf32>, vector<16xi32> -> vector<16xf32>
          %add3A_193 = arith.addf %add3A_189, %gather3A_192 : vector<16xf32>
          %exp3A_194 = math.exp %add3A_193 : vector<16xf32>
          %mul3A_195 = arith.mulf %get3A_167, %exp3A_194 : vector<16xf32>
          %swap3A_196 = arith.index_cast %scan3A_84 : i32 to index
          %swap3A_197 = arith.constant 32 : index
          %swap3A_198 = tpu.vector_load %arg11[%swap3A_196, %swap3A_197] {strides = array<i32>} : memref<128x128xf32, #tpu.memory_space<vmem>>, vector<1x16xf32>,
          %swap3A_199 = vector.shape_cast %swap3A_198 : vector<1x16xf32> to vector<16xf32>
          %swap3A_200 = vector.shape_cast %mul3A_195 : vector<16xf32> to vector<1x16xf32>
          tpu.vector_store %arg11[%swap3A_196, %swap3A_197], %swap3A_200 {strides = array<i32>} : memref<128x128xf32, #tpu.memory_space<vmem>>, vector<1x16xf32>,
          %swap3A_201 = arith.index_cast %scan3A_84 : i32 to index
          %swap3A_202 = arith.constant 96 : index
          %swap3A_203 = tpu.vector_load %arg11[%swap3A_201, %swap3A_202] {strides = array<i32>} : memref<128x128xf32, #tpu.memory_space<vmem>>, vector<1x16xf32>,
          %swap3A_204 = vector.shape_cast %swap3A_203 : vector<1x16xf32> to vector<16xf32>
          %swap3A_205 = vector.shape_cast %exp3A_194 : vector<16xf32> to vector<1x16xf32>
          tpu.vector_store %arg11[%swap3A_201, %swap3A_202], %swap3A_205 {strides = array<i32>} : memref<128x128xf32, #tpu.memory_space<vmem>>, vector<1x16xf32>,
          %get3A_206 = arith.index_cast %scan3A_84 : i32 to index
          %get3A_207 = arith.constant 112 : index
          %get3A_208 = tpu.vector_load %arg11[%get3A_206, %get3A_207] {strides = array<i32>} : memref<128x128xf32, #tpu.memory_space<vmem>>, vector<1x16xf32>,
          %get3A_209 = vector.shape_cast %get3A_208 : vector<1x16xf32> to vector<16xf32>
          %get3A_210 = arith.index_cast %scan3A_84 : i32 to index
          %get3A_211 = arith.constant 112 : index
          %get3A_212 = tpu.vector_load %arg12[%get3A_210, %get3A_211] {strides = array<i32>} : memref<128x128xf32, #tpu.memory_space<vmem>>, vector<1x16xf32>,
          %get3A_213 = vector.shape_cast %get3A_212 : vector<1x16xf32> to vector<16xf32>
          %add3A_214 = arith.addf %get3A_209, %get3A_213 : vector<16xf32>
          %mul3A_215 = arith.constant 2.000000e-01 : f32
          %mul3A_216 = vector.broadcast %mul3A_215 : f32 to vector<16xf32>
          %mul3A_217 = arith.mulf %mul3A_216, %add3A_214 : vector<16xf32>
          %max3A_218 = arith.maximumf %add3A_214, %mul3A_217 : vector<16xf32>
          %mul3A_219 = arith.mulf %max3A_218, %get3A_50 : vector<16xf32>
          %broadcast_in_dim3A_220 = vector.shape_cast %xor3A_2 : vector<16xi32> to vector<16x1xi32>
          %gather3A_221 = vector.shape_cast %broadcast_in_dim3A_220 : vector<16x1xi32> to vector<16xi32>
          %gather3A_222 = tpu.dynamic_gather %mul3A_219[%gather3A_221] in [0] : vector<16xf32>, vector<16xi32> -> vector<16xf32>
          %add3A_223 = arith.addf %mul3A_219, %gather3A_222 : vector<16xf32>
          %broadcast_in_dim3A_224 = vector.shape_cast %xor3A_5 : vector<16xi32> to vector<16x1xi32>
          %gather3A_225 = vector.shape_cast %broadcast_in_dim3A_224 : vector<16x1xi32> to vector<16xi32>
          %gather3A_226 = tpu.dynamic_gather %add3A_223[%gather3A_225] in [0] : vector<16xf32>, vector<16xi32> -> vector<16xf32>
          %add3A_227 = arith.addf %add3A_223, %gather3A_226 : vector<16xf32>
          %broadcast_in_dim3A_228 = vector.shape_cast %xor3A_8 : vector<16xi32> to vector<16x1xi32>
          %gather3A_229 = vector.shape_cast %broadcast_in_dim3A_228 : vector<16x1xi32> to vector<16xi32>
          %gather3A_230 = tpu.dynamic_gather %add3A_227[%gather3A_229] in [0] : vector<16xf32>, vector<16xi32> -> vector<16xf32>
          %add3A_231 = arith.addf %add3A_227, %gather3A_230 : vector<16xf32>
          %broadcast_in_dim3A_232 = vector.shape_cast %xor3A_11 : vector<16xi32> to vector<16x1xi32>
          %gather3A_233 = vector.shape_cast %broadcast_in_dim3A_232 : vector<16x1xi32> to vector<16xi32>
          %gather3A_234 = tpu.dynamic_gather %add3A_231[%gather3A_233] in [0] : vector<16xf32>, vector<16xi32> -> vector<16xf32>
          %add3A_235 = arith.addf %add3A_231, %gather3A_234 : vector<16xf32>
          %exp3A_236 = math.exp %add3A_235 : vector<16xf32>
          %mul3A_237 = arith.mulf %get3A_209, %exp3A_236 : vector<16xf32>
          %swap3A_238 = arith.index_cast %scan3A_84 : i32 to index
          %swap3A_239 = arith.constant 48 : index
          %swap3A_240 = tpu.vector_load %arg11[%swap3A_238, %swap3A_239] {strides = array<i32>} : memref<128x128xf32, #tpu.memory_space<vmem>>, vector<1x16xf32>,
          %swap3A_241 = vector.shape_cast %swap3A_240 : vector<1x16xf32> to vector<16xf32>
          %swap3A_242 = vector.shape_cast %mul3A_237 : vector<16xf32> to vector<1x16xf32>
          tpu.vector_store %arg11[%swap3A_238, %swap3A_239], %swap3A_242 {strides = array<i32>} : memref<128x128xf32, #tpu.memory_space<vmem>>, vector<1x16xf32>,
          %swap3A_243 = arith.index_cast %scan3A_84 : i32 to index
          %swap3A_244 = arith.constant 112 : index
          %swap3A_245 = tpu.vector_load %arg11[%swap3A_243, %swap3A_244] {strides = array<i32>} : memref<128x128xf32, #tpu.memory_space<vmem>>, vector<1x16xf32>,
          %swap3A_246 = vector.shape_cast %swap3A_245 : vector<1x16xf32> to vector<16xf32>
          %swap3A_247 = vector.shape_cast %exp3A_236 : vector<16xf32> to vector<1x16xf32>
          tpu.vector_store %arg11[%swap3A_243, %swap3A_244], %swap3A_247 {strides = array<i32>} : memref<128x128xf32, #tpu.memory_space<vmem>>, vector<1x16xf32>,
        }
        %scan3A_83 = arith.constant 128 : i32
      } else {
      }
      "tpu.region"() ({
        %run_scoped3A = tpu.sem_alloc : memref<!tpu.dma_semaphore, #tpu.memory_space<semaphore_mem>>
        %dma_start3A_78 = arith.constant 0 : i32
        %dma_start3A_79 = arith.constant 0 : i32
        %dma_start3A_80 = tpu.memref_slice %arg14[%dma_start3A_78, %dma_start3A_79] : memref<10112x128xf32, #tpu.memory_space<vmem_shared>> -> memref<10112x128xf32, #tpu.memory_space<vmem_shared>>
        tpu.enqueue_indirect_dma source(%arg11 : memref<128x128xf32, #tpu.memory_space<vmem>>) target(%dma_start3A_80 : memref<10112x128xf32, #tpu.memory_space<vmem_shared>>) offsets(%arg10 : memref<128xi32, #tpu.memory_space<vmem>>) semaphore(%run_scoped3A : memref<!tpu.dma_semaphore, #tpu.memory_space<semaphore_mem>>) {add = true}
        %dma_wait3A_81 = arith.constant 0 : i32
        %dma_wait3A_82 = arith.constant 0 : i32
        %dma_wait3A_83 = tpu.memref_slice %arg14[%dma_wait3A_81, %dma_wait3A_82] : memref<10112x128xf32, #tpu.memory_space<vmem_shared>> -> memref<10112x128xf32, #tpu.memory_space<vmem_shared>>
        tpu.wait_indirect_dma semaphore(%run_scoped3A : memref<!tpu.dma_semaphore, #tpu.memory_space<semaphore_mem>>) src(%arg11 : memref<128x128xf32, #tpu.memory_space<vmem>>) dst(%dma_wait3A_83 : memref<10112x128xf32, #tpu.memory_space<vmem_shared>>)
        tpu.yield
      }) : () -> ()
    }
    %scan3A_55 = arith.constant 84 : i32
    %barrier3A_56 = arith.constant 0 : index
    tpu.barrier barrier_id(%barrier3A_56)
    "tpu.region"() ({
      %run_scoped3A = tpu.sem_alloc : memref<!tpu.dma_semaphore, #tpu.memory_space<semaphore_mem>>
      %dma_start3A = arith.constant 0 : i32
      %dma_start3A_57 = tpu.memref_slice %arg8[%arg0, %mul3A_0, %dma_start3A] : memref<2x10112x128xf32, #tpu.memory_space<hbm>> -> memref<1x632x128xf32, #tpu.memory_space<hbm>>
      %dma_start3A_58 = tpu.memref_squeeze %dma_start3A_57 : memref<1x632x128xf32, #tpu.memory_space<hbm>> -> memref<632x128xf32, #tpu.memory_space<hbm>>
      %dma_start3A_59 = arith.constant 0 : i32
      %dma_start3A_60 = tpu.memref_slice %arg14[%mul3A_0, %dma_start3A_59] : memref<10112x128xf32, #tpu.memory_space<vmem_shared>> -> memref<632x128xf32, #tpu.memory_space<vmem_shared>>
      tpu.enqueue_dma source(%dma_start3A_60 : memref<632x128xf32, #tpu.memory_space<vmem_shared>>) target(%dma_start3A_58 : memref<632x128xf32, #tpu.memory_space<hbm>>) target_semaphore(%run_scoped3A : memref<!tpu.dma_semaphore, #tpu.memory_space<semaphore_mem>>)
      %dma_wait3A = arith.constant 0 : i32
      %dma_wait3A_61 = tpu.memref_slice %arg8[%arg0, %mul3A_0, %dma_wait3A] : memref<2x10112x128xf32, #tpu.memory_space<hbm>> -> memref<1x632x128xf32, #tpu.memory_space<hbm>>
      %dma_wait3A_62 = tpu.memref_squeeze %dma_wait3A_61 : memref<1x632x128xf32, #tpu.memory_space<hbm>> -> memref<632x128xf32, #tpu.memory_space<hbm>>
      %dma_wait3A_63 = arith.constant 0 : i32
      %dma_wait3A_64 = tpu.memref_slice %arg14[%mul3A_0, %dma_wait3A_63] : memref<10112x128xf32, #tpu.memory_space<vmem_shared>> -> memref<632x128xf32, #tpu.memory_space<vmem_shared>>
      tpu.wait_dma2 semaphore(%run_scoped3A : memref<!tpu.dma_semaphore, #tpu.memory_space<semaphore_mem>>) src(%dma_wait3A_64 : memref<632x128xf32, #tpu.memory_space<vmem_shared>>) dst(%dma_wait3A_62 : memref<632x128xf32, #tpu.memory_space<hbm>>)
      tpu.yield
    }) : () -> ()
    return
  }
}

#map = affine_map<(d0, d1) -> (0, 0)>
#map1 = affine_map<(d0, d1) -> (0)>
#map2 = affine_map<(d0, d1) -> (0, 0, 0)>
module attributes {stable_mosaic.version = 14 : i64} {
  func.func @k(%arg0: i32, %arg1: i32, %arg2: memref<10112x128xf32, #tpu.memory_space<hbm>>, %arg3: memref<10112x128xf32, #tpu.memory_space<hbm>>, %arg4: memref<172032xi32, #tpu.memory_space<hbm>>, %arg5: memref<172032xi32, #tpu.memory_space<hbm>>, %arg6: memref<8x16xf32, #tpu.memory_space<hbm>>, %arg7: memref<10112x128xf32, #tpu.memory_space<hbm>>, %arg8: memref<2x10112x128xf32, #tpu.memory_space<hbm>>, %arg9: memref<128xi32, #tpu.memory_space<vmem>>, %arg10: memref<128xi32, #tpu.memory_space<vmem>>, %arg11: memref<128x128xf32, #tpu.memory_space<vmem>>, %arg12: memref<128x128xf32, #tpu.memory_space<vmem>>, %arg13: memref<8x16xf32, #tpu.memory_space<vmem>>, %arg14: memref<10112x128xf32, #tpu.memory_space<vmem_shared>>, %arg15: memref<!tpu.dma_semaphore, #tpu.memory_space<semaphore_mem>>, %arg16: memref<!tpu.dma_semaphore, #tpu.memory_space<semaphore_mem>>) attributes {dimension_semantics = [#tpu.dimension_semantics<core_parallel>, #tpu.dimension_semantics<subcore_parallel>], iteration_bounds = array<i64: 2, 16>, scalar_prefetch = 0 : i64, scratch_operands = 8 : i64, tpu.core_type = #tpu.core_type<sc_vector_subcore>, window_params = [{transform_indices = #map}, {transform_indices = #map}, {transform_indices = #map1}, {transform_indices = #map1}, {transform_indices = #map}, {transform_indices = #map}, {transform_indices = #map2}]} {
    %mul3A = arith.constant 632 : i32
    %mul3A_0 = arith.muli %arg1, %mul3A : i32
    "tpu.region"() ({
      %run_scoped3A = tpu.sem_alloc : memref<!tpu.dma_semaphore, #tpu.memory_space<semaphore_mem>>
      tpu.enqueue_dma source(%arg6 : memref<8x16xf32, #tpu.memory_space<hbm>>) target(%arg13 : memref<8x16xf32, #tpu.memory_space<vmem>>) target_semaphore(%run_scoped3A : memref<!tpu.dma_semaphore, #tpu.memory_space<semaphore_mem>>)
      tpu.wait_dma2 semaphore(%run_scoped3A : memref<!tpu.dma_semaphore, #tpu.memory_space<semaphore_mem>>) src(%arg6 : memref<8x16xf32, #tpu.memory_space<hbm>>) dst(%arg13 : memref<8x16xf32, #tpu.memory_space<vmem>>)
      tpu.yield
    }) : () -> ()
    "tpu.region"() ({
      %run_scoped3A = tpu.sem_alloc : memref<!tpu.dma_semaphore, #tpu.memory_space<semaphore_mem>>
      %dma_start3A = arith.constant 0 : i32
      %dma_start3A_57 = tpu.memref_slice %arg14[%mul3A_0, %dma_start3A] : memref<10112x128xf32, #tpu.memory_space<vmem_shared>> -> memref<632x128xf32, #tpu.memory_space<vmem_shared>>
      %dma_start3A_58 = arith.constant 0 : i32
      %dma_start3A_59 = tpu.memref_slice %arg7[%mul3A_0, %dma_start3A_58] : memref<10112x128xf32, #tpu.memory_space<hbm>> -> memref<632x128xf32, #tpu.memory_space<hbm>>
      tpu.enqueue_dma source(%dma_start3A_59 : memref<632x128xf32, #tpu.memory_space<hbm>>) target(%dma_start3A_57 : memref<632x128xf32, #tpu.memory_space<vmem_shared>>) target_semaphore(%run_scoped3A : memref<!tpu.dma_semaphore, #tpu.memory_space<semaphore_mem>>)
      %dma_wait3A = arith.constant 0 : i32
      %dma_wait3A_60 = tpu.memref_slice %arg14[%mul3A_0, %dma_wait3A] : memref<10112x128xf32, #tpu.memory_space<vmem_shared>> -> memref<632x128xf32, #tpu.memory_space<vmem_shared>>
      %dma_wait3A_61 = arith.constant 0 : i32
      %dma_wait3A_62 = tpu.memref_slice %arg7[%mul3A_0, %dma_wait3A_61] : memref<10112x128xf32, #tpu.memory_space<hbm>> -> memref<632x128xf32, #tpu.memory_space<hbm>>
      tpu.wait_dma2 semaphore(%run_scoped3A : memref<!tpu.dma_semaphore, #tpu.memory_space<semaphore_mem>>) src(%dma_wait3A_62 : memref<632x128xf32, #tpu.memory_space<hbm>>) dst(%dma_wait3A_60 : memref<632x128xf32, #tpu.memory_space<vmem_shared>>)
      tpu.yield
    }) : () -> ()
    %barrier3A = arith.constant 0 : index
    tpu.barrier barrier_id(%barrier3A)
    %iota3A = tpu.iota {dimensions = array<i32: 0>} : vector<16xi32>
    %xor3A = arith.constant 8 : i32
    %xor3A_1 = vector.broadcast %xor3A : i32 to vector<16xi32>
    %xor3A_2 = arith.xori %iota3A, %xor3A_1 : vector<16xi32>
    %xor3A_3 = arith.constant 4 : i32
    %xor3A_4 = vector.broadcast %xor3A_3 : i32 to vector<16xi32>
    %xor3A_5 = arith.xori %iota3A, %xor3A_4 : vector<16xi32>
    %xor3A_6 = arith.constant 2 : i32
    %xor3A_7 = vector.broadcast %xor3A_6 : i32 to vector<16xi32>
    %xor3A_8 = arith.xori %iota3A, %xor3A_7 : vector<16xi32>
    %xor3A_9 = arith.constant 1 : i32
    %xor3A_10 = vector.broadcast %xor3A_9 : i32 to vector<16xi32>
    %xor3A_11 = arith.xori %iota3A, %xor3A_10 : vector<16xi32>
    %get3A = arith.constant 0 : i32
    %get3A_12 = arith.index_cast %get3A : i32 to index
    %get3A_13 = arith.constant 0 : index
    %get3A_14 = tpu.vector_load %arg13[%get3A_12, %get3A_13] {strides = array<i32>} : memref<8x16xf32, #tpu.memory_space<vmem>>, vector<1x16xf32>,
    %get3A_15 = vector.shape_cast %get3A_14 : vector<1x16xf32> to vector<16xf32>
    %get3A_16 = arith.constant 1 : i32
    %get3A_17 = arith.index_cast %get3A_16 : i32 to index
    %get3A_18 = arith.constant 0 : index
    %get3A_19 = tpu.vector_load %arg13[%get3A_17, %get3A_18] {strides = array<i32>} : memref<8x16xf32, #tpu.memory_space<vmem>>, vector<1x16xf32>,
    %get3A_20 = vector.shape_cast %get3A_19 : vector<1x16xf32> to vector<16xf32>
    %get3A_21 = arith.constant 2 : i32
    %get3A_22 = arith.index_cast %get3A_21 : i32 to index
    %get3A_23 = arith.constant 0 : index
    %get3A_24 = tpu.vector_load %arg13[%get3A_22, %get3A_23] {strides = array<i32>} : memref<8x16xf32, #tpu.memory_space<vmem>>, vector<1x16xf32>,
    %get3A_25 = vector.shape_cast %get3A_24 : vector<1x16xf32> to vector<16xf32>
    %get3A_26 = arith.constant 3 : i32
    %get3A_27 = arith.index_cast %get3A_26 : i32 to index
    %get3A_28 = arith.constant 0 : index
    %get3A_29 = tpu.vector_load %arg13[%get3A_27, %get3A_28] {strides = array<i32>} : memref<8x16xf32, #tpu.memory_space<vmem>>, vector<1x16xf32>,
    %get3A_30 = vector.shape_cast %get3A_29 : vector<1x16xf32> to vector<16xf32>
    %get3A_31 = arith.constant 4 : i32
    %get3A_32 = arith.index_cast %get3A_31 : i32 to index
    %get3A_33 = arith.constant 0 : index
    %get3A_34 = tpu.vector_load %arg13[%get3A_32, %get3A_33] {strides = array<i32>} : memref<8x16xf32, #tpu.memory_space<vmem>>, vector<1x16xf32>,
    %get3A_35 = vector.shape_cast %get3A_34 : vector<1x16xf32> to vector<16xf32>
    %get3A_36 = arith.constant 5 : i32
    %get3A_37 = arith.index_cast %get3A_36 : i32 to index
    %get3A_38 = arith.constant 0 : index
    %get3A_39 = tpu.vector_load %arg13[%get3A_37, %get3A_38] {strides = array<i32>} : memref<8x16xf32, #tpu.memory_space<vmem>>, vector<1x16xf32>,
    %get3A_40 = vector.shape_cast %get3A_39 : vector<1x16xf32> to vector<16xf32>
    %get3A_41 = arith.constant 6 : i32
    %get3A_42 = arith.index_cast %get3A_41 : i32 to index
    %get3A_43 = arith.constant 0 : index
    %get3A_44 = tpu.vector_load %arg13[%get3A_42, %get3A_43] {strides = array<i32>} : memref<8x16xf32, #tpu.memory_space<vmem>>, vector<1x16xf32>,
    %get3A_45 = vector.shape_cast %get3A_44 : vector<1x16xf32> to vector<16xf32>
    %get3A_46 = arith.constant 7 : i32
    %get3A_47 = arith.index_cast %get3A_46 : i32 to index
    %get3A_48 = arith.constant 0 : index
    %get3A_49 = tpu.vector_load %arg13[%get3A_47, %get3A_48] {strides = array<i32>} : memref<8x16xf32, #tpu.memory_space<vmem>>, vector<1x16xf32>,
    %get3A_50 = vector.shape_cast %get3A_49 : vector<1x16xf32> to vector<16xf32>
    %scan3A = arith.constant 0 : i32
    %scan3A_51 = arith.constant 0 : i32
    %scan3A_52 = arith.constant 84 : i32
    %scan3A_53 = arith.addi %scan3A_51, %scan3A_52 : i32
    %scan3A_54 = arith.constant 1 : i32
    scf.for %scan3A_57 = %scan3A_51 to %scan3A_53 step %scan3A_54  : i32 {
      %mul3A_58 = arith.constant 84 : i32
      %mul3A_59 = arith.muli %arg1, %mul3A_58 : i32
      %add3A = arith.addi %mul3A_59, %scan3A_57 : i32
      %mul3A_60 = arith.constant 128 : i32
      %mul3A_61 = arith.muli %add3A, %mul3A_60 : i32
      "tpu.region"() ({
        %run_scoped3A = tpu.sem_alloc : memref<!tpu.dma_semaphore, #tpu.memory_space<semaphore_mem>>
        %dma_start3A_78 = tpu.memref_slice %arg4[%mul3A_61] : memref<172032xi32, #tpu.memory_space<hbm>> -> memref<128xi32, #tpu.memory_space<hbm>>
        %dma_start3A_79 = tpu.memref_slice %arg4[%mul3A_61] : memref<172032xi32, #tpu.memory_space<hbm>> -> memref<128xi32, #tpu.memory_space<hbm>>
        tpu.enqueue_dma source(%dma_start3A_79 : memref<128xi32, #tpu.memory_space<hbm>>) target(%arg9 : memref<128xi32, #tpu.memory_space<vmem>>) target_semaphore(%run_scoped3A : memref<!tpu.dma_semaphore, #tpu.memory_space<semaphore_mem>>)
        %dma_wait3A_80 = tpu.memref_slice %arg4[%mul3A_61] : memref<172032xi32, #tpu.memory_space<hbm>> -> memref<128xi32, #tpu.memory_space<hbm>>
        %dma_wait3A_81 = tpu.memref_slice %arg4[%mul3A_61] : memref<172032xi32, #tpu.memory_space<hbm>> -> memref<128xi32, #tpu.memory_space<hbm>>
        tpu.wait_dma2 semaphore(%run_scoped3A : memref<!tpu.dma_semaphore, #tpu.memory_space<semaphore_mem>>) src(%dma_wait3A_81 : memref<128xi32, #tpu.memory_space<hbm>>) dst(%arg9 : memref<128xi32, #tpu.memory_space<vmem>>)
        tpu.yield
      }) : () -> ()
      "tpu.region"() ({
        %run_scoped3A = tpu.sem_alloc : memref<!tpu.dma_semaphore, #tpu.memory_space<semaphore_mem>>
        %dma_start3A_78 = tpu.memref_slice %arg5[%mul3A_61] : memref<172032xi32, #tpu.memory_space<hbm>> -> memref<128xi32, #tpu.memory_space<hbm>>
        %dma_start3A_79 = tpu.memref_slice %arg5[%mul3A_61] : memref<172032xi32, #tpu.memory_space<hbm>> -> memref<128xi32, #tpu.memory_space<hbm>>
        tpu.enqueue_dma source(%dma_start3A_79 : memref<128xi32, #tpu.memory_space<hbm>>) target(%arg10 : memref<128xi32, #tpu.memory_space<vmem>>) target_semaphore(%run_scoped3A : memref<!tpu.dma_semaphore, #tpu.memory_space<semaphore_mem>>)
        %dma_wait3A_80 = tpu.memref_slice %arg5[%mul3A_61] : memref<172032xi32, #tpu.memory_space<hbm>> -> memref<128xi32, #tpu.memory_space<hbm>>
        %dma_wait3A_81 = tpu.memref_slice %arg5[%mul3A_61] : memref<172032xi32, #tpu.memory_space<hbm>> -> memref<128xi32, #tpu.memory_space<hbm>>
        tpu.wait_dma2 semaphore(%run_scoped3A : memref<!tpu.dma_semaphore, #tpu.memory_space<semaphore_mem>>) src(%dma_wait3A_81 : memref<128xi32, #tpu.memory_space<hbm>>) dst(%arg10 : memref<128xi32, #tpu.memory_space<vmem>>)
        tpu.yield
      }) : () -> ()
      %dma_start3A = arith.constant 0 : i32
      %dma_start3A_62 = arith.constant 0 : i32
      %dma_start3A_63 = tpu.memref_slice %arg2[%dma_start3A, %dma_start3A_62] : memref<10112x128xf32, #tpu.memory_space<hbm>> -> memref<10112x128xf32, #tpu.memory_space<hbm>>
      tpu.enqueue_indirect_dma source(%dma_start3A_63 : memref<10112x128xf32, #tpu.memory_space<hbm>>) target(%arg11 : memref<128x128xf32, #tpu.memory_space<vmem>>) offsets(%arg9 : memref<128xi32, #tpu.memory_space<vmem>>) semaphore(%arg15 : memref<!tpu.dma_semaphore, #tpu.memory_space<semaphore_mem>>)
      %dma_start3A_64 = arith.constant 0 : i32
      %dma_start3A_65 = arith.constant 0 : i32
      %dma_start3A_66 = tpu.memref_slice %arg3[%dma_start3A_64, %dma_start3A_65] : memref<10112x128xf32, #tpu.memory_space<hbm>> -> memref<10112x128xf32, #tpu.memory_space<hbm>>
      tpu.enqueue_indirect_dma source(%dma_start3A_66 : memref<10112x128xf32, #tpu.memory_space<hbm>>) target(%arg12 : memref<128x128xf32, #tpu.memory_space<vmem>>) offsets(%arg10 : memref<128xi32, #tpu.memory_space<vmem>>) semaphore(%arg16 : memref<!tpu.dma_semaphore, #tpu.memory_space<semaphore_mem>>)
      %dma_wait3A = arith.constant 0 : i32
      %dma_wait3A_67 = arith.constant 0 : i32
      %dma_wait3A_68 = tpu.memref_slice %arg2[%dma_wait3A, %dma_wait3A_67] : memref<10112x128xf32, #tpu.memory_space<hbm>> -> memref<10112x128xf32, #tpu.memory_space<hbm>>
      tpu.wait_indirect_dma semaphore(%arg15 : memref<!tpu.dma_semaphore, #tpu.memory_space<semaphore_mem>>) src(%dma_wait3A_68 : memref<10112x128xf32, #tpu.memory_space<hbm>>) dst(%arg11 : memref<128x128xf32, #tpu.memory_space<vmem>>)
      %dma_wait3A_69 = arith.constant 0 : i32
      %dma_wait3A_70 = arith.constant 0 : i32
      %dma_wait3A_71 = tpu.memref_slice %arg3[%dma_wait3A_69, %dma_wait3A_70] : memref<10112x128xf32, #tpu.memory_space<hbm>> -> memref<10112x128xf32, #tpu.memory_space<hbm>>
      tpu.wait_indirect_dma semaphore(%arg16 : memref<!tpu.dma_semaphore, #tpu.memory_space<semaphore_mem>>) src(%dma_wait3A_71 : memref<10112x128xf32, #tpu.memory_space<hbm>>) dst(%arg12 : memref<128x128xf32, #tpu.memory_space<vmem>>)
      %eq3A = arith.constant 0 : i32
      %eq3A_72 = arith.cmpi eq, %arg0, %eq3A : i32
      %convert_element_type3A = arith.extui %eq3A_72 : i1 to i32
      %cond3A = arith.constant 0 : i32
      %cond3A_73 = arith.cmpi ne, %convert_element_type3A, %cond3A : i32
      scf.if %cond3A_73 {
        %scan3A_78 = arith.constant 0 : i32
        %scan3A_79 = arith.constant 0 : i32
        %scan3A_80 = arith.constant 128 : i32
        %scan3A_81 = arith.addi %scan3A_79, %scan3A_80 : i32
        %scan3A_82 = arith.constant 1 : i32
        scf.for %scan3A_84 = %scan3A_79 to %scan3A_81 step %scan3A_82  : i32 {
          %get3A_85 = arith.index_cast %scan3A_84 : i32 to index
          %get3A_86 = arith.constant 0 : index
          %get3A_87 = tpu.vector_load %arg11[%get3A_85, %get3A_86] {strides = array<i32>} : memref<128x128xf32, #tpu.memory_space<vmem>>, vector<1x16xf32>,
          %get3A_88 = vector.shape_cast %get3A_87 : vector<1x16xf32> to vector<16xf32>
          %get3A_89 = arith.index_cast %scan3A_84 : i32 to index
          %get3A_90 = arith.constant 0 : index
          %get3A_91 = tpu.vector_load %arg12[%get3A_89, %get3A_90] {strides = array<i32>} : memref<128x128xf32, #tpu.memory_space<vmem>>, vector<1x16xf32>,
          %get3A_92 = vector.shape_cast %get3A_91 : vector<1x16xf32> to vector<16xf32>
          %add3A_93 = arith.addf %get3A_88, %get3A_92 : vector<16xf32>
          %mul3A_94 = arith.constant 2.000000e-01 : f32
          %mul3A_95 = vector.broadcast %mul3A_94 : f32 to vector<16xf32>
          %mul3A_96 = arith.mulf %mul3A_95, %add3A_93 : vector<16xf32>
          %max3A = arith.maximumf %add3A_93, %mul3A_96 : vector<16xf32>
          %mul3A_97 = arith.mulf %max3A, %get3A_15 : vector<16xf32>
          %broadcast_in_dim3A = vector.shape_cast %xor3A_2 : vector<16xi32> to vector<16x1xi32>
          %gather3A = vector.shape_cast %broadcast_in_dim3A : vector<16x1xi32> to vector<16xi32>
          %gather3A_98 = tpu.dynamic_gather %mul3A_97[%gather3A] in [0] : vector<16xf32>, vector<16xi32> -> vector<16xf32>
          %add3A_99 = arith.addf %mul3A_97, %gather3A_98 : vector<16xf32>
          %broadcast_in_dim3A_100 = vector.shape_cast %xor3A_5 : vector<16xi32> to vector<16x1xi32>
          %gather3A_101 = vector.shape_cast %broadcast_in_dim3A_100 : vector<16x1xi32> to vector<16xi32>
          %gather3A_102 = tpu.dynamic_gather %add3A_99[%gather3A_101] in [0] : vector<16xf32>, vector<16xi32> -> vector<16xf32>
          %add3A_103 = arith.addf %add3A_99, %gather3A_102 : vector<16xf32>
          %broadcast_in_dim3A_104 = vector.shape_cast %xor3A_8 : vector<16xi32> to vector<16x1xi32>
          %gather3A_105 = vector.shape_cast %broadcast_in_dim3A_104 : vector<16x1xi32> to vector<16xi32>
          %gather3A_106 = tpu.dynamic_gather %add3A_103[%gather3A_105] in [0] : vector<16xf32>, vector<16xi32> -> vector<16xf32>
          %add3A_107 = arith.addf %add3A_103, %gather3A_106 : vector<16xf32>
          %broadcast_in_dim3A_108 = vector.shape_cast %xor3A_11 : vector<16xi32> to vector<16x1xi32>
          %gather3A_109 = vector.shape_cast %broadcast_in_dim3A_108 : vector<16x1xi32> to vector<16xi32>
          %gather3A_110 = tpu.dynamic_gather %add3A_107[%gather3A_109] in [0] : vector<16xf32>, vector<16xi32> -> vector<16xf32>
          %add3A_111 = arith.addf %add3A_107, %gather3A_110 : vector<16xf32>
          %exp3A = math.exp %add3A_111 : vector<16xf32>
          %mul3A_112 = arith.mulf %get3A_88, %exp3A : vector<16xf32>
          %swap3A = arith.index_cast %scan3A_84 : i32 to index
          %swap3A_113 = arith.constant 0 : index
          %swap3A_114 = tpu.vector_load %arg11[%swap3A, %swap3A_113] {strides = array<i32>} : memref<128x128xf32, #tpu.memory_space<vmem>>, vector<1x16xf32>,
          %swap3A_115 = vector.shape_cast %swap3A_114 : vector<1x16xf32> to vector<16xf32>
          %swap3A_116 = vector.shape_cast %mul3A_112 : vector<16xf32> to vector<1x16xf32>
          tpu.vector_store %arg11[%swap3A, %swap3A_113], %swap3A_116 {strides = array<i32>} : memref<128x128xf32, #tpu.memory_space<vmem>>, vector<1x16xf32>,
          %swap3A_117 = arith.index_cast %scan3A_84 : i32 to index
          %swap3A_118 = arith.constant 64 : index
          %swap3A_119 = tpu.vector_load %arg11[%swap3A_117, %swap3A_118] {strides = array<i32>} : memref<128x128xf32, #tpu.memory_space<vmem>>, vector<1x16xf32>,
          %swap3A_120 = vector.shape_cast %swap3A_119 : vector<1x16xf32> to vector<16xf32>
          %swap3A_121 = vector.shape_cast %exp3A : vector<16xf32> to vector<1x16xf32>
          tpu.vector_store %arg11[%swap3A_117, %swap3A_118], %swap3A_121 {strides = array<i32>} : memref<128x128xf32, #tpu.memory_space<vmem>>, vector<1x16xf32>,
          %get3A_122 = arith.index_cast %scan3A_84 : i32 to index
          %get3A_123 = arith.constant 16 : index
          %get3A_124 = tpu.vector_load %arg11[%get3A_122, %get3A_123] {strides = array<i32>} : memref<128x128xf32, #tpu.memory_space<vmem>>, vector<1x16xf32>,
          %get3A_125 = vector.shape_cast %get3A_124 : vector<1x16xf32> to vector<16xf32>
          %get3A_126 = arith.index_cast %scan3A_84 : i32 to index
          %get3A_127 = arith.constant 16 : index
          %get3A_128 = tpu.vector_load %arg12[%get3A_126, %get3A_127] {strides = array<i32>} : memref<128x128xf32, #tpu.memory_space<vmem>>, vector<1x16xf32>,
          %get3A_129 = vector.shape_cast %get3A_128 : vector<1x16xf32> to vector<16xf32>
          %add3A_130 = arith.addf %get3A_125, %get3A_129 : vector<16xf32>
          %mul3A_131 = arith.constant 2.000000e-01 : f32
          %mul3A_132 = vector.broadcast %mul3A_131 : f32 to vector<16xf32>
          %mul3A_133 = arith.mulf %mul3A_132, %add3A_130 : vector<16xf32>
          %max3A_134 = arith.maximumf %add3A_130, %mul3A_133 : vector<16xf32>
          %mul3A_135 = arith.mulf %max3A_134, %get3A_20 : vector<16xf32>
          %broadcast_in_dim3A_136 = vector.shape_cast %xor3A_2 : vector<16xi32> to vector<16x1xi32>
          %gather3A_137 = vector.shape_cast %broadcast_in_dim3A_136 : vector<16x1xi32> to vector<16xi32>
          %gather3A_138 = tpu.dynamic_gather %mul3A_135[%gather3A_137] in [0] : vector<16xf32>, vector<16xi32> -> vector<16xf32>
          %add3A_139 = arith.addf %mul3A_135, %gather3A_138 : vector<16xf32>
          %broadcast_in_dim3A_140 = vector.shape_cast %xor3A_5 : vector<16xi32> to vector<16x1xi32>
          %gather3A_141 = vector.shape_cast %broadcast_in_dim3A_140 : vector<16x1xi32> to vector<16xi32>
          %gather3A_142 = tpu.dynamic_gather %add3A_139[%gather3A_141] in [0] : vector<16xf32>, vector<16xi32> -> vector<16xf32>
          %add3A_143 = arith.addf %add3A_139, %gather3A_142 : vector<16xf32>
          %broadcast_in_dim3A_144 = vector.shape_cast %xor3A_8 : vector<16xi32> to vector<16x1xi32>
          %gather3A_145 = vector.shape_cast %broadcast_in_dim3A_144 : vector<16x1xi32> to vector<16xi32>
          %gather3A_146 = tpu.dynamic_gather %add3A_143[%gather3A_145] in [0] : vector<16xf32>, vector<16xi32> -> vector<16xf32>
          %add3A_147 = arith.addf %add3A_143, %gather3A_146 : vector<16xf32>
          %broadcast_in_dim3A_148 = vector.shape_cast %xor3A_11 : vector<16xi32> to vector<16x1xi32>
          %gather3A_149 = vector.shape_cast %broadcast_in_dim3A_148 : vector<16x1xi32> to vector<16xi32>
          %gather3A_150 = tpu.dynamic_gather %add3A_147[%gather3A_149] in [0] : vector<16xf32>, vector<16xi32> -> vector<16xf32>
          %add3A_151 = arith.addf %add3A_147, %gather3A_150 : vector<16xf32>
          %exp3A_152 = math.exp %add3A_151 : vector<16xf32>
          %mul3A_153 = arith.mulf %get3A_125, %exp3A_152 : vector<16xf32>
          %swap3A_154 = arith.index_cast %scan3A_84 : i32 to index
          %swap3A_155 = arith.constant 16 : index
          %swap3A_156 = tpu.vector_load %arg11[%swap3A_154, %swap3A_155] {strides = array<i32>} : memref<128x128xf32, #tpu.memory_space<vmem>>, vector<1x16xf32>,
          %swap3A_157 = vector.shape_cast %swap3A_156 : vector<1x16xf32> to vector<16xf32>
          %swap3A_158 = vector.shape_cast %mul3A_153 : vector<16xf32> to vector<1x16xf32>
          tpu.vector_store %arg11[%swap3A_154, %swap3A_155], %swap3A_158 {strides = array<i32>} : memref<128x128xf32, #tpu.memory_space<vmem>>, vector<1x16xf32>,
          %swap3A_159 = arith.index_cast %scan3A_84 : i32 to index
          %swap3A_160 = arith.constant 80 : index
          %swap3A_161 = tpu.vector_load %arg11[%swap3A_159, %swap3A_160] {strides = array<i32>} : memref<128x128xf32, #tpu.memory_space<vmem>>, vector<1x16xf32>,
          %swap3A_162 = vector.shape_cast %swap3A_161 : vector<1x16xf32> to vector<16xf32>
          %swap3A_163 = vector.shape_cast %exp3A_152 : vector<16xf32> to vector<1x16xf32>
          tpu.vector_store %arg11[%swap3A_159, %swap3A_160], %swap3A_163 {strides = array<i32>} : memref<128x128xf32, #tpu.memory_space<vmem>>, vector<1x16xf32>,
          %get3A_164 = arith.index_cast %scan3A_84 : i32 to index
          %get3A_165 = arith.constant 32 : index
          %get3A_166 = tpu.vector_load %arg11[%get3A_164, %get3A_165] {strides = array<i32>} : memref<128x128xf32, #tpu.memory_space<vmem>>, vector<1x16xf32>,
          %get3A_167 = vector.shape_cast %get3A_166 : vector<1x16xf32> to vector<16xf32>
          %get3A_168 = arith.index_cast %scan3A_84 : i32 to index
          %get3A_169 = arith.constant 32 : index
          %get3A_170 = tpu.vector_load %arg12[%get3A_168, %get3A_169] {strides = array<i32>} : memref<128x128xf32, #tpu.memory_space<vmem>>, vector<1x16xf32>,
          %get3A_171 = vector.shape_cast %get3A_170 : vector<1x16xf32> to vector<16xf32>
          %add3A_172 = arith.addf %get3A_167, %get3A_171 : vector<16xf32>
          %mul3A_173 = arith.constant 2.000000e-01 : f32
          %mul3A_174 = vector.broadcast %mul3A_173 : f32 to vector<16xf32>
          %mul3A_175 = arith.mulf %mul3A_174, %add3A_172 : vector<16xf32>
          %max3A_176 = arith.maximumf %add3A_172, %mul3A_175 : vector<16xf32>
          %mul3A_177 = arith.mulf %max3A_176, %get3A_25 : vector<16xf32>
          %broadcast_in_dim3A_178 = vector.shape_cast %xor3A_2 : vector<16xi32> to vector<16x1xi32>
          %gather3A_179 = vector.shape_cast %broadcast_in_dim3A_178 : vector<16x1xi32> to vector<16xi32>
          %gather3A_180 = tpu.dynamic_gather %mul3A_177[%gather3A_179] in [0] : vector<16xf32>, vector<16xi32> -> vector<16xf32>
          %add3A_181 = arith.addf %mul3A_177, %gather3A_180 : vector<16xf32>
          %broadcast_in_dim3A_182 = vector.shape_cast %xor3A_5 : vector<16xi32> to vector<16x1xi32>
          %gather3A_183 = vector.shape_cast %broadcast_in_dim3A_182 : vector<16x1xi32> to vector<16xi32>
          %gather3A_184 = tpu.dynamic_gather %add3A_181[%gather3A_183] in [0] : vector<16xf32>, vector<16xi32> -> vector<16xf32>
          %add3A_185 = arith.addf %add3A_181, %gather3A_184 : vector<16xf32>
          %broadcast_in_dim3A_186 = vector.shape_cast %xor3A_8 : vector<16xi32> to vector<16x1xi32>
          %gather3A_187 = vector.shape_cast %broadcast_in_dim3A_186 : vector<16x1xi32> to vector<16xi32>
          %gather3A_188 = tpu.dynamic_gather %add3A_185[%gather3A_187] in [0] : vector<16xf32>, vector<16xi32> -> vector<16xf32>
          %add3A_189 = arith.addf %add3A_185, %gather3A_188 : vector<16xf32>
          %broadcast_in_dim3A_190 = vector.shape_cast %xor3A_11 : vector<16xi32> to vector<16x1xi32>
          %gather3A_191 = vector.shape_cast %broadcast_in_dim3A_190 : vector<16x1xi32> to vector<16xi32>
          %gather3A_192 = tpu.dynamic_gather %add3A_189[%gather3A_191] in [0] : vector<16xf32>, vector<16xi32> -> vector<16xf32>
          %add3A_193 = arith.addf %add3A_189, %gather3A_192 : vector<16xf32>
          %exp3A_194 = math.exp %add3A_193 : vector<16xf32>
          %mul3A_195 = arith.mulf %get3A_167, %exp3A_194 : vector<16xf32>
          %swap3A_196 = arith.index_cast %scan3A_84 : i32 to index
          %swap3A_197 = arith.constant 32 : index
          %swap3A_198 = tpu.vector_load %arg11[%swap3A_196, %swap3A_197] {strides = array<i32>} : memref<128x128xf32, #tpu.memory_space<vmem>>, vector<1x16xf32>,
          %swap3A_199 = vector.shape_cast %swap3A_198 : vector<1x16xf32> to vector<16xf32>
          %swap3A_200 = vector.shape_cast %mul3A_195 : vector<16xf32> to vector<1x16xf32>
          tpu.vector_store %arg11[%swap3A_196, %swap3A_197], %swap3A_200 {strides = array<i32>} : memref<128x128xf32, #tpu.memory_space<vmem>>, vector<1x16xf32>,
          %swap3A_201 = arith.index_cast %scan3A_84 : i32 to index
          %swap3A_202 = arith.constant 96 : index
          %swap3A_203 = tpu.vector_load %arg11[%swap3A_201, %swap3A_202] {strides = array<i32>} : memref<128x128xf32, #tpu.memory_space<vmem>>, vector<1x16xf32>,
          %swap3A_204 = vector.shape_cast %swap3A_203 : vector<1x16xf32> to vector<16xf32>
          %swap3A_205 = vector.shape_cast %exp3A_194 : vector<16xf32> to vector<1x16xf32>
          tpu.vector_store %arg11[%swap3A_201, %swap3A_202], %swap3A_205 {strides = array<i32>} : memref<128x128xf32, #tpu.memory_space<vmem>>, vector<1x16xf32>,
          %get3A_206 = arith.index_cast %scan3A_84 : i32 to index
          %get3A_207 = arith.constant 48 : index
          %get3A_208 = tpu.vector_load %arg11[%get3A_206, %get3A_207] {strides = array<i32>} : memref<128x128xf32, #tpu.memory_space<vmem>>, vector<1x16xf32>,
          %get3A_209 = vector.shape_cast %get3A_208 : vector<1x16xf32> to vector<16xf32>
          %get3A_210 = arith.index_cast %scan3A_84 : i32 to index
          %get3A_211 = arith.constant 48 : index
          %get3A_212 = tpu.vector_load %arg12[%get3A_210, %get3A_211] {strides = array<i32>} : memref<128x128xf32, #tpu.memory_space<vmem>>, vector<1x16xf32>,
          %get3A_213 = vector.shape_cast %get3A_212 : vector<1x16xf32> to vector<16xf32>
          %add3A_214 = arith.addf %get3A_209, %get3A_213 : vector<16xf32>
          %mul3A_215 = arith.constant 2.000000e-01 : f32
          %mul3A_216 = vector.broadcast %mul3A_215 : f32 to vector<16xf32>
          %mul3A_217 = arith.mulf %mul3A_216, %add3A_214 : vector<16xf32>
          %max3A_218 = arith.maximumf %add3A_214, %mul3A_217 : vector<16xf32>
          %mul3A_219 = arith.mulf %max3A_218, %get3A_30 : vector<16xf32>
          %broadcast_in_dim3A_220 = vector.shape_cast %xor3A_2 : vector<16xi32> to vector<16x1xi32>
          %gather3A_221 = vector.shape_cast %broadcast_in_dim3A_220 : vector<16x1xi32> to vector<16xi32>
          %gather3A_222 = tpu.dynamic_gather %mul3A_219[%gather3A_221] in [0] : vector<16xf32>, vector<16xi32> -> vector<16xf32>
          %add3A_223 = arith.addf %mul3A_219, %gather3A_222 : vector<16xf32>
          %broadcast_in_dim3A_224 = vector.shape_cast %xor3A_5 : vector<16xi32> to vector<16x1xi32>
          %gather3A_225 = vector.shape_cast %broadcast_in_dim3A_224 : vector<16x1xi32> to vector<16xi32>
          %gather3A_226 = tpu.dynamic_gather %add3A_223[%gather3A_225] in [0] : vector<16xf32>, vector<16xi32> -> vector<16xf32>
          %add3A_227 = arith.addf %add3A_223, %gather3A_226 : vector<16xf32>
          %broadcast_in_dim3A_228 = vector.shape_cast %xor3A_8 : vector<16xi32> to vector<16x1xi32>
          %gather3A_229 = vector.shape_cast %broadcast_in_dim3A_228 : vector<16x1xi32> to vector<16xi32>
          %gather3A_230 = tpu.dynamic_gather %add3A_227[%gather3A_229] in [0] : vector<16xf32>, vector<16xi32> -> vector<16xf32>
          %add3A_231 = arith.addf %add3A_227, %gather3A_230 : vector<16xf32>
          %broadcast_in_dim3A_232 = vector.shape_cast %xor3A_11 : vector<16xi32> to vector<16x1xi32>
          %gather3A_233 = vector.shape_cast %broadcast_in_dim3A_232 : vector<16x1xi32> to vector<16xi32>
          %gather3A_234 = tpu.dynamic_gather %add3A_231[%gather3A_233] in [0] : vector<16xf32>, vector<16xi32> -> vector<16xf32>
          %add3A_235 = arith.addf %add3A_231, %gather3A_234 : vector<16xf32>
          %exp3A_236 = math.exp %add3A_235 : vector<16xf32>
          %mul3A_237 = arith.mulf %get3A_209, %exp3A_236 : vector<16xf32>
          %swap3A_238 = arith.index_cast %scan3A_84 : i32 to index
          %swap3A_239 = arith.constant 48 : index
          %swap3A_240 = tpu.vector_load %arg11[%swap3A_238, %swap3A_239] {strides = array<i32>} : memref<128x128xf32, #tpu.memory_space<vmem>>, vector<1x16xf32>,
          %swap3A_241 = vector.shape_cast %swap3A_240 : vector<1x16xf32> to vector<16xf32>
          %swap3A_242 = vector.shape_cast %mul3A_237 : vector<16xf32> to vector<1x16xf32>
          tpu.vector_store %arg11[%swap3A_238, %swap3A_239], %swap3A_242 {strides = array<i32>} : memref<128x128xf32, #tpu.memory_space<vmem>>, vector<1x16xf32>,
          %swap3A_243 = arith.index_cast %scan3A_84 : i32 to index
          %swap3A_244 = arith.constant 112 : index
          %swap3A_245 = tpu.vector_load %arg11[%swap3A_243, %swap3A_244] {strides = array<i32>} : memref<128x128xf32, #tpu.memory_space<vmem>>, vector<1x16xf32>,
          %swap3A_246 = vector.shape_cast %swap3A_245 : vector<1x16xf32> to vector<16xf32>
          %swap3A_247 = vector.shape_cast %exp3A_236 : vector<16xf32> to vector<1x16xf32>
          tpu.vector_store %arg11[%swap3A_243, %swap3A_244], %swap3A_247 {strides = array<i32>} : memref<128x128xf32, #tpu.memory_space<vmem>>, vector<1x16xf32>,
        }
        %scan3A_83 = arith.constant 128 : i32
      } else {
      }
      %ne3A = arith.constant 0 : i32
      %ne3A_74 = arith.cmpi ne, %arg0, %ne3A : i32
      %convert_element_type3A_75 = arith.extui %ne3A_74 : i1 to i32
      %cond3A_76 = arith.constant 0 : i32
      %cond3A_77 = arith.cmpi ne, %convert_element_type3A_75, %cond3A_76 : i32
      scf.if %cond3A_77 {
        %scan3A_78 = arith.constant 0 : i32
        %scan3A_79 = arith.constant 0 : i32
        %scan3A_80 = arith.constant 128 : i32
        %scan3A_81 = arith.addi %scan3A_79, %scan3A_80 : i32
        %scan3A_82 = arith.constant 1 : i32
        scf.for %scan3A_84 = %scan3A_79 to %scan3A_81 step %scan3A_82  : i32 {
          %get3A_85 = arith.index_cast %scan3A_84 : i32 to index
          %get3A_86 = arith.constant 64 : index
          %get3A_87 = tpu.vector_load %arg11[%get3A_85, %get3A_86] {strides = array<i32>} : memref<128x128xf32, #tpu.memory_space<vmem>>, vector<1x16xf32>,
          %get3A_88 = vector.shape_cast %get3A_87 : vector<1x16xf32> to vector<16xf32>
          %get3A_89 = arith.index_cast %scan3A_84 : i32 to index
          %get3A_90 = arith.constant 64 : index
          %get3A_91 = tpu.vector_load %arg12[%get3A_89, %get3A_90] {strides = array<i32>} : memref<128x128xf32, #tpu.memory_space<vmem>>, vector<1x16xf32>,
          %get3A_92 = vector.shape_cast %get3A_91 : vector<1x16xf32> to vector<16xf32>
          %add3A_93 = arith.addf %get3A_88, %get3A_92 : vector<16xf32>
          %mul3A_94 = arith.constant 2.000000e-01 : f32
          %mul3A_95 = vector.broadcast %mul3A_94 : f32 to vector<16xf32>
          %mul3A_96 = arith.mulf %mul3A_95, %add3A_93 : vector<16xf32>
          %max3A = arith.maximumf %add3A_93, %mul3A_96 : vector<16xf32>
          %mul3A_97 = arith.mulf %max3A, %get3A_35 : vector<16xf32>
          %broadcast_in_dim3A = vector.shape_cast %xor3A_2 : vector<16xi32> to vector<16x1xi32>
          %gather3A = vector.shape_cast %broadcast_in_dim3A : vector<16x1xi32> to vector<16xi32>
          %gather3A_98 = tpu.dynamic_gather %mul3A_97[%gather3A] in [0] : vector<16xf32>, vector<16xi32> -> vector<16xf32>
          %add3A_99 = arith.addf %mul3A_97, %gather3A_98 : vector<16xf32>
          %broadcast_in_dim3A_100 = vector.shape_cast %xor3A_5 : vector<16xi32> to vector<16x1xi32>
          %gather3A_101 = vector.shape_cast %broadcast_in_dim3A_100 : vector<16x1xi32> to vector<16xi32>
          %gather3A_102 = tpu.dynamic_gather %add3A_99[%gather3A_101] in [0] : vector<16xf32>, vector<16xi32> -> vector<16xf32>
          %add3A_103 = arith.addf %add3A_99, %gather3A_102 : vector<16xf32>
          %broadcast_in_dim3A_104 = vector.shape_cast %xor3A_8 : vector<16xi32> to vector<16x1xi32>
          %gather3A_105 = vector.shape_cast %broadcast_in_dim3A_104 : vector<16x1xi32> to vector<16xi32>
          %gather3A_106 = tpu.dynamic_gather %add3A_103[%gather3A_105] in [0] : vector<16xf32>, vector<16xi32> -> vector<16xf32>
          %add3A_107 = arith.addf %add3A_103, %gather3A_106 : vector<16xf32>
          %broadcast_in_dim3A_108 = vector.shape_cast %xor3A_11 : vector<16xi32> to vector<16x1xi32>
          %gather3A_109 = vector.shape_cast %broadcast_in_dim3A_108 : vector<16x1xi32> to vector<16xi32>
          %gather3A_110 = tpu.dynamic_gather %add3A_107[%gather3A_109] in [0] : vector<16xf32>, vector<16xi32> -> vector<16xf32>
          %add3A_111 = arith.addf %add3A_107, %gather3A_110 : vector<16xf32>
          %exp3A = math.exp %add3A_111 : vector<16xf32>
          %mul3A_112 = arith.mulf %get3A_88, %exp3A : vector<16xf32>
          %swap3A = arith.index_cast %scan3A_84 : i32 to index
          %swap3A_113 = arith.constant 0 : index
          %swap3A_114 = tpu.vector_load %arg11[%swap3A, %swap3A_113] {strides = array<i32>} : memref<128x128xf32, #tpu.memory_space<vmem>>, vector<1x16xf32>,
          %swap3A_115 = vector.shape_cast %swap3A_114 : vector<1x16xf32> to vector<16xf32>
          %swap3A_116 = vector.shape_cast %mul3A_112 : vector<16xf32> to vector<1x16xf32>
          tpu.vector_store %arg11[%swap3A, %swap3A_113], %swap3A_116 {strides = array<i32>} : memref<128x128xf32, #tpu.memory_space<vmem>>, vector<1x16xf32>,
          %swap3A_117 = arith.index_cast %scan3A_84 : i32 to index
          %swap3A_118 = arith.constant 64 : index
          %swap3A_119 = tpu.vector_load %arg11[%swap3A_117, %swap3A_118] {strides = array<i32>} : memref<128x128xf32, #tpu.memory_space<vmem>>, vector<1x16xf32>,
          %swap3A_120 = vector.shape_cast %swap3A_119 : vector<1x16xf32> to vector<16xf32>
          %swap3A_121 = vector.shape_cast %exp3A : vector<16xf32> to vector<1x16xf32>
          tpu.vector_store %arg11[%swap3A_117, %swap3A_118], %swap3A_121 {strides = array<i32>} : memref<128x128xf32, #tpu.memory_space<vmem>>, vector<1x16xf32>,
          %get3A_122 = arith.index_cast %scan3A_84 : i32 to index
          %get3A_123 = arith.constant 80 : index
          %get3A_124 = tpu.vector_load %arg11[%get3A_122, %get3A_123] {strides = array<i32>} : memref<128x128xf32, #tpu.memory_space<vmem>>, vector<1x16xf32>,
          %get3A_125 = vector.shape_cast %get3A_124 : vector<1x16xf32> to vector<16xf32>
          %get3A_126 = arith.index_cast %scan3A_84 : i32 to index
          %get3A_127 = arith.constant 80 : index
          %get3A_128 = tpu.vector_load %arg12[%get3A_126, %get3A_127] {strides = array<i32>} : memref<128x128xf32, #tpu.memory_space<vmem>>, vector<1x16xf32>,
          %get3A_129 = vector.shape_cast %get3A_128 : vector<1x16xf32> to vector<16xf32>
          %add3A_130 = arith.addf %get3A_125, %get3A_129 : vector<16xf32>
          %mul3A_131 = arith.constant 2.000000e-01 : f32
          %mul3A_132 = vector.broadcast %mul3A_131 : f32 to vector<16xf32>
          %mul3A_133 = arith.mulf %mul3A_132, %add3A_130 : vector<16xf32>
          %max3A_134 = arith.maximumf %add3A_130, %mul3A_133 : vector<16xf32>
          %mul3A_135 = arith.mulf %max3A_134, %get3A_40 : vector<16xf32>
          %broadcast_in_dim3A_136 = vector.shape_cast %xor3A_2 : vector<16xi32> to vector<16x1xi32>
          %gather3A_137 = vector.shape_cast %broadcast_in_dim3A_136 : vector<16x1xi32> to vector<16xi32>
          %gather3A_138 = tpu.dynamic_gather %mul3A_135[%gather3A_137] in [0] : vector<16xf32>, vector<16xi32> -> vector<16xf32>
          %add3A_139 = arith.addf %mul3A_135, %gather3A_138 : vector<16xf32>
          %broadcast_in_dim3A_140 = vector.shape_cast %xor3A_5 : vector<16xi32> to vector<16x1xi32>
          %gather3A_141 = vector.shape_cast %broadcast_in_dim3A_140 : vector<16x1xi32> to vector<16xi32>
          %gather3A_142 = tpu.dynamic_gather %add3A_139[%gather3A_141] in [0] : vector<16xf32>, vector<16xi32> -> vector<16xf32>
          %add3A_143 = arith.addf %add3A_139, %gather3A_142 : vector<16xf32>
          %broadcast_in_dim3A_144 = vector.shape_cast %xor3A_8 : vector<16xi32> to vector<16x1xi32>
          %gather3A_145 = vector.shape_cast %broadcast_in_dim3A_144 : vector<16x1xi32> to vector<16xi32>
          %gather3A_146 = tpu.dynamic_gather %add3A_143[%gather3A_145] in [0] : vector<16xf32>, vector<16xi32> -> vector<16xf32>
          %add3A_147 = arith.addf %add3A_143, %gather3A_146 : vector<16xf32>
          %broadcast_in_dim3A_148 = vector.shape_cast %xor3A_11 : vector<16xi32> to vector<16x1xi32>
          %gather3A_149 = vector.shape_cast %broadcast_in_dim3A_148 : vector<16x1xi32> to vector<16xi32>
          %gather3A_150 = tpu.dynamic_gather %add3A_147[%gather3A_149] in [0] : vector<16xf32>, vector<16xi32> -> vector<16xf32>
          %add3A_151 = arith.addf %add3A_147, %gather3A_150 : vector<16xf32>
          %exp3A_152 = math.exp %add3A_151 : vector<16xf32>
          %mul3A_153 = arith.mulf %get3A_125, %exp3A_152 : vector<16xf32>
          %swap3A_154 = arith.index_cast %scan3A_84 : i32 to index
          %swap3A_155 = arith.constant 16 : index
          %swap3A_156 = tpu.vector_load %arg11[%swap3A_154, %swap3A_155] {strides = array<i32>} : memref<128x128xf32, #tpu.memory_space<vmem>>, vector<1x16xf32>,
          %swap3A_157 = vector.shape_cast %swap3A_156 : vector<1x16xf32> to vector<16xf32>
          %swap3A_158 = vector.shape_cast %mul3A_153 : vector<16xf32> to vector<1x16xf32>
          tpu.vector_store %arg11[%swap3A_154, %swap3A_155], %swap3A_158 {strides = array<i32>} : memref<128x128xf32, #tpu.memory_space<vmem>>, vector<1x16xf32>,
          %swap3A_159 = arith.index_cast %scan3A_84 : i32 to index
          %swap3A_160 = arith.constant 80 : index
          %swap3A_161 = tpu.vector_load %arg11[%swap3A_159, %swap3A_160] {strides = array<i32>} : memref<128x128xf32, #tpu.memory_space<vmem>>, vector<1x16xf32>,
          %swap3A_162 = vector.shape_cast %swap3A_161 : vector<1x16xf32> to vector<16xf32>
          %swap3A_163 = vector.shape_cast %exp3A_152 : vector<16xf32> to vector<1x16xf32>
          tpu.vector_store %arg11[%swap3A_159, %swap3A_160], %swap3A_163 {strides = array<i32>} : memref<128x128xf32, #tpu.memory_space<vmem>>, vector<1x16xf32>,
          %get3A_164 = arith.index_cast %scan3A_84 : i32 to index
          %get3A_165 = arith.constant 96 : index
          %get3A_166 = tpu.vector_load %arg11[%get3A_164, %get3A_165] {strides = array<i32>} : memref<128x128xf32, #tpu.memory_space<vmem>>, vector<1x16xf32>,
          %get3A_167 = vector.shape_cast %get3A_166 : vector<1x16xf32> to vector<16xf32>
          %get3A_168 = arith.index_cast %scan3A_84 : i32 to index
          %get3A_169 = arith.constant 96 : index
          %get3A_170 = tpu.vector_load %arg12[%get3A_168, %get3A_169] {strides = array<i32>} : memref<128x128xf32, #tpu.memory_space<vmem>>, vector<1x16xf32>,
          %get3A_171 = vector.shape_cast %get3A_170 : vector<1x16xf32> to vector<16xf32>
          %add3A_172 = arith.addf %get3A_167, %get3A_171 : vector<16xf32>
          %mul3A_173 = arith.constant 2.000000e-01 : f32
          %mul3A_174 = vector.broadcast %mul3A_173 : f32 to vector<16xf32>
          %mul3A_175 = arith.mulf %mul3A_174, %add3A_172 : vector<16xf32>
          %max3A_176 = arith.maximumf %add3A_172, %mul3A_175 : vector<16xf32>
          %mul3A_177 = arith.mulf %max3A_176, %get3A_45 : vector<16xf32>
          %broadcast_in_dim3A_178 = vector.shape_cast %xor3A_2 : vector<16xi32> to vector<16x1xi32>
          %gather3A_179 = vector.shape_cast %broadcast_in_dim3A_178 : vector<16x1xi32> to vector<16xi32>
          %gather3A_180 = tpu.dynamic_gather %mul3A_177[%gather3A_179] in [0] : vector<16xf32>, vector<16xi32> -> vector<16xf32>
          %add3A_181 = arith.addf %mul3A_177, %gather3A_180 : vector<16xf32>
          %broadcast_in_dim3A_182 = vector.shape_cast %xor3A_5 : vector<16xi32> to vector<16x1xi32>
          %gather3A_183 = vector.shape_cast %broadcast_in_dim3A_182 : vector<16x1xi32> to vector<16xi32>
          %gather3A_184 = tpu.dynamic_gather %add3A_181[%gather3A_183] in [0] : vector<16xf32>, vector<16xi32> -> vector<16xf32>
          %add3A_185 = arith.addf %add3A_181, %gather3A_184 : vector<16xf32>
          %broadcast_in_dim3A_186 = vector.shape_cast %xor3A_8 : vector<16xi32> to vector<16x1xi32>
          %gather3A_187 = vector.shape_cast %broadcast_in_dim3A_186 : vector<16x1xi32> to vector<16xi32>
          %gather3A_188 = tpu.dynamic_gather %add3A_185[%gather3A_187] in [0] : vector<16xf32>, vector<16xi32> -> vector<16xf32>
          %add3A_189 = arith.addf %add3A_185, %gather3A_188 : vector<16xf32>
          %broadcast_in_dim3A_190 = vector.shape_cast %xor3A_11 : vector<16xi32> to vector<16x1xi32>
          %gather3A_191 = vector.shape_cast %broadcast_in_dim3A_190 : vector<16x1xi32> to vector<16xi32>
          %gather3A_192 = tpu.dynamic_gather %add3A_189[%gather3A_191] in [0] : vector<16xf32>, vector<16xi32> -> vector<16xf32>
          %add3A_193 = arith.addf %add3A_189, %gather3A_192 : vector<16xf32>
          %exp3A_194 = math.exp %add3A_193 : vector<16xf32>
          %mul3A_195 = arith.mulf %get3A_167, %exp3A_194 : vector<16xf32>
          %swap3A_196 = arith.index_cast %scan3A_84 : i32 to index
          %swap3A_197 = arith.constant 32 : index
          %swap3A_198 = tpu.vector_load %arg11[%swap3A_196, %swap3A_197] {strides = array<i32>} : memref<128x128xf32, #tpu.memory_space<vmem>>, vector<1x16xf32>,
          %swap3A_199 = vector.shape_cast %swap3A_198 : vector<1x16xf32> to vector<16xf32>
          %swap3A_200 = vector.shape_cast %mul3A_195 : vector<16xf32> to vector<1x16xf32>
          tpu.vector_store %arg11[%swap3A_196, %swap3A_197], %swap3A_200 {strides = array<i32>} : memref<128x128xf32, #tpu.memory_space<vmem>>, vector<1x16xf32>,
          %swap3A_201 = arith.index_cast %scan3A_84 : i32 to index
          %swap3A_202 = arith.constant 96 : index
          %swap3A_203 = tpu.vector_load %arg11[%swap3A_201, %swap3A_202] {strides = array<i32>} : memref<128x128xf32, #tpu.memory_space<vmem>>, vector<1x16xf32>,
          %swap3A_204 = vector.shape_cast %swap3A_203 : vector<1x16xf32> to vector<16xf32>
          %swap3A_205 = vector.shape_cast %exp3A_194 : vector<16xf32> to vector<1x16xf32>
          tpu.vector_store %arg11[%swap3A_201, %swap3A_202], %swap3A_205 {strides = array<i32>} : memref<128x128xf32, #tpu.memory_space<vmem>>, vector<1x16xf32>,
          %get3A_206 = arith.index_cast %scan3A_84 : i32 to index
          %get3A_207 = arith.constant 112 : index
          %get3A_208 = tpu.vector_load %arg11[%get3A_206, %get3A_207] {strides = array<i32>} : memref<128x128xf32, #tpu.memory_space<vmem>>, vector<1x16xf32>,
          %get3A_209 = vector.shape_cast %get3A_208 : vector<1x16xf32> to vector<16xf32>
          %get3A_210 = arith.index_cast %scan3A_84 : i32 to index
          %get3A_211 = arith.constant 112 : index
          %get3A_212 = tpu.vector_load %arg12[%get3A_210, %get3A_211] {strides = array<i32>} : memref<128x128xf32, #tpu.memory_space<vmem>>, vector<1x16xf32>,
          %get3A_213 = vector.shape_cast %get3A_212 : vector<1x16xf32> to vector<16xf32>
          %add3A_214 = arith.addf %get3A_209, %get3A_213 : vector<16xf32>
          %mul3A_215 = arith.constant 2.000000e-01 : f32
          %mul3A_216 = vector.broadcast %mul3A_215 : f32 to vector<16xf32>
          %mul3A_217 = arith.mulf %mul3A_216, %add3A_214 : vector<16xf32>
          %max3A_218 = arith.maximumf %add3A_214, %mul3A_217 : vector<16xf32>
          %mul3A_219 = arith.mulf %max3A_218, %get3A_50 : vector<16xf32>
          %broadcast_in_dim3A_220 = vector.shape_cast %xor3A_2 : vector<16xi32> to vector<16x1xi32>
          %gather3A_221 = vector.shape_cast %broadcast_in_dim3A_220 : vector<16x1xi32> to vector<16xi32>
          %gather3A_222 = tpu.dynamic_gather %mul3A_219[%gather3A_221] in [0] : vector<16xf32>, vector<16xi32> -> vector<16xf32>
          %add3A_223 = arith.addf %mul3A_219, %gather3A_222 : vector<16xf32>
          %broadcast_in_dim3A_224 = vector.shape_cast %xor3A_5 : vector<16xi32> to vector<16x1xi32>
          %gather3A_225 = vector.shape_cast %broadcast_in_dim3A_224 : vector<16x1xi32> to vector<16xi32>
          %gather3A_226 = tpu.dynamic_gather %add3A_223[%gather3A_225] in [0] : vector<16xf32>, vector<16xi32> -> vector<16xf32>
          %add3A_227 = arith.addf %add3A_223, %gather3A_226 : vector<16xf32>
          %broadcast_in_dim3A_228 = vector.shape_cast %xor3A_8 : vector<16xi32> to vector<16x1xi32>
          %gather3A_229 = vector.shape_cast %broadcast_in_dim3A_228 : vector<16x1xi32> to vector<16xi32>
          %gather3A_230 = tpu.dynamic_gather %add3A_227[%gather3A_229] in [0] : vector<16xf32>, vector<16xi32> -> vector<16xf32>
          %add3A_231 = arith.addf %add3A_227, %gather3A_230 : vector<16xf32>
          %broadcast_in_dim3A_232 = vector.shape_cast %xor3A_11 : vector<16xi32> to vector<16x1xi32>
          %gather3A_233 = vector.shape_cast %broadcast_in_dim3A_232 : vector<16x1xi32> to vector<16xi32>
          %gather3A_234 = tpu.dynamic_gather %add3A_231[%gather3A_233] in [0] : vector<16xf32>, vector<16xi32> -> vector<16xf32>
          %add3A_235 = arith.addf %add3A_231, %gather3A_234 : vector<16xf32>
          %exp3A_236 = math.exp %add3A_235 : vector<16xf32>
          %mul3A_237 = arith.mulf %get3A_209, %exp3A_236 : vector<16xf32>
          %swap3A_238 = arith.index_cast %scan3A_84 : i32 to index
          %swap3A_239 = arith.constant 48 : index
          %swap3A_240 = tpu.vector_load %arg11[%swap3A_238, %swap3A_239] {strides = array<i32>} : memref<128x128xf32, #tpu.memory_space<vmem>>, vector<1x16xf32>,
          %swap3A_241 = vector.shape_cast %swap3A_240 : vector<1x16xf32> to vector<16xf32>
          %swap3A_242 = vector.shape_cast %mul3A_237 : vector<16xf32> to vector<1x16xf32>
          tpu.vector_store %arg11[%swap3A_238, %swap3A_239], %swap3A_242 {strides = array<i32>} : memref<128x128xf32, #tpu.memory_space<vmem>>, vector<1x16xf32>,
          %swap3A_243 = arith.index_cast %scan3A_84 : i32 to index
          %swap3A_244 = arith.constant 112 : index
          %swap3A_245 = tpu.vector_load %arg11[%swap3A_243, %swap3A_244] {strides = array<i32>} : memref<128x128xf32, #tpu.memory_space<vmem>>, vector<1x16xf32>,
          %swap3A_246 = vector.shape_cast %swap3A_245 : vector<1x16xf32> to vector<16xf32>
          %swap3A_247 = vector.shape_cast %exp3A_236 : vector<16xf32> to vector<1x16xf32>
          tpu.vector_store %arg11[%swap3A_243, %swap3A_244], %swap3A_247 {strides = array<i32>} : memref<128x128xf32, #tpu.memory_space<vmem>>, vector<1x16xf32>,
        }
        %scan3A_83 = arith.constant 128 : i32
      } else {
      }
      "tpu.region"() ({
        %run_scoped3A = tpu.sem_alloc : memref<!tpu.dma_semaphore, #tpu.memory_space<semaphore_mem>>
        %dma_start3A_78 = arith.constant 0 : i32
        %dma_start3A_79 = arith.constant 0 : i32
        %dma_start3A_80 = tpu.memref_slice %arg14[%dma_start3A_78, %dma_start3A_79] : memref<10112x128xf32, #tpu.memory_space<vmem_shared>> -> memref<10112x128xf32, #tpu.memory_space<vmem_shared>>
        tpu.enqueue_indirect_dma source(%arg11 : memref<128x128xf32, #tpu.memory_space<vmem>>) target(%dma_start3A_80 : memref<10112x128xf32, #tpu.memory_space<vmem_shared>>) offsets(%arg10 : memref<128xi32, #tpu.memory_space<vmem>>) semaphore(%run_scoped3A : memref<!tpu.dma_semaphore, #tpu.memory_space<semaphore_mem>>) {add = true}
        %dma_wait3A_81 = arith.constant 0 : i32
        %dma_wait3A_82 = arith.constant 0 : i32
        %dma_wait3A_83 = tpu.memref_slice %arg14[%dma_wait3A_81, %dma_wait3A_82] : memref<10112x128xf32, #tpu.memory_space<vmem_shared>> -> memref<10112x128xf32, #tpu.memory_space<vmem_shared>>
        tpu.wait_indirect_dma semaphore(%run_scoped3A : memref<!tpu.dma_semaphore, #tpu.memory_space<semaphore_mem>>) src(%arg11 : memref<128x128xf32, #tpu.memory_space<vmem>>) dst(%dma_wait3A_83 : memref<10112x128xf32, #tpu.memory_space<vmem_shared>>)
        tpu.yield
      }) : () -> ()
    }
    %scan3A_55 = arith.constant 84 : i32
    %barrier3A_56 = arith.constant 0 : index
    tpu.barrier barrier_id(%barrier3A_56)
    "tpu.region"() ({
      %run_scoped3A = tpu.sem_alloc : memref<!tpu.dma_semaphore, #tpu.memory_space<semaphore_mem>>
      %dma_start3A = arith.constant 0 : i32
      %dma_start3A_57 = tpu.memref_slice %arg8[%arg0, %mul3A_0, %dma_start3A] : memref<2x10112x128xf32, #tpu.memory_space<hbm>> -> memref<1x632x128xf32, #tpu.memory_space<hbm>>
      %dma_start3A_58 = tpu.memref_squeeze %dma_start3A_57 : memref<1x632x128xf32, #tpu.memory_space<hbm>> -> memref<632x128xf32, #tpu.memory_space<hbm>>
      %dma_start3A_59 = arith.constant 0 : i32
      %dma_start3A_60 = tpu.memref_slice %arg14[%mul3A_0, %dma_start3A_59] : memref<10112x128xf32, #tpu.memory_space<vmem_shared>> -> memref<632x128xf32, #tpu.memory_space<vmem_shared>>
      tpu.enqueue_dma source(%dma_start3A_60 : memref<632x128xf32, #tpu.memory_space<vmem_shared>>) target(%dma_start3A_58 : memref<632x128xf32, #tpu.memory_space<hbm>>) target_semaphore(%run_scoped3A : memref<!tpu.dma_semaphore, #tpu.memory_space<semaphore_mem>>)
      %dma_wait3A = arith.constant 0 : i32
      %dma_wait3A_61 = tpu.memref_slice %arg8[%arg0, %mul3A_0, %dma_wait3A] : memref<2x10112x128xf32, #tpu.memory_space<hbm>> -> memref<1x632x128xf32, #tpu.memory_space<hbm>>
      %dma_wait3A_62 = tpu.memref_squeeze %dma_wait3A_61 : memref<1x632x128xf32, #tpu.memory_space<hbm>> -> memref<632x128xf32, #tpu.memory_space<hbm>>
      %dma_wait3A_63 = arith.constant 0 : i32
      %dma_wait3A_64 = tpu.memref_slice %arg14[%mul3A_0, %dma_wait3A_63] : memref<10112x128xf32, #tpu.memory_space<vmem_shared>> -> memref<632x128xf32, #tpu.memory_space<vmem_shared>>
      tpu.wait_dma2 semaphore(%run_scoped3A : memref<!tpu.dma_semaphore, #tpu.memory_space<semaphore_mem>>) src(%dma_wait3A_64 : memref<632x128xf32, #tpu.memory_space<vmem_shared>>) dst(%dma_wait3A_62 : memref<632x128xf32, #tpu.memory_space<hbm>>)
      tpu.yield
    }) : () -> ()
    return
  }
}

#map = affine_map<(d0, d1) -> (0, 0)>
#map1 = affine_map<(d0, d1) -> (0)>
#map2 = affine_map<(d0, d1) -> (0, 0, 0)>
module attributes {stable_mosaic.version = 14 : i64} {
  func.func @k(%arg0: i32, %arg1: i32, %arg2: memref<10112x128xf32, #tpu.memory_space<hbm>>, %arg3: memref<163840xi32, #tpu.memory_space<hbm>>, %arg4: memref<163840xi32, #tpu.memory_space<hbm>>, %arg5: memref<10112x128xf32, #tpu.memory_space<hbm>>, %arg6: memref<2x10112x128xf32, #tpu.memory_space<hbm>>, %arg7: memref<128xi32, #tpu.memory_space<vmem>>, %arg8: memref<128xi32, #tpu.memory_space<vmem>>, %arg9: memref<128x128xf32, #tpu.memory_space<vmem>>, %arg10: memref<10112x128xf32, #tpu.memory_space<vmem_shared>>, %arg11: memref<!tpu.dma_semaphore, #tpu.memory_space<semaphore_mem>>) attributes {dimension_semantics = [#tpu.dimension_semantics<core_parallel>, #tpu.dimension_semantics<subcore_parallel>], iteration_bounds = array<i64: 2, 16>, scalar_prefetch = 0 : i64, scratch_operands = 5 : i64, tpu.core_type = #tpu.core_type<sc_vector_subcore>, window_params = [{transform_indices = #map}, {transform_indices = #map1}, {transform_indices = #map1}, {transform_indices = #map}, {transform_indices = #map2}]} {
    %mul3A = arith.constant 16 : i32
    %mul3A_0 = arith.muli %arg0, %mul3A : i32
    %add3A = arith.addi %mul3A_0, %arg1 : i32
    %mul3A_1 = arith.constant 632 : i32
    %mul3A_2 = arith.muli %arg1, %mul3A_1 : i32
    "tpu.region"() ({
      %run_scoped3A = tpu.sem_alloc : memref<!tpu.dma_semaphore, #tpu.memory_space<semaphore_mem>>
      %dma_start3A = arith.constant 0 : i32
      %dma_start3A_9 = tpu.memref_slice %arg10[%mul3A_2, %dma_start3A] : memref<10112x128xf32, #tpu.memory_space<vmem_shared>> -> memref<632x128xf32, #tpu.memory_space<vmem_shared>>
      %dma_start3A_10 = arith.constant 0 : i32
      %dma_start3A_11 = tpu.memref_slice %arg5[%mul3A_2, %dma_start3A_10] : memref<10112x128xf32, #tpu.memory_space<hbm>> -> memref<632x128xf32, #tpu.memory_space<hbm>>
      tpu.enqueue_dma source(%dma_start3A_11 : memref<632x128xf32, #tpu.memory_space<hbm>>) target(%dma_start3A_9 : memref<632x128xf32, #tpu.memory_space<vmem_shared>>) target_semaphore(%run_scoped3A : memref<!tpu.dma_semaphore, #tpu.memory_space<semaphore_mem>>)
      %dma_wait3A = arith.constant 0 : i32
      %dma_wait3A_12 = tpu.memref_slice %arg10[%mul3A_2, %dma_wait3A] : memref<10112x128xf32, #tpu.memory_space<vmem_shared>> -> memref<632x128xf32, #tpu.memory_space<vmem_shared>>
      %dma_wait3A_13 = arith.constant 0 : i32
      %dma_wait3A_14 = tpu.memref_slice %arg5[%mul3A_2, %dma_wait3A_13] : memref<10112x128xf32, #tpu.memory_space<hbm>> -> memref<632x128xf32, #tpu.memory_space<hbm>>
      tpu.wait_dma2 semaphore(%run_scoped3A : memref<!tpu.dma_semaphore, #tpu.memory_space<semaphore_mem>>) src(%dma_wait3A_14 : memref<632x128xf32, #tpu.memory_space<hbm>>) dst(%dma_wait3A_12 : memref<632x128xf32, #tpu.memory_space<vmem_shared>>)
      tpu.yield
    }) : () -> ()
    %barrier3A = arith.constant 0 : index
    tpu.barrier barrier_id(%barrier3A)
    %scan3A = arith.constant 0 : i32
    %scan3A_3 = arith.constant 0 : i32
    %scan3A_4 = arith.constant 40 : i32
    %scan3A_5 = arith.addi %scan3A_3, %scan3A_4 : i32
    %scan3A_6 = arith.constant 1 : i32
    scf.for %scan3A_9 = %scan3A_3 to %scan3A_5 step %scan3A_6  : i32 {
      %mul3A_10 = arith.constant 40 : i32
      %mul3A_11 = arith.muli %add3A, %mul3A_10 : i32
      %add3A_12 = arith.addi %mul3A_11, %scan3A_9 : i32
      %mul3A_13 = arith.constant 128 : i32
      %mul3A_14 = arith.muli %add3A_12, %mul3A_13 : i32
      "tpu.region"() ({
        %run_scoped3A = tpu.sem_alloc : memref<!tpu.dma_semaphore, #tpu.memory_space<semaphore_mem>>
        %dma_start3A_19 = tpu.memref_slice %arg3[%mul3A_14] : memref<163840xi32, #tpu.memory_space<hbm>> -> memref<128xi32, #tpu.memory_space<hbm>>
        %dma_start3A_20 = tpu.memref_slice %arg3[%mul3A_14] : memref<163840xi32, #tpu.memory_space<hbm>> -> memref<128xi32, #tpu.memory_space<hbm>>
        tpu.enqueue_dma source(%dma_start3A_20 : memref<128xi32, #tpu.memory_space<hbm>>) target(%arg7 : memref<128xi32, #tpu.memory_space<vmem>>) target_semaphore(%run_scoped3A : memref<!tpu.dma_semaphore, #tpu.memory_space<semaphore_mem>>)
        %dma_wait3A_21 = tpu.memref_slice %arg3[%mul3A_14] : memref<163840xi32, #tpu.memory_space<hbm>> -> memref<128xi32, #tpu.memory_space<hbm>>
        %dma_wait3A_22 = tpu.memref_slice %arg3[%mul3A_14] : memref<163840xi32, #tpu.memory_space<hbm>> -> memref<128xi32, #tpu.memory_space<hbm>>
        tpu.wait_dma2 semaphore(%run_scoped3A : memref<!tpu.dma_semaphore, #tpu.memory_space<semaphore_mem>>) src(%dma_wait3A_22 : memref<128xi32, #tpu.memory_space<hbm>>) dst(%arg7 : memref<128xi32, #tpu.memory_space<vmem>>)
        tpu.yield
      }) : () -> ()
      "tpu.region"() ({
        %run_scoped3A = tpu.sem_alloc : memref<!tpu.dma_semaphore, #tpu.memory_space<semaphore_mem>>
        %dma_start3A_19 = tpu.memref_slice %arg4[%mul3A_14] : memref<163840xi32, #tpu.memory_space<hbm>> -> memref<128xi32, #tpu.memory_space<hbm>>
        %dma_start3A_20 = tpu.memref_slice %arg4[%mul3A_14] : memref<163840xi32, #tpu.memory_space<hbm>> -> memref<128xi32, #tpu.memory_space<hbm>>
        tpu.enqueue_dma source(%dma_start3A_20 : memref<128xi32, #tpu.memory_space<hbm>>) target(%arg8 : memref<128xi32, #tpu.memory_space<vmem>>) target_semaphore(%run_scoped3A : memref<!tpu.dma_semaphore, #tpu.memory_space<semaphore_mem>>)
        %dma_wait3A_21 = tpu.memref_slice %arg4[%mul3A_14] : memref<163840xi32, #tpu.memory_space<hbm>> -> memref<128xi32, #tpu.memory_space<hbm>>
        %dma_wait3A_22 = tpu.memref_slice %arg4[%mul3A_14] : memref<163840xi32, #tpu.memory_space<hbm>> -> memref<128xi32, #tpu.memory_space<hbm>>
        tpu.wait_dma2 semaphore(%run_scoped3A : memref<!tpu.dma_semaphore, #tpu.memory_space<semaphore_mem>>) src(%dma_wait3A_22 : memref<128xi32, #tpu.memory_space<hbm>>) dst(%arg8 : memref<128xi32, #tpu.memory_space<vmem>>)
        tpu.yield
      }) : () -> ()
      %dma_start3A = arith.constant 0 : i32
      %dma_start3A_15 = arith.constant 0 : i32
      %dma_start3A_16 = tpu.memref_slice %arg2[%dma_start3A, %dma_start3A_15] : memref<10112x128xf32, #tpu.memory_space<hbm>> -> memref<10112x128xf32, #tpu.memory_space<hbm>>
      tpu.enqueue_indirect_dma source(%dma_start3A_16 : memref<10112x128xf32, #tpu.memory_space<hbm>>) target(%arg9 : memref<128x128xf32, #tpu.memory_space<vmem>>) offsets(%arg7 : memref<128xi32, #tpu.memory_space<vmem>>) semaphore(%arg11 : memref<!tpu.dma_semaphore, #tpu.memory_space<semaphore_mem>>)
      %dma_wait3A = arith.constant 0 : i32
      %dma_wait3A_17 = arith.constant 0 : i32
      %dma_wait3A_18 = tpu.memref_slice %arg2[%dma_wait3A, %dma_wait3A_17] : memref<10112x128xf32, #tpu.memory_space<hbm>> -> memref<10112x128xf32, #tpu.memory_space<hbm>>
      tpu.wait_indirect_dma semaphore(%arg11 : memref<!tpu.dma_semaphore, #tpu.memory_space<semaphore_mem>>) src(%dma_wait3A_18 : memref<10112x128xf32, #tpu.memory_space<hbm>>) dst(%arg9 : memref<128x128xf32, #tpu.memory_space<vmem>>)
      "tpu.region"() ({
        %run_scoped3A = tpu.sem_alloc : memref<!tpu.dma_semaphore, #tpu.memory_space<semaphore_mem>>
        %dma_start3A_19 = arith.constant 0 : i32
        %dma_start3A_20 = arith.constant 0 : i32
        %dma_start3A_21 = tpu.memref_slice %arg10[%dma_start3A_19, %dma_start3A_20] : memref<10112x128xf32, #tpu.memory_space<vmem_shared>> -> memref<10112x128xf32, #tpu.memory_space<vmem_shared>>
        tpu.enqueue_indirect_dma source(%arg9 : memref<128x128xf32, #tpu.memory_space<vmem>>) target(%dma_start3A_21 : memref<10112x128xf32, #tpu.memory_space<vmem_shared>>) offsets(%arg8 : memref<128xi32, #tpu.memory_space<vmem>>) semaphore(%run_scoped3A : memref<!tpu.dma_semaphore, #tpu.memory_space<semaphore_mem>>) {add = true}
        %dma_wait3A_22 = arith.constant 0 : i32
        %dma_wait3A_23 = arith.constant 0 : i32
        %dma_wait3A_24 = tpu.memref_slice %arg10[%dma_wait3A_22, %dma_wait3A_23] : memref<10112x128xf32, #tpu.memory_space<vmem_shared>> -> memref<10112x128xf32, #tpu.memory_space<vmem_shared>>
        tpu.wait_indirect_dma semaphore(%run_scoped3A : memref<!tpu.dma_semaphore, #tpu.memory_space<semaphore_mem>>) src(%arg9 : memref<128x128xf32, #tpu.memory_space<vmem>>) dst(%dma_wait3A_24 : memref<10112x128xf32, #tpu.memory_space<vmem_shared>>)
        tpu.yield
      }) : () -> ()
    }
    %scan3A_7 = arith.constant 40 : i32
    %barrier3A_8 = arith.constant 0 : index
    tpu.barrier barrier_id(%barrier3A_8)
    "tpu.region"() ({
      %run_scoped3A = tpu.sem_alloc : memref<!tpu.dma_semaphore, #tpu.memory_space<semaphore_mem>>
      %dma_start3A = arith.constant 0 : i32
      %dma_start3A_9 = tpu.memref_slice %arg6[%arg0, %mul3A_2, %dma_start3A] : memref<2x10112x128xf32, #tpu.memory_space<hbm>> -> memref<1x632x128xf32, #tpu.memory_space<hbm>>
      %dma_start3A_10 = tpu.memref_squeeze %dma_start3A_9 : memref<1x632x128xf32, #tpu.memory_space<hbm>> -> memref<632x128xf32, #tpu.memory_space<hbm>>
      %dma_start3A_11 = arith.constant 0 : i32
      %dma_start3A_12 = tpu.memref_slice %arg10[%mul3A_2, %dma_start3A_11] : memref<10112x128xf32, #tpu.memory_space<vmem_shared>> -> memref<632x128xf32, #tpu.memory_space<vmem_shared>>
      tpu.enqueue_dma source(%dma_start3A_12 : memref<632x128xf32, #tpu.memory_space<vmem_shared>>) target(%dma_start3A_10 : memref<632x128xf32, #tpu.memory_space<hbm>>) target_semaphore(%run_scoped3A : memref<!tpu.dma_semaphore, #tpu.memory_space<semaphore_mem>>)
      %dma_wait3A = arith.constant 0 : i32
      %dma_wait3A_13 = tpu.memref_slice %arg6[%arg0, %mul3A_2, %dma_wait3A] : memref<2x10112x128xf32, #tpu.memory_space<hbm>> -> memref<1x632x128xf32, #tpu.memory_space<hbm>>
      %dma_wait3A_14 = tpu.memref_squeeze %dma_wait3A_13 : memref<1x632x128xf32, #tpu.memory_space<hbm>> -> memref<632x128xf32, #tpu.memory_space<hbm>>
      %dma_wait3A_15 = arith.constant 0 : i32
      %dma_wait3A_16 = tpu.memref_slice %arg10[%mul3A_2, %dma_wait3A_15] : memref<10112x128xf32, #tpu.memory_space<vmem_shared>> -> memref<632x128xf32, #tpu.memory_space<vmem_shared>>
      tpu.wait_dma2 semaphore(%run_scoped3A : memref<!tpu.dma_semaphore, #tpu.memory_space<semaphore_mem>>) src(%dma_wait3A_16 : memref<632x128xf32, #tpu.memory_space<vmem_shared>>) dst(%dma_wait3A_14 : memref<632x128xf32, #tpu.memory_space<hbm>>)
      tpu.yield
    }) : () -> ()
    return
  }
}

module attributes {stable_mosaic.version = 14 : i64} {
  func.func @_mpnn_pre(%arg0: memref<10112x8xf32, #tpu.memory_space<vmem>>, %arg1: memref<8x16xf32, #tpu.memory_space<vmem>>, %arg2: memref<1x16xf32, #tpu.memory_space<vmem>>, %arg3: memref<10112x128xf32, #tpu.memory_space<vmem>>) attributes {dimension_semantics = [], scalar_prefetch = 0 : i64, scratch_operands = 0 : i64, tpu.core_type = #tpu.core_type<tc>} {
    %get3A = arith.constant 0 : index
    %get3A_0 = arith.constant 0 : index
    %get3A_1 = vector.load %arg0[%get3A, %get3A_0] : memref<10112x8xf32, #tpu.memory_space<vmem>>, vector<10112x8xf32>
    %get3A_2 = arith.constant 0 : index
    %get3A_3 = arith.constant 0 : index
    %get3A_4 = vector.load %arg1[%get3A_2, %get3A_3] : memref<8x16xf32, #tpu.memory_space<vmem>>, vector<8x16xf32>
    %dot_general3A = arith.constant dense<0.000000e+00> : vector<10112x16xf32>
    %dot_general3A_5 = tpu.matmul %get3A_1, %get3A_4, %dot_general3A {dimension_numbers = #tpu.dot_dimension_numbers<[1], [0], [0], [1], [0, 0, 1, 1], [], []>, precision = #tpu.contract_precision<fp32>, transpose_lhs_hint = false} : vector<10112x8xf32>, vector<8x16xf32>, vector<10112x16xf32> -> vector<10112x16xf32>
    %get3A_6 = arith.constant 0 : index
    %get3A_7 = arith.constant 0 : index
    %get3A_8 = vector.load %arg2[%get3A_6, %get3A_7] : memref<1x16xf32, #tpu.memory_space<vmem>>, vector<1x16xf32>
    %add3A = vector.broadcast %get3A_8 : vector<1x16xf32> to vector<10112x16xf32>
    %add3A_9 = arith.addf %dot_general3A_5, %add3A : vector<10112x16xf32>
    %broadcast_in_dim3A = arith.constant 1.000000e+00 : f32
    %broadcast_in_dim3A_10 = vector.broadcast %broadcast_in_dim3A : f32 to vector<10112x1xf32>
    %broadcast_in_dim3A_11 = arith.constant 0.000000e+00 : f32
    %broadcast_in_dim3A_12 = vector.broadcast %broadcast_in_dim3A_11 : f32 to vector<10112x111xf32>
    %concatenate3A = tpu.concatenate %add3A_9, %broadcast_in_dim3A_10, %broadcast_in_dim3A_12 in 1 : vector<10112x16xf32>, vector<10112x1xf32>, vector<10112x111xf32> -> vector<10112x128xf32>
    %swap3A = arith.constant 0 : index
    %swap3A_13 = arith.constant 0 : index
    %swap3A_14 = vector.load %arg3[%swap3A, %swap3A_13] : memref<10112x128xf32, #tpu.memory_space<vmem>>, vector<10112x128xf32>
    tpu.vector_store %arg3[%swap3A, %swap3A_13], %concatenate3A {strides = array<i32>} : memref<10112x128xf32, #tpu.memory_space<vmem>>, vector<10112x128xf32>,
    return
  }
}

module attributes {stable_mosaic.version = 14 : i64} {
  func.func @_mpnn_update(%arg0: i32, %arg1: memref<2x2528x128xf32, #tpu.memory_space<vmem>>, %arg2: memref<2528x128xf32, #tpu.memory_space<vmem>>, %arg3: memref<32x16xf32, #tpu.memory_space<vmem>>, %arg4: memref<1x16xf32, #tpu.memory_space<vmem>>, %arg5: memref<16x128xf32, #tpu.memory_space<vmem>>, %arg6: memref<16x128xf32, #tpu.memory_space<vmem>>, %arg7: memref<2528x16xf32, #tpu.memory_space<vmem>>, %arg8: memref<2528x128xf32, #tpu.memory_space<vmem>>, %arg9: memref<2528x128xf32, #tpu.memory_space<vmem>>, %arg10: memref<2528x1xf32, #tpu.memory_space<vmem>>) attributes {dimension_semantics = [#tpu.dimension_semantics<arbitrary>], iteration_bounds = array<i64: 4>, scalar_prefetch = 0 : i64, scratch_operands = 0 : i64, tpu.core_type = #tpu.core_type<tc>, window_params = [{transform_indices = @transform_0, window_bounds = array<i64: 2, 2528, 128>}, {transform_indices = @transform_1, window_bounds = array<i64: 2528, 128>}, {pipeline_mode = #tpu.pipeline_mode<synchronous>, transform_indices = @transform_2, window_bounds = array<i64: 32, 16>}, {pipeline_mode = #tpu.pipeline_mode<synchronous>, transform_indices = @transform_3, window_bounds = array<i64: 1, 16>}, {pipeline_mode = #tpu.pipeline_mode<synchronous>, transform_indices = @transform_4, window_bounds = array<i64: 16, 128>}, {pipeline_mode = #tpu.pipeline_mode<synchronous>, transform_indices = @transform_5, window_bounds = array<i64: 16, 128>}, {transform_indices = @transform_6, window_bounds = array<i64: 2528, 16>}, {transform_indices = @transform_7, window_bounds = array<i64: 2528, 128>}, {transform_indices = @transform_8, window_bounds = array<i64: 2528, 128>}, {transform_indices = @transform_9, window_bounds = array<i64: 2528, 1>}]} {
    %get3A = arith.constant 0 : index
    %get3A_0 = arith.constant 0 : index
    %get3A_1 = arith.constant 0 : index
    %get3A_2 = vector.load %arg1[%get3A, %get3A_0, %get3A_1] : memref<2x2528x128xf32, #tpu.memory_space<vmem>>, vector<1x2528x128xf32>
    %get3A_3 = vector.shape_cast %get3A_2 : vector<1x2528x128xf32> to vector<2528x128xf32>
    %get3A_4 = arith.constant 1 : index
    %get3A_5 = arith.constant 0 : index
    %get3A_6 = arith.constant 0 : index
    %get3A_7 = vector.load %arg1[%get3A_4, %get3A_5, %get3A_6] : memref<2x2528x128xf32, #tpu.memory_space<vmem>>, vector<1x2528x128xf32>
    %get3A_8 = vector.shape_cast %get3A_7 : vector<1x2528x128xf32> to vector<2528x128xf32>
    %add3A = arith.addf %get3A_3, %get3A_8 : vector<2528x128xf32>
    %get3A_9 = arith.constant 0 : index
    %get3A_10 = arith.constant 0 : index
    %get3A_11 = vector.load %arg2[%get3A_9, %get3A_10] : memref<2528x128xf32, #tpu.memory_space<vmem>>, vector<2528x16xf32>
    %slice3A = vector.extract_strided_slice %add3A {offsets = [0, 0], sizes = [2528, 16], strides = [1, 1]} : vector<2528x128xf32> to vector<2528x16xf32>
    %concatenate3A = tpu.concatenate %get3A_11, %slice3A in 1 : vector<2528x16xf32>, vector<2528x16xf32> -> vector<2528x32xf32>
    %get3A_12 = arith.constant 0 : index
    %get3A_13 = arith.constant 0 : index
    %get3A_14 = vector.load %arg3[%get3A_12, %get3A_13] : memref<32x16xf32, #tpu.memory_space<vmem>>, vector<32x16xf32>
    %dot_general3A = arith.constant dense<0.000000e+00> : vector<2528x16xf32>
    %dot_general3A_15 = tpu.matmul %concatenate3A, %get3A_14, %dot_general3A {dimension_numbers = #tpu.dot_dimension_numbers<[1], [0], [0], [1], [0, 0, 1, 1], [], []>, precision = #tpu.contract_precision<fp32>, transpose_lhs_hint = false} : vector<2528x32xf32>, vector<32x16xf32>, vector<2528x16xf32> -> vector<2528x16xf32>
    %get3A_16 = arith.constant 0 : index
    %get3A_17 = arith.constant 0 : index
    %get3A_18 = vector.load %arg4[%get3A_16, %get3A_17] : memref<1x16xf32, #tpu.memory_space<vmem>>, vector<1x16xf32>
    %add3A_19 = vector.broadcast %get3A_18 : vector<1x16xf32> to vector<2528x16xf32>
    %add3A_20 = arith.addf %dot_general3A_15, %add3A_19 : vector<2528x16xf32>
    %mul3A = arith.constant 1.000000e-01 : f32
    %mul3A_21 = vector.broadcast %mul3A : f32 to vector<2528x16xf32>
    %mul3A_22 = arith.mulf %mul3A_21, %add3A_20 : vector<2528x16xf32>
    %max3A = arith.maximumf %add3A_20, %mul3A_22 : vector<2528x16xf32>
    %max3A_23 = arith.constant 0.000000e+00 : f32
    %max3A_24 = vector.broadcast %max3A_23 : f32 to vector<2528x16xf32>
    %max3A_25 = arith.maximumf %max3A, %max3A_24 : vector<2528x16xf32>
    %swap3A = arith.constant 0 : index
    %swap3A_26 = arith.constant 0 : index
    %swap3A_27 = vector.load %arg7[%swap3A, %swap3A_26] : memref<2528x16xf32, #tpu.memory_space<vmem>>, vector<2528x16xf32>
    tpu.vector_store %arg7[%swap3A, %swap3A_26], %max3A_25 {strides = array<i32>} : memref<2528x16xf32, #tpu.memory_space<vmem>>, vector<2528x16xf32>,
    %get3A_28 = arith.constant 0 : index
    %get3A_29 = arith.constant 0 : index
    %get3A_30 = vector.load %arg5[%get3A_28, %get3A_29] : memref<16x128xf32, #tpu.memory_space<vmem>>, vector<16x128xf32>
    %dot_general3A_31 = arith.constant dense<0.000000e+00> : vector<2528x128xf32>
    %dot_general3A_32 = tpu.matmul %max3A_25, %get3A_30, %dot_general3A_31 {dimension_numbers = #tpu.dot_dimension_numbers<[1], [0], [0], [1], [0, 0, 1, 1], [], []>, precision = #tpu.contract_precision<fp32>, transpose_lhs_hint = false} : vector<2528x16xf32>, vector<16x128xf32>, vector<2528x128xf32> -> vector<2528x128xf32>
    %swap3A_33 = arith.constant 0 : index
    %swap3A_34 = arith.constant 0 : index
    %swap3A_35 = vector.load %arg8[%swap3A_33, %swap3A_34] : memref<2528x128xf32, #tpu.memory_space<vmem>>, vector<2528x128xf32>
    tpu.vector_store %arg8[%swap3A_33, %swap3A_34], %dot_general3A_32 {strides = array<i32>} : memref<2528x128xf32, #tpu.memory_space<vmem>>, vector<2528x128xf32>,
    %get3A_36 = arith.constant 0 : index
    %get3A_37 = arith.constant 0 : index
    %get3A_38 = vector.load %arg6[%get3A_36, %get3A_37] : memref<16x128xf32, #tpu.memory_space<vmem>>, vector<16x128xf32>
    %dot_general3A_39 = arith.constant dense<0.000000e+00> : vector<2528x128xf32>
    %dot_general3A_40 = tpu.matmul %max3A_25, %get3A_38, %dot_general3A_39 {dimension_numbers = #tpu.dot_dimension_numbers<[1], [0], [0], [1], [0, 0, 1, 1], [], []>, precision = #tpu.contract_precision<fp32>, transpose_lhs_hint = false} : vector<2528x16xf32>, vector<16x128xf32>, vector<2528x128xf32> -> vector<2528x128xf32>
    %swap3A_41 = arith.constant 0 : index
    %swap3A_42 = arith.constant 0 : index
    %swap3A_43 = vector.load %arg9[%swap3A_41, %swap3A_42] : memref<2528x128xf32, #tpu.memory_space<vmem>>, vector<2528x128xf32>
    tpu.vector_store %arg9[%swap3A_41, %swap3A_42], %dot_general3A_40 {strides = array<i32>} : memref<2528x128xf32, #tpu.memory_space<vmem>>, vector<2528x128xf32>,
    %slice3A_44 = vector.extract_strided_slice %add3A {offsets = [0, 16], sizes = [2528, 1], strides = [1, 1]} : vector<2528x128xf32> to vector<2528x1xf32>
    %swap3A_45 = arith.constant 0 : index
    %swap3A_46 = arith.constant 0 : index
    %swap3A_47 = vector.load %arg10[%swap3A_45, %swap3A_46] : memref<2528x1xf32, #tpu.memory_space<vmem>>, vector<2528x1xf32>
    tpu.vector_store %arg10[%swap3A_45, %swap3A_46], %slice3A_44 {strides = array<i32>} : memref<2528x1xf32, #tpu.memory_space<vmem>>, vector<2528x1xf32>,
    return
  }
  func.func @transform_0(%arg0: i32) -> (i32, i32, i32) {
    %c0_i32 = arith.constant 0 : i32
    %c0_i32_0 = arith.constant 0 : i32
    %c0_i32_1 = arith.constant 0 : i32
    return %c0_i32, %arg0, %c0_i32_0 : i32, i32, i32
  }
  func.func @transform_1(%arg0: i32) -> (i32, i32) {
    %c0_i32 = arith.constant 0 : i32
    %c0_i32_0 = arith.constant 0 : i32
    return %arg0, %c0_i32 : i32, i32
  }
  func.func @transform_2(%arg0: i32) -> (i32, i32) {
    %c0_i32 = arith.constant 0 : i32
    %c0_i32_0 = arith.constant 0 : i32
    %c0_i32_1 = arith.constant 0 : i32
    return %c0_i32, %c0_i32_0 : i32, i32
  }
  func.func @transform_3(%arg0: i32) -> (i32, i32) {
    %c0_i32 = arith.constant 0 : i32
    %c0_i32_0 = arith.constant 0 : i32
    %c0_i32_1 = arith.constant 0 : i32
    return %c0_i32, %c0_i32_0 : i32, i32
  }
  func.func @transform_4(%arg0: i32) -> (i32, i32) {
    %c0_i32 = arith.constant 0 : i32
    %c0_i32_0 = arith.constant 0 : i32
    %c0_i32_1 = arith.constant 0 : i32
    return %c0_i32, %c0_i32_0 : i32, i32
  }
  func.func @transform_5(%arg0: i32) -> (i32, i32) {
    %c0_i32 = arith.constant 0 : i32
    %c0_i32_0 = arith.constant 0 : i32
    %c0_i32_1 = arith.constant 0 : i32
    return %c0_i32, %c0_i32_0 : i32, i32
  }
  func.func @transform_6(%arg0: i32) -> (i32, i32) {
    %c0_i32 = arith.constant 0 : i32
    %c0_i32_0 = arith.constant 0 : i32
    return %arg0, %c0_i32 : i32, i32
  }
  func.func @transform_7(%arg0: i32) -> (i32, i32) {
    %c0_i32 = arith.constant 0 : i32
    %c0_i32_0 = arith.constant 0 : i32
    return %arg0, %c0_i32 : i32, i32
  }
  func.func @transform_8(%arg0: i32) -> (i32, i32) {
    %c0_i32 = arith.constant 0 : i32
    %c0_i32_0 = arith.constant 0 : i32
    return %arg0, %c0_i32 : i32, i32
  }
  func.func @transform_9(%arg0: i32) -> (i32, i32) {
    %c0_i32 = arith.constant 0 : i32
    %c0_i32_0 = arith.constant 0 : i32
    return %arg0, %c0_i32 : i32, i32
  }
}

module attributes {stable_mosaic.version = 14 : i64} {
  func.func @body(%arg0: i32, %arg1: memref<2x2528x128xf32, #tpu.memory_space<vmem>>, %arg2: memref<2528x16xf32, #tpu.memory_space<vmem>>, %arg3: memref<16x128xf32, #tpu.memory_space<vmem>>, %arg4: memref<1x128xf32, #tpu.memory_space<vmem>>, %arg5: memref<128x128xf32, #tpu.memory_space<vmem>>, %arg6: memref<128x128xf32, #tpu.memory_space<vmem>>, %arg7: memref<2528x128xf32, #tpu.memory_space<vmem>>, %arg8: memref<2528x128xf32, #tpu.memory_space<vmem>>, %arg9: memref<2528x128xf32, #tpu.memory_space<vmem>>) attributes {dimension_semantics = [#tpu.dimension_semantics<arbitrary>], iteration_bounds = array<i64: 4>, scalar_prefetch = 0 : i64, scratch_operands = 0 : i64, tpu.core_type = #tpu.core_type<tc>, window_params = [{transform_indices = @transform_0, window_bounds = array<i64: 2, 2528, 128>}, {transform_indices = @transform_1, window_bounds = array<i64: 2528, 16>}, {pipeline_mode = #tpu.pipeline_mode<synchronous>, transform_indices = @transform_2, window_bounds = array<i64: 16, 128>}, {pipeline_mode = #tpu.pipeline_mode<synchronous>, transform_indices = @transform_3, window_bounds = array<i64: 1, 128>}, {pipeline_mode = #tpu.pipeline_mode<synchronous>, transform_indices = @transform_4, window_bounds = array<i64: 128, 128>}, {pipeline_mode = #tpu.pipeline_mode<synchronous>, transform_indices = @transform_5, window_bounds = array<i64: 128, 128>}, {transform_indices = @transform_6, window_bounds = array<i64: 2528, 128>}, {transform_indices = @transform_7, window_bounds = array<i64: 2528, 128>}, {transform_indices = @transform_8, window_bounds = array<i64: 2528, 128>}]} {
    %get3A = arith.constant 0 : index
    %get3A_0 = arith.constant 0 : index
    %get3A_1 = arith.constant 0 : index
    %get3A_2 = vector.load %arg1[%get3A, %get3A_0, %get3A_1] : memref<2x2528x128xf32, #tpu.memory_space<vmem>>, vector<1x2528x128xf32>
    %get3A_3 = vector.shape_cast %get3A_2 : vector<1x2528x128xf32> to vector<2528x128xf32>
    %get3A_4 = arith.constant 1 : index
    %get3A_5 = arith.constant 0 : index
    %get3A_6 = arith.constant 0 : index
    %get3A_7 = vector.load %arg1[%get3A_4, %get3A_5, %get3A_6] : memref<2x2528x128xf32, #tpu.memory_space<vmem>>, vector<1x2528x128xf32>
    %get3A_8 = vector.shape_cast %get3A_7 : vector<1x2528x128xf32> to vector<2528x128xf32>
    %slice3A = vector.extract_strided_slice %get3A_3 {offsets = [0, 0], sizes = [2528, 64], strides = [1, 1]} : vector<2528x128xf32> to vector<2528x64xf32>
    %slice3A_9 = vector.extract_strided_slice %get3A_3 {offsets = [0, 64], sizes = [2528, 64], strides = [1, 1]} : vector<2528x128xf32> to vector<2528x64xf32>
    %add3A = arith.constant 1.000000e-16 : f32
    %add3A_10 = vector.broadcast %add3A : f32 to vector<2528x64xf32>
    %add3A_11 = arith.addf %slice3A_9, %add3A_10 : vector<2528x64xf32>
    %div3A = arith.divf %slice3A, %add3A_11 : vector<2528x64xf32>
    %slice3A_12 = vector.extract_strided_slice %get3A_8 {offsets = [0, 0], sizes = [2528, 64], strides = [1, 1]} : vector<2528x128xf32> to vector<2528x64xf32>
    %slice3A_13 = vector.extract_strided_slice %get3A_8 {offsets = [0, 64], sizes = [2528, 64], strides = [1, 1]} : vector<2528x128xf32> to vector<2528x64xf32>
    %add3A_14 = arith.constant 1.000000e-16 : f32
    %add3A_15 = vector.broadcast %add3A_14 : f32 to vector<2528x64xf32>
    %add3A_16 = arith.addf %slice3A_13, %add3A_15 : vector<2528x64xf32>
    %div3A_17 = arith.divf %slice3A_12, %add3A_16 : vector<2528x64xf32>
    %concatenate3A = tpu.concatenate %div3A, %div3A_17 in 1 : vector<2528x64xf32>, vector<2528x64xf32> -> vector<2528x128xf32>
    %get3A_18 = arith.constant 0 : index
    %get3A_19 = arith.constant 0 : index
    %get3A_20 = vector.load %arg2[%get3A_18, %get3A_19] : memref<2528x16xf32, #tpu.memory_space<vmem>>, vector<2528x16xf32>
    %get3A_21 = arith.constant 0 : index
    %get3A_22 = arith.constant 0 : index
    %get3A_23 = vector.load %arg3[%get3A_21, %get3A_22] : memref<16x128xf32, #tpu.memory_space<vmem>>, vector<16x128xf32>
    %dot_general3A = arith.constant dense<0.000000e+00> : vector<2528x128xf32>
    %dot_general3A_24 = tpu.matmul %get3A_20, %get3A_23, %dot_general3A {dimension_numbers = #tpu.dot_dimension_numbers<[1], [0], [0], [1], [0, 0, 1, 1], [], []>, precision = #tpu.contract_precision<fp32>, transpose_lhs_hint = false} : vector<2528x16xf32>, vector<16x128xf32>, vector<2528x128xf32> -> vector<2528x128xf32>
    %add3A_25 = arith.addf %concatenate3A, %dot_general3A_24 : vector<2528x128xf32>
    %get3A_26 = arith.constant 0 : index
    %get3A_27 = arith.constant 0 : index
    %get3A_28 = vector.load %arg4[%get3A_26, %get3A_27] : memref<1x128xf32, #tpu.memory_space<vmem>>, vector<1x128xf32>
    %add3A_29 = vector.broadcast %get3A_28 : vector<1x128xf32> to vector<2528x128xf32>
    %add3A_30 = arith.addf %add3A_25, %add3A_29 : vector<2528x128xf32>
    %gt3A = arith.constant 0.000000e+00 : f32
    %gt3A_31 = vector.broadcast %gt3A : f32 to vector<2528x128xf32>
    %gt3A_32 = arith.cmpf ogt, %add3A_30, %gt3A_31 : vector<2528x128xf32>
    %min3A = arith.constant 0.000000e+00 : f32
    %min3A_33 = vector.broadcast %min3A : f32 to vector<2528x128xf32>
    %min3A_34 = arith.minimumf %add3A_30, %min3A_33 : vector<2528x128xf32>
    %exp3A = math.exp %min3A_34 : vector<2528x128xf32>
    %sub3A = arith.constant 1.000000e+00 : f32
    %sub3A_35 = vector.broadcast %sub3A : f32 to vector<2528x128xf32>
    %sub3A_36 = arith.subf %exp3A, %sub3A_35 : vector<2528x128xf32>
    %select_n3A = arith.select %gt3A_32, %add3A_30, %sub3A_36 : vector<2528x128xi1>, vector<2528x128xf32>
    %swap3A = arith.constant 0 : index
    %swap3A_37 = arith.constant 0 : index
    %swap3A_38 = vector.load %arg7[%swap3A, %swap3A_37] : memref<2528x128xf32, #tpu.memory_space<vmem>>, vector<2528x128xf32>
    tpu.vector_store %arg7[%swap3A, %swap3A_37], %select_n3A {strides = array<i32>} : memref<2528x128xf32, #tpu.memory_space<vmem>>, vector<2528x128xf32>,
    %get3A_39 = arith.constant 0 : index
    %get3A_40 = arith.constant 0 : index
    %get3A_41 = vector.load %arg5[%get3A_39, %get3A_40] : memref<128x128xf32, #tpu.memory_space<vmem>>, vector<128x128xf32>
    %dot_general3A_42 = arith.constant dense<0.000000e+00> : vector<2528x128xf32>
    %dot_general3A_43 = tpu.matmul %select_n3A, %get3A_41, %dot_general3A_42 {dimension_numbers = #tpu.dot_dimension_numbers<[1], [0], [0], [1], [0, 0, 1, 1], [], []>, precision = #tpu.contract_precision<fp32>, transpose_lhs_hint = false} : vector<2528x128xf32>, vector<128x128xf32>, vector<2528x128xf32> -> vector<2528x128xf32>
    %swap3A_44 = arith.constant 0 : index
    %swap3A_45 = arith.constant 0 : index
    %swap3A_46 = vector.load %arg8[%swap3A_44, %swap3A_45] : memref<2528x128xf32, #tpu.memory_space<vmem>>, vector<2528x128xf32>
    tpu.vector_store %arg8[%swap3A_44, %swap3A_45], %dot_general3A_43 {strides = array<i32>} : memref<2528x128xf32, #tpu.memory_space<vmem>>, vector<2528x128xf32>,
    %get3A_47 = arith.constant 0 : index
    %get3A_48 = arith.constant 0 : index
    %get3A_49 = vector.load %arg6[%get3A_47, %get3A_48] : memref<128x128xf32, #tpu.memory_space<vmem>>, vector<128x128xf32>
    %dot_general3A_50 = arith.constant dense<0.000000e+00> : vector<2528x128xf32>
    %dot_general3A_51 = tpu.matmul %select_n3A, %get3A_49, %dot_general3A_50 {dimension_numbers = #tpu.dot_dimension_numbers<[1], [0], [0], [1], [0, 0, 1, 1], [], []>, precision = #tpu.contract_precision<fp32>, transpose_lhs_hint = false} : vector<2528x128xf32>, vector<128x128xf32>, vector<2528x128xf32> -> vector<2528x128xf32>
    %swap3A_52 = arith.constant 0 : index
    %swap3A_53 = arith.constant 0 : index
    %swap3A_54 = vector.load %arg9[%swap3A_52, %swap3A_53] : memref<2528x128xf32, #tpu.memory_space<vmem>>, vector<2528x128xf32>
    tpu.vector_store %arg9[%swap3A_52, %swap3A_53], %dot_general3A_51 {strides = array<i32>} : memref<2528x128xf32, #tpu.memory_space<vmem>>, vector<2528x128xf32>,
    return
  }
  func.func @transform_0(%arg0: i32) -> (i32, i32, i32) {
    %c0_i32 = arith.constant 0 : i32
    %c0_i32_0 = arith.constant 0 : i32
    %c0_i32_1 = arith.constant 0 : i32
    return %c0_i32, %arg0, %c0_i32_0 : i32, i32, i32
  }
  func.func @transform_1(%arg0: i32) -> (i32, i32) {
    %c0_i32 = arith.constant 0 : i32
    %c0_i32_0 = arith.constant 0 : i32
    return %arg0, %c0_i32 : i32, i32
  }
  func.func @transform_2(%arg0: i32) -> (i32, i32) {
    %c0_i32 = arith.constant 0 : i32
    %c0_i32_0 = arith.constant 0 : i32
    %c0_i32_1 = arith.constant 0 : i32
    return %c0_i32, %c0_i32_0 : i32, i32
  }
  func.func @transform_3(%arg0: i32) -> (i32, i32) {
    %c0_i32 = arith.constant 0 : i32
    %c0_i32_0 = arith.constant 0 : i32
    %c0_i32_1 = arith.constant 0 : i32
    return %c0_i32, %c0_i32_0 : i32, i32
  }
  func.func @transform_4(%arg0: i32) -> (i32, i32) {
    %c0_i32 = arith.constant 0 : i32
    %c0_i32_0 = arith.constant 0 : i32
    %c0_i32_1 = arith.constant 0 : i32
    return %c0_i32, %c0_i32_0 : i32, i32
  }
  func.func @transform_5(%arg0: i32) -> (i32, i32) {
    %c0_i32 = arith.constant 0 : i32
    %c0_i32_0 = arith.constant 0 : i32
    %c0_i32_1 = arith.constant 0 : i32
    return %c0_i32, %c0_i32_0 : i32, i32
  }
  func.func @transform_6(%arg0: i32) -> (i32, i32) {
    %c0_i32 = arith.constant 0 : i32
    %c0_i32_0 = arith.constant 0 : i32
    return %arg0, %c0_i32 : i32, i32
  }
  func.func @transform_7(%arg0: i32) -> (i32, i32) {
    %c0_i32 = arith.constant 0 : i32
    %c0_i32_0 = arith.constant 0 : i32
    return %arg0, %c0_i32 : i32, i32
  }
  func.func @transform_8(%arg0: i32) -> (i32, i32) {
    %c0_i32 = arith.constant 0 : i32
    %c0_i32_0 = arith.constant 0 : i32
    return %arg0, %c0_i32 : i32, i32
  }
}

module attributes {stable_mosaic.version = 14 : i64} {
  func.func @body(%arg0: i32, %arg1: memref<2x2528x128xf32, #tpu.memory_space<vmem>>, %arg2: memref<2528x128xf32, #tpu.memory_space<vmem>>, %arg3: memref<128x128xf32, #tpu.memory_space<vmem>>, %arg4: memref<1x128xf32, #tpu.memory_space<vmem>>, %arg5: memref<128x128xf32, #tpu.memory_space<vmem>>, %arg6: memref<128x128xf32, #tpu.memory_space<vmem>>, %arg7: memref<2528x128xf32, #tpu.memory_space<vmem>>, %arg8: memref<2528x128xf32, #tpu.memory_space<vmem>>, %arg9: memref<2528x128xf32, #tpu.memory_space<vmem>>) attributes {dimension_semantics = [#tpu.dimension_semantics<arbitrary>], iteration_bounds = array<i64: 4>, scalar_prefetch = 0 : i64, scratch_operands = 0 : i64, tpu.core_type = #tpu.core_type<tc>, window_params = [{transform_indices = @transform_0, window_bounds = array<i64: 2, 2528, 128>}, {transform_indices = @transform_1, window_bounds = array<i64: 2528, 128>}, {pipeline_mode = #tpu.pipeline_mode<synchronous>, transform_indices = @transform_2, window_bounds = array<i64: 128, 128>}, {pipeline_mode = #tpu.pipeline_mode<synchronous>, transform_indices = @transform_3, window_bounds = array<i64: 1, 128>}, {pipeline_mode = #tpu.pipeline_mode<synchronous>, transform_indices = @transform_4, window_bounds = array<i64: 128, 128>}, {pipeline_mode = #tpu.pipeline_mode<synchronous>, transform_indices = @transform_5, window_bounds = array<i64: 128, 128>}, {transform_indices = @transform_6, window_bounds = array<i64: 2528, 128>}, {transform_indices = @transform_7, window_bounds = array<i64: 2528, 128>}, {transform_indices = @transform_8, window_bounds = array<i64: 2528, 128>}]} {
    %get3A = arith.constant 0 : index
    %get3A_0 = arith.constant 0 : index
    %get3A_1 = arith.constant 0 : index
    %get3A_2 = vector.load %arg1[%get3A, %get3A_0, %get3A_1] : memref<2x2528x128xf32, #tpu.memory_space<vmem>>, vector<1x2528x128xf32>
    %get3A_3 = vector.shape_cast %get3A_2 : vector<1x2528x128xf32> to vector<2528x128xf32>
    %get3A_4 = arith.constant 1 : index
    %get3A_5 = arith.constant 0 : index
    %get3A_6 = arith.constant 0 : index
    %get3A_7 = vector.load %arg1[%get3A_4, %get3A_5, %get3A_6] : memref<2x2528x128xf32, #tpu.memory_space<vmem>>, vector<1x2528x128xf32>
    %get3A_8 = vector.shape_cast %get3A_7 : vector<1x2528x128xf32> to vector<2528x128xf32>
    %slice3A = vector.extract_strided_slice %get3A_3 {offsets = [0, 0], sizes = [2528, 64], strides = [1, 1]} : vector<2528x128xf32> to vector<2528x64xf32>
    %slice3A_9 = vector.extract_strided_slice %get3A_3 {offsets = [0, 64], sizes = [2528, 64], strides = [1, 1]} : vector<2528x128xf32> to vector<2528x64xf32>
    %add3A = arith.constant 1.000000e-16 : f32
    %add3A_10 = vector.broadcast %add3A : f32 to vector<2528x64xf32>
    %add3A_11 = arith.addf %slice3A_9, %add3A_10 : vector<2528x64xf32>
    %div3A = arith.divf %slice3A, %add3A_11 : vector<2528x64xf32>
    %slice3A_12 = vector.extract_strided_slice %get3A_8 {offsets = [0, 0], sizes = [2528, 64], strides = [1, 1]} : vector<2528x128xf32> to vector<2528x64xf32>
    %slice3A_13 = vector.extract_strided_slice %get3A_8 {offsets = [0, 64], sizes = [2528, 64], strides = [1, 1]} : vector<2528x128xf32> to vector<2528x64xf32>
    %add3A_14 = arith.constant 1.000000e-16 : f32
    %add3A_15 = vector.broadcast %add3A_14 : f32 to vector<2528x64xf32>
    %add3A_16 = arith.addf %slice3A_13, %add3A_15 : vector<2528x64xf32>
    %div3A_17 = arith.divf %slice3A_12, %add3A_16 : vector<2528x64xf32>
    %concatenate3A = tpu.concatenate %div3A, %div3A_17 in 1 : vector<2528x64xf32>, vector<2528x64xf32> -> vector<2528x128xf32>
    %get3A_18 = arith.constant 0 : index
    %get3A_19 = arith.constant 0 : index
    %get3A_20 = vector.load %arg2[%get3A_18, %get3A_19] : memref<2528x128xf32, #tpu.memory_space<vmem>>, vector<2528x128xf32>
    %get3A_21 = arith.constant 0 : index
    %get3A_22 = arith.constant 0 : index
    %get3A_23 = vector.load %arg3[%get3A_21, %get3A_22] : memref<128x128xf32, #tpu.memory_space<vmem>>, vector<128x128xf32>
    %dot_general3A = arith.constant dense<0.000000e+00> : vector<2528x128xf32>
    %dot_general3A_24 = tpu.matmul %get3A_20, %get3A_23, %dot_general3A {dimension_numbers = #tpu.dot_dimension_numbers<[1], [0], [0], [1], [0, 0, 1, 1], [], []>, precision = #tpu.contract_precision<fp32>, transpose_lhs_hint = false} : vector<2528x128xf32>, vector<128x128xf32>, vector<2528x128xf32> -> vector<2528x128xf32>
    %add3A_25 = arith.addf %concatenate3A, %dot_general3A_24 : vector<2528x128xf32>
    %get3A_26 = arith.constant 0 : index
    %get3A_27 = arith.constant 0 : index
    %get3A_28 = vector.load %arg4[%get3A_26, %get3A_27] : memref<1x128xf32, #tpu.memory_space<vmem>>, vector<1x128xf32>
    %add3A_29 = vector.broadcast %get3A_28 : vector<1x128xf32> to vector<2528x128xf32>
    %add3A_30 = arith.addf %add3A_25, %add3A_29 : vector<2528x128xf32>
    %mul3A = arith.constant 0.00999999977 : f32
    %mul3A_31 = vector.broadcast %mul3A : f32 to vector<2528x128xf32>
    %mul3A_32 = arith.mulf %mul3A_31, %add3A_30 : vector<2528x128xf32>
    %max3A = arith.maximumf %add3A_30, %mul3A_32 : vector<2528x128xf32>
    %swap3A = arith.constant 0 : index
    %swap3A_33 = arith.constant 0 : index
    %swap3A_34 = vector.load %arg7[%swap3A, %swap3A_33] : memref<2528x128xf32, #tpu.memory_space<vmem>>, vector<2528x128xf32>
    tpu.vector_store %arg7[%swap3A, %swap3A_33], %max3A {strides = array<i32>} : memref<2528x128xf32, #tpu.memory_space<vmem>>, vector<2528x128xf32>,
    %get3A_35 = arith.constant 0 : index
    %get3A_36 = arith.constant 0 : index
    %get3A_37 = vector.load %arg5[%get3A_35, %get3A_36] : memref<128x128xf32, #tpu.memory_space<vmem>>, vector<128x128xf32>
    %dot_general3A_38 = arith.constant dense<0.000000e+00> : vector<2528x128xf32>
    %dot_general3A_39 = tpu.matmul %max3A, %get3A_37, %dot_general3A_38 {dimension_numbers = #tpu.dot_dimension_numbers<[1], [0], [0], [1], [0, 0, 1, 1], [], []>, precision = #tpu.contract_precision<fp32>, transpose_lhs_hint = false} : vector<2528x128xf32>, vector<128x128xf32>, vector<2528x128xf32> -> vector<2528x128xf32>
    %swap3A_40 = arith.constant 0 : index
    %swap3A_41 = arith.constant 0 : index
    %swap3A_42 = vector.load %arg8[%swap3A_40, %swap3A_41] : memref<2528x128xf32, #tpu.memory_space<vmem>>, vector<2528x128xf32>
    tpu.vector_store %arg8[%swap3A_40, %swap3A_41], %dot_general3A_39 {strides = array<i32>} : memref<2528x128xf32, #tpu.memory_space<vmem>>, vector<2528x128xf32>,
    %get3A_43 = arith.constant 0 : index
    %get3A_44 = arith.constant 0 : index
    %get3A_45 = vector.load %arg6[%get3A_43, %get3A_44] : memref<128x128xf32, #tpu.memory_space<vmem>>, vector<128x128xf32>
    %dot_general3A_46 = arith.constant dense<0.000000e+00> : vector<2528x128xf32>
    %dot_general3A_47 = tpu.matmul %max3A, %get3A_45, %dot_general3A_46 {dimension_numbers = #tpu.dot_dimension_numbers<[1], [0], [0], [1], [0, 0, 1, 1], [], []>, precision = #tpu.contract_precision<fp32>, transpose_lhs_hint = false} : vector<2528x128xf32>, vector<128x128xf32>, vector<2528x128xf32> -> vector<2528x128xf32>
    %swap3A_48 = arith.constant 0 : index
    %swap3A_49 = arith.constant 0 : index
    %swap3A_50 = vector.load %arg9[%swap3A_48, %swap3A_49] : memref<2528x128xf32, #tpu.memory_space<vmem>>, vector<2528x128xf32>
    tpu.vector_store %arg9[%swap3A_48, %swap3A_49], %dot_general3A_47 {strides = array<i32>} : memref<2528x128xf32, #tpu.memory_space<vmem>>, vector<2528x128xf32>,
    return
  }
  func.func @transform_0(%arg0: i32) -> (i32, i32, i32) {
    %c0_i32 = arith.constant 0 : i32
    %c0_i32_0 = arith.constant 0 : i32
    %c0_i32_1 = arith.constant 0 : i32
    return %c0_i32, %arg0, %c0_i32_0 : i32, i32, i32
  }
  func.func @transform_1(%arg0: i32) -> (i32, i32) {
    %c0_i32 = arith.constant 0 : i32
    %c0_i32_0 = arith.constant 0 : i32
    return %arg0, %c0_i32 : i32, i32
  }
  func.func @transform_2(%arg0: i32) -> (i32, i32) {
    %c0_i32 = arith.constant 0 : i32
    %c0_i32_0 = arith.constant 0 : i32
    %c0_i32_1 = arith.constant 0 : i32
    return %c0_i32, %c0_i32_0 : i32, i32
  }
  func.func @transform_3(%arg0: i32) -> (i32, i32) {
    %c0_i32 = arith.constant 0 : i32
    %c0_i32_0 = arith.constant 0 : i32
    %c0_i32_1 = arith.constant 0 : i32
    return %c0_i32, %c0_i32_0 : i32, i32
  }
  func.func @transform_4(%arg0: i32) -> (i32, i32) {
    %c0_i32 = arith.constant 0 : i32
    %c0_i32_0 = arith.constant 0 : i32
    %c0_i32_1 = arith.constant 0 : i32
    return %c0_i32, %c0_i32_0 : i32, i32
  }
  func.func @transform_5(%arg0: i32) -> (i32, i32) {
    %c0_i32 = arith.constant 0 : i32
    %c0_i32_0 = arith.constant 0 : i32
    %c0_i32_1 = arith.constant 0 : i32
    return %c0_i32, %c0_i32_0 : i32, i32
  }
  func.func @transform_6(%arg0: i32) -> (i32, i32) {
    %c0_i32 = arith.constant 0 : i32
    %c0_i32_0 = arith.constant 0 : i32
    return %arg0, %c0_i32 : i32, i32
  }
  func.func @transform_7(%arg0: i32) -> (i32, i32) {
    %c0_i32 = arith.constant 0 : i32
    %c0_i32_0 = arith.constant 0 : i32
    return %arg0, %c0_i32 : i32, i32
  }
  func.func @transform_8(%arg0: i32) -> (i32, i32) {
    %c0_i32 = arith.constant 0 : i32
    %c0_i32_0 = arith.constant 0 : i32
    return %arg0, %c0_i32 : i32, i32
  }
}

module attributes {stable_mosaic.version = 14 : i64} {
  func.func @body(%arg0: i32, %arg1: memref<2x2528x128xf32, #tpu.memory_space<vmem>>, %arg2: memref<2528x128xf32, #tpu.memory_space<vmem>>, %arg3: memref<128x128xf32, #tpu.memory_space<vmem>>, %arg4: memref<1x128xf32, #tpu.memory_space<vmem>>, %arg5: memref<2528x128xf32, #tpu.memory_space<vmem>>) attributes {dimension_semantics = [#tpu.dimension_semantics<arbitrary>], iteration_bounds = array<i64: 4>, scalar_prefetch = 0 : i64, scratch_operands = 0 : i64, tpu.core_type = #tpu.core_type<tc>, window_params = [{transform_indices = @transform_0, window_bounds = array<i64: 2, 2528, 128>}, {transform_indices = @transform_1, window_bounds = array<i64: 2528, 128>}, {pipeline_mode = #tpu.pipeline_mode<synchronous>, transform_indices = @transform_2, window_bounds = array<i64: 128, 128>}, {pipeline_mode = #tpu.pipeline_mode<synchronous>, transform_indices = @transform_3, window_bounds = array<i64: 1, 128>}, {transform_indices = @transform_4, window_bounds = array<i64: 2528, 128>}]} {
    %get3A = arith.constant 0 : index
    %get3A_0 = arith.constant 0 : index
    %get3A_1 = arith.constant 0 : index
    %get3A_2 = vector.load %arg1[%get3A, %get3A_0, %get3A_1] : memref<2x2528x128xf32, #tpu.memory_space<vmem>>, vector<1x2528x128xf32>
    %get3A_3 = vector.shape_cast %get3A_2 : vector<1x2528x128xf32> to vector<2528x128xf32>
    %get3A_4 = arith.constant 1 : index
    %get3A_5 = arith.constant 0 : index
    %get3A_6 = arith.constant 0 : index
    %get3A_7 = vector.load %arg1[%get3A_4, %get3A_5, %get3A_6] : memref<2x2528x128xf32, #tpu.memory_space<vmem>>, vector<1x2528x128xf32>
    %get3A_8 = vector.shape_cast %get3A_7 : vector<1x2528x128xf32> to vector<2528x128xf32>
    %slice3A = vector.extract_strided_slice %get3A_3 {offsets = [0, 0], sizes = [2528, 64], strides = [1, 1]} : vector<2528x128xf32> to vector<2528x64xf32>
    %slice3A_9 = vector.extract_strided_slice %get3A_3 {offsets = [0, 64], sizes = [2528, 64], strides = [1, 1]} : vector<2528x128xf32> to vector<2528x64xf32>
    %add3A = arith.constant 1.000000e-16 : f32
    %add3A_10 = vector.broadcast %add3A : f32 to vector<2528x64xf32>
    %add3A_11 = arith.addf %slice3A_9, %add3A_10 : vector<2528x64xf32>
    %div3A = arith.divf %slice3A, %add3A_11 : vector<2528x64xf32>
    %slice3A_12 = vector.extract_strided_slice %get3A_8 {offsets = [0, 0], sizes = [2528, 64], strides = [1, 1]} : vector<2528x128xf32> to vector<2528x64xf32>
    %slice3A_13 = vector.extract_strided_slice %get3A_8 {offsets = [0, 64], sizes = [2528, 64], strides = [1, 1]} : vector<2528x128xf32> to vector<2528x64xf32>
    %add3A_14 = arith.constant 1.000000e-16 : f32
    %add3A_15 = vector.broadcast %add3A_14 : f32 to vector<2528x64xf32>
    %add3A_16 = arith.addf %slice3A_13, %add3A_15 : vector<2528x64xf32>
    %div3A_17 = arith.divf %slice3A_12, %add3A_16 : vector<2528x64xf32>
    %concatenate3A = tpu.concatenate %div3A, %div3A_17 in 1 : vector<2528x64xf32>, vector<2528x64xf32> -> vector<2528x128xf32>
    %get3A_18 = arith.constant 0 : index
    %get3A_19 = arith.constant 0 : index
    %get3A_20 = vector.load %arg2[%get3A_18, %get3A_19] : memref<2528x128xf32, #tpu.memory_space<vmem>>, vector<2528x128xf32>
    %get3A_21 = arith.constant 0 : index
    %get3A_22 = arith.constant 0 : index
    %get3A_23 = vector.load %arg3[%get3A_21, %get3A_22] : memref<128x128xf32, #tpu.memory_space<vmem>>, vector<128x128xf32>
    %dot_general3A = arith.constant dense<0.000000e+00> : vector<2528x128xf32>
    %dot_general3A_24 = tpu.matmul %get3A_20, %get3A_23, %dot_general3A {dimension_numbers = #tpu.dot_dimension_numbers<[1], [0], [0], [1], [0, 0, 1, 1], [], []>, precision = #tpu.contract_precision<fp32>, transpose_lhs_hint = false} : vector<2528x128xf32>, vector<128x128xf32>, vector<2528x128xf32> -> vector<2528x128xf32>
    %add3A_25 = arith.addf %concatenate3A, %dot_general3A_24 : vector<2528x128xf32>
    %get3A_26 = arith.constant 0 : index
    %get3A_27 = arith.constant 0 : index
    %get3A_28 = vector.load %arg4[%get3A_26, %get3A_27] : memref<1x128xf32, #tpu.memory_space<vmem>>, vector<1x128xf32>
    %add3A_29 = vector.broadcast %get3A_28 : vector<1x128xf32> to vector<2528x128xf32>
    %add3A_30 = arith.addf %add3A_25, %add3A_29 : vector<2528x128xf32>
    %gt3A = arith.constant 0.000000e+00 : f32
    %gt3A_31 = vector.broadcast %gt3A : f32 to vector<2528x128xf32>
    %gt3A_32 = arith.cmpf ogt, %add3A_30, %gt3A_31 : vector<2528x128xf32>
    %min3A = arith.constant 0.000000e+00 : f32
    %min3A_33 = vector.broadcast %min3A : f32 to vector<2528x128xf32>
    %min3A_34 = arith.minimumf %add3A_30, %min3A_33 : vector<2528x128xf32>
    %exp3A = math.exp %min3A_34 : vector<2528x128xf32>
    %sub3A = arith.constant 1.000000e+00 : f32
    %sub3A_35 = vector.broadcast %sub3A : f32 to vector<2528x128xf32>
    %sub3A_36 = arith.subf %exp3A, %sub3A_35 : vector<2528x128xf32>
    %select_n3A = arith.select %gt3A_32, %add3A_30, %sub3A_36 : vector<2528x128xi1>, vector<2528x128xf32>
    %swap3A = arith.constant 0 : index
    %swap3A_37 = arith.constant 0 : index
    %swap3A_38 = vector.load %arg5[%swap3A, %swap3A_37] : memref<2528x128xf32, #tpu.memory_space<vmem>>, vector<2528x128xf32>
    tpu.vector_store %arg5[%swap3A, %swap3A_37], %select_n3A {strides = array<i32>} : memref<2528x128xf32, #tpu.memory_space<vmem>>, vector<2528x128xf32>,
    return
  }
  func.func @transform_0(%arg0: i32) -> (i32, i32, i32) {
    %c0_i32 = arith.constant 0 : i32
    %c0_i32_0 = arith.constant 0 : i32
    %c0_i32_1 = arith.constant 0 : i32
    return %c0_i32, %arg0, %c0_i32_0 : i32, i32, i32
  }
  func.func @transform_1(%arg0: i32) -> (i32, i32) {
    %c0_i32 = arith.constant 0 : i32
    %c0_i32_0 = arith.constant 0 : i32
    return %arg0, %c0_i32 : i32, i32
  }
  func.func @transform_2(%arg0: i32) -> (i32, i32) {
    %c0_i32 = arith.constant 0 : i32
    %c0_i32_0 = arith.constant 0 : i32
    %c0_i32_1 = arith.constant 0 : i32
    return %c0_i32, %c0_i32_0 : i32, i32
  }
  func.func @transform_3(%arg0: i32) -> (i32, i32) {
    %c0_i32 = arith.constant 0 : i32
    %c0_i32_0 = arith.constant 0 : i32
    %c0_i32_1 = arith.constant 0 : i32
    return %c0_i32, %c0_i32_0 : i32, i32
  }
  func.func @transform_4(%arg0: i32) -> (i32, i32) {
    %c0_i32 = arith.constant 0 : i32
    %c0_i32_0 = arith.constant 0 : i32
    return %arg0, %c0_i32 : i32, i32
  }
}

module attributes {stable_mosaic.version = 14 : i64} {
  func.func @_sage_pool(%arg0: i32, %arg1: memref<2528x128xf32, #tpu.memory_space<vmem>>, %arg2: memref<2x2528x128xf32, #tpu.memory_space<vmem>>, %arg3: memref<2528x1xf32, #tpu.memory_space<vmem>>, %arg4: memref<2528x1xi32, #tpu.memory_space<vmem>>, %arg5: memref<128x16xf32, #tpu.memory_space<vmem>>, %arg6: memref<1x16xf32, #tpu.memory_space<vmem>>, %arg7: memref<128x16xf32, #tpu.memory_space<vmem>>, %arg8: memref<16x2xf32, #tpu.memory_space<vmem>>, %arg9: memref<1x2xf32, #tpu.memory_space<vmem>>, %arg10: memref<16x2xf32, #tpu.memory_space<vmem>>, %arg11: memref<16x16xf32, #tpu.memory_space<vmem>>, %arg12: memref<16x1xf32, #tpu.memory_space<vmem>>) attributes {dimension_semantics = [#tpu.dimension_semantics<arbitrary>], iteration_bounds = array<i64: 4>, scalar_prefetch = 0 : i64, scratch_operands = 2 : i64, tpu.core_type = #tpu.core_type<tc>, window_params = [{transform_indices = @transform_0, window_bounds = array<i64: 2528, 128>}, {transform_indices = @transform_1, window_bounds = array<i64: 2, 2528, 128>}, {transform_indices = @transform_2, window_bounds = array<i64: 2528, 1>}, {transform_indices = @transform_3, window_bounds = array<i64: 2528, 1>}, {pipeline_mode = #tpu.pipeline_mode<synchronous>, transform_indices = @transform_4, window_bounds = array<i64: 128, 16>}, {pipeline_mode = #tpu.pipeline_mode<synchronous>, transform_indices = @transform_5, window_bounds = array<i64: 1, 16>}, {pipeline_mode = #tpu.pipeline_mode<synchronous>, transform_indices = @transform_6, window_bounds = array<i64: 128, 16>}, {pipeline_mode = #tpu.pipeline_mode<synchronous>, transform_indices = @transform_7, window_bounds = array<i64: 16, 2>}, {pipeline_mode = #tpu.pipeline_mode<synchronous>, transform_indices = @transform_8, window_bounds = array<i64: 1, 2>}, {pipeline_mode = #tpu.pipeline_mode<synchronous>, transform_indices = @transform_9, window_bounds = array<i64: 16, 2>}]} {
    %get3A = arith.constant 0 : index
    %get3A_0 = arith.constant 0 : index
    %get3A_1 = arith.constant 0 : index
    %get3A_2 = vector.load %arg2[%get3A, %get3A_0, %get3A_1] : memref<2x2528x128xf32, #tpu.memory_space<vmem>>, vector<1x2528x128xf32>
    %get3A_3 = vector.shape_cast %get3A_2 : vector<1x2528x128xf32> to vector<2528x128xf32>
    %get3A_4 = arith.constant 1 : index
    %get3A_5 = arith.constant 0 : index
    %get3A_6 = arith.constant 0 : index
    %get3A_7 = vector.load %arg2[%get3A_4, %get3A_5, %get3A_6] : memref<2x2528x128xf32, #tpu.memory_space<vmem>>, vector<1x2528x128xf32>
    %get3A_8 = vector.shape_cast %get3A_7 : vector<1x2528x128xf32> to vector<2528x128xf32>
    %add3A = arith.addf %get3A_3, %get3A_8 : vector<2528x128xf32>
    %get3A_9 = arith.constant 0 : index
    %get3A_10 = arith.constant 0 : index
    %get3A_11 = vector.load %arg3[%get3A_9, %get3A_10] : memref<2528x1xf32, #tpu.memory_space<vmem>>, vector<2528x1xf32>
    %max3A = arith.constant 1.000000e+00 : f32
    %max3A_12 = vector.broadcast %max3A : f32 to vector<2528x1xf32>
    %max3A_13 = arith.maximumf %get3A_11, %max3A_12 : vector<2528x1xf32>
    %div3A = vector.broadcast %max3A_13 : vector<2528x1xf32> to vector<2528x128xf32>
    %div3A_14 = arith.divf %add3A, %div3A : vector<2528x128xf32>
    %get3A_15 = arith.constant 0 : index
    %get3A_16 = arith.constant 0 : index
    %get3A_17 = vector.load %arg5[%get3A_15, %get3A_16] : memref<128x16xf32, #tpu.memory_space<vmem>>, vector<128x16xf32>
    %dot_general3A = arith.constant dense<0.000000e+00> : vector<2528x16xf32>
    %dot_general3A_18 = tpu.matmul %div3A_14, %get3A_17, %dot_general3A {dimension_numbers = #tpu.dot_dimension_numbers<[1], [0], [0], [1], [0, 0, 1, 1], [], []>, precision = #tpu.contract_precision<fp32>, transpose_lhs_hint = false} : vector<2528x128xf32>, vector<128x16xf32>, vector<2528x16xf32> -> vector<2528x16xf32>
    %get3A_19 = arith.constant 0 : index
    %get3A_20 = arith.constant 0 : index
    %get3A_21 = vector.load %arg6[%get3A_19, %get3A_20] : memref<1x16xf32, #tpu.memory_space<vmem>>, vector<1x16xf32>
    %add3A_22 = vector.broadcast %get3A_21 : vector<1x16xf32> to vector<2528x16xf32>
    %add3A_23 = arith.addf %dot_general3A_18, %add3A_22 : vector<2528x16xf32>
    %get3A_24 = arith.constant 0 : index
    %get3A_25 = arith.constant 0 : index
    %get3A_26 = vector.load %arg1[%get3A_24, %get3A_25] : memref<2528x128xf32, #tpu.memory_space<vmem>>, vector<2528x128xf32>
    %get3A_27 = arith.constant 0 : index
    %get3A_28 = arith.constant 0 : index
    %get3A_29 = vector.load %arg7[%get3A_27, %get3A_28] : memref<128x16xf32, #tpu.memory_space<vmem>>, vector<128x16xf32>
    %dot_general3A_30 = arith.constant dense<0.000000e+00> : vector<2528x16xf32>
    %dot_general3A_31 = tpu.matmul %get3A_26, %get3A_29, %dot_general3A_30 {dimension_numbers = #tpu.dot_dimension_numbers<[1], [0], [0], [1], [0, 0, 1, 1], [], []>, precision = #tpu.contract_precision<fp32>, transpose_lhs_hint = false} : vector<2528x128xf32>, vector<128x16xf32>, vector<2528x16xf32> -> vector<2528x16xf32>
    %add3A_32 = arith.addf %add3A_23, %dot_general3A_31 : vector<2528x16xf32>
    %max3A_33 = arith.constant 0.000000e+00 : f32
    %max3A_34 = vector.broadcast %max3A_33 : f32 to vector<2528x16xf32>
    %max3A_35 = arith.maximumf %add3A_32, %max3A_34 : vector<2528x16xf32>
    %get3A_36 = arith.constant 0 : index
    %get3A_37 = arith.constant 0 : index
    %get3A_38 = vector.load %arg4[%get3A_36, %get3A_37] : memref<2528x1xi32, #tpu.memory_space<vmem>>, vector<2528x1xi32>
    %iota3A = tpu.iota {dimensions = array<i32: 1>} : vector<2528x16xi32>
    %eq3A = vector.broadcast %get3A_38 : vector<2528x1xi32> to vector<2528x16xi32>
    %eq3A_39 = arith.cmpi eq, %eq3A, %iota3A : vector<2528x16xi32>
    %convert_element_type3A = arith.extui %eq3A_39 : vector<2528x16xi1> to vector<2528x16xi32>
    %convert_element_type3A_40 = arith.sitofp %convert_element_type3A : vector<2528x16xi32> to vector<2528x16xf32>
    %dot_general3A_41 = arith.constant dense<0.000000e+00> : vector<16x16xf32>
    %dot_general3A_42 = tpu.matmul %convert_element_type3A_40, %max3A_35, %dot_general3A_41 {dimension_numbers = #tpu.dot_dimension_numbers<[0], [0], [1], [1], [0, 1, 1, 1], [], []>, precision = #tpu.contract_precision<fp32>, transpose_lhs_hint = false} : vector<2528x16xf32>, vector<2528x16xf32>, vector<16x16xf32> -> vector<16x16xf32>
    %broadcast_in_dim3A = arith.constant 1.000000e+00 : f32
    %broadcast_in_dim3A_43 = vector.broadcast %broadcast_in_dim3A : f32 to vector<2528x1xf32>
    %dot_general3A_44 = arith.constant dense<0.000000e+00> : vector<16x1xf32>
    %dot_general3A_45 = tpu.matmul %convert_element_type3A_40, %broadcast_in_dim3A_43, %dot_general3A_44 {dimension_numbers = #tpu.dot_dimension_numbers<[0], [0], [1], [1], [0, 1, 1, 1], [], []>, precision = #tpu.contract_precision<fp32>, transpose_lhs_hint = false} : vector<2528x16xf32>, vector<2528x1xf32>, vector<16x1xf32> -> vector<16x1xf32>
    %eq3A_46 = arith.constant 0 : i32
    %eq3A_47 = arith.cmpi eq, %arg0, %eq3A_46 : i32
    %convert_element_type3A_48 = arith.extui %eq3A_47 : i1 to i32
    %cond3A = arith.constant 0 : i32
    %cond3A_49 = arith.cmpi ne, %convert_element_type3A_48, %cond3A : i32
    scf.if %cond3A_49 {
      %swap3A = arith.constant 0 : index
      %swap3A_59 = arith.constant 0 : index
      %swap3A_60 = vector.load %arg11[%swap3A, %swap3A_59] : memref<16x16xf32, #tpu.memory_space<vmem>>, vector<16x16xf32>
      tpu.vector_store %arg11[%swap3A, %swap3A_59], %dot_general3A_42 {strides = array<i32>} : memref<16x16xf32, #tpu.memory_space<vmem>>, vector<16x16xf32>,
      %swap3A_61 = arith.constant 0 : index
      %swap3A_62 = arith.constant 0 : index
      %swap3A_63 = vector.load %arg12[%swap3A_61, %swap3A_62] : memref<16x1xf32, #tpu.memory_space<vmem>>, vector<16x1xf32>
      tpu.vector_store %arg12[%swap3A_61, %swap3A_62], %dot_general3A_45 {strides = array<i32>} : memref<16x1xf32, #tpu.memory_space<vmem>>, vector<16x1xf32>,
    } else {
    }
    %gt3A = arith.constant 0 : i32
    %gt3A_50 = arith.cmpi sgt, %arg0, %gt3A : i32
    %convert_element_type3A_51 = arith.extui %gt3A_50 : i1 to i32
    %cond3A_52 = arith.constant 0 : i32
    %cond3A_53 = arith.cmpi ne, %convert_element_type3A_51, %cond3A_52 : i32
    scf.if %cond3A_53 {
      %get3A_59 = arith.constant 0 : index
      %get3A_60 = arith.constant 0 : index
      %get3A_61 = vector.load %arg11[%get3A_59, %get3A_60] : memref<16x16xf32, #tpu.memory_space<vmem>>, vector<16x16xf32>
      %add3A_62 = arith.addf %get3A_61, %dot_general3A_42 : vector<16x16xf32>
      %swap3A = arith.constant 0 : index
      %swap3A_63 = arith.constant 0 : index
      %swap3A_64 = vector.load %arg11[%swap3A, %swap3A_63] : memref<16x16xf32, #tpu.memory_space<vmem>>, vector<16x16xf32>
      tpu.vector_store %arg11[%swap3A, %swap3A_63], %add3A_62 {strides = array<i32>} : memref<16x16xf32, #tpu.memory_space<vmem>>, vector<16x16xf32>,
      %get3A_65 = arith.constant 0 : index
      %get3A_66 = arith.constant 0 : index
      %get3A_67 = vector.load %arg12[%get3A_65, %get3A_66] : memref<16x1xf32, #tpu.memory_space<vmem>>, vector<16x1xf32>
      %add3A_68 = arith.addf %get3A_67, %dot_general3A_45 : vector<16x1xf32>
      %swap3A_69 = arith.constant 0 : index
      %swap3A_70 = arith.constant 0 : index
      %swap3A_71 = vector.load %arg12[%swap3A_69, %swap3A_70] : memref<16x1xf32, #tpu.memory_space<vmem>>, vector<16x1xf32>
      tpu.vector_store %arg12[%swap3A_69, %swap3A_70], %add3A_68 {strides = array<i32>} : memref<16x1xf32, #tpu.memory_space<vmem>>, vector<16x1xf32>,
    } else {
    }
    %eq3A_54 = arith.constant 3 : i32
    %eq3A_55 = arith.cmpi eq, %arg0, %eq3A_54 : i32
    %convert_element_type3A_56 = arith.extui %eq3A_55 : i1 to i32
    %cond3A_57 = arith.constant 0 : i32
    %cond3A_58 = arith.cmpi ne, %convert_element_type3A_56, %cond3A_57 : i32
    scf.if %cond3A_58 {
      %get3A_59 = arith.constant 0 : index
      %get3A_60 = arith.constant 0 : index
      %get3A_61 = vector.load %arg11[%get3A_59, %get3A_60] : memref<16x16xf32, #tpu.memory_space<vmem>>, vector<16x16xf32>
      %get3A_62 = arith.constant 0 : index
      %get3A_63 = arith.constant 0 : index
      %get3A_64 = vector.load %arg12[%get3A_62, %get3A_63] : memref<16x1xf32, #tpu.memory_space<vmem>>, vector<16x1xf32>
      %max3A_65 = arith.constant 1.000000e+00 : f32
      %max3A_66 = vector.broadcast %max3A_65 : f32 to vector<16x1xf32>
      %max3A_67 = arith.maximumf %get3A_64, %max3A_66 : vector<16x1xf32>
      %div3A_68 = vector.broadcast %max3A_67 : vector<16x1xf32> to vector<16x16xf32>
      %div3A_69 = arith.divf %get3A_61, %div3A_68 : vector<16x16xf32>
      %get3A_70 = arith.constant 0 : index
      %get3A_71 = arith.constant 0 : index
      %get3A_72 = vector.load %arg8[%get3A_70, %get3A_71] : memref<16x2xf32, #tpu.memory_space<vmem>>, vector<16x2xf32>
      %dot_general3A_73 = arith.constant dense<0.000000e+00> : vector<16x2xf32>
      %dot_general3A_74 = tpu.matmul %div3A_69, %get3A_72, %dot_general3A_73 {dimension_numbers = #tpu.dot_dimension_numbers<[1], [0], [0], [1], [0, 0, 1, 1], [], []>, precision = #tpu.contract_precision<fp32>, transpose_lhs_hint = false} : vector<16x16xf32>, vector<16x2xf32>, vector<16x2xf32> -> vector<16x2xf32>
      %get3A_75 = arith.constant 0 : index
      %get3A_76 = arith.constant 0 : index
      %get3A_77 = vector.load %arg9[%get3A_75, %get3A_76] : memref<1x2xf32, #tpu.memory_space<vmem>>, vector<1x2xf32>
      %add3A_78 = vector.broadcast %get3A_77 : vector<1x2xf32> to vector<16x2xf32>
      %add3A_79 = arith.addf %dot_general3A_74, %add3A_78 : vector<16x2xf32>
      %reduce_max3A = arith.constant dense<0xFF800000> : vector<16xf32>
      %reduce_max3A_80 = vector.multi_reduction <maximumf>, %add3A_79, %reduce_max3A [1] : vector<16x2xf32> to vector<16xf32>
      %broadcast_in_dim3A_81 = vector.shape_cast %reduce_max3A_80 : vector<16xf32> to vector<16x1xf32>
      %sub3A = vector.broadcast %broadcast_in_dim3A_81 : vector<16x1xf32> to vector<16x2xf32>
      %sub3A_82 = arith.subf %add3A_79, %sub3A : vector<16x2xf32>
      %exp3A = math.exp %sub3A_82 : vector<16x2xf32>
      %reduce_sum3A = arith.constant dense<0.000000e+00> : vector<16xf32>
      %reduce_sum3A_83 = vector.multi_reduction <add>, %exp3A, %reduce_sum3A [1] : vector<16x2xf32> to vector<16xf32>
      %broadcast_in_dim3A_84 = vector.shape_cast %reduce_sum3A_83 : vector<16xf32> to vector<16x1xf32>
      %log3A = math.log %broadcast_in_dim3A_84 : vector<16x1xf32>
      %add3A_85 = arith.addf %log3A, %broadcast_in_dim3A_81 : vector<16x1xf32>
      %sub3A_86 = vector.broadcast %add3A_85 : vector<16x1xf32> to vector<16x2xf32>
      %sub3A_87 = arith.subf %add3A_79, %sub3A_86 : vector<16x2xf32>
      %swap3A = arith.constant 0 : index
      %swap3A_88 = arith.constant 0 : index
      %swap3A_89 = vector.load %arg10[%swap3A, %swap3A_88] : memref<16x2xf32, #tpu.memory_space<vmem>>, vector<16x2xf32>
      tpu.vector_store %arg10[%swap3A, %swap3A_88], %sub3A_87 {strides = array<i32>} : memref<16x2xf32, #tpu.memory_space<vmem>>, vector<16x2xf32>,
    } else {
    }
    return
  }
  func.func @transform_0(%arg0: i32) -> (i32, i32) {
    %c0_i32 = arith.constant 0 : i32
    %c0_i32_0 = arith.constant 0 : i32
    return %arg0, %c0_i32 : i32, i32
  }
  func.func @transform_1(%arg0: i32) -> (i32, i32, i32) {
    %c0_i32 = arith.constant 0 : i32
    %c0_i32_0 = arith.constant 0 : i32
    %c0_i32_1 = arith.constant 0 : i32
    return %c0_i32, %arg0, %c0_i32_0 : i32, i32, i32
  }
  func.func @transform_2(%arg0: i32) -> (i32, i32) {
    %c0_i32 = arith.constant 0 : i32
    %c0_i32_0 = arith.constant 0 : i32
    return %arg0, %c0_i32 : i32, i32
  }
  func.func @transform_3(%arg0: i32) -> (i32, i32) {
    %c0_i32 = arith.constant 0 : i32
    %c0_i32_0 = arith.constant 0 : i32
    return %arg0, %c0_i32 : i32, i32
  }
  func.func @transform_4(%arg0: i32) -> (i32, i32) {
    %c0_i32 = arith.constant 0 : i32
    %c0_i32_0 = arith.constant 0 : i32
    %c0_i32_1 = arith.constant 0 : i32
    return %c0_i32, %c0_i32_0 : i32, i32
  }
  func.func @transform_5(%arg0: i32) -> (i32, i32) {
    %c0_i32 = arith.constant 0 : i32
    %c0_i32_0 = arith.constant 0 : i32
    %c0_i32_1 = arith.constant 0 : i32
    return %c0_i32, %c0_i32_0 : i32, i32
  }
  func.func @transform_6(%arg0: i32) -> (i32, i32) {
    %c0_i32 = arith.constant 0 : i32
    %c0_i32_0 = arith.constant 0 : i32
    %c0_i32_1 = arith.constant 0 : i32
    return %c0_i32, %c0_i32_0 : i32, i32
  }
  func.func @transform_7(%arg0: i32) -> (i32, i32) {
    %c0_i32 = arith.constant 0 : i32
    %c0_i32_0 = arith.constant 0 : i32
    %c0_i32_1 = arith.constant 0 : i32
    return %c0_i32, %c0_i32_0 : i32, i32
  }
  func.func @transform_8(%arg0: i32) -> (i32, i32) {
    %c0_i32 = arith.constant 0 : i32
    %c0_i32_0 = arith.constant 0 : i32
    %c0_i32_1 = arith.constant 0 : i32
    return %c0_i32, %c0_i32_0 : i32, i32
  }
  func.func @transform_9(%arg0: i32) -> (i32, i32) {
    %c0_i32 = arith.constant 0 : i32
    %c0_i32_0 = arith.constant 0 : i32
    %c0_i32_1 = arith.constant 0 : i32
    return %c0_i32, %c0_i32_0 : i32, i32
  }
}

</mosaic_0001>

<sc_bundles>
// kernel: kernel.13.cloned.1.call-start
scs
__scs_entry_jumppad:
0x0: {  	(pc) =	sbr.rel $0x88, $3  }
0x1: {  	(tag) =	ssettag $0x0;
	lr =	simm.s32 $0x1  }
0x2: {  	[smem:$0x3F86] =	sst lr;
	_ =	strace $0xD0000000  }
0x3: {  	_ = 	snop  }
0x4: {  	_ = 	snop  }
0x5: {  	_ = 	snop  }
0x6: {  	_ = 	snop  }
0x7: {  	_ = 	snop  }
__scs_overlays_trampoline_lowered:
0x8: {  	[smem:$0x3F95] =	sst s0  }
0x9: {  	[smem:$0x3F96] =	sst s1  }
0xa: {  	[smem:$0x3F97] =	sst s2  }
0xb: {  	[smem:$0x3F98] =	sst s3  }
0xc: {  	[smem:$0x3F99] =	sst s4  }
0xd: {  	[smem:$0x3F9A] =	sst s5  }
0xe: {  	[smem:$0x3F9B] =	sst s6  }
0xf: {  	[smem:$0x3F9C] =	sst s7  }
0x10: {  	[smem:$0x3F9D] =	sst s8  }
0x11: {  	[smem:$0x3F9E] =	sst s9;
	s0 =	simm.s32 @!p0 $0x0  }
0x12: {  	s1 =	sld [smem:$0x3F84];
	s0 =	simm.s32 @p0 $0x1  }
0x13: {  	[smem:$0x3F9F] =	sst s0;
	s0 =	simm.s32 @!p1 $0x0  }
0x14: {  	s2 =	sld [smem:$0x3F83];
	s0 =	simm.s32 @p1 $0x1  }
0x15: {  	[smem:$0x3FA0] =	sst s0;
	s0 =	simm.s32 @!p2 $0x0  }
0x16: {  	s3 =	sld [smem:$0x3FDB];
	s0 =	simm.s32 @p2 $0x1  }
0x17: {  	s4 =	simm.s32 $0x1BF5;
	[smem:$0x3FA2] =	sst s0  }
0x18: {  	s0 =	sld [smem:$0x3F85];
	_ =	swait.ge [sflag:s4], $0x0  }
0x19: {  	s7 =	sld [smem:$0x3F86]  }
0x1a: {  	s8 =	sadd.s32 $0xFFFFE003, lr  }
0x1b: {  	s9 =	sadd.s32 $0xFFFFFEF7, lr;
	s5 =	simm.s32 $0xFFFFFFFF;
	p2 =	slt.u32 s8, $0xFFFFF086  }
0x1c: {  	p1 =	slt.u32 s9, $0xF7A;
	s5 =	simm.s32 @!p2 $0x0  }
0x1d: {  	s5 =	simm.s32 @p1 $0x1;
	p0 =	seq.s32 s7, s2  }
0x1e: {  	s7 =	smul.u32 @!p0 $0xF7A, s2;
	p2 =	seq.s32 @!p0 s5, $0x0  }
0x1f: {  	s9 =	smul.u32 $0xF7A, s1;
	s8 =	simm.s32 @!p0 $0x1BF5;
	p2 =	por !p2, p0  }
0x20: {  	[sflag:s8] =	ssyncset.s32 @!p0 $0xFFFFF086;
	s6 =	sadd.s32 @!p0 s3, s7;
	s7 =	simm.s32 @!p0 $0x108  }
0x21: {  	s3 =	sadd.s32 s3, s9;
	s6 =	sadd.s32 @!p0 $0x88, s6;
	s7 =	simm.s32 @p2 $0x1082  }
0x22: {  	[simem:s7], [sflag:s8] =	dma.local @!p0 [hbm:s6], $0xF7A  }
0x23: {  	s9 =	sor.u32 $0xD0000000, s2;
	s6 =	simm.s32 $0x108;
	_ =	swait.ge @!p0 [sflag:s8], $0x0  }
0x24: {  	s3 =	sadd.s32 $0x88, s3;
	s6 =	simm.s32 @!p1 $0x1082;
	[sflag:s4] =	ssyncset.s32 $0xFFFFF086  }
0x25: {  	[simem:s6], [sflag:s4] =	dma.local [hbm:s3], $0xF7A  }
0x26: {  	[smem:$0x3F86] =	sst s1;
	(tag) =	ssettag s2;
	_ =	strace s9  }
0x27: {  	s1 =	sld [smem:$0x3F96]  }
0x28: {  	s2 =	sld [smem:$0x3F97]  }
0x29: {  	s4 =	sld [smem:$0x3F99]  }
0x2a: {  	p0 =	seq.s32 s5, $0x0;
	s5 =	sld [smem:$0x3F9A]  }
0x2b: {  	s6 =	sld [smem:$0x3F9B]  }
0x2c: {  	s7 =	sld [smem:$0x3F9C]  }
0x2d: {  	s3 =	simm.s32 $0x108;
	s8 =	sld [smem:$0x3F9D]  }
0x2e: {  	s3 =	simm.s32 @!p0 $0x1082;
	s9 =	sld [smem:$0x3F9E]  }
0x2f: {  	lr =	sadd.s32 s0, s3;
	s0 =	sld [smem:$0x3F95]  }
0x30: {  	s3 =	sld [smem:$0x3F98]  }
0x31: {  	[smem:$0x3FA1] =	sst s10  }
0x32: {  	s10 =	sld [smem:$0x3F9F];
	_ =	sdelay $0x3  }
0x33: {  	p0 =	seq.s32 s10, $0x1;
	s10 =	sld [smem:$0x3FA1];
	_ =	sdelay $0x3  }
0x34: {  	[smem:$0x3FA1] =	sst s10  }
0x35: {  	s10 =	sld [smem:$0x3FA0];
	_ =	sdelay $0x3  }
0x36: {  	p1 =	seq.s32 s10, $0x1;
	s10 =	sld [smem:$0x3FA1];
	_ =	sdelay $0x3  }
0x37: {  	[smem:$0x3FA1] =	sst s10  }
0x38: {  	s10 =	sld [smem:$0x3FA2]  }
0x39: {  	_ = 	snop;
	(pc) =	sbr.ind lr, $3  }
0x3a: {  	_ = 	snop  }
0x3b: {  	_ = 	snop  }
0x3c: {  	p2 =	seq.s32 s10, $0x1;
	s10 =	sld [smem:$0x3FA1]  }
0x3d: {  	_ =	shalt  }
0x3e: {  	_ =	shalt  }
0x3f: {  	_ =	shalt  }
0x40: {  	_ =	shalt  }
0x41: {  	_ =	shalt  }
0x42: {  	_ =	shalt  }
0x43: {  	_ =	shalt  }
0x44: {  	_ =	shalt  }
0x45: {  	_ =	shalt  }
0x46: {  	_ =	shalt  }
0x47: {  	_ =	shalt  }
0x48: {  	_ =	shalt  }
0x49: {  	_ =	shalt  }
0x4a: {  	_ =	shalt  }
0x4b: {  	_ =	shalt  }
0x4c: {  	_ =	shalt  }
0x4d: {  	_ =	shalt  }
0x4e: {  	_ =	shalt  }
0x4f: {  	_ =	shalt  }
0x50: {  	_ =	shalt  }
0x51: {  	_ =	shalt  }
0x52: {  	_ =	shalt  }
0x53: {  	_ =	shalt  }
0x54: {  	_ =	shalt  }
0x55: {  	_ =	shalt  }
0x56: {  	_ =	shalt  }
0x57: {  	_ =	shalt  }
0x58: {  	_ =	shalt  }
0x59: {  	_ =	shalt  }
0x5a: {  	_ =	shalt  }
0x5b: {  	_ =	shalt  }
0x5c: {  	_ =	shalt  }
0x5d: {  	_ =	shalt  }
0x5e: {  	_ =	shalt  }
0x5f: {  	_ =	shalt  }
0x60: {  	_ =	shalt  }
0x61: {  	_ =	shalt  }
0x62: {  	_ =	shalt  }
0x63: {  	_ =	shalt  }
0x64: {  	_ =	shalt  }
0x65: {  	_ =	shalt  }
0x66: {  	_ =	shalt  }
0x67: {  	_ =	shalt  }
0x68: {  	_ =	shalt  }
0x69: {  	_ =	shalt  }
0x6a: {  	_ =	shalt  }
0x6b: {  	_ =	shalt  }
0x6c: {  	_ =	shalt  }
0x6d: {  	_ =	shalt  }
0x6e: {  	_ =	shalt  }
0x6f: {  	_ =	shalt  }
0x70: {  	_ =	shalt  }
0x71: {  	_ =	shalt  }
0x72: {  	_ =	shalt  }
0x73: {  	_ =	shalt  }
0x74: {  	_ =	shalt  }
0x75: {  	_ =	shalt  }
0x76: {  	_ =	shalt  }
0x77: {  	_ =	shalt  }
0x78: {  	_ =	shalt  }
0x79: {  	_ =	shalt  }
0x7a: {  	_ =	shalt  }
0x7b: {  	_ =	shalt  }
0x7c: {  	_ =	shalt  }
0x7d: {  	_ =	shalt  }
0x7e: {  	_ =	shalt  }
0x7f: {  	_ =	shalt  }
0x80: {  	_ =	shalt  }
0x81: {  	_ =	shalt  }
0x82: {  	_ =	shalt  }
0x83: {  	_ =	shalt  }
0x84: {  	_ =	shalt  }
0x85: {  	_ =	shalt  }
0x86: {  	_ =	shalt  }
0x87: {  	_ =	shalt  }
.Lfunc_end0:
.L_simem_size_0:
called_computation_lowered:
.L_overlay_start_0:
0x88: {  	s2 =	sld [smem:$0x3FD9]  }
0x89: {  	s3 =	sld [smem:$0x3FFE];
	_ =	sdelay $0x1  }
0x8a: {  	s1 =	srdreg.scid  }
0x8b: {  	s0 =	sand.u32 $0x1, s1  }
0x8c: {  	s16 =	sshll.u32 s0, $0xA;
	s2 =	sadd.s32 s3, s2  }
0x8d: {  	s2 =	sadd.s32 s2, s16  }
0x8e: {  	[smem:$0x3FAD] =	sst s2  }
0x8f: {  	_ = 	snop  }
0x90: {  	(tm) =	ssettm $0x1  }
0x91: {  	s17 =	sld [smem:$0x3FFB];
	_ =	sdelay $0x3  }
0x92: {  	_ =	strace s17  }
0x93: {  	s2 =	sld [smem:$0x3FFC];
	_ =	sdelay $0x3  }
0x94: {  	_ =	strace s2  }
0x95: {  	s2 =	sld [smem:$0x3FFD];
	_ =	sdelay $0x3  }
0x96: {  	_ =	strace s2  }
0x97: {  	_ =	strace $0x8FFFFFFF  }
0x98: {  	s18 =	sld [smem:$0x3FDB];
	_ =	sdelay $0x1  }
0x99: {  	s19 =	simm.s32 $_scs_section_size  }
0x9a: {  	s4 =	simm.s32 $_size__tile_overlayer_lowered;
	s5 =	simm.s32 $_tile_overlayer_lowered  }
0x9b: {  	s22 =	simm.s32 $0x1BFF;
	s21 =	sshll.u32 s5, $0x1;
	s2 =	sadd.s32 s19, s18  }
0x9c: {  	s6 =	simm.s32 $0x0;
	s20 =	sshll.u32 s4, $0x1;
	s4 =	sadd.s32 s21, s2  }
0x9d: {  	[timem:s6], [sflag:s22] =	dma.local [hbm:s4], s20  }
0x9e: {  	_ =	swait.ge [sflag:s22], s20  }
0x9f: {  	s3 =	ssub.s32 $0x0, s20;
	[sflag:s22] =	ssyncset.done $0x0  }
0xa0: {  	[sflag:s22] =	ssyncadd.s32 s3;
	_ =	sdelay $0x1  }
0xa1: {  	s23 =	simm.s32 $0x1B8B  }
0xa2: {  	_ =	swait.ge [sflag:s23], $0x1  }
0xa3: {  	[sflag:s23] =	ssyncset.done $0x0  }
0xa4: {  	s25 =	simm.s32 $0x1B8E;
	s24 =	sld [smem:$0x3FFE];
	[sflag:s23] =	ssyncadd.s32 $0xFFFFFFFF  }
0xa5: {  	s26 =	simm.s32 $execute0_lowered;
	[smem:$0x3FD2] =	sst s25  }
0xa6: {  	s4 =	sshll.u32 s26, $0x1;
	_ =	strace $0x80000046;
	[dreg:$0x1] =	wrdreg $0xFFFFFFFF  }
0xa7: {  	s28 =	simm.s32 $_size_execute0_lowered;
	s2 =	sadd.s32 s2, s4;
	[dreg:$0x0] =	wrdreg $0x0  }
0xa8: {  	s4 =	sshll.u32 s28, $0x1;
	[dreg:$0x2] =	wrdreg s2  }
0xa9: {  	[dreg:$0x3] =	wrdreg s4  }
0xaa: {  	[dreg:$0x4] =	wrdreg $0xC0  }
0xab: {  	_ =	task [dreg:s6], $0x5FFFF  }
0xac: {  	[dreg:$0x1] =	wrdreg $0xFFFFFFFF  }
0xad: {  	[dreg:$0x0] =	wrdreg $0x60  }
0xae: {  	[dreg:$0x2] =	wrdreg s24  }
0xaf: {  	[dreg:$0x3] =	wrdreg $0x41000  }
0xb0: {  	[dreg:$0x4] =	wrdreg $0x9  }
0xb1: {  	_ =	task.clear_ibuf [dreg:s6], $0x5FFFF;
	_ =	strace $0x90000046  }
0xb2: {  	s29 =	simm.s32 $0x9;
	_ =	strace $0x80000048  }
0xb3: {  	_ =	swait.ge [sflag:s29], $0x1  }
0xb4: {  	[sflag:s29] =	ssyncadd.s32 $0xFFFFFFFF  }
0xb5: {  	_ =	strace $0x90000048  }
0xb6: {  	_ =	sfence  }
0xb7: {  	s30 =	sld [smem:$0x0];
	_ =	sdelay $0x2  }
0xb8: {  	s31 =	sshll.u32 s1, $0xD;
	s1 =	sshrl.u32 s1, $0x2  }
0xb9: {  	s3 =	sand.u32 $0x4000, s31;
	s1 =	sadd.s32 s1, s30  }
0xba: {  	s0 =	sor.u32 s3, s0;
	s1 =	sshll.u32 s1, $0x11  }
0xbb: {  	s0 =	sor.u32 s1, s0  }
0xbc: {  	s0 =	sadd.s32 $0x8F2B, s0  }
0xbd: {  	[sflag:s0] =	ssyncadd.remote.s32 $0x1  }
0xbe: {  	_ =	sfence.sel $0xFFFF  }
0xbf: {  	[dreg:$0x0] =	wrdreg $0xFFFFFFFF;
	(pc) =	sbr.abs _section_cstart, $3  }
0xc0: {  	[dreg:$0x1] =	wrdreg $0xFFFFFFFF  }
0xc1: {  	_ =	task.clear_ibuf [dreg:s6], $0x2FFFF;
	_ =	strace $0x9FFFFFFF  }
0xc2: {  	(tm) =	ssettm $0x7FFFFFFF  }
0xc3: {  	_ =	shalt  }
tec
execute0_lowered:
.L_overlay_start_1:
0x0: {  	(tag) =	ssettag $0x1  }
0x1: {  	s5 =	rddreg [dreg:$0x0];
	s0 =	srdreg.scid  }
0x2: {  	s2 =	rddreg [dreg:$0x1];
	s1 =	stileid.u32  }
0x3: {  	s3 =	simm.s32 $0x0;
	s13 =	simm.s32 $0x80;
	s8 =	smul.u32 $0x13C00, s1  }
0x4: {  	s14 =	simm.s32 $0x100;
	s15 =	simm.s32 $0x1;
	s26 =	smul.u32 $0x4F000, s1  }
0x5: {  	s6 =	sand.u32 $0x1, s0;
	s0 =	rddreg [dreg:$0x2];
	s30 =	smul.u32 $0x280, s1  }
0x6: {  	s16 =	simm.s32 $0x0;
	[smem:$0x7FF] =	sst s3;
	s7 =	smul.u32 $0x2800, s6  }
0x7: {  	s4 =	sadd.s32 $0xFC00, s5;
	s31 =	sshll.u32 s1, $0x6;
	s9 =	smul.u32 $0x13C000, s6  }
0x8: {  	_ =	strace $0x80000047;
	s6 =	ssub.s32 $0x2, s6;
	s25 =	sshrl.u32 s8, $0x3  }
0x9: {  	s28 =	sshrl.u32 s6, $0x1;
	s29 =	sshrl.u32 s26, $0x2;
	s10 =	sadd.s32 s7, s5  }
0xa: {  	s8 =	sadd.s32 s8, s9;
	s7 =	sadd.s32 s25, s5;
	s11 =	ssub.s32 s6, s28  }
0xb: {  	s12 =	sadd.s32 s29, s2;
	s6 =	sor.u32 $0x1C02, s31;
	s8 =	sshrl.u32 s8, $0x3  }
0xc: {  	s10 =	sadd.s32 s30, s10;
	s8 =	sadd.s32 s8, s5;
	s5 =	sadd.s32 $0x37400, s7  }
0xd: {  	s9 =	sadd.s32 $0xAC00, s10;
	s10 =	sadd.s32 $0x5C00, s10;
	s7 =	sadd.s32 $0x5EC00, s8  }
0xe: {  	s8 =	smax.u32 s11, $0x1;
	s11 =	sshrl.u32 s12, $0x3;
	s12 =	simm.s32 $0x2  }
.LBB2_1:
0xf: {  	[spmem:s11], [sflag:s6] =	dma.local [hbm:s5], $0x2780  }
0x10: {  	_ =	swait.ge [sflag:s12], $0x2780  }
0x11: {  	[sflag:s12] =	ssyncset.done $0x0  }
0x12: {  	[sflag:s12] =	ssyncadd.s32 $0xFFFFD880  }
0x13: {  	s17 =	sadd.s32 $0x0, s10;
	[bflag:$0x0] =	sbarrier.arrive $0xFFFF  }
0x14: {  	[tilespmem:s3], [sflag:$0x2] =	stream.linear.gather [hbm4b:s17+s3], $0x80, $0x38;
	[tilespmem:$0x17D00] =	vst v63  }
0x15: {  	_ =	swait.ge [sflag:s12], $0x80  }
0x16: {  	[sflag:s12] =	ssyncset.done $0x0  }
0x17: {  	s31 =	sadd.s32 $0x0, s9;
	[sflag:s12] =	ssyncadd.s32 $0xFFFFFF80  }
0x18: {  	[tilespmem:s13], [sflag:$0x2] =	stream.linear.gather [hbm4b:s31+s3], $0x80, $0x38;
	[tilespmem:$0x17D00] =	vst v63  }
0x19: {  	_ =	swait.ge [sflag:s12], $0x80  }
0x1a: {  	[sflag:s12] =	ssyncset.done $0x0  }
0x1b: {  	[sflag:s12] =	ssyncadd.s32 $0xFFFFFF80  }
0x1c: {  	[tilespmem:s14], [sflag:$0x1] =	stream.indirect.gather [hbm4b:s4+s13], $0x80, s3, s13, $0xb8;
	[tilespmem:$0x17D00] =	vst v63  }
0x1d: {  	_ =	swait.ge [sflag:s15], $0x4000  }
0x1e: {  	[sflag:s15] =	ssyncset.done $0x0  }
0x1f: {  	[sflag:s15] =	ssyncadd.s32 $0xFFFFC000  }
0x20: {  	[spmem:s2] =	stream.indirect.scatter.add.f32 [tilespmem:s14], [sflag:$0x2], $0x80, s13, s13, $0xb8;
	[tilespmem:$0x17D00] =	vst v63  }
0x21: {  	_ =	swait.ge [sflag:s12], $0x4000  }
0x22: {  	s18 =	simm.s32 $0x20;
	s17 =	simm.s32 $0x10;
	[sflag:s12] =	ssyncset.done $0x0  }
.LBB2_2:
0x23: {  	s19 =	sadd.s32 s17, s10  }
0x24: {  	[sflag:s12] =	ssyncadd.s32 $0xFFFFC000;
	s20 =	smov.u32 s18;
	s21 =	sadd.s32 $0x10, s18  }
0x25: {  	[tilespmem:s3], [sflag:$0x2] =	stream.linear.gather [hbm4b:s19+s3], $0x80, $0x38;
	[tilespmem:$0x17D00] =	vst v63  }
0x26: {  	p0 =	sne.s32 s18, $0x270;
	_ =	swait.ge [sflag:s12], $0x80  }
0x27: {  	[sflag:s12] =	ssyncset.done $0x0  }
0x28: {  	s18 =	sadd.s32 s17, s9;
	s17 =	smov.u32 s20;
	[sflag:s12] =	ssyncadd.s32 $0xFFFFFF80  }
0x29: {  	[tilespmem:s13], [sflag:$0x2] =	stream.linear.gather [hbm4b:s18+s3], $0x80, $0x38;
	[tilespmem:$0x17D00] =	vst v63  }
0x2a: {  	_ =	swait.ge [sflag:s12], $0x80  }
0x2b: {  	[sflag:s12] =	ssyncset.done $0x0  }
0x2c: {  	[sflag:s12] =	ssyncadd.s32 $0xFFFFFF80  }
0x2d: {  	[tilespmem:s14], [sflag:$0x1] =	stream.indirect.gather [hbm4b:s4+s13], $0x80, s3, s13, $0xb8;
	[tilespmem:$0x17D00] =	vst v63  }
0x2e: {  	_ =	swait.ge [sflag:s15], $0x4000  }
.Ltmp0:
0x2f: {  	[sflag:s15] =	ssyncset.done $0x0;
	(pc) =	sbr.rel @p0 .LBB2_2-.Ltmp0, $4  }
0x30: {  	[sflag:s15] =	ssyncadd.s32 $0xFFFFC000  }
0x31: {  	[spmem:s2] =	stream.indirect.scatter.add.f32 [tilespmem:s14], [sflag:$0x2], $0x80, s13, s13, $0xb8;
	[tilespmem:$0x17D00] =	vst v63  }
0x32: {  	_ =	swait.ge [sflag:s12], $0x4000  }
0x33: {  	s18 =	smov.u32 s21;
	[sflag:s12] =	ssyncset.done $0x0  }
0x34: {  	s18 =	sadd.s32 s17, s10;
	[sflag:s12] =	ssyncadd.s32 $0xFFFFC000  }
0x35: {  	[tilespmem:s3], [sflag:$0x2] =	stream.linear.gather [hbm4b:s18+s3], $0x80, $0x38;
	[tilespmem:$0x17D00] =	vst v63  }
0x36: {  	_ =	swait.ge [sflag:s12], $0x80  }
0x37: {  	[sflag:s12] =	ssyncset.done $0x0  }
0x38: {  	s31 =	sadd.s32 s17, s9;
	[sflag:s12] =	ssyncadd.s32 $0xFFFFFF80  }
0x39: {  	[tilespmem:s13], [sflag:$0x2] =	stream.linear.gather [hbm4b:s31+s3], $0x80, $0x38;
	[tilespmem:$0x17D00] =	vst v63  }
0x3a: {  	_ =	swait.ge [sflag:s12], $0x80  }
0x3b: {  	[sflag:s12] =	ssyncset.done $0x0  }
0x3c: {  	[sflag:s12] =	ssyncadd.s32 $0xFFFFFF80  }
0x3d: {  	[tilespmem:s14], [sflag:$0x1] =	stream.indirect.gather [hbm4b:s4+s13], $0x80, s3, s13, $0xb8;
	[tilespmem:$0x17D00] =	vst v63  }
0x3e: {  	_ =	swait.ge [sflag:s15], $0x4000  }
0x3f: {  	[sflag:s15] =	ssyncset.done $0x0  }
0x40: {  	[sflag:s15] =	ssyncadd.s32 $0xFFFFC000  }
0x41: {  	[spmem:s2] =	stream.indirect.scatter.add.f32 [tilespmem:s14], [sflag:$0x2], $0x80, s13, s13, $0xb8;
	[tilespmem:$0x17D00] =	vst v63  }
0x42: {  	_ =	swait.ge [sflag:s12], $0x4000  }
0x43: {  	s16 =	sadd.s32 $0x1, s16;
	[sflag:s12] =	ssyncset.done $0x0  }
0x44: {  	p0 =	sne.s32 s16, s8;
	[sflag:s12] =	ssyncadd.s32 $0xFFFFC000  }
.Ltmp1:
0x45: {  	[bflag:$0x0] =	sbarrier.arrive $0xFFFF;
	(pc) =	sbr.rel @p0 .LBB2_1-.Ltmp1, $4  }
0x46: {  	[hbm:s7], [sflag:s6] =	dma.local [spmem:s11], $0x2780  }
0x47: {  	_ =	swait.ge [sflag:s12], $0x2780  }
0x48: {  	[sflag:s12] =	ssyncset.done $0x0  }
0x49: {  	[sflag:s12] =	ssyncadd.s32 $0xFFFFD880  }
0x4a: {  	_ =	sfence.sel $0x180000  }
0x4b: {  	[bflag:$0x0] =	sbarrier.arrive $0xFFFF  }
0x4c: {  	p0 =	sne.s32 s1, $0x0;
	_ =	strace $0x90000047  }
0x4d: {  	s0 =	sadd.s32 @!p0 $0x100000, s0;
	[bflag:$0x2] =	sbarrier.arrive $0xFFFF  }
0x4e: {  	[sflag:s0] =	ssyncadd.tile.s32 @!p0 $0x1;
	_ =	shalt  }
.Lfunc_end2:
_tile_overlayer_lowered:
.L_overlay_start_2:
0x4f: {  	(tag) =	ssettag $0x2  }
0x50: {  	s0 =	rddreg [dreg:$0x0];
	s2 =	stileid.u32  }
0x51: {  	s1 =	rddreg [dreg:$0x1];
	p0 =	sne.s32 s2, $0x0  }
0x52: {  	s3 =	rddreg [dreg:$0x2];
	[bflag:$0x3] =	sbarrier.arrive $0xFFFF;
	s2 =	simm.s32 @!p0 $0x1C02  }
0x53: {  	[timem:s3], [sflag:s2] =	dma.local @!p0 [hbm:s0], s1  }
0x54: {  	s0 =	simm.s32 @!p0 $0x2  }
0x55: {  	_ =	swait.ge @!p0 [sflag:s0], s1  }
0x56: {  	s1 =	ssub.s32 @!p0 $0x0, s1;
	[sflag:s0] =	ssyncset.done @!p0 $0x0  }
0x57: {  	[sflag:s0] =	ssyncadd.s32 @!p0 s1  }
0x58: {  	[bflag:$0x3] =	sbarrier.arrive $0xFFFF  }
0x59: {  	_ =	shalt  }

// kernel: kernel.16.cloned.1.call-start
scs
__scs_entry_jumppad:
0x0: {  	(pc) =	sbr.rel $0x88, $3  }
0x1: {  	(tag) =	ssettag $0x0;
	lr =	simm.s32 $0x1  }
0x2: {  	[smem:$0x3F86] =	sst lr;
	_ =	strace $0xD0000000  }
0x3: {  	_ = 	snop  }
0x4: {  	_ = 	snop  }
0x5: {  	_ = 	snop  }
0x6: {  	_ = 	snop  }
0x7: {  	_ = 	snop  }
__scs_overlays_trampoline_lowered:
0x8: {  	[smem:$0x3F95] =	sst s0  }
0x9: {  	[smem:$0x3F96] =	sst s1  }
0xa: {  	[smem:$0x3F97] =	sst s2  }
0xb: {  	[smem:$0x3F98] =	sst s3  }
0xc: {  	[smem:$0x3F99] =	sst s4  }
0xd: {  	[smem:$0x3F9A] =	sst s5  }
0xe: {  	[smem:$0x3F9B] =	sst s6  }
0xf: {  	[smem:$0x3F9C] =	sst s7  }
0x10: {  	[smem:$0x3F9D] =	sst s8  }
0x11: {  	[smem:$0x3F9E] =	sst s9;
	s0 =	simm.s32 @!p0 $0x0  }
0x12: {  	s1 =	sld [smem:$0x3F84];
	s0 =	simm.s32 @p0 $0x1  }
0x13: {  	[smem:$0x3F9F] =	sst s0;
	s0 =	simm.s32 @!p1 $0x0  }
0x14: {  	s2 =	sld [smem:$0x3F83];
	s0 =	simm.s32 @p1 $0x1  }
0x15: {  	[smem:$0x3FA0] =	sst s0;
	s0 =	simm.s32 @!p2 $0x0  }
0x16: {  	s3 =	sld [smem:$0x3FDB];
	s0 =	simm.s32 @p2 $0x1  }
0x17: {  	s4 =	simm.s32 $0x1BF5;
	[smem:$0x3FA2] =	sst s0  }
0x18: {  	s0 =	sld [smem:$0x3F85];
	_ =	swait.ge [sflag:s4], $0x0  }
0x19: {  	s7 =	sld [smem:$0x3F86]  }
0x1a: {  	s8 =	sadd.s32 $0xFFFFE003, lr  }
0x1b: {  	s9 =	sadd.s32 $0xFFFFFEF7, lr;
	s5 =	simm.s32 $0xFFFFFFFF;
	p2 =	slt.u32 s8, $0xFFFFF086  }
0x1c: {  	p1 =	slt.u32 s9, $0xF7A;
	s5 =	simm.s32 @!p2 $0x0  }
0x1d: {  	s5 =	simm.s32 @p1 $0x1;
	p0 =	seq.s32 s7, s2  }
0x1e: {  	s7 =	smul.u32 @!p0 $0xF7A, s2;
	p2 =	seq.s32 @!p0 s5, $0x0  }
0x1f: {  	s9 =	smul.u32 $0xF7A, s1;
	s8 =	simm.s32 @!p0 $0x1BF5;
	p2 =	por !p2, p0  }
0x20: {  	[sflag:s8] =	ssyncset.s32 @!p0 $0xFFFFF086;
	s6 =	sadd.s32 @!p0 s3, s7;
	s7 =	simm.s32 @!p0 $0x108  }
0x21: {  	s3 =	sadd.s32 s3, s9;
	s6 =	sadd.s32 @!p0 $0x88, s6;
	s7 =	simm.s32 @p2 $0x1082  }
0x22: {  	[simem:s7], [sflag:s8] =	dma.local @!p0 [hbm:s6], $0xF7A  }
0x23: {  	s9 =	sor.u32 $0xD0000000, s2;
	s6 =	simm.s32 $0x108;
	_ =	swait.ge @!p0 [sflag:s8], $0x0  }
0x24: {  	s3 =	sadd.s32 $0x88, s3;
	s6 =	simm.s32 @!p1 $0x1082;
	[sflag:s4] =	ssyncset.s32 $0xFFFFF086  }
0x25: {  	[simem:s6], [sflag:s4] =	dma.local [hbm:s3], $0xF7A  }
0x26: {  	[smem:$0x3F86] =	sst s1;
	(tag) =	ssettag s2;
	_ =	strace s9  }
0x27: {  	s1 =	sld [smem:$0x3F96]  }
0x28: {  	s2 =	sld [smem:$0x3F97]  }
0x29: {  	s4 =	sld [smem:$0x3F99]  }
0x2a: {  	p0 =	seq.s32 s5, $0x0;
	s5 =	sld [smem:$0x3F9A]  }
0x2b: {  	s6 =	sld [smem:$0x3F9B]  }
0x2c: {  	s7 =	sld [smem:$0x3F9C]  }
0x2d: {  	s3 =	simm.s32 $0x108;
	s8 =	sld [smem:$0x3F9D]  }
0x2e: {  	s3 =	simm.s32 @!p0 $0x1082;
	s9 =	sld [smem:$0x3F9E]  }
0x2f: {  	lr =	sadd.s32 s0, s3;
	s0 =	sld [smem:$0x3F95]  }
0x30: {  	s3 =	sld [smem:$0x3F98]  }
0x31: {  	[smem:$0x3FA1] =	sst s10  }
0x32: {  	s10 =	sld [smem:$0x3F9F];
	_ =	sdelay $0x3  }
0x33: {  	p0 =	seq.s32 s10, $0x1;
	s10 =	sld [smem:$0x3FA1];
	_ =	sdelay $0x3  }
0x34: {  	[smem:$0x3FA1] =	sst s10  }
0x35: {  	s10 =	sld [smem:$0x3FA0];
	_ =	sdelay $0x3  }
0x36: {  	p1 =	seq.s32 s10, $0x1;
	s10 =	sld [smem:$0x3FA1];
	_ =	sdelay $0x3  }
0x37: {  	[smem:$0x3FA1] =	sst s10  }
0x38: {  	s10 =	sld [smem:$0x3FA2]  }
0x39: {  	_ = 	snop;
	(pc) =	sbr.ind lr, $3  }
0x3a: {  	_ = 	snop  }
0x3b: {  	_ = 	snop  }
0x3c: {  	p2 =	seq.s32 s10, $0x1;
	s10 =	sld [smem:$0x3FA1]  }
0x3d: {  	_ =	shalt  }
0x3e: {  	_ =	shalt  }
0x3f: {  	_ =	shalt  }
0x40: {  	_ =	shalt  }
0x41: {  	_ =	shalt  }
0x42: {  	_ =	shalt  }
0x43: {  	_ =	shalt  }
0x44: {  	_ =	shalt  }
0x45: {  	_ =	shalt  }
0x46: {  	_ =	shalt  }
0x47: {  	_ =	shalt  }
0x48: {  	_ =	shalt  }
0x49: {  	_ =	shalt  }
0x4a: {  	_ =	shalt  }
0x4b: {  	_ =	shalt  }
0x4c: {  	_ =	shalt  }
0x4d: {  	_ =	shalt  }
0x4e: {  	_ =	shalt  }
0x4f: {  	_ =	shalt  }
0x50: {  	_ =	shalt  }
0x51: {  	_ =	shalt  }
0x52: {  	_ =	shalt  }
0x53: {  	_ =	shalt  }
0x54: {  	_ =	shalt  }
0x55: {  	_ =	shalt  }
0x56: {  	_ =	shalt  }
0x57: {  	_ =	shalt  }
0x58: {  	_ =	shalt  }
0x59: {  	_ =	shalt  }
0x5a: {  	_ =	shalt  }
0x5b: {  	_ =	shalt  }
0x5c: {  	_ =	shalt  }
0x5d: {  	_ =	shalt  }
0x5e: {  	_ =	shalt  }
0x5f: {  	_ =	shalt  }
0x60: {  	_ =	shalt  }
0x61: {  	_ =	shalt  }
0x62: {  	_ =	shalt  }
0x63: {  	_ =	shalt  }
0x64: {  	_ =	shalt  }
0x65: {  	_ =	shalt  }
0x66: {  	_ =	shalt  }
0x67: {  	_ =	shalt  }
0x68: {  	_ =	shalt  }
0x69: {  	_ =	shalt  }
0x6a: {  	_ =	shalt  }
0x6b: {  	_ =	shalt  }
0x6c: {  	_ =	shalt  }
0x6d: {  	_ =	shalt  }
0x6e: {  	_ =	shalt  }
0x6f: {  	_ =	shalt  }
0x70: {  	_ =	shalt  }
0x71: {  	_ =	shalt  }
0x72: {  	_ =	shalt  }
0x73: {  	_ =	shalt  }
0x74: {  	_ =	shalt  }
0x75: {  	_ =	shalt  }
0x76: {  	_ =	shalt  }
0x77: {  	_ =	shalt  }
0x78: {  	_ =	shalt  }
0x79: {  	_ =	shalt  }
0x7a: {  	_ =	shalt  }
0x7b: {  	_ =	shalt  }
0x7c: {  	_ =	shalt  }
0x7d: {  	_ =	shalt  }
0x7e: {  	_ =	shalt  }
0x7f: {  	_ =	shalt  }
0x80: {  	_ =	shalt  }
0x81: {  	_ =	shalt  }
0x82: {  	_ =	shalt  }
0x83: {  	_ =	shalt  }
0x84: {  	_ =	shalt  }
0x85: {  	_ =	shalt  }
0x86: {  	_ =	shalt  }
0x87: {  	_ =	shalt  }
.Lfunc_end0:
.L_simem_size_0:
called_computation.1_lowered:
.L_overlay_start_0:
0x88: {  	s2 =	sld [smem:$0x3FD9]  }
0x89: {  	s3 =	sld [smem:$0x3FFE];
	_ =	sdelay $0x1  }
0x8a: {  	s1 =	srdreg.scid  }
0x8b: {  	s0 =	sand.u32 $0x1, s1  }
0x8c: {  	s17 =	sshll.u32 s0, $0xA;
	s2 =	sadd.s32 s3, s2  }
0x8d: {  	s2 =	sadd.s32 s2, s17  }
0x8e: {  	[smem:$0x3FAD] =	sst s2  }
0x8f: {  	_ = 	snop  }
0x90: {  	s2 =	sld [smem:$0x3FC0];
	(tm) =	ssettm $0x1  }
0x91: {  	s18 =	sld [smem:$0x3FFB];
	_ =	sdelay $0x3  }
0x92: {  	_ =	strace s18  }
0x93: {  	s3 =	sld [smem:$0x3FFC];
	_ =	sdelay $0x3  }
0x94: {  	_ =	strace s3  }
0x95: {  	s3 =	sld [smem:$0x3FFD];
	_ =	sdelay $0x3  }
0x96: {  	_ =	strace s3  }
0x97: {  	_ =	strace $0x8FFFFFFF  }
0x98: {  	s19 =	sld [smem:$0x3FDB];
	_ =	sdelay $0x1  }
0x99: {  	s4 =	simm.s32 $_scs_section_size  }
0x9a: {  	s5 =	simm.s32 $_size__tile_overlayer_lowered;
	s6 =	simm.s32 $_tile_overlayer_lowered  }
0x9b: {  	s22 =	simm.s32 $0x1BFF;
	s21 =	sshll.u32 s6, $0x1;
	s3 =	sadd.s32 s4, s19  }
0x9c: {  	s7 =	simm.s32 $0x0;
	s20 =	sshll.u32 s5, $0x1;
	s5 =	sadd.s32 s21, s3  }
0x9d: {  	[timem:s7], [sflag:s22] =	dma.local [hbm:s5], s20  }
0x9e: {  	_ =	swait.ge [sflag:s22], s20  }
0x9f: {  	s4 =	ssub.s32 $0x0, s20;
	[sflag:s22] =	ssyncset.done $0x0  }
0xa0: {  	[sflag:s22] =	ssyncadd.s32 s4;
	_ =	sdelay $0x1  }
0xa1: {  	s23 =	simm.s32 $0x1B8B  }
0xa2: {  	_ =	swait.ge [sflag:s23], $0x1  }
0xa3: {  	[sflag:s23] =	ssyncset.done $0x0  }
0xa4: {  	s25 =	simm.s32 $0x1B8E;
	s24 =	sld [smem:$0x3FFE];
	[sflag:s23] =	ssyncadd.s32 $0xFFFFFFFF  }
0xa5: {  	s26 =	simm.s32 $execute0_lowered;
	[smem:$0x3FD2] =	sst s25  }
0xa6: {  	s5 =	sshll.u32 s26, $0x1;
	_ =	strace $0x80000049;
	[dreg:$0x1] =	wrdreg $0xFFFFFFFF  }
0xa7: {  	s28 =	simm.s32 $_size_execute0_lowered;
	s3 =	sadd.s32 s3, s5;
	[dreg:$0x0] =	wrdreg $0x0  }
0xa8: {  	s5 =	sshll.u32 s28, $0x1;
	[dreg:$0x2] =	wrdreg s3  }
0xa9: {  	[dreg:$0x3] =	wrdreg s5  }
0xaa: {  	[dreg:$0x4] =	wrdreg $0xC0  }
0xab: {  	_ =	task [dreg:s7], $0x5FFFF  }
0xac: {  	[dreg:$0x1] =	wrdreg $0xFFFFFFFF  }
0xad: {  	[dreg:$0x0] =	wrdreg $0x60  }
0xae: {  	[dreg:$0x2] =	wrdreg s24  }
0xaf: {  	[dreg:$0x3] =	wrdreg s2  }
0xb0: {  	[dreg:$0x4] =	wrdreg $0x85000  }
0xb1: {  	[dreg:$0x5] =	wrdreg $0x9  }
0xb2: {  	_ =	task.clear_ibuf [dreg:s7], $0x6FFFF;
	_ =	strace $0x90000049  }
0xb3: {  	s29 =	simm.s32 $0x9;
	_ =	strace $0x8000004B  }
0xb4: {  	_ =	swait.ge [sflag:s29], $0x1  }
0xb5: {  	[sflag:s29] =	ssyncadd.s32 $0xFFFFFFFF  }
0xb6: {  	_ =	strace $0x9000004B  }
0xb7: {  	_ =	sfence  }
0xb8: {  	s30 =	sld [smem:$0x0];
	_ =	sdelay $0x2  }
0xb9: {  	s31 =	sshll.u32 s1, $0xD;
	s1 =	sshrl.u32 s1, $0x2  }
0xba: {  	s3 =	sand.u32 $0x4000, s31;
	s1 =	sadd.s32 s1, s30  }
0xbb: {  	s0 =	sor.u32 s3, s0;
	s1 =	sshll.u32 s1, $0x11  }
0xbc: {  	s0 =	sor.u32 s1, s0  }
0xbd: {  	s0 =	sadd.s32 $0x8F2B, s0  }
0xbe: {  	[sflag:s0] =	ssyncadd.remote.s32 $0x1  }
0xbf: {  	_ =	sfence.sel $0xFFFF  }
0xc0: {  	[dreg:$0x0] =	wrdreg $0xFFFFFFFF;
	(pc) =	sbr.abs _section_cstart, $3  }
0xc1: {  	[dreg:$0x1] =	wrdreg $0xFFFFFFFF  }
0xc2: {  	_ =	task.clear_ibuf [dreg:s7], $0x2FFFF;
	_ =	strace $0x9FFFFFFF  }
0xc3: {  	(tm) =	ssettm $0x7FFFFFFF  }
tec
execute0_lowered:
.L_overlay_start_1:
0x0: {  	(tag) =	ssettag $0x1  }
0x1: {  	s9 =	rddreg [dreg:$0x0]  }
0x2: {  	s1 =	rddreg [dreg:$0x1]  }
0x3: {  	s2 =	rddreg [dreg:$0x2]  }
0x4: {  	s0 =	rddreg [dreg:$0x3];
	s3 =	simm.s32 $0x0  }
0x5: {  	v0 =	vimm.s32 $0xFEDCBA98;
	s4 =	stileid.u32;
	s7 =	srdreg.scid;
	v1 =	vimm.s32 $0x76543210;
	s18 =	simm.s32 $0x100  }
0x6: {  	v2 =	vimm.s32 $0xBA98FEDC;
	v3 =	vimm.s32 $0x32107654;
	s19 =	simm.s32 $0x4100;
	s20 =	simm.s32 $0x1;
	s21 =	simm.s32 $0x2  }
0x7: {  	v4 =	vimm.s32 $0xDCFE98BA;
	v5 =	vimm.s32 $0x54761032;
	s22 =	simm.s32 $0x0;
	[smem:$0x7FF] =	sst s3;
	s5 =	sadd.s32 $0xFC00, s9  }
0x8: {  	v6 =	vimm.s32 $0xEFCDAB89;
	v7 =	vimm.s32 $0x67452301;
	s6 =	sadd.s32 $0x5EC00, s9;
	s10 =	smul.u32 $0x13C00, s4;
	s17 =	sand.u32 $0x1, s7  }
0x9: {  	v0 =	vunpack.c.l.s4.s8 v0;
	s7 =	sadd.s32 $0xADC00, s9;
	s8 =	sadd.s32 $0xB3000, s9;
	v1 =	vunpack.c.l.s4.s8 v1;
	s29 =	smul.u32 $0x4F000, s4;
	v2 =	vunpack.c.l.s4.s8 v2  }
0xa: {  	v3 =	vunpack.c.l.s4.s8 v3;
	v4 =	vunpack.c.l.s4.s8 v4;
	v5 =	vunpack.c.l.s4.s8 v5;
	s15 =	sshll.u32 s4, $0x6;
	_ =	strace $0x8000004A;
	s11 =	smul.u32 $0x13C000, s17  }
0xb: {  	v6 =	vunpack.c.l.s4.s8 v6;
	v7 =	vunpack.c.l.s4.s8 v7;
	s13 =	ssub.s32 $0x2, s17;
	s15 =	sor.u32 $0x1C03, s15;
	p0 =	sne.s32 s17, $0x0;
	v0 =	vunpack.c.0.s8.s32 v0  }
0xc: {  	s17 =	simm.s32 $0x80;
	s12 =	sshrl.u32 s10, $0x3;
	s30 =	sshrl.u32 s13, $0x1;
	v2 =	vunpack.c.0.s8.s32 v2;
	v3 =	vunpack.c.0.s8.s32 v3;
	v4 =	vunpack.c.0.s8.s32 v4  }
.Ltmp0:
0xd: {  	s31 =	sshrl.u32 s29, $0x2;
	v5 =	vunpack.c.0.s8.s32 v5;
	v6 =	vunpack.c.0.s8.s32 v6;
	v7 =	vunpack.c.0.s8.s32 v7;
	s10 =	sadd.s32 s10, s11;
	(pc) =	sbr.rel .LBB2_1-.Ltmp0, $4  }
0xe: {  	v1 =	vunpack.c.0.s8.s32 v1;
	s12 =	sadd.s32 s12, s9;
	s16 =	sadd.s32 s31, s2;
	s10 =	sshrl.u32 s10, $0x3;
	v2 =	vcombine.low v3, v2  }
0xf: {  	s13 =	ssub.s32 s13, s30;
	v3 =	vcombine.low v5, v4;
	v4 =	vcombine.low v7, v6;
	s16 =	sshrl.u32 s16, $0x3;
	v0 =	vand.u32 $0xF, v0;
	s14 =	sadd.s32 s10, s9  }
0x10: {  	s9 =	sadd.s32 $0x37400, s12;
	s10 =	smul.u32 $0x54, s4;
	s12 =	smax.u32 s13, $0x1;
	v0 =	vcombine.low v0, v1  }
0x11: {  	s13 =	simm.s32 $0x8100;
	s11 =	sadd.s32 $0xB8400, s14;
	s14 =	simm.s32 $0x3;
	v1 =	vand.u32 $0xF, v2;
	v2 =	vand.u32 $0xF, v3;
	v3 =	vand.u32 $0xF, v4  }
.LBB2_10:
0x12: {  	s22 =	sadd.s32 $0x1, s22  }
0x13: {  	p1 =	sne.s32 s22, s12  }
.Ltmp1:
0x14: {  	[bflag:$0x0] =	sbarrier.arrive $0xFFFF;
	(pc) =	sbr.rel @!p1 .LBB2_11-.Ltmp1, $4  }
0x15: {  	[hbm:s11], [sflag:s15] =	dma.local [spmem:s16], $0x2780  }
0x16: {  	_ =	swait.ge [sflag:s14], $0x2780  }
0x17: {  	[sflag:s14] =	ssyncset.done $0x0  }
0x18: {  	[sflag:s14] =	ssyncadd.s32 $0xFFFFD880  }
.LBB2_1:
0x19: {  	[tilespmem:s13], [sflag:$0x3] =	stream.linear.gather [hbm4b:s1+s3], $0x400, $0x38;
	[tilespmem:$0x1C100] =	vst v63  }
0x1a: {  	_ =	swait.ge [sflag:s14], $0x400  }
0x1b: {  	[sflag:s14] =	ssyncset.done $0x0  }
0x1c: {  	[sflag:s14] =	ssyncadd.s32 $0xFFFFFC00  }
0x1d: {  	[spmem:s16], [sflag:s15] =	dma.local [hbm:s9], $0x2780  }
0x1e: {  	_ =	swait.ge [sflag:s14], $0x2780  }
0x1f: {  	[sflag:s14] =	ssyncset.done $0x0  }
0x20: {  	[sflag:s14] =	ssyncadd.s32 $0xFFFFD880  }
0x21: {  	[bflag:$0x0] =	sbarrier.arrive $0xFFFF  }
0x22: {  	v4 =	vld [tilespmem:$0x8100]  }
0x23: {  	v5 =	vld [tilespmem:$0x8180]  }
0x24: {  	v6 =	vld [tilespmem:$0x8200]  }
.Ltmp2:
0x25: {  	v7 =	vld [tilespmem:$0x8280];
	(pc) =	sbr.rel .LBB2_2-.Ltmp2, $4  }
0x26: {  	v8 =	vld [tilespmem:$0x8300]  }
0x27: {  	v9 =	vld [tilespmem:$0x8380]  }
0x28: {  	v10 =	vld [tilespmem:$0x8400]  }
0x29: {  	s23 =	simm.s32 $0x0;
	v11 =	vld [tilespmem:$0x8480]  }
.LBB2_8:
0x2a: {  	v22 =	vld [tilespmem:s25+$0x150];
	[tilespmem:s24+$0x160] =	vst v17;
	v23 =	vpop (erf)  }
0x2b: {  	v24 =	vld [tilespmem:s25+$0x160];
	[tilespmem:s24+$0x170] =	vst v23  }
0x2c: {  	v20 =	vadd.f32 v20, v14;
	v25 =	vld [tilespmem:s25+$0x170];
	_ =	sdelay $0x1  }
0x2d: {  	v26 =	vmul.f32 $2.000000030e-01, v20  }
0x2e: {  	v21 =	vadd.f32 v21, v22  }
0x2f: {  	v20 =	vmax.f32 v20, v26;
	v18 =	vadd.f32 v18, v24  }
0x30: {  	v20 =	vmul.f32 v20, v8;
	v27 =	vmul.f32 $2.000000030e-01, v21;
	v19 =	vadd.f32 v19, v25  }
0x31: {  	v41 =	vmul.f32 $2.000000030e-01, v18  }
0x32: {  	v43 =	vperm.xlane v20, v0;
	v21 =	vmax.f32 v21, v27;
	v42 =	vmul.f32 $2.000000030e-01, v19  }
0x33: {  	v21 =	vmul.f32 v21, v9;
	v18 =	vmax.f32 v18, v41  }
0x34: {  	v20 =	vadd.f32 v20, v43;
	v18 =	vmul.f32 v18, v10;
	v19 =	vmax.f32 v19, v42  }
0x35: {  	v44 =	vperm.xlane v21, v0;
	v19 =	vmul.f32 v19, v11  }
0x36: {  	v47 =	vperm.xlane v20, v1;
	v45 =	vperm.xlane v18, v0  }
0x37: {  	v21 =	vadd.f32 v21, v44;
	v46 =	vperm.xlane v19, v0  }
0x38: {  	v20 =	vadd.f32 v20, v47;
	v18 =	vadd.f32 v18, v45  }
0x39: {  	v19 =	vadd.f32 v19, v46;
	v48 =	vperm.xlane v21, v1  }
0x3a: {  	v51 =	vperm.xlane v20, v2;
	v49 =	vperm.xlane v18, v1  }
0x3b: {  	v21 =	vadd.f32 v21, v48;
	v50 =	vperm.xlane v19, v1  }
0x3c: {  	v20 =	vadd.f32 v20, v51;
	v18 =	vadd.f32 v18, v49  }
0x3d: {  	v19 =	vadd.f32 v19, v50;
	v52 =	vperm.xlane v21, v2  }
0x3e: {  	v55 =	vperm.xlane v20, v3;
	v53 =	vperm.xlane v18, v2  }
0x3f: {  	v21 =	vadd.f32 v21, v52;
	v54 =	vperm.xlane v19, v2  }
0x40: {  	v20 =	vadd.f32 v20, v55;
	v18 =	vadd.f32 v18, v53  }
0x41: {  	v19 =	vadd.f32 v19, v54;
	v56 =	vperm.xlane v21, v3  }
0x42: {  	v20 =	vmul.f32 $1.442695020e+00, v20;
	v57 =	vperm.xlane v18, v3  }
0x43: {  	v21 =	vadd.f32 v21, v56;
	v58 =	vperm.xlane v19, v3  }
0x44: {  	(erf) = vpow2.f32 v20;
	v18 =	vadd.f32 v18, v57  }
0x45: {  	v19 =	vadd.f32 v19, v58;
	v21 =	vmul.f32 $1.442695020e+00, v21  }
0x46: {  	v18 =	vmul.f32 $1.442695020e+00, v18  }
0x47: {  	(erf) = vpow2.f32 v21;
	v19 =	vmul.f32 $1.442695020e+00, v19  }
0x48: {  	(erf) = vpow2.f32 v18  }
0x49: {  	(erf) = vpow2.f32 v19;
	_ =	sdelay $0x1  }
0x4a: {  	v12 =	vmul.f32 v17, v12;
	[tilespmem:s24+$0x100] =	vst v15  }
0x4b: {  	v13 =	vmul.f32 v23, v13;
	[tilespmem:s24+$0x110] =	vst v16  }
0x4c: {  	[tilespmem:s24+$0x120] =	vst v12;
	v59 =	vpop (erf)  }
0x4d: {  	[tilespmem:s24+$0x130] =	vst v13;
	v12 =	vmul.f32 v59, v14  }
0x4e: {  	[tilespmem:s25+$0x140] =	vst v59  }
0x4f: {  	[tilespmem:s25+$0x100] =	vst v12;
	v60 =	vpop (erf)  }
0x50: {  	[tilespmem:s25+$0x150] =	vst v60;
	v61 =	vpop (erf)  }
0x51: {  	v13 =	vmul.f32 v60, v22;
	[tilespmem:s25+$0x160] =	vst v61;
	v62 =	vpop (erf)  }
0x52: {  	v15 =	vmul.f32 v61, v24;
	[tilespmem:s25+$0x170] =	vst v62  }
0x53: {  	v63 =	vmul.f32 v62, v25;
	[tilespmem:s25+$0x110] =	vst v13  }
0x54: {  	[tilespmem:s25+$0x120] =	vst v15  }
0x55: {  	[tilespmem:s25+$0x130] =	vst v63  }
.LBB2_9:
0x56: {  	s23 =	sadd.s32 $0x1, s23  }
0x57: {  	p1 =	sne.s32 s23, $0x54  }
.Ltmp3:
0x58: {  	_ = 	snop;
	(pc) =	sbr.rel @!p1 .LBB2_10-.Ltmp3, $4  }
0x59: {  	[spmem:s2] =	stream.indirect.scatter.add.f32 [tilespmem:s18], [sflag:$0x3], $0x80, s17, s17, $0xb8;
	[tilespmem:$0x1C100] =	vst v63  }
0x5a: {  	_ =	swait.ge [sflag:s14], $0x4000  }
0x5b: {  	[sflag:s14] =	ssyncset.done $0x0  }
0x5c: {  	[sflag:s14] =	ssyncadd.s32 $0xFFFFC000  }
.LBB2_2:
0x5d: {  	s24 =	sadd.s32 s10, s23  }
0x5e: {  	s24 =	sshll.u32 s24, $0x4  }
0x5f: {  	s26 =	simm.s32 $0x0;
	s25 =	sadd.s32 s7, s24  }
0x60: {  	[tilespmem:s26], [sflag:$0x3] =	stream.linear.gather [hbm4b:s25+s26], $0x80, $0x38;
	[tilespmem:$0x1C100] =	vst v63  }
0x61: {  	_ =	swait.ge [sflag:s14], $0x80  }
0x62: {  	[sflag:s14] =	ssyncset.done $0x0  }
0x63: {  	s24 =	sadd.s32 s8, s24;
	[sflag:s14] =	ssyncadd.s32 $0xFFFFFF80  }
0x64: {  	[tilespmem:s17], [sflag:$0x3] =	stream.linear.gather [hbm4b:s24+s26], $0x80, $0x38;
	[tilespmem:$0x1C100] =	vst v63  }
0x65: {  	_ =	swait.ge [sflag:s14], $0x80  }
0x66: {  	[sflag:s14] =	ssyncset.done $0x0  }
0x67: {  	[sflag:s14] =	ssyncadd.s32 $0xFFFFFF80  }
0x68: {  	[tilespmem:s18], [sflag:$0x1] =	stream.indirect.gather [hbm4b:s5+s17], $0x80, s26, s17, $0xb8;
	[tilespmem:$0x1C100] =	vst v63  }
0x69: {  	_ = 	snop  }
0x6a: {  	[tilespmem:s19], [sflag:$0x2] =	stream.indirect.gather [hbm4b:s6+s17], $0x80, s17, s17, $0xb8;
	[tilespmem:$0x1C100] =	vst v63  }
0x6b: {  	_ =	swait.ge [sflag:s20], $0x4000  }
.Ltmp4:
0x6c: {  	[sflag:s20] =	ssyncset.done $0x0;
	(pc) =	sbr.rel @p0 .LBB2_6-.Ltmp4, $4  }
0x6d: {  	[sflag:s20] =	ssyncadd.s32 $0xFFFFC000  }
0x6e: {  	_ =	swait.ge [sflag:s21], $0x4000  }
0x6f: {  	[sflag:s21] =	ssyncset.done $0x0  }
0x70: {  	s24 =	simm.s32 $0x0;
	[sflag:s21] =	ssyncadd.s32 $0xFFFFC000  }
0x71: {  	v12 =	vld [tilespmem:s24+$0x4100]  }
0x72: {  	v13 =	vld [tilespmem:s24+$0x100];
	_ =	sdelay $0x1  }
0x73: {  	v14 =	vld [tilespmem:s24+$0x4110]  }
0x74: {  	v15 =	vld [tilespmem:s24+$0x110]  }
0x75: {  	v16 =	vld [tilespmem:s24+$0x4120]  }
0x76: {  	v21 =	vld [tilespmem:s24+$0x120];
	v12 =	vadd.f32 v12, v13  }
0x77: {  	v17 =	vld [tilespmem:s24+$0x4130]  }
0x78: {  	v22 =	vld [tilespmem:s24+$0x130];
	v18 =	vmul.f32 $2.000000030e-01, v12  }
0x79: {  	v14 =	vadd.f32 v14, v15  }
0x7a: {  	v12 =	vmax.f32 v12, v18  }
0x7b: {  	v19 =	vmul.f32 $2.000000030e-01, v14;
	v12 =	vmul.f32 v12, v4  }
0x7c: {  	v16 =	vadd.f32 v16, v21  }
0x7d: {  	v17 =	vadd.f32 v17, v22;
	v14 =	vmax.f32 v14, v19;
	v19 =	vperm.xlane v12, v0  }
0x7e: {  	v18 =	vmul.f32 $2.000000030e-01, v16;
	v14 =	vmul.f32 v14, v5  }
0x7f: {  	v12 =	vadd.f32 v12, v19;
	v19 =	vmul.f32 $2.000000030e-01, v17  }
0x80: {  	v16 =	vmax.f32 v16, v18;
	v18 =	vperm.xlane v14, v0  }
0x81: {  	v16 =	vmul.f32 v16, v6;
	v17 =	vmax.f32 v17, v19  }
0x82: {  	v14 =	vadd.f32 v14, v18;
	v18 =	vperm.xlane v12, v1;
	v17 =	vmul.f32 v17, v7  }
0x83: {  	v19 =	vperm.xlane v16, v0  }
0x84: {  	v20 =	vperm.xlane v14, v1;
	v12 =	vadd.f32 v12, v18;
	v18 =	vperm.xlane v17, v0  }
0x85: {  	v16 =	vadd.f32 v16, v19  }
0x86: {  	v14 =	vadd.f32 v14, v20;
	v19 =	vperm.xlane v12, v2;
	v17 =	vadd.f32 v17, v18  }
0x87: {  	v20 =	vperm.xlane v16, v1  }
0x88: {  	v18 =	vperm.xlane v14, v2;
	v12 =	vadd.f32 v12, v19;
	v19 =	vperm.xlane v17, v1  }
0x89: {  	v16 =	vadd.f32 v16, v20  }
0x8a: {  	v14 =	vadd.f32 v14, v18;
	v18 =	vperm.xlane v12, v3;
	v17 =	vadd.f32 v17, v19  }
0x8b: {  	v20 =	vperm.xlane v16, v2  }
0x8c: {  	v12 =	vadd.f32 v12, v18;
	v18 =	vperm.xlane v17, v2  }
0x8d: {  	v19 =	vperm.xlane v14, v3;
	v16 =	vadd.f32 v16, v20  }
0x8e: {  	v12 =	vmul.f32 $1.442695020e+00, v12;
	v17 =	vadd.f32 v17, v18  }
0x8f: {  	v14 =	vadd.f32 v14, v19;
	v19 =	vperm.xlane v16, v3  }
0x90: {  	(erf) = vpow2.f32 v12;
	v12 =	vperm.xlane v17, v3  }
0x91: {  	v14 =	vmul.f32 $1.442695020e+00, v14;
	v16 =	vadd.f32 v16, v19  }
0x92: {  	v12 =	vadd.f32 v17, v12  }
0x93: {  	(erf) = vpow2.f32 v14;
	v14 =	vmul.f32 $1.442695020e+00, v16  }
0x94: {  	v12 =	vmul.f32 $1.442695020e+00, v12  }
0x95: {  	(erf) = vpow2.f32 v14  }
0x96: {  	(erf) = vpow2.f32 v12;
	_ =	sdelay $0x4  }
0x97: {  	s25 =	simm.s32 $0x80  }
0x98: {  	v18 =	vld [tilespmem:s25+$0x4110];
	v12 =	vpop (erf)  }
0x99: {  	v17 =	vld [tilespmem:s25+$0x4100];
	[tilespmem:s24+$0x140] =	vst v12;
	v14 =	vpop (erf);
	v12 =	vmul.f32 v12, v13  }
0x9a: {  	v19 =	vld [tilespmem:s25+$0x4120];
	[tilespmem:s24+$0x150] =	vst v14;
	v14 =	vmul.f32 v14, v15;
	v15 =	vpop (erf)  }
0x9b: {  	v20 =	vld [tilespmem:s25+$0x4130];
	[tilespmem:s24+$0x100] =	vst v12;
	v12 =	vmul.f32 v15, v21;
	v16 =	vpop (erf)  }
0x9c: {  	v13 =	vld [tilespmem:s25+$0x100];
	[tilespmem:s24+$0x110] =	vst v14;
	v21 =	vmul.f32 v16, v22  }
0x9d: {  	v14 =	vld [tilespmem:s25+$0x110];
	[tilespmem:s24+$0x120] =	vst v12  }
0x9e: {  	s26 =	simm.s32 $0x400;
	v12 =	vld [tilespmem:s25+$0x120];
	[tilespmem:s24+$0x130] =	vst v21  }
.LBB2_4:
0x9f: {  	p1 =	seq.s32 s26, $0xFE00;
	v21 =	vld [tilespmem:s25+$0x130];
	[tilespmem:s24+$0x160] =	vst v15  }
0xa0: {  	[tilespmem:s24+$0x170] =	vst v16;
	s24 =	smov.u32 s25  }
0xa1: {  	v15 =	vadd.f32 v17, v13  }
0xa2: {  	v16 =	vadd.f32 v18, v14  }
0xa3: {  	v17 =	vmul.f32 $2.000000030e-01, v15;
	v18 =	vadd.f32 v19, v12  }
0xa4: {  	v19 =	vmul.f32 $2.000000030e-01, v16;
	v20 =	vadd.f32 v20, v21  }
0xa5: {  	v15 =	vmax.f32 v15, v17;
	v17 =	vmul.f32 $2.000000030e-01, v18  }
0xa6: {  	v15 =	vmul.f32 v15, v4;
	v16 =	vmax.f32 v16, v19;
	v19 =	vmul.f32 $2.000000030e-01, v20  }
0xa7: {  	v16 =	vmul.f32 v16, v5;
	v17 =	vmax.f32 v18, v17  }
0xa8: {  	v18 =	vperm.xlane v15, v0;
	v17 =	vmul.f32 v17, v6;
	v19 =	vmax.f32 v20, v19  }
0xa9: {  	v20 =	vperm.xlane v16, v0;
	v19 =	vmul.f32 v19, v7  }
0xaa: {  	v15 =	vadd.f32 v15, v18;
	v18 =	vperm.xlane v17, v0  }
0xab: {  	v16 =	vadd.f32 v16, v20;
	v20 =	vperm.xlane v19, v0  }
0xac: {  	v22 =	vperm.xlane v15, v1;
	v17 =	vadd.f32 v17, v18  }
0xad: {  	v18 =	vperm.xlane v16, v1;
	v19 =	vadd.f32 v19, v20  }
0xae: {  	v15 =	vadd.f32 v15, v22;
	v20 =	vperm.xlane v17, v1  }
0xaf: {  	v16 =	vadd.f32 v16, v18;
	v18 =	vperm.xlane v19, v1  }
0xb0: {  	v22 =	vperm.xlane v15, v2;
	v17 =	vadd.f32 v17, v20  }
0xb1: {  	v20 =	vperm.xlane v16, v2;
	v18 =	vadd.f32 v19, v18  }
0xb2: {  	v15 =	vadd.f32 v15, v22;
	v19 =	vperm.xlane v17, v2  }
0xb3: {  	v16 =	vadd.f32 v16, v20;
	v20 =	vperm.xlane v18, v2  }
0xb4: {  	v22 =	vperm.xlane v15, v3;
	v17 =	vadd.f32 v17, v19  }
0xb5: {  	v19 =	vperm.xlane v16, v3;
	v18 =	vadd.f32 v18, v20  }
0xb6: {  	v15 =	vadd.f32 v15, v22;
	v20 =	vperm.xlane v17, v3  }
0xb7: {  	v16 =	vadd.f32 v16, v19;
	v19 =	vperm.xlane v18, v3  }
0xb8: {  	v15 =	vmul.f32 $1.442695020e+00, v15;
	v17 =	vadd.f32 v17, v20  }
0xb9: {  	v16 =	vmul.f32 $1.442695020e+00, v16;
	v18 =	vadd.f32 v18, v19  }
0xba: {  	v17 =	vmul.f32 $1.442695020e+00, v17;
	(erf) = vpow2.f32 v15  }
0xbb: {  	v15 =	vmul.f32 $1.442695020e+00, v18;
	(erf) = vpow2.f32 v16  }
0xbc: {  	(erf) = vpow2.f32 v17  }
0xbd: {  	(erf) = vpow2.f32 v15;
	_ =	sdelay $0x4  }
0xbe: {  	s25 =	sshra.s32 s26, $0x2  }
0xbf: {  	v17 =	vld [tilespmem:s25+$0x4100];
	v15 =	vpop (erf)  }
0xc0: {  	v18 =	vld [tilespmem:s25+$0x4110];
	v13 =	vmul.f32 v15, v13;
	[tilespmem:s24+$0x140] =	vst v15;
	v15 =	vpop (erf)  }
.Ltmp5:
0xc1: {  	v19 =	vld [tilespmem:s25+$0x4120];
	v14 =	vmul.f32 v15, v14;
	[tilespmem:s24+$0x150] =	vst v15;
	v15 =	vpop (erf);
	(pc) =	sbr.rel @!p1 .LBB2_4-.Ltmp5, $4  }
0xc2: {  	v20 =	vld [tilespmem:s25+$0x4130];
	[tilespmem:s24+$0x100] =	vst v13;
	v12 =	vmul.f32 v15, v12;
	v16 =	vpop (erf)  }
0xc3: {  	v13 =	vld [tilespmem:s25+$0x100];
	[tilespmem:s24+$0x110] =	vst v14;
	v21 =	vmul.f32 v16, v21  }
0xc4: {  	v14 =	vld [tilespmem:s25+$0x110];
	[tilespmem:s24+$0x120] =	vst v12  }
0xc5: {  	s26 =	sadd.s32 $0x200, s26;
	v12 =	vld [tilespmem:s25+$0x120];
	[tilespmem:s24+$0x130] =	vst v21  }
0xc6: {  	_ = 	snop  }
0xc7: {  	v21 =	vld [tilespmem:s25+$0x130]  }
0xc8: {  	v17 =	vadd.f32 v17, v13  }
0xc9: {  	v18 =	vadd.f32 v18, v14  }
0xca: {  	v22 =	vmul.f32 $2.000000030e-01, v17  }
0xcb: {  	v19 =	vadd.f32 v19, v12;
	v23 =	vmul.f32 $2.000000030e-01, v18  }
0xcc: {  	v20 =	vadd.f32 v20, v21;
	v17 =	vmax.f32 v17, v22  }
0xcd: {  	v37 =	vmul.f32 $2.000000030e-01, v19;
	v17 =	vmul.f32 v17, v4;
	v18 =	vmax.f32 v18, v23  }
0xce: {  	v18 =	vmul.f32 v18, v5  }
0xcf: {  	v38 =	vmul.f32 $2.000000030e-01, v20;
	v19 =	vmax.f32 v19, v37;
	v39 =	vperm.xlane v17, v0  }
0xd0: {  	v19 =	vmul.f32 v19, v6;
	v40 =	vperm.xlane v18, v0  }
0xd1: {  	v20 =	vmax.f32 v20, v38;
	v17 =	vadd.f32 v17, v39  }
0xd2: {  	v20 =	vmul.f32 v20, v7;
	v41 =	vperm.xlane v19, v0;
	v18 =	vadd.f32 v18, v40  }
0xd3: {  	v43 =	vperm.xlane v17, v1  }
0xd4: {  	v42 =	vperm.xlane v20, v0;
	v19 =	vadd.f32 v19, v41;
	v44 =	vperm.xlane v18, v1  }
0xd5: {  	v17 =	vadd.f32 v17, v43  }
0xd6: {  	v20 =	vadd.f32 v20, v42;
	v45 =	vperm.xlane v19, v1;
	v18 =	vadd.f32 v18, v44  }
0xd7: {  	v47 =	vperm.xlane v17, v2  }
0xd8: {  	v46 =	vperm.xlane v20, v1;
	v19 =	vadd.f32 v19, v45;
	v48 =	vperm.xlane v18, v2  }
0xd9: {  	v17 =	vadd.f32 v17, v47  }
0xda: {  	v20 =	vadd.f32 v20, v46;
	v49 =	vperm.xlane v19, v2;
	v18 =	vadd.f32 v18, v48  }
0xdb: {  	v51 =	vperm.xlane v17, v3  }
0xdc: {  	v50 =	vperm.xlane v20, v2;
	v19 =	vadd.f32 v19, v49;
	v52 =	vperm.xlane v18, v3  }
0xdd: {  	v17 =	vadd.f32 v17, v51  }
0xde: {  	v20 =	vadd.f32 v20, v50;
	v53 =	vperm.xlane v19, v3;
	v18 =	vadd.f32 v18, v52  }
0xdf: {  	v17 =	vmul.f32 $1.442695020e+00, v17  }
0xe0: {  	v54 =	vperm.xlane v20, v3;
	v19 =	vadd.f32 v19, v53;
	v18 =	vmul.f32 $1.442695020e+00, v18  }
0xe1: {  	(erf) = vpow2.f32 v17  }
0xe2: {  	v20 =	vadd.f32 v20, v54;
	v19 =	vmul.f32 $1.442695020e+00, v19;
	(erf) = vpow2.f32 v18;
	_ =	sdelay $0x1  }
0xe3: {  	v55 =	vmul.f32 $1.442695020e+00, v20;
	(erf) = vpow2.f32 v19;
	_ =	sdelay $0x1  }
0xe4: {  	(erf) = vpow2.f32 v55;
	_ =	sdelay $0x2  }
0xe5: {  	[tilespmem:s24+$0x160] =	vst v15  }
0xe6: {  	[tilespmem:s24+$0x170] =	vst v16;
	v56 =	vpop (erf)  }
0xe7: {  	v57 =	vmul.f32 v56, v13;
	[tilespmem:s25+$0x140] =	vst v56;
	v58 =	vpop (erf)  }
0xe8: {  	[tilespmem:s25+$0x150] =	vst v58  }
0xe9: {  	v59 =	vmul.f32 v58, v14;
	v60 =	vpop (erf);
	[tilespmem:s25+$0x100] =	vst v57  }
.Ltmp6:
0xea: {  	[tilespmem:s25+$0x160] =	vst v60;
	(pc) =	sbr.rel .LBB2_9-.Ltmp6, $4  }
0xeb: {  	v61 =	vmul.f32 v60, v12;
	v62 =	vpop (erf);
	[tilespmem:s25+$0x110] =	vst v59  }
0xec: {  	v63 =	vmul.f32 v62, v21;
	[tilespmem:s25+$0x170] =	vst v62  }
0xed: {  	[tilespmem:s25+$0x120] =	vst v61  }
0xee: {  	[tilespmem:s25+$0x130] =	vst v63  }
.LBB2_6:
0xef: {  	v13 =	vld [tilespmem:s24+$0x4140]  }
0xf0: {  	v14 =	vld [tilespmem:s24+$0x4150]  }
0xf1: {  	v15 =	vld [tilespmem:s24+$0x140]  }
0xf2: {  	v17 =	vld [tilespmem:s24+$0x150]  }
0xf3: {  	v16 =	vld [tilespmem:s24+$0x4160]  }
0xf4: {  	v12 =	vld [tilespmem:s24+$0x160];
	_ =	sdelay $0x1  }
0xf5: {  	v13 =	vadd.f32 v13, v15  }
0xf6: {  	v14 =	vadd.f32 v14, v17  }
0xf7: {  	v18 =	vmul.f32 $2.000000030e-01, v13  }
0xf8: {  	v16 =	vadd.f32 v16, v12;
	v19 =	vmul.f32 $2.000000030e-01, v14  }
0xf9: {  	v13 =	vmax.f32 v13, v18;
	v18 =	vld [tilespmem:s24+$0x4170]  }
0xfa: {  	v20 =	vmul.f32 $2.000000030e-01, v16;
	v14 =	vmax.f32 v14, v19;
	v21 =	vmul.f32 v13, v8;
	v13 =	vld [tilespmem:s24+$0x170]  }
0xfb: {  	v14 =	vmul.f32 v14, v9  }
0xfc: {  	v16 =	vmax.f32 v16, v20;
	v19 =	vperm.xlane v21, v0  }
0xfd: {  	v16 =	vmul.f32 v16, v10;
	v20 =	vperm.xlane v14, v0  }
0xfe: {  	v19 =	vadd.f32 v21, v19  }
0xff: {  	v21 =	vperm.xlane v16, v0;
	v14 =	vadd.f32 v14, v20;
	v18 =	vadd.f32 v18, v13  }
0x100: {  	v20 =	vperm.xlane v19, v1  }
0x101: {  	v16 =	vadd.f32 v16, v21;
	v22 =	vperm.xlane v14, v1;
	v21 =	vmul.f32 $2.000000030e-01, v18  }
0x102: {  	v19 =	vadd.f32 v19, v20  }
0x103: {  	v20 =	vperm.xlane v16, v1;
	v14 =	vadd.f32 v14, v22;
	v18 =	vmax.f32 v18, v21  }
0x104: {  	v21 =	vperm.xlane v19, v2;
	v18 =	vmul.f32 v18, v11  }
0x105: {  	v16 =	vadd.f32 v16, v20;
	v20 =	vperm.xlane v14, v2  }
0x106: {  	v19 =	vadd.f32 v19, v21;
	v21 =	vperm.xlane v18, v0  }
0x107: {  	v14 =	vadd.f32 v14, v20  }
0x108: {  	v22 =	vperm.xlane v16, v2;
	v20 =	vperm.xlane v19, v3;
	v18 =	vadd.f32 v18, v21  }
0x109: {  	v21 =	vperm.xlane v14, v3  }
0x10a: {  	v16 =	vadd.f32 v16, v22;
	v19 =	vadd.f32 v19, v20;
	v20 =	vperm.xlane v18, v1  }
0x10b: {  	v14 =	vadd.f32 v14, v21  }
0x10c: {  	v22 =	vperm.xlane v16, v3;
	v19 =	vmul.f32 $1.442695020e+00, v19;
	v18 =	vadd.f32 v18, v20  }
0x10d: {  	v14 =	vmul.f32 $1.442695020e+00, v14  }
0x10e: {  	v16 =	vadd.f32 v16, v22;
	(erf) = vpow2.f32 v19;
	v19 =	vperm.xlane v18, v2;
	_ =	sdelay $0x1  }
0x10f: {  	v16 =	vmul.f32 $1.442695020e+00, v16;
	(erf) = vpow2.f32 v14;
	v14 =	vadd.f32 v18, v19;
	_ =	sdelay $0x1  }
0x110: {  	(erf) = vpow2.f32 v16;
	v16 =	vperm.xlane v14, v3;
	_ =	sdelay $0x1  }
0x111: {  	v14 =	vadd.f32 v14, v16;
	_ =	sdelay $0x1  }
0x112: {  	v14 =	vmul.f32 $1.442695020e+00, v14;
	_ =	sdelay $0x1  }
0x113: {  	v16 =	vpop (erf);
	(erf) = vpow2.f32 v14;
	_ =	sdelay $0x2  }
0x114: {  	s25 =	simm.s32 $0x80  }
0x115: {  	v21 =	vld [tilespmem:s25+$0x4150]  }
0x116: {  	v20 =	vld [tilespmem:s25+$0x4140]  }
0x117: {  	v18 =	vld [tilespmem:s25+$0x4160]  }
0x118: {  	v19 =	vld [tilespmem:s25+$0x4170];
	[tilespmem:s24+$0x140] =	vst v16;
	v22 =	vpop (erf)  }
0x119: {  	s26 =	simm.s32 $0x400;
	v15 =	vmul.f32 v16, v15;
	v14 =	vld [tilespmem:s25+$0x140];
	v16 =	vmul.f32 v22, v17;
	[tilespmem:s24+$0x150] =	vst v22;
	v17 =	vpop (erf)  }
.LBB2_7:
0x11a: {  	p1 =	sne.s32 s26, $0xFE00;
	v22 =	vld [tilespmem:s25+$0x150];
	v23 =	vmul.f32 v17, v12;
	[tilespmem:s24+$0x160] =	vst v17;
	v17 =	vpop (erf)  }
0x11b: {  	v12 =	vld [tilespmem:s25+$0x160];
	v24 =	vmul.f32 v17, v13;
	[tilespmem:s24+$0x170] =	vst v17  }
0x11c: {  	v13 =	vld [tilespmem:s25+$0x170];
	[tilespmem:s24+$0x100] =	vst v15  }
0x11d: {  	[tilespmem:s24+$0x110] =	vst v16  }
0x11e: {  	v15 =	vadd.f32 v20, v14;
	[tilespmem:s24+$0x120] =	vst v23  }
0x11f: {  	v16 =	vadd.f32 v21, v22;
	[tilespmem:s24+$0x130] =	vst v24;
	s24 =	smov.u32 s25  }
0x120: {  	v17 =	vmul.f32 $2.000000030e-01, v15;
	v18 =	vadd.f32 v18, v12  }
0x121: {  	v20 =	vmul.f32 $2.000000030e-01, v16;
	v19 =	vadd.f32 v19, v13  }
0x122: {  	v15 =	vmax.f32 v15, v17;
	v17 =	vmul.f32 $2.000000030e-01, v18  }
0x123: {  	v15 =	vmul.f32 v15, v8;
	v16 =	vmax.f32 v16, v20;
	v20 =	vmul.f32 $2.000000030e-01, v19  }
0x124: {  	v16 =	vmul.f32 v16, v9;
	v17 =	vmax.f32 v18, v17  }
0x125: {  	v18 =	vperm.xlane v15, v0;
	v17 =	vmul.f32 v17, v10;
	v19 =	vmax.f32 v19, v20  }
0x126: {  	v20 =	vperm.xlane v16, v0;
	v19 =	vmul.f32 v19, v11  }
0x127: {  	v15 =	vadd.f32 v15, v18;
	v18 =	vperm.xlane v17, v0  }
0x128: {  	v16 =	vadd.f32 v16, v20;
	v20 =	vperm.xlane v19, v0  }
0x129: {  	v21 =	vperm.xlane v15, v1;
	v17 =	vadd.f32 v17, v18  }
0x12a: {  	v18 =	vperm.xlane v16, v1;
	v19 =	vadd.f32 v19, v20  }
0x12b: {  	v15 =	vadd.f32 v15, v21;
	v20 =	vperm.xlane v17, v1  }
0x12c: {  	v16 =	vadd.f32 v16, v18;
	v18 =	vperm.xlane v19, v1  }
0x12d: {  	v21 =	vperm.xlane v15, v2;
	v17 =	vadd.f32 v17, v20  }
0x12e: {  	v20 =	vperm.xlane v16, v2;
	v18 =	vadd.f32 v19, v18  }
0x12f: {  	v15 =	vadd.f32 v15, v21;
	v19 =	vperm.xlane v17, v2  }
0x130: {  	v16 =	vadd.f32 v16, v20;
	v20 =	vperm.xlane v18, v2  }
0x131: {  	v21 =	vperm.xlane v15, v3;
	v17 =	vadd.f32 v17, v19  }
0x132: {  	v19 =	vperm.xlane v16, v3;
	v18 =	vadd.f32 v18, v20  }
0x133: {  	v15 =	vadd.f32 v15, v21;
	v20 =	vperm.xlane v17, v3  }
0x134: {  	v16 =	vadd.f32 v16, v19;
	v19 =	vperm.xlane v18, v3  }
0x135: {  	v15 =	vmul.f32 $1.442695020e+00, v15;
	v17 =	vadd.f32 v17, v20  }
0x136: {  	v16 =	vmul.f32 $1.442695020e+00, v16;
	v18 =	vadd.f32 v18, v19  }
0x137: {  	v17 =	vmul.f32 $1.442695020e+00, v17;
	(erf) = vpow2.f32 v15  }
0x138: {  	v15 =	vmul.f32 $1.442695020e+00, v18;
	(erf) = vpow2.f32 v16  }
0x139: {  	(erf) = vpow2.f32 v17  }
0x13a: {  	(erf) = vpow2.f32 v15;
	_ =	sdelay $0x2  }
0x13b: {  	s25 =	sshra.s32 s26, $0x2  }
.Ltmp7:
0x13c: {  	v20 =	vld [tilespmem:s25+$0x4140];
	(pc) =	sbr.rel @p1 .LBB2_7-.Ltmp7, $4  }
0x13d: {  	v21 =	vld [tilespmem:s25+$0x4150]  }
0x13e: {  	v18 =	vld [tilespmem:s25+$0x4160];
	v16 =	vpop (erf)  }
0x13f: {  	v19 =	vld [tilespmem:s25+$0x4170];
	v15 =	vmul.f32 v16, v14;
	[tilespmem:s24+$0x140] =	vst v16;
	v17 =	vpop (erf)  }
0x140: {  	s26 =	sadd.s32 $0x200, s26;
	v14 =	vld [tilespmem:s25+$0x140];
	v16 =	vmul.f32 v17, v22;
	[tilespmem:s24+$0x150] =	vst v17;
	v17 =	vpop (erf)  }
.Ltmp8:
0x141: {  	_ = 	snop;
	(pc) =	sbr.rel .LBB2_8-.Ltmp8, $1  }
0x142: {  	_ =	sdelay $0x3  }
.LBB2_11:
0x143: {  	_ =	sfence.sel $0x180000  }
0x144: {  	[bflag:$0x0] =	sbarrier.arrive $0xFFFF  }
0x145: {  	p0 =	sne.s32 s4, $0x0;
	_ =	strace $0x9000004A  }
0x146: {  	s0 =	sadd.s32 @!p0 $0x100000, s0;
	[bflag:$0x2] =	sbarrier.arrive $0xFFFF  }
0x147: {  	[sflag:s0] =	ssyncadd.tile.s32 @!p0 $0x1;
	_ =	shalt  }
.Lfunc_end2:
_tile_overlayer_lowered:
.L_overlay_start_2:
0x148: {  	(tag) =	ssettag $0x2  }
0x149: {  	s0 =	rddreg [dreg:$0x0];
	s2 =	stileid.u32  }
0x14a: {  	s1 =	rddreg [dreg:$0x1];
	p0 =	sne.s32 s2, $0x0  }
0x14b: {  	s3 =	rddreg [dreg:$0x2];
	[bflag:$0x3] =	sbarrier.arrive $0xFFFF;
	s2 =	simm.s32 @!p0 $0x1C03  }
0x14c: {  	[timem:s3], [sflag:s2] =	dma.local @!p0 [hbm:s0], s1  }
0x14d: {  	s0 =	simm.s32 @!p0 $0x3  }
0x14e: {  	_ =	swait.ge @!p0 [sflag:s0], s1  }
0x14f: {  	s1 =	ssub.s32 @!p0 $0x0, s1;
	[sflag:s0] =	ssyncset.done @!p0 $0x0  }
0x150: {  	[sflag:s0] =	ssyncadd.s32 @!p0 s1  }
0x151: {  	[bflag:$0x3] =	sbarrier.arrive $0xFFFF  }
0x152: {  	_ =	shalt  }

// kernel: kernel.19.cloned.1.call-start
scs
__scs_entry_jumppad:
0x0: {  	(pc) =	sbr.rel $0x88, $3  }
0x1: {  	(tag) =	ssettag $0x0;
	lr =	simm.s32 $0x1  }
0x2: {  	[smem:$0x3F86] =	sst lr;
	_ =	strace $0xD0000000  }
0x3: {  	_ = 	snop  }
0x4: {  	_ = 	snop  }
0x5: {  	_ = 	snop  }
0x6: {  	_ = 	snop  }
0x7: {  	_ = 	snop  }
__scs_overlays_trampoline_lowered:
0x8: {  	[smem:$0x3F95] =	sst s0  }
0x9: {  	[smem:$0x3F96] =	sst s1  }
0xa: {  	[smem:$0x3F97] =	sst s2  }
0xb: {  	[smem:$0x3F98] =	sst s3  }
0xc: {  	[smem:$0x3F99] =	sst s4  }
0xd: {  	[smem:$0x3F9A] =	sst s5  }
0xe: {  	[smem:$0x3F9B] =	sst s6  }
0xf: {  	[smem:$0x3F9C] =	sst s7  }
0x10: {  	[smem:$0x3F9D] =	sst s8  }
0x11: {  	[smem:$0x3F9E] =	sst s9;
	s0 =	simm.s32 @!p0 $0x0  }
0x12: {  	s1 =	sld [smem:$0x3F84];
	s0 =	simm.s32 @p0 $0x1  }
0x13: {  	[smem:$0x3F9F] =	sst s0;
	s0 =	simm.s32 @!p1 $0x0  }
0x14: {  	s2 =	sld [smem:$0x3F83];
	s0 =	simm.s32 @p1 $0x1  }
0x15: {  	[smem:$0x3FA0] =	sst s0;
	s0 =	simm.s32 @!p2 $0x0  }
0x16: {  	s3 =	sld [smem:$0x3FDB];
	s0 =	simm.s32 @p2 $0x1  }
0x17: {  	s4 =	simm.s32 $0x1BF5;
	[smem:$0x3FA2] =	sst s0  }
0x18: {  	s0 =	sld [smem:$0x3F85];
	_ =	swait.ge [sflag:s4], $0x0  }
0x19: {  	s7 =	sld [smem:$0x3F86]  }
0x1a: {  	s8 =	sadd.s32 $0xFFFFE003, lr  }
0x1b: {  	s9 =	sadd.s32 $0xFFFFFEF7, lr;
	s5 =	simm.s32 $0xFFFFFFFF;
	p2 =	slt.u32 s8, $0xFFFFF086  }
0x1c: {  	p1 =	slt.u32 s9, $0xF7A;
	s5 =	simm.s32 @!p2 $0x0  }
0x1d: {  	s5 =	simm.s32 @p1 $0x1;
	p0 =	seq.s32 s7, s2  }
0x1e: {  	s7 =	smul.u32 @!p0 $0xF7A, s2;
	p2 =	seq.s32 @!p0 s5, $0x0  }
0x1f: {  	s9 =	smul.u32 $0xF7A, s1;
	s8 =	simm.s32 @!p0 $0x1BF5;
	p2 =	por !p2, p0  }
0x20: {  	[sflag:s8] =	ssyncset.s32 @!p0 $0xFFFFF086;
	s6 =	sadd.s32 @!p0 s3, s7;
	s7 =	simm.s32 @!p0 $0x108  }
0x21: {  	s3 =	sadd.s32 s3, s9;
	s6 =	sadd.s32 @!p0 $0x88, s6;
	s7 =	simm.s32 @p2 $0x1082  }
0x22: {  	[simem:s7], [sflag:s8] =	dma.local @!p0 [hbm:s6], $0xF7A  }
0x23: {  	s9 =	sor.u32 $0xD0000000, s2;
	s6 =	simm.s32 $0x108;
	_ =	swait.ge @!p0 [sflag:s8], $0x0  }
0x24: {  	s3 =	sadd.s32 $0x88, s3;
	s6 =	simm.s32 @!p1 $0x1082;
	[sflag:s4] =	ssyncset.s32 $0xFFFFF086  }
0x25: {  	[simem:s6], [sflag:s4] =	dma.local [hbm:s3], $0xF7A  }
0x26: {  	[smem:$0x3F86] =	sst s1;
	(tag) =	ssettag s2;
	_ =	strace s9  }
0x27: {  	s1 =	sld [smem:$0x3F96]  }
0x28: {  	s2 =	sld [smem:$0x3F97]  }
0x29: {  	s4 =	sld [smem:$0x3F99]  }
0x2a: {  	p0 =	seq.s32 s5, $0x0;
	s5 =	sld [smem:$0x3F9A]  }
0x2b: {  	s6 =	sld [smem:$0x3F9B]  }
0x2c: {  	s7 =	sld [smem:$0x3F9C]  }
0x2d: {  	s3 =	simm.s32 $0x108;
	s8 =	sld [smem:$0x3F9D]  }
0x2e: {  	s3 =	simm.s32 @!p0 $0x1082;
	s9 =	sld [smem:$0x3F9E]  }
0x2f: {  	lr =	sadd.s32 s0, s3;
	s0 =	sld [smem:$0x3F95]  }
0x30: {  	s3 =	sld [smem:$0x3F98]  }
0x31: {  	[smem:$0x3FA1] =	sst s10  }
0x32: {  	s10 =	sld [smem:$0x3F9F];
	_ =	sdelay $0x3  }
0x33: {  	p0 =	seq.s32 s10, $0x1;
	s10 =	sld [smem:$0x3FA1];
	_ =	sdelay $0x3  }
0x34: {  	[smem:$0x3FA1] =	sst s10  }
0x35: {  	s10 =	sld [smem:$0x3FA0];
	_ =	sdelay $0x3  }
0x36: {  	p1 =	seq.s32 s10, $0x1;
	s10 =	sld [smem:$0x3FA1];
	_ =	sdelay $0x3  }
0x37: {  	[smem:$0x3FA1] =	sst s10  }
0x38: {  	s10 =	sld [smem:$0x3FA2]  }
0x39: {  	_ = 	snop;
	(pc) =	sbr.ind lr, $3  }
0x3a: {  	_ = 	snop  }
0x3b: {  	_ = 	snop  }
0x3c: {  	p2 =	seq.s32 s10, $0x1;
	s10 =	sld [smem:$0x3FA1]  }
0x3d: {  	_ =	shalt  }
0x3e: {  	_ =	shalt  }
0x3f: {  	_ =	shalt  }
0x40: {  	_ =	shalt  }
0x41: {  	_ =	shalt  }
0x42: {  	_ =	shalt  }
0x43: {  	_ =	shalt  }
0x44: {  	_ =	shalt  }
0x45: {  	_ =	shalt  }
0x46: {  	_ =	shalt  }
0x47: {  	_ =	shalt  }
0x48: {  	_ =	shalt  }
0x49: {  	_ =	shalt  }
0x4a: {  	_ =	shalt  }
0x4b: {  	_ =	shalt  }
0x4c: {  	_ =	shalt  }
0x4d: {  	_ =	shalt  }
0x4e: {  	_ =	shalt  }
0x4f: {  	_ =	shalt  }
0x50: {  	_ =	shalt  }
0x51: {  	_ =	shalt  }
0x52: {  	_ =	shalt  }
0x53: {  	_ =	shalt  }
0x54: {  	_ =	shalt  }
0x55: {  	_ =	shalt  }
0x56: {  	_ =	shalt  }
0x57: {  	_ =	shalt  }
0x58: {  	_ =	shalt  }
0x59: {  	_ =	shalt  }
0x5a: {  	_ =	shalt  }
0x5b: {  	_ =	shalt  }
0x5c: {  	_ =	shalt  }
0x5d: {  	_ =	shalt  }
0x5e: {  	_ =	shalt  }
0x5f: {  	_ =	shalt  }
0x60: {  	_ =	shalt  }
0x61: {  	_ =	shalt  }
0x62: {  	_ =	shalt  }
0x63: {  	_ =	shalt  }
0x64: {  	_ =	shalt  }
0x65: {  	_ =	shalt  }
0x66: {  	_ =	shalt  }
0x67: {  	_ =	shalt  }
0x68: {  	_ =	shalt  }
0x69: {  	_ =	shalt  }
0x6a: {  	_ =	shalt  }
0x6b: {  	_ =	shalt  }
0x6c: {  	_ =	shalt  }
0x6d: {  	_ =	shalt  }
0x6e: {  	_ =	shalt  }
0x6f: {  	_ =	shalt  }
0x70: {  	_ =	shalt  }
0x71: {  	_ =	shalt  }
0x72: {  	_ =	shalt  }
0x73: {  	_ =	shalt  }
0x74: {  	_ =	shalt  }
0x75: {  	_ =	shalt  }
0x76: {  	_ =	shalt  }
0x77: {  	_ =	shalt  }
0x78: {  	_ =	shalt  }
0x79: {  	_ =	shalt  }
0x7a: {  	_ =	shalt  }
0x7b: {  	_ =	shalt  }
0x7c: {  	_ =	shalt  }
0x7d: {  	_ =	shalt  }
0x7e: {  	_ =	shalt  }
0x7f: {  	_ =	shalt  }
0x80: {  	_ =	shalt  }
0x81: {  	_ =	shalt  }
0x82: {  	_ =	shalt  }
0x83: {  	_ =	shalt  }
0x84: {  	_ =	shalt  }
0x85: {  	_ =	shalt  }
0x86: {  	_ =	shalt  }
0x87: {  	_ =	shalt  }
.Lfunc_end0:
.L_simem_size_0:
called_computation.2_lowered:
.L_overlay_start_0:
0x88: {  	s2 =	sld [smem:$0x3FD9]  }
0x89: {  	s3 =	sld [smem:$0x3FFE];
	_ =	sdelay $0x1  }
0x8a: {  	s1 =	srdreg.scid  }
0x8b: {  	s0 =	sand.u32 $0x1, s1  }
0x8c: {  	s17 =	sshll.u32 s0, $0xA;
	s2 =	sadd.s32 s3, s2  }
0x8d: {  	s2 =	sadd.s32 s2, s17  }
0x8e: {  	[smem:$0x3FAD] =	sst s2  }
0x8f: {  	_ = 	snop  }
0x90: {  	s2 =	sld [smem:$0x3FBB];
	(tm) =	ssettm $0x1  }
0x91: {  	s18 =	sld [smem:$0x3FFB];
	_ =	sdelay $0x3  }
0x92: {  	_ =	strace s18  }
0x93: {  	s3 =	sld [smem:$0x3FFC];
	_ =	sdelay $0x3  }
0x94: {  	_ =	strace s3  }
0x95: {  	s3 =	sld [smem:$0x3FFD];
	_ =	sdelay $0x3  }
0x96: {  	_ =	strace s3  }
0x97: {  	_ =	strace $0x8FFFFFFF  }
0x98: {  	s19 =	sld [smem:$0x3FDB];
	_ =	sdelay $0x1  }
0x99: {  	s4 =	simm.s32 $_scs_section_size  }
0x9a: {  	s5 =	simm.s32 $_size__tile_overlayer_lowered;
	s6 =	simm.s32 $_tile_overlayer_lowered  }
0x9b: {  	s22 =	simm.s32 $0x1BFF;
	s21 =	sshll.u32 s6, $0x1;
	s3 =	sadd.s32 s4, s19  }
0x9c: {  	s7 =	simm.s32 $0x0;
	s20 =	sshll.u32 s5, $0x1;
	s5 =	sadd.s32 s21, s3  }
0x9d: {  	[timem:s7], [sflag:s22] =	dma.local [hbm:s5], s20  }
0x9e: {  	_ =	swait.ge [sflag:s22], s20  }
0x9f: {  	s4 =	ssub.s32 $0x0, s20;
	[sflag:s22] =	ssyncset.done $0x0  }
0xa0: {  	[sflag:s22] =	ssyncadd.s32 s4;
	_ =	sdelay $0x1  }
0xa1: {  	s23 =	simm.s32 $0x1B8B  }
0xa2: {  	_ =	swait.ge [sflag:s23], $0x1  }
0xa3: {  	[sflag:s23] =	ssyncset.done $0x0  }
0xa4: {  	s25 =	simm.s32 $0x1B8E;
	s24 =	sld [smem:$0x3FFE];
	[sflag:s23] =	ssyncadd.s32 $0xFFFFFFFF  }
0xa5: {  	s26 =	simm.s32 $execute0_lowered;
	[smem:$0x3FD2] =	sst s25  }
0xa6: {  	s5 =	sshll.u32 s26, $0x1;
	_ =	strace $0x8000004C;
	[dreg:$0x1] =	wrdreg $0xFFFFFFFF  }
0xa7: {  	s28 =	simm.s32 $_size_execute0_lowered;
	s3 =	sadd.s32 s3, s5;
	[dreg:$0x0] =	wrdreg $0x0  }
0xa8: {  	s5 =	sshll.u32 s28, $0x1;
	[dreg:$0x2] =	wrdreg s3  }
0xa9: {  	[dreg:$0x3] =	wrdreg s5  }
0xaa: {  	[dreg:$0x4] =	wrdreg $0xC0  }
0xab: {  	_ =	task [dreg:s7], $0x5FFFF  }
0xac: {  	[dreg:$0x1] =	wrdreg $0xFFFFFFFF  }
0xad: {  	[dreg:$0x0] =	wrdreg $0x60  }
0xae: {  	[dreg:$0x2] =	wrdreg s24  }
0xaf: {  	[dreg:$0x3] =	wrdreg s2  }
0xb0: {  	[dreg:$0x4] =	wrdreg $0x85000  }
0xb1: {  	[dreg:$0x5] =	wrdreg $0x9  }
0xb2: {  	_ =	task.clear_ibuf [dreg:s7], $0x6FFFF;
	_ =	strace $0x9000004C  }
0xb3: {  	s29 =	simm.s32 $0x9;
	_ =	strace $0x8000004E  }
0xb4: {  	_ =	swait.ge [sflag:s29], $0x1  }
0xb5: {  	[sflag:s29] =	ssyncadd.s32 $0xFFFFFFFF  }
0xb6: {  	_ =	strace $0x9000004E  }
0xb7: {  	_ =	sfence  }
0xb8: {  	s30 =	sld [smem:$0x0];
	_ =	sdelay $0x2  }
0xb9: {  	s31 =	sshll.u32 s1, $0xD;
	s1 =	sshrl.u32 s1, $0x2  }
0xba: {  	s3 =	sand.u32 $0x4000, s31;
	s1 =	sadd.s32 s1, s30  }
0xbb: {  	s0 =	sor.u32 s3, s0;
	s1 =	sshll.u32 s1, $0x11  }
0xbc: {  	s0 =	sor.u32 s1, s0  }
0xbd: {  	s0 =	sadd.s32 $0x8F2B, s0  }
0xbe: {  	[sflag:s0] =	ssyncadd.remote.s32 $0x1  }
0xbf: {  	_ =	sfence.sel $0xFFFF  }
0xc0: {  	[dreg:$0x0] =	wrdreg $0xFFFFFFFF;
	(pc) =	sbr.abs _section_cstart, $3  }
0xc1: {  	[dreg:$0x1] =	wrdreg $0xFFFFFFFF  }
0xc2: {  	_ =	task.clear_ibuf [dreg:s7], $0x2FFFF;
	_ =	strace $0x9FFFFFFF  }
0xc3: {  	(tm) =	ssettm $0x7FFFFFFF  }
tec
execute0_lowered:
.L_overlay_start_1:
0x0: {  	(tag) =	ssettag $0x1  }
0x1: {  	s9 =	rddreg [dreg:$0x0]  }
0x2: {  	s1 =	rddreg [dreg:$0x1]  }
0x3: {  	s2 =	rddreg [dreg:$0x2]  }
0x4: {  	s0 =	rddreg [dreg:$0x3];
	s3 =	simm.s32 $0x0  }
0x5: {  	v0 =	vimm.s32 $0xFEDCBA98;
	s4 =	stileid.u32;
	s7 =	srdreg.scid;
	v1 =	vimm.s32 $0x76543210;
	s18 =	simm.s32 $0x100  }
0x6: {  	v2 =	vimm.s32 $0xBA98FEDC;
	v3 =	vimm.s32 $0x32107654;
	s19 =	simm.s32 $0x4100;
	s20 =	simm.s32 $0x1;
	s21 =	simm.s32 $0x2  }
0x7: {  	v4 =	vimm.s32 $0xDCFE98BA;
	v5 =	vimm.s32 $0x54761032;
	s22 =	simm.s32 $0x0;
	[smem:$0x7FF] =	sst s3;
	s5 =	sadd.s32 $0xFC00, s9  }
0x8: {  	v6 =	vimm.s32 $0xEFCDAB89;
	v7 =	vimm.s32 $0x67452301;
	s6 =	sadd.s32 $0x5EC00, s9;
	s10 =	smul.u32 $0x13C00, s4;
	s17 =	sand.u32 $0x1, s7  }
0x9: {  	v0 =	vunpack.c.l.s4.s8 v0;
	s7 =	sadd.s32 $0xADC00, s9;
	s8 =	sadd.s32 $0xB3000, s9;
	v1 =	vunpack.c.l.s4.s8 v1;
	s29 =	smul.u32 $0x4F000, s4;
	v2 =	vunpack.c.l.s4.s8 v2  }
0xa: {  	v3 =	vunpack.c.l.s4.s8 v3;
	v4 =	vunpack.c.l.s4.s8 v4;
	v5 =	vunpack.c.l.s4.s8 v5;
	s15 =	sshll.u32 s4, $0x6;
	_ =	strace $0x8000004D;
	s11 =	smul.u32 $0x13C000, s17  }
0xb: {  	v6 =	vunpack.c.l.s4.s8 v6;
	v7 =	vunpack.c.l.s4.s8 v7;
	s13 =	ssub.s32 $0x2, s17;
	s15 =	sor.u32 $0x1C03, s15;
	p0 =	sne.s32 s17, $0x0;
	v0 =	vunpack.c.0.s8.s32 v0  }
0xc: {  	s17 =	simm.s32 $0x80;
	s12 =	sshrl.u32 s10, $0x3;
	s30 =	sshrl.u32 s13, $0x1;
	v2 =	vunpack.c.0.s8.s32 v2;
	v3 =	vunpack.c.0.s8.s32 v3;
	v4 =	vunpack.c.0.s8.s32 v4  }
.Ltmp0:
0xd: {  	s31 =	sshrl.u32 s29, $0x2;
	v5 =	vunpack.c.0.s8.s32 v5;
	v6 =	vunpack.c.0.s8.s32 v6;
	v7 =	vunpack.c.0.s8.s32 v7;
	s10 =	sadd.s32 s10, s11;
	(pc) =	sbr.rel .LBB2_1-.Ltmp0, $4  }
0xe: {  	v1 =	vunpack.c.0.s8.s32 v1;
	s12 =	sadd.s32 s12, s9;
	s16 =	sadd.s32 s31, s2;
	s10 =	sshrl.u32 s10, $0x3;
	v2 =	vcombine.low v3, v2  }
0xf: {  	s13 =	ssub.s32 s13, s30;
	v3 =	vcombine.low v5, v4;
	v4 =	vcombine.low v7, v6;
	s16 =	sshrl.u32 s16, $0x3;
	v0 =	vand.u32 $0xF, v0;
	s14 =	sadd.s32 s10, s9  }
0x10: {  	s9 =	sadd.s32 $0x37400, s12;
	s10 =	smul.u32 $0x54, s4;
	s12 =	smax.u32 s13, $0x1;
	v0 =	vcombine.low v0, v1  }
0x11: {  	s13 =	simm.s32 $0x8100;
	s11 =	sadd.s32 $0xB8400, s14;
	s14 =	simm.s32 $0x3;
	v1 =	vand.u32 $0xF, v2;
	v2 =	vand.u32 $0xF, v3;
	v3 =	vand.u32 $0xF, v4  }
.LBB2_10:
0x12: {  	s22 =	sadd.s32 $0x1, s22  }
0x13: {  	p1 =	sne.s32 s22, s12  }
.Ltmp1:
0x14: {  	[bflag:$0x0] =	sbarrier.arrive $0xFFFF;
	(pc) =	sbr.rel @!p1 .LBB2_11-.Ltmp1, $4  }
0x15: {  	[hbm:s11], [sflag:s15] =	dma.local [spmem:s16], $0x2780  }
0x16: {  	_ =	swait.ge [sflag:s14], $0x2780  }
0x17: {  	[sflag:s14] =	ssyncset.done $0x0  }
0x18: {  	[sflag:s14] =	ssyncadd.s32 $0xFFFFD880  }
.LBB2_1:
0x19: {  	[tilespmem:s13], [sflag:$0x3] =	stream.linear.gather [hbm4b:s1+s3], $0x400, $0x38;
	[tilespmem:$0x1C100] =	vst v63  }
0x1a: {  	_ =	swait.ge [sflag:s14], $0x400  }
0x1b: {  	[sflag:s14] =	ssyncset.done $0x0  }
0x1c: {  	[sflag:s14] =	ssyncadd.s32 $0xFFFFFC00  }
0x1d: {  	[spmem:s16], [sflag:s15] =	dma.local [hbm:s9], $0x2780  }
0x1e: {  	_ =	swait.ge [sflag:s14], $0x2780  }
0x1f: {  	[sflag:s14] =	ssyncset.done $0x0  }
0x20: {  	[sflag:s14] =	ssyncadd.s32 $0xFFFFD880  }
0x21: {  	[bflag:$0x0] =	sbarrier.arrive $0xFFFF  }
0x22: {  	v4 =	vld [tilespmem:$0x8100]  }
0x23: {  	v5 =	vld [tilespmem:$0x8180]  }
0x24: {  	v6 =	vld [tilespmem:$0x8200]  }
.Ltmp2:
0x25: {  	v7 =	vld [tilespmem:$0x8280];
	(pc) =	sbr.rel .LBB2_2-.Ltmp2, $4  }
0x26: {  	v8 =	vld [tilespmem:$0x8300]  }
0x27: {  	v9 =	vld [tilespmem:$0x8380]  }
0x28: {  	v10 =	vld [tilespmem:$0x8400]  }
0x29: {  	s23 =	simm.s32 $0x0;
	v11 =	vld [tilespmem:$0x8480]  }
.LBB2_8:
0x2a: {  	v22 =	vld [tilespmem:s25+$0x150];
	[tilespmem:s24+$0x160] =	vst v17;
	v23 =	vpop (erf)  }
0x2b: {  	v24 =	vld [tilespmem:s25+$0x160];
	[tilespmem:s24+$0x170] =	vst v23  }
0x2c: {  	v20 =	vadd.f32 v20, v14;
	v25 =	vld [tilespmem:s25+$0x170];
	_ =	sdelay $0x1  }
0x2d: {  	v26 =	vmul.f32 $2.000000030e-01, v20  }
0x2e: {  	v21 =	vadd.f32 v21, v22  }
0x2f: {  	v20 =	vmax.f32 v20, v26;
	v18 =	vadd.f32 v18, v24  }
0x30: {  	v20 =	vmul.f32 v20, v8;
	v27 =	vmul.f32 $2.000000030e-01, v21;
	v19 =	vadd.f32 v19, v25  }
0x31: {  	v41 =	vmul.f32 $2.000000030e-01, v18  }
0x32: {  	v43 =	vperm.xlane v20, v0;
	v21 =	vmax.f32 v21, v27;
	v42 =	vmul.f32 $2.000000030e-01, v19  }
0x33: {  	v21 =	vmul.f32 v21, v9;
	v18 =	vmax.f32 v18, v41  }
0x34: {  	v20 =	vadd.f32 v20, v43;
	v18 =	vmul.f32 v18, v10;
	v19 =	vmax.f32 v19, v42  }
0x35: {  	v44 =	vperm.xlane v21, v0;
	v19 =	vmul.f32 v19, v11  }
0x36: {  	v47 =	vperm.xlane v20, v1;
	v45 =	vperm.xlane v18, v0  }
0x37: {  	v21 =	vadd.f32 v21, v44;
	v46 =	vperm.xlane v19, v0  }
0x38: {  	v20 =	vadd.f32 v20, v47;
	v18 =	vadd.f32 v18, v45  }
0x39: {  	v19 =	vadd.f32 v19, v46;
	v48 =	vperm.xlane v21, v1  }
0x3a: {  	v51 =	vperm.xlane v20, v2;
	v49 =	vperm.xlane v18, v1  }
0x3b: {  	v21 =	vadd.f32 v21, v48;
	v50 =	vperm.xlane v19, v1  }
0x3c: {  	v20 =	vadd.f32 v20, v51;
	v18 =	vadd.f32 v18, v49  }
0x3d: {  	v19 =	vadd.f32 v19, v50;
	v52 =	vperm.xlane v21, v2  }
0x3e: {  	v55 =	vperm.xlane v20, v3;
	v53 =	vperm.xlane v18, v2  }
0x3f: {  	v21 =	vadd.f32 v21, v52;
	v54 =	vperm.xlane v19, v2  }
0x40: {  	v20 =	vadd.f32 v20, v55;
	v18 =	vadd.f32 v18, v53  }
0x41: {  	v19 =	vadd.f32 v19, v54;
	v56 =	vperm.xlane v21, v3  }
0x42: {  	v20 =	vmul.f32 $1.442695020e+00, v20;
	v57 =	vperm.xlane v18, v3  }
0x43: {  	v21 =	vadd.f32 v21, v56;
	v58 =	vperm.xlane v19, v3  }
0x44: {  	(erf) = vpow2.f32 v20;
	v18 =	vadd.f32 v18, v57  }
0x45: {  	v19 =	vadd.f32 v19, v58;
	v21 =	vmul.f32 $1.442695020e+00, v21  }
0x46: {  	v18 =	vmul.f32 $1.442695020e+00, v18  }
0x47: {  	(erf) = vpow2.f32 v21;
	v19 =	vmul.f32 $1.442695020e+00, v19  }
0x48: {  	(erf) = vpow2.f32 v18  }
0x49: {  	(erf) = vpow2.f32 v19;
	_ =	sdelay $0x1  }
0x4a: {  	v12 =	vmul.f32 v17, v12;
	[tilespmem:s24+$0x100] =	vst v15  }
0x4b: {  	v13 =	vmul.f32 v23, v13;
	[tilespmem:s24+$0x110] =	vst v16  }
0x4c: {  	[tilespmem:s24+$0x120] =	vst v12;
	v59 =	vpop (erf)  }
0x4d: {  	[tilespmem:s24+$0x130] =	vst v13;
	v12 =	vmul.f32 v59, v14  }
0x4e: {  	[tilespmem:s25+$0x140] =	vst v59  }
0x4f: {  	[tilespmem:s25+$0x100] =	vst v12;
	v60 =	vpop (erf)  }
0x50: {  	[tilespmem:s25+$0x150] =	vst v60;
	v61 =	vpop (erf)  }
0x51: {  	v13 =	vmul.f32 v60, v22;
	[tilespmem:s25+$0x160] =	vst v61;
	v62 =	vpop (erf)  }
0x52: {  	v15 =	vmul.f32 v61, v24;
	[tilespmem:s25+$0x170] =	vst v62  }
0x53: {  	v63 =	vmul.f32 v62, v25;
	[tilespmem:s25+$0x110] =	vst v13  }
0x54: {  	[tilespmem:s25+$0x120] =	vst v15  }
0x55: {  	[tilespmem:s25+$0x130] =	vst v63  }
.LBB2_9:
0x56: {  	s23 =	sadd.s32 $0x1, s23  }
0x57: {  	p1 =	sne.s32 s23, $0x54  }
.Ltmp3:
0x58: {  	_ = 	snop;
	(pc) =	sbr.rel @!p1 .LBB2_10-.Ltmp3, $4  }
0x59: {  	[spmem:s2] =	stream.indirect.scatter.add.f32 [tilespmem:s18], [sflag:$0x3], $0x80, s17, s17, $0xb8;
	[tilespmem:$0x1C100] =	vst v63  }
0x5a: {  	_ =	swait.ge [sflag:s14], $0x4000  }
0x5b: {  	[sflag:s14] =	ssyncset.done $0x0  }
0x5c: {  	[sflag:s14] =	ssyncadd.s32 $0xFFFFC000  }
.LBB2_2:
0x5d: {  	s24 =	sadd.s32 s10, s23  }
0x5e: {  	s24 =	sshll.u32 s24, $0x4  }
0x5f: {  	s26 =	simm.s32 $0x0;
	s25 =	sadd.s32 s7, s24  }
0x60: {  	[tilespmem:s26], [sflag:$0x3] =	stream.linear.gather [hbm4b:s25+s26], $0x80, $0x38;
	[tilespmem:$0x1C100] =	vst v63  }
0x61: {  	_ =	swait.ge [sflag:s14], $0x80  }
0x62: {  	[sflag:s14] =	ssyncset.done $0x0  }
0x63: {  	s24 =	sadd.s32 s8, s24;
	[sflag:s14] =	ssyncadd.s32 $0xFFFFFF80  }
0x64: {  	[tilespmem:s17], [sflag:$0x3] =	stream.linear.gather [hbm4b:s24+s26], $0x80, $0x38;
	[tilespmem:$0x1C100] =	vst v63  }
0x65: {  	_ =	swait.ge [sflag:s14], $0x80  }
0x66: {  	[sflag:s14] =	ssyncset.done $0x0  }
0x67: {  	[sflag:s14] =	ssyncadd.s32 $0xFFFFFF80  }
0x68: {  	[tilespmem:s18], [sflag:$0x1] =	stream.indirect.gather [hbm4b:s5+s17], $0x80, s26, s17, $0xb8;
	[tilespmem:$0x1C100] =	vst v63  }
0x69: {  	_ = 	snop  }
0x6a: {  	[tilespmem:s19], [sflag:$0x2] =	stream.indirect.gather [hbm4b:s6+s17], $0x80, s17, s17, $0xb8;
	[tilespmem:$0x1C100] =	vst v63  }
0x6b: {  	_ =	swait.ge [sflag:s20], $0x4000  }
.Ltmp4:
0x6c: {  	[sflag:s20] =	ssyncset.done $0x0;
	(pc) =	sbr.rel @p0 .LBB2_6-.Ltmp4, $4  }
0x6d: {  	[sflag:s20] =	ssyncadd.s32 $0xFFFFC000  }
0x6e: {  	_ =	swait.ge [sflag:s21], $0x4000  }
0x6f: {  	[sflag:s21] =	ssyncset.done $0x0  }
0x70: {  	s24 =	simm.s32 $0x0;
	[sflag:s21] =	ssyncadd.s32 $0xFFFFC000  }
0x71: {  	v12 =	vld [tilespmem:s24+$0x4100]  }
0x72: {  	v13 =	vld [tilespmem:s24+$0x100];
	_ =	sdelay $0x1  }
0x73: {  	v14 =	vld [tilespmem:s24+$0x4110]  }
0x74: {  	v15 =	vld [tilespmem:s24+$0x110]  }
0x75: {  	v16 =	vld [tilespmem:s24+$0x4120]  }
0x76: {  	v21 =	vld [tilespmem:s24+$0x120];
	v12 =	vadd.f32 v12, v13  }
0x77: {  	v17 =	vld [tilespmem:s24+$0x4130]  }
0x78: {  	v22 =	vld [tilespmem:s24+$0x130];
	v18 =	vmul.f32 $2.000000030e-01, v12  }
0x79: {  	v14 =	vadd.f32 v14, v15  }
0x7a: {  	v12 =	vmax.f32 v12, v18  }
0x7b: {  	v19 =	vmul.f32 $2.000000030e-01, v14;
	v12 =	vmul.f32 v12, v4  }
0x7c: {  	v16 =	vadd.f32 v16, v21  }
0x7d: {  	v17 =	vadd.f32 v17, v22;
	v14 =	vmax.f32 v14, v19;
	v19 =	vperm.xlane v12, v0  }
0x7e: {  	v18 =	vmul.f32 $2.000000030e-01, v16;
	v14 =	vmul.f32 v14, v5  }
0x7f: {  	v12 =	vadd.f32 v12, v19;
	v19 =	vmul.f32 $2.000000030e-01, v17  }
0x80: {  	v16 =	vmax.f32 v16, v18;
	v18 =	vperm.xlane v14, v0  }
0x81: {  	v16 =	vmul.f32 v16, v6;
	v17 =	vmax.f32 v17, v19  }
0x82: {  	v14 =	vadd.f32 v14, v18;
	v18 =	vperm.xlane v12, v1;
	v17 =	vmul.f32 v17, v7  }
0x83: {  	v19 =	vperm.xlane v16, v0  }
0x84: {  	v20 =	vperm.xlane v14, v1;
	v12 =	vadd.f32 v12, v18;
	v18 =	vperm.xlane v17, v0  }
0x85: {  	v16 =	vadd.f32 v16, v19  }
0x86: {  	v14 =	vadd.f32 v14, v20;
	v19 =	vperm.xlane v12, v2;
	v17 =	vadd.f32 v17, v18  }
0x87: {  	v20 =	vperm.xlane v16, v1  }
0x88: {  	v18 =	vperm.xlane v14, v2;
	v12 =	vadd.f32 v12, v19;
	v19 =	vperm.xlane v17, v1  }
0x89: {  	v16 =	vadd.f32 v16, v20  }
0x8a: {  	v14 =	vadd.f32 v14, v18;
	v18 =	vperm.xlane v12, v3;
	v17 =	vadd.f32 v17, v19  }
0x8b: {  	v20 =	vperm.xlane v16, v2  }
0x8c: {  	v12 =	vadd.f32 v12, v18;
	v18 =	vperm.xlane v17, v2  }
0x8d: {  	v19 =	vperm.xlane v14, v3;
	v16 =	vadd.f32 v16, v20  }
0x8e: {  	v12 =	vmul.f32 $1.442695020e+00, v12;
	v17 =	vadd.f32 v17, v18  }
0x8f: {  	v14 =	vadd.f32 v14, v19;
	v19 =	vperm.xlane v16, v3  }
0x90: {  	(erf) = vpow2.f32 v12;
	v12 =	vperm.xlane v17, v3  }
0x91: {  	v14 =	vmul.f32 $1.442695020e+00, v14;
	v16 =	vadd.f32 v16, v19  }
0x92: {  	v12 =	vadd.f32 v17, v12  }
0x93: {  	(erf) = vpow2.f32 v14;
	v14 =	vmul.f32 $1.442695020e+00, v16  }
0x94: {  	v12 =	vmul.f32 $1.442695020e+00, v12  }
0x95: {  	(erf) = vpow2.f32 v14  }
0x96: {  	(erf) = vpow2.f32 v12;
	_ =	sdelay $0x4  }
0x97: {  	s25 =	simm.s32 $0x80  }
0x98: {  	v18 =	vld [tilespmem:s25+$0x4110];
	v12 =	vpop (erf)  }
0x99: {  	v17 =	vld [tilespmem:s25+$0x4100];
	[tilespmem:s24+$0x140] =	vst v12;
	v14 =	vpop (erf);
	v12 =	vmul.f32 v12, v13  }
0x9a: {  	v19 =	vld [tilespmem:s25+$0x4120];
	[tilespmem:s24+$0x150] =	vst v14;
	v14 =	vmul.f32 v14, v15;
	v15 =	vpop (erf)  }
0x9b: {  	v20 =	vld [tilespmem:s25+$0x4130];
	[tilespmem:s24+$0x100] =	vst v12;
	v12 =	vmul.f32 v15, v21;
	v16 =	vpop (erf)  }
0x9c: {  	v13 =	vld [tilespmem:s25+$0x100];
	[tilespmem:s24+$0x110] =	vst v14;
	v21 =	vmul.f32 v16, v22  }
0x9d: {  	v14 =	vld [tilespmem:s25+$0x110];
	[tilespmem:s24+$0x120] =	vst v12  }
0x9e: {  	s26 =	simm.s32 $0x400;
	v12 =	vld [tilespmem:s25+$0x120];
	[tilespmem:s24+$0x130] =	vst v21  }
.LBB2_4:
0x9f: {  	p1 =	seq.s32 s26, $0xFE00;
	v21 =	vld [tilespmem:s25+$0x130];
	[tilespmem:s24+$0x160] =	vst v15  }
0xa0: {  	[tilespmem:s24+$0x170] =	vst v16;
	s24 =	smov.u32 s25  }
0xa1: {  	v15 =	vadd.f32 v17, v13  }
0xa2: {  	v16 =	vadd.f32 v18, v14  }
0xa3: {  	v17 =	vmul.f32 $2.000000030e-01, v15;
	v18 =	vadd.f32 v19, v12  }
0xa4: {  	v19 =	vmul.f32 $2.000000030e-01, v16;
	v20 =	vadd.f32 v20, v21  }
0xa5: {  	v15 =	vmax.f32 v15, v17;
	v17 =	vmul.f32 $2.000000030e-01, v18  }
0xa6: {  	v15 =	vmul.f32 v15, v4;
	v16 =	vmax.f32 v16, v19;
	v19 =	vmul.f32 $2.000000030e-01, v20  }
0xa7: {  	v16 =	vmul.f32 v16, v5;
	v17 =	vmax.f32 v18, v17  }
0xa8: {  	v18 =	vperm.xlane v15, v0;
	v17 =	vmul.f32 v17, v6;
	v19 =	vmax.f32 v20, v19  }
0xa9: {  	v20 =	vperm.xlane v16, v0;
	v19 =	vmul.f32 v19, v7  }
0xaa: {  	v15 =	vadd.f32 v15, v18;
	v18 =	vperm.xlane v17, v0  }
0xab: {  	v16 =	vadd.f32 v16, v20;
	v20 =	vperm.xlane v19, v0  }
0xac: {  	v22 =	vperm.xlane v15, v1;
	v17 =	vadd.f32 v17, v18  }
0xad: {  	v18 =	vperm.xlane v16, v1;
	v19 =	vadd.f32 v19, v20  }
0xae: {  	v15 =	vadd.f32 v15, v22;
	v20 =	vperm.xlane v17, v1  }
0xaf: {  	v16 =	vadd.f32 v16, v18;
	v18 =	vperm.xlane v19, v1  }
0xb0: {  	v22 =	vperm.xlane v15, v2;
	v17 =	vadd.f32 v17, v20  }
0xb1: {  	v20 =	vperm.xlane v16, v2;
	v18 =	vadd.f32 v19, v18  }
0xb2: {  	v15 =	vadd.f32 v15, v22;
	v19 =	vperm.xlane v17, v2  }
0xb3: {  	v16 =	vadd.f32 v16, v20;
	v20 =	vperm.xlane v18, v2  }
0xb4: {  	v22 =	vperm.xlane v15, v3;
	v17 =	vadd.f32 v17, v19  }
0xb5: {  	v19 =	vperm.xlane v16, v3;
	v18 =	vadd.f32 v18, v20  }
0xb6: {  	v15 =	vadd.f32 v15, v22;
	v20 =	vperm.xlane v17, v3  }
0xb7: {  	v16 =	vadd.f32 v16, v19;
	v19 =	vperm.xlane v18, v3  }
0xb8: {  	v15 =	vmul.f32 $1.442695020e+00, v15;
	v17 =	vadd.f32 v17, v20  }
0xb9: {  	v16 =	vmul.f32 $1.442695020e+00, v16;
	v18 =	vadd.f32 v18, v19  }
0xba: {  	v17 =	vmul.f32 $1.442695020e+00, v17;
	(erf) = vpow2.f32 v15  }
0xbb: {  	v15 =	vmul.f32 $1.442695020e+00, v18;
	(erf) = vpow2.f32 v16  }
0xbc: {  	(erf) = vpow2.f32 v17  }
0xbd: {  	(erf) = vpow2.f32 v15;
	_ =	sdelay $0x4  }
0xbe: {  	s25 =	sshra.s32 s26, $0x2  }
0xbf: {  	v17 =	vld [tilespmem:s25+$0x4100];
	v15 =	vpop (erf)  }
0xc0: {  	v18 =	vld [tilespmem:s25+$0x4110];
	v13 =	vmul.f32 v15, v13;
	[tilespmem:s24+$0x140] =	vst v15;
	v15 =	vpop (erf)  }
.Ltmp5:
0xc1: {  	v19 =	vld [tilespmem:s25+$0x4120];
	v14 =	vmul.f32 v15, v14;
	[tilespmem:s24+$0x150] =	vst v15;
	v15 =	vpop (erf);
	(pc) =	sbr.rel @!p1 .LBB2_4-.Ltmp5, $4  }
0xc2: {  	v20 =	vld [tilespmem:s25+$0x4130];
	[tilespmem:s24+$0x100] =	vst v13;
	v12 =	vmul.f32 v15, v12;
	v16 =	vpop (erf)  }
0xc3: {  	v13 =	vld [tilespmem:s25+$0x100];
	[tilespmem:s24+$0x110] =	vst v14;
	v21 =	vmul.f32 v16, v21  }
0xc4: {  	v14 =	vld [tilespmem:s25+$0x110];
	[tilespmem:s24+$0x120] =	vst v12  }
0xc5: {  	s26 =	sadd.s32 $0x200, s26;
	v12 =	vld [tilespmem:s25+$0x120];
	[tilespmem:s24+$0x130] =	vst v21  }
0xc6: {  	_ = 	snop  }
0xc7: {  	v21 =	vld [tilespmem:s25+$0x130]  }
0xc8: {  	v17 =	vadd.f32 v17, v13  }
0xc9: {  	v18 =	vadd.f32 v18, v14  }
0xca: {  	v22 =	vmul.f32 $2.000000030e-01, v17  }
0xcb: {  	v19 =	vadd.f32 v19, v12;
	v23 =	vmul.f32 $2.000000030e-01, v18  }
0xcc: {  	v20 =	vadd.f32 v20, v21;
	v17 =	vmax.f32 v17, v22  }
0xcd: {  	v37 =	vmul.f32 $2.000000030e-01, v19;
	v17 =	vmul.f32 v17, v4;
	v18 =	vmax.f32 v18, v23  }
0xce: {  	v18 =	vmul.f32 v18, v5  }
0xcf: {  	v38 =	vmul.f32 $2.000000030e-01, v20;
	v19 =	vmax.f32 v19, v37;
	v39 =	vperm.xlane v17, v0  }
0xd0: {  	v19 =	vmul.f32 v19, v6;
	v40 =	vperm.xlane v18, v0  }
0xd1: {  	v20 =	vmax.f32 v20, v38;
	v17 =	vadd.f32 v17, v39  }
0xd2: {  	v20 =	vmul.f32 v20, v7;
	v41 =	vperm.xlane v19, v0;
	v18 =	vadd.f32 v18, v40  }
0xd3: {  	v43 =	vperm.xlane v17, v1  }
0xd4: {  	v42 =	vperm.xlane v20, v0;
	v19 =	vadd.f32 v19, v41;
	v44 =	vperm.xlane v18, v1  }
0xd5: {  	v17 =	vadd.f32 v17, v43  }
0xd6: {  	v20 =	vadd.f32 v20, v42;
	v45 =	vperm.xlane v19, v1;
	v18 =	vadd.f32 v18, v44  }
0xd7: {  	v47 =	vperm.xlane v17, v2  }
0xd8: {  	v46 =	vperm.xlane v20, v1;
	v19 =	vadd.f32 v19, v45;
	v48 =	vperm.xlane v18, v2  }
0xd9: {  	v17 =	vadd.f32 v17, v47  }
0xda: {  	v20 =	vadd.f32 v20, v46;
	v49 =	vperm.xlane v19, v2;
	v18 =	vadd.f32 v18, v48  }
0xdb: {  	v51 =	vperm.xlane v17, v3  }
0xdc: {  	v50 =	vperm.xlane v20, v2;
	v19 =	vadd.f32 v19, v49;
	v52 =	vperm.xlane v18, v3  }
0xdd: {  	v17 =	vadd.f32 v17, v51  }
0xde: {  	v20 =	vadd.f32 v20, v50;
	v53 =	vperm.xlane v19, v3;
	v18 =	vadd.f32 v18, v52  }
0xdf: {  	v17 =	vmul.f32 $1.442695020e+00, v17  }
0xe0: {  	v54 =	vperm.xlane v20, v3;
	v19 =	vadd.f32 v19, v53;
	v18 =	vmul.f32 $1.442695020e+00, v18  }
0xe1: {  	(erf) = vpow2.f32 v17  }
0xe2: {  	v20 =	vadd.f32 v20, v54;
	v19 =	vmul.f32 $1.442695020e+00, v19;
	(erf) = vpow2.f32 v18;
	_ =	sdelay $0x1  }
0xe3: {  	v55 =	vmul.f32 $1.442695020e+00, v20;
	(erf) = vpow2.f32 v19;
	_ =	sdelay $0x1  }
0xe4: {  	(erf) = vpow2.f32 v55;
	_ =	sdelay $0x2  }
0xe5: {  	[tilespmem:s24+$0x160] =	vst v15  }
0xe6: {  	[tilespmem:s24+$0x170] =	vst v16;
	v56 =	vpop (erf)  }
0xe7: {  	v57 =	vmul.f32 v56, v13;
	[tilespmem:s25+$0x140] =	vst v56;
	v58 =	vpop (erf)  }
0xe8: {  	[tilespmem:s25+$0x150] =	vst v58  }
0xe9: {  	v59 =	vmul.f32 v58, v14;
	v60 =	vpop (erf);
	[tilespmem:s25+$0x100] =	vst v57  }
.Ltmp6:
0xea: {  	[tilespmem:s25+$0x160] =	vst v60;
	(pc) =	sbr.rel .LBB2_9-.Ltmp6, $4  }
0xeb: {  	v61 =	vmul.f32 v60, v12;
	v62 =	vpop (erf);
	[tilespmem:s25+$0x110] =	vst v59  }
0xec: {  	v63 =	vmul.f32 v62, v21;
	[tilespmem:s25+$0x170] =	vst v62  }
0xed: {  	[tilespmem:s25+$0x120] =	vst v61  }
0xee: {  	[tilespmem:s25+$0x130] =	vst v63  }
.LBB2_6:
0xef: {  	v13 =	vld [tilespmem:s24+$0x4140]  }
0xf0: {  	v14 =	vld [tilespmem:s24+$0x4150]  }
0xf1: {  	v15 =	vld [tilespmem:s24+$0x140]  }
0xf2: {  	v17 =	vld [tilespmem:s24+$0x150]  }
0xf3: {  	v16 =	vld [tilespmem:s24+$0x4160]  }
0xf4: {  	v12 =	vld [tilespmem:s24+$0x160];
	_ =	sdelay $0x1  }
0xf5: {  	v13 =	vadd.f32 v13, v15  }
0xf6: {  	v14 =	vadd.f32 v14, v17  }
0xf7: {  	v18 =	vmul.f32 $2.000000030e-01, v13  }
0xf8: {  	v16 =	vadd.f32 v16, v12;
	v19 =	vmul.f32 $2.000000030e-01, v14  }
0xf9: {  	v13 =	vmax.f32 v13, v18;
	v18 =	vld [tilespmem:s24+$0x4170]  }
0xfa: {  	v20 =	vmul.f32 $2.000000030e-01, v16;
	v14 =	vmax.f32 v14, v19;
	v21 =	vmul.f32 v13, v8;
	v13 =	vld [tilespmem:s24+$0x170]  }
0xfb: {  	v14 =	vmul.f32 v14, v9  }
0xfc: {  	v16 =	vmax.f32 v16, v20;
	v19 =	vperm.xlane v21, v0  }
0xfd: {  	v16 =	vmul.f32 v16, v10;
	v20 =	vperm.xlane v14, v0  }
0xfe: {  	v19 =	vadd.f32 v21, v19  }
0xff: {  	v21 =	vperm.xlane v16, v0;
	v14 =	vadd.f32 v14, v20;
	v18 =	vadd.f32 v18, v13  }
0x100: {  	v20 =	vperm.xlane v19, v1  }
0x101: {  	v16 =	vadd.f32 v16, v21;
	v22 =	vperm.xlane v14, v1;
	v21 =	vmul.f32 $2.000000030e-01, v18  }
0x102: {  	v19 =	vadd.f32 v19, v20  }
0x103: {  	v20 =	vperm.xlane v16, v1;
	v14 =	vadd.f32 v14, v22;
	v18 =	vmax.f32 v18, v21  }
0x104: {  	v21 =	vperm.xlane v19, v2;
	v18 =	vmul.f32 v18, v11  }
0x105: {  	v16 =	vadd.f32 v16, v20;
	v20 =	vperm.xlane v14, v2  }
0x106: {  	v19 =	vadd.f32 v19, v21;
	v21 =	vperm.xlane v18, v0  }
0x107: {  	v14 =	vadd.f32 v14, v20  }
0x108: {  	v22 =	vperm.xlane v16, v2;
	v20 =	vperm.xlane v19, v3;
	v18 =	vadd.f32 v18, v21  }
0x109: {  	v21 =	vperm.xlane v14, v3  }
0x10a: {  	v16 =	vadd.f32 v16, v22;
	v19 =	vadd.f32 v19, v20;
	v20 =	vperm.xlane v18, v1  }
0x10b: {  	v14 =	vadd.f32 v14, v21  }
0x10c: {  	v22 =	vperm.xlane v16, v3;
	v19 =	vmul.f32 $1.442695020e+00, v19;
	v18 =	vadd.f32 v18, v20  }
0x10d: {  	v14 =	vmul.f32 $1.442695020e+00, v14  }
0x10e: {  	v16 =	vadd.f32 v16, v22;
	(erf) = vpow2.f32 v19;
	v19 =	vperm.xlane v18, v2;
	_ =	sdelay $0x1  }
0x10f: {  	v16 =	vmul.f32 $1.442695020e+00, v16;
	(erf) = vpow2.f32 v14;
	v14 =	vadd.f32 v18, v19;
	_ =	sdelay $0x1  }
0x110: {  	(erf) = vpow2.f32 v16;
	v16 =	vperm.xlane v14, v3;
	_ =	sdelay $0x1  }
0x111: {  	v14 =	vadd.f32 v14, v16;
	_ =	sdelay $0x1  }
0x112: {  	v14 =	vmul.f32 $1.442695020e+00, v14;
	_ =	sdelay $0x1  }
0x113: {  	v16 =	vpop (erf);
	(erf) = vpow2.f32 v14;
	_ =	sdelay $0x2  }
0x114: {  	s25 =	simm.s32 $0x80  }
0x115: {  	v21 =	vld [tilespmem:s25+$0x4150]  }
0x116: {  	v20 =	vld [tilespmem:s25+$0x4140]  }
0x117: {  	v18 =	vld [tilespmem:s25+$0x4160]  }
0x118: {  	v19 =	vld [tilespmem:s25+$0x4170];
	[tilespmem:s24+$0x140] =	vst v16;
	v22 =	vpop (erf)  }
0x119: {  	s26 =	simm.s32 $0x400;
	v15 =	vmul.f32 v16, v15;
	v14 =	vld [tilespmem:s25+$0x140];
	v16 =	vmul.f32 v22, v17;
	[tilespmem:s24+$0x150] =	vst v22;
	v17 =	vpop (erf)  }
.LBB2_7:
0x11a: {  	p1 =	sne.s32 s26, $0xFE00;
	v22 =	vld [tilespmem:s25+$0x150];
	v23 =	vmul.f32 v17, v12;
	[tilespmem:s24+$0x160] =	vst v17;
	v17 =	vpop (erf)  }
0x11b: {  	v12 =	vld [tilespmem:s25+$0x160];
	v24 =	vmul.f32 v17, v13;
	[tilespmem:s24+$0x170] =	vst v17  }
0x11c: {  	v13 =	vld [tilespmem:s25+$0x170];
	[tilespmem:s24+$0x100] =	vst v15  }
0x11d: {  	[tilespmem:s24+$0x110] =	vst v16  }
0x11e: {  	v15 =	vadd.f32 v20, v14;
	[tilespmem:s24+$0x120] =	vst v23  }
0x11f: {  	v16 =	vadd.f32 v21, v22;
	[tilespmem:s24+$0x130] =	vst v24;
	s24 =	smov.u32 s25  }
0x120: {  	v17 =	vmul.f32 $2.000000030e-01, v15;
	v18 =	vadd.f32 v18, v12  }
0x121: {  	v20 =	vmul.f32 $2.000000030e-01, v16;
	v19 =	vadd.f32 v19, v13  }
0x122: {  	v15 =	vmax.f32 v15, v17;
	v17 =	vmul.f32 $2.000000030e-01, v18  }
0x123: {  	v15 =	vmul.f32 v15, v8;
	v16 =	vmax.f32 v16, v20;
	v20 =	vmul.f32 $2.000000030e-01, v19  }
0x124: {  	v16 =	vmul.f32 v16, v9;
	v17 =	vmax.f32 v18, v17  }
0x125: {  	v18 =	vperm.xlane v15, v0;
	v17 =	vmul.f32 v17, v10;
	v19 =	vmax.f32 v19, v20  }
0x126: {  	v20 =	vperm.xlane v16, v0;
	v19 =	vmul.f32 v19, v11  }
0x127: {  	v15 =	vadd.f32 v15, v18;
	v18 =	vperm.xlane v17, v0  }
0x128: {  	v16 =	vadd.f32 v16, v20;
	v20 =	vperm.xlane v19, v0  }
0x129: {  	v21 =	vperm.xlane v15, v1;
	v17 =	vadd.f32 v17, v18  }
0x12a: {  	v18 =	vperm.xlane v16, v1;
	v19 =	vadd.f32 v19, v20  }
0x12b: {  	v15 =	vadd.f32 v15, v21;
	v20 =	vperm.xlane v17, v1  }
0x12c: {  	v16 =	vadd.f32 v16, v18;
	v18 =	vperm.xlane v19, v1  }
0x12d: {  	v21 =	vperm.xlane v15, v2;
	v17 =	vadd.f32 v17, v20  }
0x12e: {  	v20 =	vperm.xlane v16, v2;
	v18 =	vadd.f32 v19, v18  }
0x12f: {  	v15 =	vadd.f32 v15, v21;
	v19 =	vperm.xlane v17, v2  }
0x130: {  	v16 =	vadd.f32 v16, v20;
	v20 =	vperm.xlane v18, v2  }
0x131: {  	v21 =	vperm.xlane v15, v3;
	v17 =	vadd.f32 v17, v19  }
0x132: {  	v19 =	vperm.xlane v16, v3;
	v18 =	vadd.f32 v18, v20  }
0x133: {  	v15 =	vadd.f32 v15, v21;
	v20 =	vperm.xlane v17, v3  }
0x134: {  	v16 =	vadd.f32 v16, v19;
	v19 =	vperm.xlane v18, v3  }
0x135: {  	v15 =	vmul.f32 $1.442695020e+00, v15;
	v17 =	vadd.f32 v17, v20  }
0x136: {  	v16 =	vmul.f32 $1.442695020e+00, v16;
	v18 =	vadd.f32 v18, v19  }
0x137: {  	v17 =	vmul.f32 $1.442695020e+00, v17;
	(erf) = vpow2.f32 v15  }
0x138: {  	v15 =	vmul.f32 $1.442695020e+00, v18;
	(erf) = vpow2.f32 v16  }
0x139: {  	(erf) = vpow2.f32 v17  }
0x13a: {  	(erf) = vpow2.f32 v15;
	_ =	sdelay $0x2  }
0x13b: {  	s25 =	sshra.s32 s26, $0x2  }
.Ltmp7:
0x13c: {  	v20 =	vld [tilespmem:s25+$0x4140];
	(pc) =	sbr.rel @p1 .LBB2_7-.Ltmp7, $4  }
0x13d: {  	v21 =	vld [tilespmem:s25+$0x4150]  }
0x13e: {  	v18 =	vld [tilespmem:s25+$0x4160];
	v16 =	vpop (erf)  }
0x13f: {  	v19 =	vld [tilespmem:s25+$0x4170];
	v15 =	vmul.f32 v16, v14;
	[tilespmem:s24+$0x140] =	vst v16;
	v17 =	vpop (erf)  }
0x140: {  	s26 =	sadd.s32 $0x200, s26;
	v14 =	vld [tilespmem:s25+$0x140];
	v16 =	vmul.f32 v17, v22;
	[tilespmem:s24+$0x150] =	vst v17;
	v17 =	vpop (erf)  }
.Ltmp8:
0x141: {  	_ = 	snop;
	(pc) =	sbr.rel .LBB2_8-.Ltmp8, $1  }
0x142: {  	_ =	sdelay $0x3  }
.LBB2_11:
0x143: {  	_ =	sfence.sel $0x180000  }
0x144: {  	[bflag:$0x0] =	sbarrier.arrive $0xFFFF  }
0x145: {  	p0 =	sne.s32 s4, $0x0;
	_ =	strace $0x9000004D  }
0x146: {  	s0 =	sadd.s32 @!p0 $0x100000, s0;
	[bflag:$0x2] =	sbarrier.arrive $0xFFFF  }
0x147: {  	[sflag:s0] =	ssyncadd.tile.s32 @!p0 $0x1;
	_ =	shalt  }
.Lfunc_end2:
_tile_overlayer_lowered:
.L_overlay_start_2:
0x148: {  	(tag) =	ssettag $0x2  }
0x149: {  	s0 =	rddreg [dreg:$0x0];
	s2 =	stileid.u32  }
0x14a: {  	s1 =	rddreg [dreg:$0x1];
	p0 =	sne.s32 s2, $0x0  }
0x14b: {  	s3 =	rddreg [dreg:$0x2];
	[bflag:$0x3] =	sbarrier.arrive $0xFFFF;
	s2 =	simm.s32 @!p0 $0x1C03  }
0x14c: {  	[timem:s3], [sflag:s2] =	dma.local @!p0 [hbm:s0], s1  }
0x14d: {  	s0 =	simm.s32 @!p0 $0x3  }
0x14e: {  	_ =	swait.ge @!p0 [sflag:s0], s1  }
0x14f: {  	s1 =	ssub.s32 @!p0 $0x0, s1;
	[sflag:s0] =	ssyncset.done @!p0 $0x0  }
0x150: {  	[sflag:s0] =	ssyncadd.s32 @!p0 s1  }
0x151: {  	[bflag:$0x3] =	sbarrier.arrive $0xFFFF  }
0x152: {  	_ =	shalt  }

// kernel: kernel.22.cloned.1.call-start
scs
__scs_entry_jumppad:
0x0: {  	(pc) =	sbr.rel $0x88, $3  }
0x1: {  	(tag) =	ssettag $0x0;
	lr =	simm.s32 $0x1  }
0x2: {  	[smem:$0x3F86] =	sst lr;
	_ =	strace $0xD0000000  }
0x3: {  	_ = 	snop  }
0x4: {  	_ = 	snop  }
0x5: {  	_ = 	snop  }
0x6: {  	_ = 	snop  }
0x7: {  	_ = 	snop  }
__scs_overlays_trampoline_lowered:
0x8: {  	[smem:$0x3F95] =	sst s0  }
0x9: {  	[smem:$0x3F96] =	sst s1  }
0xa: {  	[smem:$0x3F97] =	sst s2  }
0xb: {  	[smem:$0x3F98] =	sst s3  }
0xc: {  	[smem:$0x3F99] =	sst s4  }
0xd: {  	[smem:$0x3F9A] =	sst s5  }
0xe: {  	[smem:$0x3F9B] =	sst s6  }
0xf: {  	[smem:$0x3F9C] =	sst s7  }
0x10: {  	[smem:$0x3F9D] =	sst s8  }
0x11: {  	[smem:$0x3F9E] =	sst s9;
	s0 =	simm.s32 @!p0 $0x0  }
0x12: {  	s1 =	sld [smem:$0x3F84];
	s0 =	simm.s32 @p0 $0x1  }
0x13: {  	[smem:$0x3F9F] =	sst s0;
	s0 =	simm.s32 @!p1 $0x0  }
0x14: {  	s2 =	sld [smem:$0x3F83];
	s0 =	simm.s32 @p1 $0x1  }
0x15: {  	[smem:$0x3FA0] =	sst s0;
	s0 =	simm.s32 @!p2 $0x0  }
0x16: {  	s3 =	sld [smem:$0x3FDB];
	s0 =	simm.s32 @p2 $0x1  }
0x17: {  	s4 =	simm.s32 $0x1BF5;
	[smem:$0x3FA2] =	sst s0  }
0x18: {  	s0 =	sld [smem:$0x3F85];
	_ =	swait.ge [sflag:s4], $0x0  }
0x19: {  	s7 =	sld [smem:$0x3F86]  }
0x1a: {  	s8 =	sadd.s32 $0xFFFFE003, lr  }
0x1b: {  	s9 =	sadd.s32 $0xFFFFFEF7, lr;
	s5 =	simm.s32 $0xFFFFFFFF;
	p2 =	slt.u32 s8, $0xFFFFF086  }
0x1c: {  	p1 =	slt.u32 s9, $0xF7A;
	s5 =	simm.s32 @!p2 $0x0  }
0x1d: {  	s5 =	simm.s32 @p1 $0x1;
	p0 =	seq.s32 s7, s2  }
0x1e: {  	s7 =	smul.u32 @!p0 $0xF7A, s2;
	p2 =	seq.s32 @!p0 s5, $0x0  }
0x1f: {  	s9 =	smul.u32 $0xF7A, s1;
	s8 =	simm.s32 @!p0 $0x1BF5;
	p2 =	por !p2, p0  }
0x20: {  	[sflag:s8] =	ssyncset.s32 @!p0 $0xFFFFF086;
	s6 =	sadd.s32 @!p0 s3, s7;
	s7 =	simm.s32 @!p0 $0x108  }
0x21: {  	s3 =	sadd.s32 s3, s9;
	s6 =	sadd.s32 @!p0 $0x88, s6;
	s7 =	simm.s32 @p2 $0x1082  }
0x22: {  	[simem:s7], [sflag:s8] =	dma.local @!p0 [hbm:s6], $0xF7A  }
0x23: {  	s9 =	sor.u32 $0xD0000000, s2;
	s6 =	simm.s32 $0x108;
	_ =	swait.ge @!p0 [sflag:s8], $0x0  }
0x24: {  	s3 =	sadd.s32 $0x88, s3;
	s6 =	simm.s32 @!p1 $0x1082;
	[sflag:s4] =	ssyncset.s32 $0xFFFFF086  }
0x25: {  	[simem:s6], [sflag:s4] =	dma.local [hbm:s3], $0xF7A  }
0x26: {  	[smem:$0x3F86] =	sst s1;
	(tag) =	ssettag s2;
	_ =	strace s9  }
0x27: {  	s1 =	sld [smem:$0x3F96]  }
0x28: {  	s2 =	sld [smem:$0x3F97]  }
0x29: {  	s4 =	sld [smem:$0x3F99]  }
0x2a: {  	p0 =	seq.s32 s5, $0x0;
	s5 =	sld [smem:$0x3F9A]  }
0x2b: {  	s6 =	sld [smem:$0x3F9B]  }
0x2c: {  	s7 =	sld [smem:$0x3F9C]  }
0x2d: {  	s3 =	simm.s32 $0x108;
	s8 =	sld [smem:$0x3F9D]  }
0x2e: {  	s3 =	simm.s32 @!p0 $0x1082;
	s9 =	sld [smem:$0x3F9E]  }
0x2f: {  	lr =	sadd.s32 s0, s3;
	s0 =	sld [smem:$0x3F95]  }
0x30: {  	s3 =	sld [smem:$0x3F98]  }
0x31: {  	[smem:$0x3FA1] =	sst s10  }
0x32: {  	s10 =	sld [smem:$0x3F9F];
	_ =	sdelay $0x3  }
0x33: {  	p0 =	seq.s32 s10, $0x1;
	s10 =	sld [smem:$0x3FA1];
	_ =	sdelay $0x3  }
0x34: {  	[smem:$0x3FA1] =	sst s10  }
0x35: {  	s10 =	sld [smem:$0x3FA0];
	_ =	sdelay $0x3  }
0x36: {  	p1 =	seq.s32 s10, $0x1;
	s10 =	sld [smem:$0x3FA1];
	_ =	sdelay $0x3  }
0x37: {  	[smem:$0x3FA1] =	sst s10  }
0x38: {  	s10 =	sld [smem:$0x3FA2]  }
0x39: {  	_ = 	snop;
	(pc) =	sbr.ind lr, $3  }
0x3a: {  	_ = 	snop  }
0x3b: {  	_ = 	snop  }
0x3c: {  	p2 =	seq.s32 s10, $0x1;
	s10 =	sld [smem:$0x3FA1]  }
0x3d: {  	_ =	shalt  }
0x3e: {  	_ =	shalt  }
0x3f: {  	_ =	shalt  }
0x40: {  	_ =	shalt  }
0x41: {  	_ =	shalt  }
0x42: {  	_ =	shalt  }
0x43: {  	_ =	shalt  }
0x44: {  	_ =	shalt  }
0x45: {  	_ =	shalt  }
0x46: {  	_ =	shalt  }
0x47: {  	_ =	shalt  }
0x48: {  	_ =	shalt  }
0x49: {  	_ =	shalt  }
0x4a: {  	_ =	shalt  }
0x4b: {  	_ =	shalt  }
0x4c: {  	_ =	shalt  }
0x4d: {  	_ =	shalt  }
0x4e: {  	_ =	shalt  }
0x4f: {  	_ =	shalt  }
0x50: {  	_ =	shalt  }
0x51: {  	_ =	shalt  }
0x52: {  	_ =	shalt  }
0x53: {  	_ =	shalt  }
0x54: {  	_ =	shalt  }
0x55: {  	_ =	shalt  }
0x56: {  	_ =	shalt  }
0x57: {  	_ =	shalt  }
0x58: {  	_ =	shalt  }
0x59: {  	_ =	shalt  }
0x5a: {  	_ =	shalt  }
0x5b: {  	_ =	shalt  }
0x5c: {  	_ =	shalt  }
0x5d: {  	_ =	shalt  }
0x5e: {  	_ =	shalt  }
0x5f: {  	_ =	shalt  }
0x60: {  	_ =	shalt  }
0x61: {  	_ =	shalt  }
0x62: {  	_ =	shalt  }
0x63: {  	_ =	shalt  }
0x64: {  	_ =	shalt  }
0x65: {  	_ =	shalt  }
0x66: {  	_ =	shalt  }
0x67: {  	_ =	shalt  }
0x68: {  	_ =	shalt  }
0x69: {  	_ =	shalt  }
0x6a: {  	_ =	shalt  }
0x6b: {  	_ =	shalt  }
0x6c: {  	_ =	shalt  }
0x6d: {  	_ =	shalt  }
0x6e: {  	_ =	shalt  }
0x6f: {  	_ =	shalt  }
0x70: {  	_ =	shalt  }
0x71: {  	_ =	shalt  }
0x72: {  	_ =	shalt  }
0x73: {  	_ =	shalt  }
0x74: {  	_ =	shalt  }
0x75: {  	_ =	shalt  }
0x76: {  	_ =	shalt  }
0x77: {  	_ =	shalt  }
0x78: {  	_ =	shalt  }
0x79: {  	_ =	shalt  }
0x7a: {  	_ =	shalt  }
0x7b: {  	_ =	shalt  }
0x7c: {  	_ =	shalt  }
0x7d: {  	_ =	shalt  }
0x7e: {  	_ =	shalt  }
0x7f: {  	_ =	shalt  }
0x80: {  	_ =	shalt  }
0x81: {  	_ =	shalt  }
0x82: {  	_ =	shalt  }
0x83: {  	_ =	shalt  }
0x84: {  	_ =	shalt  }
0x85: {  	_ =	shalt  }
0x86: {  	_ =	shalt  }
0x87: {  	_ =	shalt  }
.Lfunc_end0:
.L_simem_size_0:
called_computation.3_lowered:
.L_overlay_start_0:
0x88: {  	s2 =	sld [smem:$0x3FD9]  }
0x89: {  	s3 =	sld [smem:$0x3FFE];
	_ =	sdelay $0x1  }
0x8a: {  	s1 =	srdreg.scid  }
0x8b: {  	s0 =	sand.u32 $0x1, s1  }
0x8c: {  	s17 =	sshll.u32 s0, $0xA;
	s2 =	sadd.s32 s3, s2  }
0x8d: {  	s2 =	sadd.s32 s2, s17  }
0x8e: {  	[smem:$0x3FAD] =	sst s2  }
0x8f: {  	_ = 	snop  }
0x90: {  	s2 =	sld [smem:$0x3FB6];
	(tm) =	ssettm $0x1  }
0x91: {  	s18 =	sld [smem:$0x3FFB];
	_ =	sdelay $0x3  }
0x92: {  	_ =	strace s18  }
0x93: {  	s3 =	sld [smem:$0x3FFC];
	_ =	sdelay $0x3  }
0x94: {  	_ =	strace s3  }
0x95: {  	s3 =	sld [smem:$0x3FFD];
	_ =	sdelay $0x3  }
0x96: {  	_ =	strace s3  }
0x97: {  	_ =	strace $0x8FFFFFFF  }
0x98: {  	s19 =	sld [smem:$0x3FDB];
	_ =	sdelay $0x1  }
0x99: {  	s4 =	simm.s32 $_scs_section_size  }
0x9a: {  	s5 =	simm.s32 $_size__tile_overlayer_lowered;
	s6 =	simm.s32 $_tile_overlayer_lowered  }
0x9b: {  	s22 =	simm.s32 $0x1BFF;
	s21 =	sshll.u32 s6, $0x1;
	s3 =	sadd.s32 s4, s19  }
0x9c: {  	s7 =	simm.s32 $0x0;
	s20 =	sshll.u32 s5, $0x1;
	s5 =	sadd.s32 s21, s3  }
0x9d: {  	[timem:s7], [sflag:s22] =	dma.local [hbm:s5], s20  }
0x9e: {  	_ =	swait.ge [sflag:s22], s20  }
0x9f: {  	s4 =	ssub.s32 $0x0, s20;
	[sflag:s22] =	ssyncset.done $0x0  }
0xa0: {  	[sflag:s22] =	ssyncadd.s32 s4;
	_ =	sdelay $0x1  }
0xa1: {  	s23 =	simm.s32 $0x1B8B  }
0xa2: {  	_ =	swait.ge [sflag:s23], $0x1  }
0xa3: {  	[sflag:s23] =	ssyncset.done $0x0  }
0xa4: {  	s25 =	simm.s32 $0x1B8E;
	s24 =	sld [smem:$0x3FFE];
	[sflag:s23] =	ssyncadd.s32 $0xFFFFFFFF  }
0xa5: {  	s26 =	simm.s32 $execute0_lowered;
	[smem:$0x3FD2] =	sst s25  }
0xa6: {  	s5 =	sshll.u32 s26, $0x1;
	_ =	strace $0x8000004F;
	[dreg:$0x1] =	wrdreg $0xFFFFFFFF  }
0xa7: {  	s28 =	simm.s32 $_size_execute0_lowered;
	s3 =	sadd.s32 s3, s5;
	[dreg:$0x0] =	wrdreg $0x0  }
0xa8: {  	s5 =	sshll.u32 s28, $0x1;
	[dreg:$0x2] =	wrdreg s3  }
0xa9: {  	[dreg:$0x3] =	wrdreg s5  }
0xaa: {  	[dreg:$0x4] =	wrdreg $0xC0  }
0xab: {  	_ =	task [dreg:s7], $0x5FFFF  }
0xac: {  	[dreg:$0x1] =	wrdreg $0xFFFFFFFF  }
0xad: {  	[dreg:$0x0] =	wrdreg $0x60  }
0xae: {  	[dreg:$0x2] =	wrdreg s24  }
0xaf: {  	[dreg:$0x3] =	wrdreg s2  }
0xb0: {  	[dreg:$0x4] =	wrdreg $0x85000  }
0xb1: {  	[dreg:$0x5] =	wrdreg $0x9  }
0xb2: {  	_ =	task.clear_ibuf [dreg:s7], $0x6FFFF;
	_ =	strace $0x9000004F  }
0xb3: {  	s29 =	simm.s32 $0x9;
	_ =	strace $0x80000051  }
0xb4: {  	_ =	swait.ge [sflag:s29], $0x1  }
0xb5: {  	[sflag:s29] =	ssyncadd.s32 $0xFFFFFFFF  }
0xb6: {  	_ =	strace $0x90000051  }
0xb7: {  	_ =	sfence  }
0xb8: {  	s30 =	sld [smem:$0x0];
	_ =	sdelay $0x2  }
0xb9: {  	s31 =	sshll.u32 s1, $0xD;
	s1 =	sshrl.u32 s1, $0x2  }
0xba: {  	s3 =	sand.u32 $0x4000, s31;
	s1 =	sadd.s32 s1, s30  }
0xbb: {  	s0 =	sor.u32 s3, s0;
	s1 =	sshll.u32 s1, $0x11  }
0xbc: {  	s0 =	sor.u32 s1, s0  }
0xbd: {  	s0 =	sadd.s32 $0x8F2B, s0  }
0xbe: {  	[sflag:s0] =	ssyncadd.remote.s32 $0x1  }
0xbf: {  	_ =	sfence.sel $0xFFFF  }
0xc0: {  	[dreg:$0x0] =	wrdreg $0xFFFFFFFF;
	(pc) =	sbr.abs _section_cstart, $3  }
0xc1: {  	[dreg:$0x1] =	wrdreg $0xFFFFFFFF  }
0xc2: {  	_ =	task.clear_ibuf [dreg:s7], $0x2FFFF;
	_ =	strace $0x9FFFFFFF  }
0xc3: {  	(tm) =	ssettm $0x7FFFFFFF  }
tec
execute0_lowered:
.L_overlay_start_1:
0x0: {  	(tag) =	ssettag $0x1  }
0x1: {  	s9 =	rddreg [dreg:$0x0]  }
0x2: {  	s1 =	rddreg [dreg:$0x1]  }
0x3: {  	s2 =	rddreg [dreg:$0x2]  }
0x4: {  	s0 =	rddreg [dreg:$0x3];
	s3 =	simm.s32 $0x0  }
0x5: {  	v0 =	vimm.s32 $0xFEDCBA98;
	s4 =	stileid.u32;
	s7 =	srdreg.scid;
	v1 =	vimm.s32 $0x76543210;
	s18 =	simm.s32 $0x100  }
0x6: {  	v2 =	vimm.s32 $0xBA98FEDC;
	v3 =	vimm.s32 $0x32107654;
	s19 =	simm.s32 $0x4100;
	s20 =	simm.s32 $0x1;
	s21 =	simm.s32 $0x2  }
0x7: {  	v4 =	vimm.s32 $0xDCFE98BA;
	v5 =	vimm.s32 $0x54761032;
	s22 =	simm.s32 $0x0;
	[smem:$0x7FF] =	sst s3;
	s5 =	sadd.s32 $0xFC00, s9  }
0x8: {  	v6 =	vimm.s32 $0xEFCDAB89;
	v7 =	vimm.s32 $0x67452301;
	s6 =	sadd.s32 $0x5EC00, s9;
	s10 =	smul.u32 $0x13C00, s4;
	s17 =	sand.u32 $0x1, s7  }
0x9: {  	v0 =	vunpack.c.l.s4.s8 v0;
	s7 =	sadd.s32 $0xADC00, s9;
	s8 =	sadd.s32 $0xB3000, s9;
	v1 =	vunpack.c.l.s4.s8 v1;
	s29 =	smul.u32 $0x4F000, s4;
	v2 =	vunpack.c.l.s4.s8 v2  }
0xa: {  	v3 =	vunpack.c.l.s4.s8 v3;
	v4 =	vunpack.c.l.s4.s8 v4;
	v5 =	vunpack.c.l.s4.s8 v5;
	s15 =	sshll.u32 s4, $0x6;
	_ =	strace $0x80000050;
	s11 =	smul.u32 $0x13C000, s17  }
0xb: {  	v6 =	vunpack.c.l.s4.s8 v6;
	v7 =	vunpack.c.l.s4.s8 v7;
	s13 =	ssub.s32 $0x2, s17;
	s15 =	sor.u32 $0x1C03, s15;
	p0 =	sne.s32 s17, $0x0;
	v0 =	vunpack.c.0.s8.s32 v0  }
0xc: {  	s17 =	simm.s32 $0x80;
	s12 =	sshrl.u32 s10, $0x3;
	s30 =	sshrl.u32 s13, $0x1;
	v2 =	vunpack.c.0.s8.s32 v2;
	v3 =	vunpack.c.0.s8.s32 v3;
	v4 =	vunpack.c.0.s8.s32 v4  }
.Ltmp0:
0xd: {  	s31 =	sshrl.u32 s29, $0x2;
	v5 =	vunpack.c.0.s8.s32 v5;
	v6 =	vunpack.c.0.s8.s32 v6;
	v7 =	vunpack.c.0.s8.s32 v7;
	s10 =	sadd.s32 s10, s11;
	(pc) =	sbr.rel .LBB2_1-.Ltmp0, $4  }
0xe: {  	v1 =	vunpack.c.0.s8.s32 v1;
	s12 =	sadd.s32 s12, s9;
	s16 =	sadd.s32 s31, s2;
	s10 =	sshrl.u32 s10, $0x3;
	v2 =	vcombine.low v3, v2  }
0xf: {  	s13 =	ssub.s32 s13, s30;
	v3 =	vcombine.low v5, v4;
	v4 =	vcombine.low v7, v6;
	s16 =	sshrl.u32 s16, $0x3;
	v0 =	vand.u32 $0xF, v0;
	s14 =	sadd.s32 s10, s9  }
0x10: {  	s9 =	sadd.s32 $0x37400, s12;
	s10 =	smul.u32 $0x54, s4;
	s12 =	smax.u32 s13, $0x1;
	v0 =	vcombine.low v0, v1  }
0x11: {  	s13 =	simm.s32 $0x8100;
	s11 =	sadd.s32 $0xB8400, s14;
	s14 =	simm.s32 $0x3;
	v1 =	vand.u32 $0xF, v2;
	v2 =	vand.u32 $0xF, v3;
	v3 =	vand.u32 $0xF, v4  }
.LBB2_10:
0x12: {  	s22 =	sadd.s32 $0x1, s22  }
0x13: {  	p1 =	sne.s32 s22, s12  }
.Ltmp1:
0x14: {  	[bflag:$0x0] =	sbarrier.arrive $0xFFFF;
	(pc) =	sbr.rel @!p1 .LBB2_11-.Ltmp1, $4  }
0x15: {  	[hbm:s11], [sflag:s15] =	dma.local [spmem:s16], $0x2780  }
0x16: {  	_ =	swait.ge [sflag:s14], $0x2780  }
0x17: {  	[sflag:s14] =	ssyncset.done $0x0  }
0x18: {  	[sflag:s14] =	ssyncadd.s32 $0xFFFFD880  }
.LBB2_1:
0x19: {  	[tilespmem:s13], [sflag:$0x3] =	stream.linear.gather [hbm4b:s1+s3], $0x400, $0x38;
	[tilespmem:$0x1C100] =	vst v63  }
0x1a: {  	_ =	swait.ge [sflag:s14], $0x400  }
0x1b: {  	[sflag:s14] =	ssyncset.done $0x0  }
0x1c: {  	[sflag:s14] =	ssyncadd.s32 $0xFFFFFC00  }
0x1d: {  	[spmem:s16], [sflag:s15] =	dma.local [hbm:s9], $0x2780  }
0x1e: {  	_ =	swait.ge [sflag:s14], $0x2780  }
0x1f: {  	[sflag:s14] =	ssyncset.done $0x0  }
0x20: {  	[sflag:s14] =	ssyncadd.s32 $0xFFFFD880  }
0x21: {  	[bflag:$0x0] =	sbarrier.arrive $0xFFFF  }
0x22: {  	v4 =	vld [tilespmem:$0x8100]  }
0x23: {  	v5 =	vld [tilespmem:$0x8180]  }
0x24: {  	v6 =	vld [tilespmem:$0x8200]  }
.Ltmp2:
0x25: {  	v7 =	vld [tilespmem:$0x8280];
	(pc) =	sbr.rel .LBB2_2-.Ltmp2, $4  }
0x26: {  	v8 =	vld [tilespmem:$0x8300]  }
0x27: {  	v9 =	vld [tilespmem:$0x8380]  }
0x28: {  	v10 =	vld [tilespmem:$0x8400]  }
0x29: {  	s23 =	simm.s32 $0x0;
	v11 =	vld [tilespmem:$0x8480]  }
.LBB2_8:
0x2a: {  	v22 =	vld [tilespmem:s25+$0x150];
	[tilespmem:s24+$0x160] =	vst v17;
	v23 =	vpop (erf)  }
0x2b: {  	v24 =	vld [tilespmem:s25+$0x160];
	[tilespmem:s24+$0x170] =	vst v23  }
0x2c: {  	v20 =	vadd.f32 v20, v14;
	v25 =	vld [tilespmem:s25+$0x170];
	_ =	sdelay $0x1  }
0x2d: {  	v26 =	vmul.f32 $2.000000030e-01, v20  }
0x2e: {  	v21 =	vadd.f32 v21, v22  }
0x2f: {  	v20 =	vmax.f32 v20, v26;
	v18 =	vadd.f32 v18, v24  }
0x30: {  	v20 =	vmul.f32 v20, v8;
	v27 =	vmul.f32 $2.000000030e-01, v21;
	v19 =	vadd.f32 v19, v25  }
0x31: {  	v41 =	vmul.f32 $2.000000030e-01, v18  }
0x32: {  	v43 =	vperm.xlane v20, v0;
	v21 =	vmax.f32 v21, v27;
	v42 =	vmul.f32 $2.000000030e-01, v19  }
0x33: {  	v21 =	vmul.f32 v21, v9;
	v18 =	vmax.f32 v18, v41  }
0x34: {  	v20 =	vadd.f32 v20, v43;
	v18 =	vmul.f32 v18, v10;
	v19 =	vmax.f32 v19, v42  }
0x35: {  	v44 =	vperm.xlane v21, v0;
	v19 =	vmul.f32 v19, v11  }
0x36: {  	v47 =	vperm.xlane v20, v1;
	v45 =	vperm.xlane v18, v0  }
0x37: {  	v21 =	vadd.f32 v21, v44;
	v46 =	vperm.xlane v19, v0  }
0x38: {  	v20 =	vadd.f32 v20, v47;
	v18 =	vadd.f32 v18, v45  }
0x39: {  	v19 =	vadd.f32 v19, v46;
	v48 =	vperm.xlane v21, v1  }
0x3a: {  	v51 =	vperm.xlane v20, v2;
	v49 =	vperm.xlane v18, v1  }
0x3b: {  	v21 =	vadd.f32 v21, v48;
	v50 =	vperm.xlane v19, v1  }
0x3c: {  	v20 =	vadd.f32 v20, v51;
	v18 =	vadd.f32 v18, v49  }
0x3d: {  	v19 =	vadd.f32 v19, v50;
	v52 =	vperm.xlane v21, v2  }
0x3e: {  	v55 =	vperm.xlane v20, v3;
	v53 =	vperm.xlane v18, v2  }
0x3f: {  	v21 =	vadd.f32 v21, v52;
	v54 =	vperm.xlane v19, v2  }
0x40: {  	v20 =	vadd.f32 v20, v55;
	v18 =	vadd.f32 v18, v53  }
0x41: {  	v19 =	vadd.f32 v19, v54;
	v56 =	vperm.xlane v21, v3  }
0x42: {  	v20 =	vmul.f32 $1.442695020e+00, v20;
	v57 =	vperm.xlane v18, v3  }
0x43: {  	v21 =	vadd.f32 v21, v56;
	v58 =	vperm.xlane v19, v3  }
0x44: {  	(erf) = vpow2.f32 v20;
	v18 =	vadd.f32 v18, v57  }
0x45: {  	v19 =	vadd.f32 v19, v58;
	v21 =	vmul.f32 $1.442695020e+00, v21  }
0x46: {  	v18 =	vmul.f32 $1.442695020e+00, v18  }
0x47: {  	(erf) = vpow2.f32 v21;
	v19 =	vmul.f32 $1.442695020e+00, v19  }
0x48: {  	(erf) = vpow2.f32 v18  }
0x49: {  	(erf) = vpow2.f32 v19;
	_ =	sdelay $0x1  }
0x4a: {  	v12 =	vmul.f32 v17, v12;
	[tilespmem:s24+$0x100] =	vst v15  }
0x4b: {  	v13 =	vmul.f32 v23, v13;
	[tilespmem:s24+$0x110] =	vst v16  }
0x4c: {  	[tilespmem:s24+$0x120] =	vst v12;
	v59 =	vpop (erf)  }
0x4d: {  	[tilespmem:s24+$0x130] =	vst v13;
	v12 =	vmul.f32 v59, v14  }
0x4e: {  	[tilespmem:s25+$0x140] =	vst v59  }
0x4f: {  	[tilespmem:s25+$0x100] =	vst v12;
	v60 =	vpop (erf)  }
0x50: {  	[tilespmem:s25+$0x150] =	vst v60;
	v61 =	vpop (erf)  }
0x51: {  	v13 =	vmul.f32 v60, v22;
	[tilespmem:s25+$0x160] =	vst v61;
	v62 =	vpop (erf)  }
0x52: {  	v15 =	vmul.f32 v61, v24;
	[tilespmem:s25+$0x170] =	vst v62  }
0x53: {  	v63 =	vmul.f32 v62, v25;
	[tilespmem:s25+$0x110] =	vst v13  }
0x54: {  	[tilespmem:s25+$0x120] =	vst v15  }
0x55: {  	[tilespmem:s25+$0x130] =	vst v63  }
.LBB2_9:
0x56: {  	s23 =	sadd.s32 $0x1, s23  }
0x57: {  	p1 =	sne.s32 s23, $0x54  }
.Ltmp3:
0x58: {  	_ = 	snop;
	(pc) =	sbr.rel @!p1 .LBB2_10-.Ltmp3, $4  }
0x59: {  	[spmem:s2] =	stream.indirect.scatter.add.f32 [tilespmem:s18], [sflag:$0x3], $0x80, s17, s17, $0xb8;
	[tilespmem:$0x1C100] =	vst v63  }
0x5a: {  	_ =	swait.ge [sflag:s14], $0x4000  }
0x5b: {  	[sflag:s14] =	ssyncset.done $0x0  }
0x5c: {  	[sflag:s14] =	ssyncadd.s32 $0xFFFFC000  }
.LBB2_2:
0x5d: {  	s24 =	sadd.s32 s10, s23  }
0x5e: {  	s24 =	sshll.u32 s24, $0x4  }
0x5f: {  	s26 =	simm.s32 $0x0;
	s25 =	sadd.s32 s7, s24  }
0x60: {  	[tilespmem:s26], [sflag:$0x3] =	stream.linear.gather [hbm4b:s25+s26], $0x80, $0x38;
	[tilespmem:$0x1C100] =	vst v63  }
0x61: {  	_ =	swait.ge [sflag:s14], $0x80  }
0x62: {  	[sflag:s14] =	ssyncset.done $0x0  }
0x63: {  	s24 =	sadd.s32 s8, s24;
	[sflag:s14] =	ssyncadd.s32 $0xFFFFFF80  }
0x64: {  	[tilespmem:s17], [sflag:$0x3] =	stream.linear.gather [hbm4b:s24+s26], $0x80, $0x38;
	[tilespmem:$0x1C100] =	vst v63  }
0x65: {  	_ =	swait.ge [sflag:s14], $0x80  }
0x66: {  	[sflag:s14] =	ssyncset.done $0x0  }
0x67: {  	[sflag:s14] =	ssyncadd.s32 $0xFFFFFF80  }
0x68: {  	[tilespmem:s18], [sflag:$0x1] =	stream.indirect.gather [hbm4b:s5+s17], $0x80, s26, s17, $0xb8;
	[tilespmem:$0x1C100] =	vst v63  }
0x69: {  	_ = 	snop  }
0x6a: {  	[tilespmem:s19], [sflag:$0x2] =	stream.indirect.gather [hbm4b:s6+s17], $0x80, s17, s17, $0xb8;
	[tilespmem:$0x1C100] =	vst v63  }
0x6b: {  	_ =	swait.ge [sflag:s20], $0x4000  }
.Ltmp4:
0x6c: {  	[sflag:s20] =	ssyncset.done $0x0;
	(pc) =	sbr.rel @p0 .LBB2_6-.Ltmp4, $4  }
0x6d: {  	[sflag:s20] =	ssyncadd.s32 $0xFFFFC000  }
0x6e: {  	_ =	swait.ge [sflag:s21], $0x4000  }
0x6f: {  	[sflag:s21] =	ssyncset.done $0x0  }
0x70: {  	s24 =	simm.s32 $0x0;
	[sflag:s21] =	ssyncadd.s32 $0xFFFFC000  }
0x71: {  	v12 =	vld [tilespmem:s24+$0x4100]  }
0x72: {  	v13 =	vld [tilespmem:s24+$0x100];
	_ =	sdelay $0x1  }
0x73: {  	v14 =	vld [tilespmem:s24+$0x4110]  }
0x74: {  	v15 =	vld [tilespmem:s24+$0x110]  }
0x75: {  	v16 =	vld [tilespmem:s24+$0x4120]  }
0x76: {  	v21 =	vld [tilespmem:s24+$0x120];
	v12 =	vadd.f32 v12, v13  }
0x77: {  	v17 =	vld [tilespmem:s24+$0x4130]  }
0x78: {  	v22 =	vld [tilespmem:s24+$0x130];
	v18 =	vmul.f32 $2.000000030e-01, v12  }
0x79: {  	v14 =	vadd.f32 v14, v15  }
0x7a: {  	v12 =	vmax.f32 v12, v18  }
0x7b: {  	v19 =	vmul.f32 $2.000000030e-01, v14;
	v12 =	vmul.f32 v12, v4  }
0x7c: {  	v16 =	vadd.f32 v16, v21  }
0x7d: {  	v17 =	vadd.f32 v17, v22;
	v14 =	vmax.f32 v14, v19;
	v19 =	vperm.xlane v12, v0  }
0x7e: {  	v18 =	vmul.f32 $2.000000030e-01, v16;
	v14 =	vmul.f32 v14, v5  }
0x7f: {  	v12 =	vadd.f32 v12, v19;
	v19 =	vmul.f32 $2.000000030e-01, v17  }
0x80: {  	v16 =	vmax.f32 v16, v18;
	v18 =	vperm.xlane v14, v0  }
0x81: {  	v16 =	vmul.f32 v16, v6;
	v17 =	vmax.f32 v17, v19  }
0x82: {  	v14 =	vadd.f32 v14, v18;
	v18 =	vperm.xlane v12, v1;
	v17 =	vmul.f32 v17, v7  }
0x83: {  	v19 =	vperm.xlane v16, v0  }
0x84: {  	v20 =	vperm.xlane v14, v1;
	v12 =	vadd.f32 v12, v18;
	v18 =	vperm.xlane v17, v0  }
0x85: {  	v16 =	vadd.f32 v16, v19  }
0x86: {  	v14 =	vadd.f32 v14, v20;
	v19 =	vperm.xlane v12, v2;
	v17 =	vadd.f32 v17, v18  }
0x87: {  	v20 =	vperm.xlane v16, v1  }
0x88: {  	v18 =	vperm.xlane v14, v2;
	v12 =	vadd.f32 v12, v19;
	v19 =	vperm.xlane v17, v1  }
0x89: {  	v16 =	vadd.f32 v16, v20  }
0x8a: {  	v14 =	vadd.f32 v14, v18;
	v18 =	vperm.xlane v12, v3;
	v17 =	vadd.f32 v17, v19  }
0x8b: {  	v20 =	vperm.xlane v16, v2  }
0x8c: {  	v12 =	vadd.f32 v12, v18;
	v18 =	vperm.xlane v17, v2  }
0x8d: {  	v19 =	vperm.xlane v14, v3;
	v16 =	vadd.f32 v16, v20  }
0x8e: {  	v12 =	vmul.f32 $1.442695020e+00, v12;
	v17 =	vadd.f32 v17, v18  }
0x8f: {  	v14 =	vadd.f32 v14, v19;
	v19 =	vperm.xlane v16, v3  }
0x90: {  	(erf) = vpow2.f32 v12;
	v12 =	vperm.xlane v17, v3  }
0x91: {  	v14 =	vmul.f32 $1.442695020e+00, v14;
	v16 =	vadd.f32 v16, v19  }
0x92: {  	v12 =	vadd.f32 v17, v12  }
0x93: {  	(erf) = vpow2.f32 v14;
	v14 =	vmul.f32 $1.442695020e+00, v16  }
0x94: {  	v12 =	vmul.f32 $1.442695020e+00, v12  }
0x95: {  	(erf) = vpow2.f32 v14  }
0x96: {  	(erf) = vpow2.f32 v12;
	_ =	sdelay $0x4  }
0x97: {  	s25 =	simm.s32 $0x80  }
0x98: {  	v18 =	vld [tilespmem:s25+$0x4110];
	v12 =	vpop (erf)  }
0x99: {  	v17 =	vld [tilespmem:s25+$0x4100];
	[tilespmem:s24+$0x140] =	vst v12;
	v14 =	vpop (erf);
	v12 =	vmul.f32 v12, v13  }
0x9a: {  	v19 =	vld [tilespmem:s25+$0x4120];
	[tilespmem:s24+$0x150] =	vst v14;
	v14 =	vmul.f32 v14, v15;
	v15 =	vpop (erf)  }
0x9b: {  	v20 =	vld [tilespmem:s25+$0x4130];
	[tilespmem:s24+$0x100] =	vst v12;
	v12 =	vmul.f32 v15, v21;
	v16 =	vpop (erf)  }
0x9c: {  	v13 =	vld [tilespmem:s25+$0x100];
	[tilespmem:s24+$0x110] =	vst v14;
	v21 =	vmul.f32 v16, v22  }
0x9d: {  	v14 =	vld [tilespmem:s25+$0x110];
	[tilespmem:s24+$0x120] =	vst v12  }
0x9e: {  	s26 =	simm.s32 $0x400;
	v12 =	vld [tilespmem:s25+$0x120];
	[tilespmem:s24+$0x130] =	vst v21  }
.LBB2_4:
0x9f: {  	p1 =	seq.s32 s26, $0xFE00;
	v21 =	vld [tilespmem:s25+$0x130];
	[tilespmem:s24+$0x160] =	vst v15  }
0xa0: {  	[tilespmem:s24+$0x170] =	vst v16;
	s24 =	smov.u32 s25  }
0xa1: {  	v15 =	vadd.f32 v17, v13  }
0xa2: {  	v16 =	vadd.f32 v18, v14  }
0xa3: {  	v17 =	vmul.f32 $2.000000030e-01, v15;
	v18 =	vadd.f32 v19, v12  }
0xa4: {  	v19 =	vmul.f32 $2.000000030e-01, v16;
	v20 =	vadd.f32 v20, v21  }
0xa5: {  	v15 =	vmax.f32 v15, v17;
	v17 =	vmul.f32 $2.000000030e-01, v18  }
0xa6: {  	v15 =	vmul.f32 v15, v4;
	v16 =	vmax.f32 v16, v19;
	v19 =	vmul.f32 $2.000000030e-01, v20  }
0xa7: {  	v16 =	vmul.f32 v16, v5;
	v17 =	vmax.f32 v18, v17  }
0xa8: {  	v18 =	vperm.xlane v15, v0;
	v17 =	vmul.f32 v17, v6;
	v19 =	vmax.f32 v20, v19  }
0xa9: {  	v20 =	vperm.xlane v16, v0;
	v19 =	vmul.f32 v19, v7  }
0xaa: {  	v15 =	vadd.f32 v15, v18;
	v18 =	vperm.xlane v17, v0  }
0xab: {  	v16 =	vadd.f32 v16, v20;
	v20 =	vperm.xlane v19, v0  }
0xac: {  	v22 =	vperm.xlane v15, v1;
	v17 =	vadd.f32 v17, v18  }
0xad: {  	v18 =	vperm.xlane v16, v1;
	v19 =	vadd.f32 v19, v20  }
0xae: {  	v15 =	vadd.f32 v15, v22;
	v20 =	vperm.xlane v17, v1  }
0xaf: {  	v16 =	vadd.f32 v16, v18;
	v18 =	vperm.xlane v19, v1  }
0xb0: {  	v22 =	vperm.xlane v15, v2;
	v17 =	vadd.f32 v17, v20  }
0xb1: {  	v20 =	vperm.xlane v16, v2;
	v18 =	vadd.f32 v19, v18  }
0xb2: {  	v15 =	vadd.f32 v15, v22;
	v19 =	vperm.xlane v17, v2  }
0xb3: {  	v16 =	vadd.f32 v16, v20;
	v20 =	vperm.xlane v18, v2  }
0xb4: {  	v22 =	vperm.xlane v15, v3;
	v17 =	vadd.f32 v17, v19  }
0xb5: {  	v19 =	vperm.xlane v16, v3;
	v18 =	vadd.f32 v18, v20  }
0xb6: {  	v15 =	vadd.f32 v15, v22;
	v20 =	vperm.xlane v17, v3  }
0xb7: {  	v16 =	vadd.f32 v16, v19;
	v19 =	vperm.xlane v18, v3  }
0xb8: {  	v15 =	vmul.f32 $1.442695020e+00, v15;
	v17 =	vadd.f32 v17, v20  }
0xb9: {  	v16 =	vmul.f32 $1.442695020e+00, v16;
	v18 =	vadd.f32 v18, v19  }
0xba: {  	v17 =	vmul.f32 $1.442695020e+00, v17;
	(erf) = vpow2.f32 v15  }
0xbb: {  	v15 =	vmul.f32 $1.442695020e+00, v18;
	(erf) = vpow2.f32 v16  }
0xbc: {  	(erf) = vpow2.f32 v17  }
0xbd: {  	(erf) = vpow2.f32 v15;
	_ =	sdelay $0x4  }
0xbe: {  	s25 =	sshra.s32 s26, $0x2  }
0xbf: {  	v17 =	vld [tilespmem:s25+$0x4100];
	v15 =	vpop (erf)  }
0xc0: {  	v18 =	vld [tilespmem:s25+$0x4110];
	v13 =	vmul.f32 v15, v13;
	[tilespmem:s24+$0x140] =	vst v15;
	v15 =	vpop (erf)  }
.Ltmp5:
0xc1: {  	v19 =	vld [tilespmem:s25+$0x4120];
	v14 =	vmul.f32 v15, v14;
	[tilespmem:s24+$0x150] =	vst v15;
	v15 =	vpop (erf);
	(pc) =	sbr.rel @!p1 .LBB2_4-.Ltmp5, $4  }
0xc2: {  	v20 =	vld [tilespmem:s25+$0x4130];
	[tilespmem:s24+$0x100] =	vst v13;
	v12 =	vmul.f32 v15, v12;
	v16 =	vpop (erf)  }
0xc3: {  	v13 =	vld [tilespmem:s25+$0x100];
	[tilespmem:s24+$0x110] =	vst v14;
	v21 =	vmul.f32 v16, v21  }
0xc4: {  	v14 =	vld [tilespmem:s25+$0x110];
	[tilespmem:s24+$0x120] =	vst v12  }
0xc5: {  	s26 =	sadd.s32 $0x200, s26;
	v12 =	vld [tilespmem:s25+$0x120];
	[tilespmem:s24+$0x130] =	vst v21  }
0xc6: {  	_ = 	snop  }
0xc7: {  	v21 =	vld [tilespmem:s25+$0x130]  }
0xc8: {  	v17 =	vadd.f32 v17, v13  }
0xc9: {  	v18 =	vadd.f32 v18, v14  }
0xca: {  	v22 =	vmul.f32 $2.000000030e-01, v17  }
0xcb: {  	v19 =	vadd.f32 v19, v12;
	v23 =	vmul.f32 $2.000000030e-01, v18  }
0xcc: {  	v20 =	vadd.f32 v20, v21;
	v17 =	vmax.f32 v17, v22  }
0xcd: {  	v37 =	vmul.f32 $2.000000030e-01, v19;
	v17 =	vmul.f32 v17, v4;
	v18 =	vmax.f32 v18, v23  }
0xce: {  	v18 =	vmul.f32 v18, v5  }
0xcf: {  	v38 =	vmul.f32 $2.000000030e-01, v20;
	v19 =	vmax.f32 v19, v37;
	v39 =	vperm.xlane v17, v0  }
0xd0: {  	v19 =	vmul.f32 v19, v6;
	v40 =	vperm.xlane v18, v0  }
0xd1: {  	v20 =	vmax.f32 v20, v38;
	v17 =	vadd.f32 v17, v39  }
0xd2: {  	v20 =	vmul.f32 v20, v7;
	v41 =	vperm.xlane v19, v0;
	v18 =	vadd.f32 v18, v40  }
0xd3: {  	v43 =	vperm.xlane v17, v1  }
0xd4: {  	v42 =	vperm.xlane v20, v0;
	v19 =	vadd.f32 v19, v41;
	v44 =	vperm.xlane v18, v1  }
0xd5: {  	v17 =	vadd.f32 v17, v43  }
0xd6: {  	v20 =	vadd.f32 v20, v42;
	v45 =	vperm.xlane v19, v1;
	v18 =	vadd.f32 v18, v44  }
0xd7: {  	v47 =	vperm.xlane v17, v2  }
0xd8: {  	v46 =	vperm.xlane v20, v1;
	v19 =	vadd.f32 v19, v45;
	v48 =	vperm.xlane v18, v2  }
0xd9: {  	v17 =	vadd.f32 v17, v47  }
0xda: {  	v20 =	vadd.f32 v20, v46;
	v49 =	vperm.xlane v19, v2;
	v18 =	vadd.f32 v18, v48  }
0xdb: {  	v51 =	vperm.xlane v17, v3  }
0xdc: {  	v50 =	vperm.xlane v20, v2;
	v19 =	vadd.f32 v19, v49;
	v52 =	vperm.xlane v18, v3  }
0xdd: {  	v17 =	vadd.f32 v17, v51  }
0xde: {  	v20 =	vadd.f32 v20, v50;
	v53 =	vperm.xlane v19, v3;
	v18 =	vadd.f32 v18, v52  }
0xdf: {  	v17 =	vmul.f32 $1.442695020e+00, v17  }
0xe0: {  	v54 =	vperm.xlane v20, v3;
	v19 =	vadd.f32 v19, v53;
	v18 =	vmul.f32 $1.442695020e+00, v18  }
0xe1: {  	(erf) = vpow2.f32 v17  }
0xe2: {  	v20 =	vadd.f32 v20, v54;
	v19 =	vmul.f32 $1.442695020e+00, v19;
	(erf) = vpow2.f32 v18;
	_ =	sdelay $0x1  }
0xe3: {  	v55 =	vmul.f32 $1.442695020e+00, v20;
	(erf) = vpow2.f32 v19;
	_ =	sdelay $0x1  }
0xe4: {  	(erf) = vpow2.f32 v55;
	_ =	sdelay $0x2  }
0xe5: {  	[tilespmem:s24+$0x160] =	vst v15  }
0xe6: {  	[tilespmem:s24+$0x170] =	vst v16;
	v56 =	vpop (erf)  }
0xe7: {  	v57 =	vmul.f32 v56, v13;
	[tilespmem:s25+$0x140] =	vst v56;
	v58 =	vpop (erf)  }
0xe8: {  	[tilespmem:s25+$0x150] =	vst v58  }
0xe9: {  	v59 =	vmul.f32 v58, v14;
	v60 =	vpop (erf);
	[tilespmem:s25+$0x100] =	vst v57  }
.Ltmp6:
0xea: {  	[tilespmem:s25+$0x160] =	vst v60;
	(pc) =	sbr.rel .LBB2_9-.Ltmp6, $4  }
0xeb: {  	v61 =	vmul.f32 v60, v12;
	v62 =	vpop (erf);
	[tilespmem:s25+$0x110] =	vst v59  }
0xec: {  	v63 =	vmul.f32 v62, v21;
	[tilespmem:s25+$0x170] =	vst v62  }
0xed: {  	[tilespmem:s25+$0x120] =	vst v61  }
0xee: {  	[tilespmem:s25+$0x130] =	vst v63  }
.LBB2_6:
0xef: {  	v13 =	vld [tilespmem:s24+$0x4140]  }
0xf0: {  	v14 =	vld [tilespmem:s24+$0x4150]  }
0xf1: {  	v15 =	vld [tilespmem:s24+$0x140]  }
0xf2: {  	v17 =	vld [tilespmem:s24+$0x150]  }
0xf3: {  	v16 =	vld [tilespmem:s24+$0x4160]  }
0xf4: {  	v12 =	vld [tilespmem:s24+$0x160];
	_ =	sdelay $0x1  }
0xf5: {  	v13 =	vadd.f32 v13, v15  }
0xf6: {  	v14 =	vadd.f32 v14, v17  }
0xf7: {  	v18 =	vmul.f32 $2.000000030e-01, v13  }
0xf8: {  	v16 =	vadd.f32 v16, v12;
	v19 =	vmul.f32 $2.000000030e-01, v14  }
0xf9: {  	v13 =	vmax.f32 v13, v18;
	v18 =	vld [tilespmem:s24+$0x4170]  }
0xfa: {  	v20 =	vmul.f32 $2.000000030e-01, v16;
	v14 =	vmax.f32 v14, v19;
	v21 =	vmul.f32 v13, v8;
	v13 =	vld [tilespmem:s24+$0x170]  }
0xfb: {  	v14 =	vmul.f32 v14, v9  }
0xfc: {  	v16 =	vmax.f32 v16, v20;
	v19 =	vperm.xlane v21, v0  }
0xfd: {  	v16 =	vmul.f32 v16, v10;
	v20 =	vperm.xlane v14, v0  }
0xfe: {  	v19 =	vadd.f32 v21, v19  }
0xff: {  	v21 =	vperm.xlane v16, v0;
	v14 =	vadd.f32 v14, v20;
	v18 =	vadd.f32 v18, v13  }
0x100: {  	v20 =	vperm.xlane v19, v1  }
0x101: {  	v16 =	vadd.f32 v16, v21;
	v22 =	vperm.xlane v14, v1;
	v21 =	vmul.f32 $2.000000030e-01, v18  }
0x102: {  	v19 =	vadd.f32 v19, v20  }
0x103: {  	v20 =	vperm.xlane v16, v1;
	v14 =	vadd.f32 v14, v22;
	v18 =	vmax.f32 v18, v21  }
0x104: {  	v21 =	vperm.xlane v19, v2;
	v18 =	vmul.f32 v18, v11  }
0x105: {  	v16 =	vadd.f32 v16, v20;
	v20 =	vperm.xlane v14, v2  }
0x106: {  	v19 =	vadd.f32 v19, v21;
	v21 =	vperm.xlane v18, v0  }
0x107: {  	v14 =	vadd.f32 v14, v20  }
0x108: {  	v22 =	vperm.xlane v16, v2;
	v20 =	vperm.xlane v19, v3;
	v18 =	vadd.f32 v18, v21  }
0x109: {  	v21 =	vperm.xlane v14, v3  }
0x10a: {  	v16 =	vadd.f32 v16, v22;
	v19 =	vadd.f32 v19, v20;
	v20 =	vperm.xlane v18, v1  }
0x10b: {  	v14 =	vadd.f32 v14, v21  }
0x10c: {  	v22 =	vperm.xlane v16, v3;
	v19 =	vmul.f32 $1.442695020e+00, v19;
	v18 =	vadd.f32 v18, v20  }
0x10d: {  	v14 =	vmul.f32 $1.442695020e+00, v14  }
0x10e: {  	v16 =	vadd.f32 v16, v22;
	(erf) = vpow2.f32 v19;
	v19 =	vperm.xlane v18, v2;
	_ =	sdelay $0x1  }
0x10f: {  	v16 =	vmul.f32 $1.442695020e+00, v16;
	(erf) = vpow2.f32 v14;
	v14 =	vadd.f32 v18, v19;
	_ =	sdelay $0x1  }
0x110: {  	(erf) = vpow2.f32 v16;
	v16 =	vperm.xlane v14, v3;
	_ =	sdelay $0x1  }
0x111: {  	v14 =	vadd.f32 v14, v16;
	_ =	sdelay $0x1  }
0x112: {  	v14 =	vmul.f32 $1.442695020e+00, v14;
	_ =	sdelay $0x1  }
0x113: {  	v16 =	vpop (erf);
	(erf) = vpow2.f32 v14;
	_ =	sdelay $0x2  }
0x114: {  	s25 =	simm.s32 $0x80  }
0x115: {  	v21 =	vld [tilespmem:s25+$0x4150]  }
0x116: {  	v20 =	vld [tilespmem:s25+$0x4140]  }
0x117: {  	v18 =	vld [tilespmem:s25+$0x4160]  }
0x118: {  	v19 =	vld [tilespmem:s25+$0x4170];
	[tilespmem:s24+$0x140] =	vst v16;
	v22 =	vpop (erf)  }
0x119: {  	s26 =	simm.s32 $0x400;
	v15 =	vmul.f32 v16, v15;
	v14 =	vld [tilespmem:s25+$0x140];
	v16 =	vmul.f32 v22, v17;
	[tilespmem:s24+$0x150] =	vst v22;
	v17 =	vpop (erf)  }
.LBB2_7:
0x11a: {  	p1 =	sne.s32 s26, $0xFE00;
	v22 =	vld [tilespmem:s25+$0x150];
	v23 =	vmul.f32 v17, v12;
	[tilespmem:s24+$0x160] =	vst v17;
	v17 =	vpop (erf)  }
0x11b: {  	v12 =	vld [tilespmem:s25+$0x160];
	v24 =	vmul.f32 v17, v13;
	[tilespmem:s24+$0x170] =	vst v17  }
0x11c: {  	v13 =	vld [tilespmem:s25+$0x170];
	[tilespmem:s24+$0x100] =	vst v15  }
0x11d: {  	[tilespmem:s24+$0x110] =	vst v16  }
0x11e: {  	v15 =	vadd.f32 v20, v14;
	[tilespmem:s24+$0x120] =	vst v23  }
0x11f: {  	v16 =	vadd.f32 v21, v22;
	[tilespmem:s24+$0x130] =	vst v24;
	s24 =	smov.u32 s25  }
0x120: {  	v17 =	vmul.f32 $2.000000030e-01, v15;
	v18 =	vadd.f32 v18, v12  }
0x121: {  	v20 =	vmul.f32 $2.000000030e-01, v16;
	v19 =	vadd.f32 v19, v13  }
0x122: {  	v15 =	vmax.f32 v15, v17;
	v17 =	vmul.f32 $2.000000030e-01, v18  }
0x123: {  	v15 =	vmul.f32 v15, v8;
	v16 =	vmax.f32 v16, v20;
	v20 =	vmul.f32 $2.000000030e-01, v19  }
0x124: {  	v16 =	vmul.f32 v16, v9;
	v17 =	vmax.f32 v18, v17  }
0x125: {  	v18 =	vperm.xlane v15, v0;
	v17 =	vmul.f32 v17, v10;
	v19 =	vmax.f32 v19, v20  }
0x126: {  	v20 =	vperm.xlane v16, v0;
	v19 =	vmul.f32 v19, v11  }
0x127: {  	v15 =	vadd.f32 v15, v18;
	v18 =	vperm.xlane v17, v0  }
0x128: {  	v16 =	vadd.f32 v16, v20;
	v20 =	vperm.xlane v19, v0  }
0x129: {  	v21 =	vperm.xlane v15, v1;
	v17 =	vadd.f32 v17, v18  }
0x12a: {  	v18 =	vperm.xlane v16, v1;
	v19 =	vadd.f32 v19, v20  }
0x12b: {  	v15 =	vadd.f32 v15, v21;
	v20 =	vperm.xlane v17, v1  }
0x12c: {  	v16 =	vadd.f32 v16, v18;
	v18 =	vperm.xlane v19, v1  }
0x12d: {  	v21 =	vperm.xlane v15, v2;
	v17 =	vadd.f32 v17, v20  }
0x12e: {  	v20 =	vperm.xlane v16, v2;
	v18 =	vadd.f32 v19, v18  }
0x12f: {  	v15 =	vadd.f32 v15, v21;
	v19 =	vperm.xlane v17, v2  }
0x130: {  	v16 =	vadd.f32 v16, v20;
	v20 =	vperm.xlane v18, v2  }
0x131: {  	v21 =	vperm.xlane v15, v3;
	v17 =	vadd.f32 v17, v19  }
0x132: {  	v19 =	vperm.xlane v16, v3;
	v18 =	vadd.f32 v18, v20  }
0x133: {  	v15 =	vadd.f32 v15, v21;
	v20 =	vperm.xlane v17, v3  }
0x134: {  	v16 =	vadd.f32 v16, v19;
	v19 =	vperm.xlane v18, v3  }
0x135: {  	v15 =	vmul.f32 $1.442695020e+00, v15;
	v17 =	vadd.f32 v17, v20  }
0x136: {  	v16 =	vmul.f32 $1.442695020e+00, v16;
	v18 =	vadd.f32 v18, v19  }
0x137: {  	v17 =	vmul.f32 $1.442695020e+00, v17;
	(erf) = vpow2.f32 v15  }
0x138: {  	v15 =	vmul.f32 $1.442695020e+00, v18;
	(erf) = vpow2.f32 v16  }
0x139: {  	(erf) = vpow2.f32 v17  }
0x13a: {  	(erf) = vpow2.f32 v15;
	_ =	sdelay $0x2  }
0x13b: {  	s25 =	sshra.s32 s26, $0x2  }
.Ltmp7:
0x13c: {  	v20 =	vld [tilespmem:s25+$0x4140];
	(pc) =	sbr.rel @p1 .LBB2_7-.Ltmp7, $4  }
0x13d: {  	v21 =	vld [tilespmem:s25+$0x4150]  }
0x13e: {  	v18 =	vld [tilespmem:s25+$0x4160];
	v16 =	vpop (erf)  }
0x13f: {  	v19 =	vld [tilespmem:s25+$0x4170];
	v15 =	vmul.f32 v16, v14;
	[tilespmem:s24+$0x140] =	vst v16;
	v17 =	vpop (erf)  }
0x140: {  	s26 =	sadd.s32 $0x200, s26;
	v14 =	vld [tilespmem:s25+$0x140];
	v16 =	vmul.f32 v17, v22;
	[tilespmem:s24+$0x150] =	vst v17;
	v17 =	vpop (erf)  }
.Ltmp8:
0x141: {  	_ = 	snop;
	(pc) =	sbr.rel .LBB2_8-.Ltmp8, $1  }
0x142: {  	_ =	sdelay $0x3  }
.LBB2_11:
0x143: {  	_ =	sfence.sel $0x180000  }
0x144: {  	[bflag:$0x0] =	sbarrier.arrive $0xFFFF  }
0x145: {  	p0 =	sne.s32 s4, $0x0;
	_ =	strace $0x90000050  }
0x146: {  	s0 =	sadd.s32 @!p0 $0x100000, s0;
	[bflag:$0x2] =	sbarrier.arrive $0xFFFF  }
0x147: {  	[sflag:s0] =	ssyncadd.tile.s32 @!p0 $0x1;
	_ =	shalt  }
.Lfunc_end2:
_tile_overlayer_lowered:
.L_overlay_start_2:
0x148: {  	(tag) =	ssettag $0x2  }
0x149: {  	s0 =	rddreg [dreg:$0x0];
	s2 =	stileid.u32  }
0x14a: {  	s1 =	rddreg [dreg:$0x1];
	p0 =	sne.s32 s2, $0x0  }
0x14b: {  	s3 =	rddreg [dreg:$0x2];
	[bflag:$0x3] =	sbarrier.arrive $0xFFFF;
	s2 =	simm.s32 @!p0 $0x1C03  }
0x14c: {  	[timem:s3], [sflag:s2] =	dma.local @!p0 [hbm:s0], s1  }
0x14d: {  	s0 =	simm.s32 @!p0 $0x3  }
0x14e: {  	_ =	swait.ge @!p0 [sflag:s0], s1  }
0x14f: {  	s1 =	ssub.s32 @!p0 $0x0, s1;
	[sflag:s0] =	ssyncset.done @!p0 $0x0  }
0x150: {  	[sflag:s0] =	ssyncadd.s32 @!p0 s1  }
0x151: {  	[bflag:$0x3] =	sbarrier.arrive $0xFFFF  }
0x152: {  	_ =	shalt  }

// kernel: kernel.25.cloned.1.call-start
scs
__scs_entry_jumppad:
0x0: {  	(pc) =	sbr.rel $0x88, $3  }
0x1: {  	(tag) =	ssettag $0x0;
	lr =	simm.s32 $0x1  }
0x2: {  	[smem:$0x3F86] =	sst lr;
	_ =	strace $0xD0000000  }
0x3: {  	_ = 	snop  }
0x4: {  	_ = 	snop  }
0x5: {  	_ = 	snop  }
0x6: {  	_ = 	snop  }
0x7: {  	_ = 	snop  }
__scs_overlays_trampoline_lowered:
0x8: {  	[smem:$0x3F95] =	sst s0  }
0x9: {  	[smem:$0x3F96] =	sst s1  }
0xa: {  	[smem:$0x3F97] =	sst s2  }
0xb: {  	[smem:$0x3F98] =	sst s3  }
0xc: {  	[smem:$0x3F99] =	sst s4  }
0xd: {  	[smem:$0x3F9A] =	sst s5  }
0xe: {  	[smem:$0x3F9B] =	sst s6  }
0xf: {  	[smem:$0x3F9C] =	sst s7  }
0x10: {  	[smem:$0x3F9D] =	sst s8  }
0x11: {  	[smem:$0x3F9E] =	sst s9;
	s0 =	simm.s32 @!p0 $0x0  }
0x12: {  	s1 =	sld [smem:$0x3F84];
	s0 =	simm.s32 @p0 $0x1  }
0x13: {  	[smem:$0x3F9F] =	sst s0;
	s0 =	simm.s32 @!p1 $0x0  }
0x14: {  	s2 =	sld [smem:$0x3F83];
	s0 =	simm.s32 @p1 $0x1  }
0x15: {  	[smem:$0x3FA0] =	sst s0;
	s0 =	simm.s32 @!p2 $0x0  }
0x16: {  	s3 =	sld [smem:$0x3FDB];
	s0 =	simm.s32 @p2 $0x1  }
0x17: {  	s4 =	simm.s32 $0x1BF5;
	[smem:$0x3FA2] =	sst s0  }
0x18: {  	s0 =	sld [smem:$0x3F85];
	_ =	swait.ge [sflag:s4], $0x0  }
0x19: {  	s7 =	sld [smem:$0x3F86]  }
0x1a: {  	s8 =	sadd.s32 $0xFFFFE003, lr  }
0x1b: {  	s9 =	sadd.s32 $0xFFFFFEF7, lr;
	s5 =	simm.s32 $0xFFFFFFFF;
	p2 =	slt.u32 s8, $0xFFFFF086  }
0x1c: {  	p1 =	slt.u32 s9, $0xF7A;
	s5 =	simm.s32 @!p2 $0x0  }
0x1d: {  	s5 =	simm.s32 @p1 $0x1;
	p0 =	seq.s32 s7, s2  }
0x1e: {  	s7 =	smul.u32 @!p0 $0xF7A, s2;
	p2 =	seq.s32 @!p0 s5, $0x0  }
0x1f: {  	s9 =	smul.u32 $0xF7A, s1;
	s8 =	simm.s32 @!p0 $0x1BF5;
	p2 =	por !p2, p0  }
0x20: {  	[sflag:s8] =	ssyncset.s32 @!p0 $0xFFFFF086;
	s6 =	sadd.s32 @!p0 s3, s7;
	s7 =	simm.s32 @!p0 $0x108  }
0x21: {  	s3 =	sadd.s32 s3, s9;
	s6 =	sadd.s32 @!p0 $0x88, s6;
	s7 =	simm.s32 @p2 $0x1082  }
0x22: {  	[simem:s7], [sflag:s8] =	dma.local @!p0 [hbm:s6], $0xF7A  }
0x23: {  	s9 =	sor.u32 $0xD0000000, s2;
	s6 =	simm.s32 $0x108;
	_ =	swait.ge @!p0 [sflag:s8], $0x0  }
0x24: {  	s3 =	sadd.s32 $0x88, s3;
	s6 =	simm.s32 @!p1 $0x1082;
	[sflag:s4] =	ssyncset.s32 $0xFFFFF086  }
0x25: {  	[simem:s6], [sflag:s4] =	dma.local [hbm:s3], $0xF7A  }
0x26: {  	[smem:$0x3F86] =	sst s1;
	(tag) =	ssettag s2;
	_ =	strace s9  }
0x27: {  	s1 =	sld [smem:$0x3F96]  }
0x28: {  	s2 =	sld [smem:$0x3F97]  }
0x29: {  	s4 =	sld [smem:$0x3F99]  }
0x2a: {  	p0 =	seq.s32 s5, $0x0;
	s5 =	sld [smem:$0x3F9A]  }
0x2b: {  	s6 =	sld [smem:$0x3F9B]  }
0x2c: {  	s7 =	sld [smem:$0x3F9C]  }
0x2d: {  	s3 =	simm.s32 $0x108;
	s8 =	sld [smem:$0x3F9D]  }
0x2e: {  	s3 =	simm.s32 @!p0 $0x1082;
	s9 =	sld [smem:$0x3F9E]  }
0x2f: {  	lr =	sadd.s32 s0, s3;
	s0 =	sld [smem:$0x3F95]  }
0x30: {  	s3 =	sld [smem:$0x3F98]  }
0x31: {  	[smem:$0x3FA1] =	sst s10  }
0x32: {  	s10 =	sld [smem:$0x3F9F];
	_ =	sdelay $0x3  }
0x33: {  	p0 =	seq.s32 s10, $0x1;
	s10 =	sld [smem:$0x3FA1];
	_ =	sdelay $0x3  }
0x34: {  	[smem:$0x3FA1] =	sst s10  }
0x35: {  	s10 =	sld [smem:$0x3FA0];
	_ =	sdelay $0x3  }
0x36: {  	p1 =	seq.s32 s10, $0x1;
	s10 =	sld [smem:$0x3FA1];
	_ =	sdelay $0x3  }
0x37: {  	[smem:$0x3FA1] =	sst s10  }
0x38: {  	s10 =	sld [smem:$0x3FA2]  }
0x39: {  	_ = 	snop;
	(pc) =	sbr.ind lr, $3  }
0x3a: {  	_ = 	snop  }
0x3b: {  	_ = 	snop  }
0x3c: {  	p2 =	seq.s32 s10, $0x1;
	s10 =	sld [smem:$0x3FA1]  }
0x3d: {  	_ =	shalt  }
0x3e: {  	_ =	shalt  }
0x3f: {  	_ =	shalt  }
0x40: {  	_ =	shalt  }
0x41: {  	_ =	shalt  }
0x42: {  	_ =	shalt  }
0x43: {  	_ =	shalt  }
0x44: {  	_ =	shalt  }
0x45: {  	_ =	shalt  }
0x46: {  	_ =	shalt  }
0x47: {  	_ =	shalt  }
0x48: {  	_ =	shalt  }
0x49: {  	_ =	shalt  }
0x4a: {  	_ =	shalt  }
0x4b: {  	_ =	shalt  }
0x4c: {  	_ =	shalt  }
0x4d: {  	_ =	shalt  }
0x4e: {  	_ =	shalt  }
0x4f: {  	_ =	shalt  }
0x50: {  	_ =	shalt  }
0x51: {  	_ =	shalt  }
0x52: {  	_ =	shalt  }
0x53: {  	_ =	shalt  }
0x54: {  	_ =	shalt  }
0x55: {  	_ =	shalt  }
0x56: {  	_ =	shalt  }
0x57: {  	_ =	shalt  }
0x58: {  	_ =	shalt  }
0x59: {  	_ =	shalt  }
0x5a: {  	_ =	shalt  }
0x5b: {  	_ =	shalt  }
0x5c: {  	_ =	shalt  }
0x5d: {  	_ =	shalt  }
0x5e: {  	_ =	shalt  }
0x5f: {  	_ =	shalt  }
0x60: {  	_ =	shalt  }
0x61: {  	_ =	shalt  }
0x62: {  	_ =	shalt  }
0x63: {  	_ =	shalt  }
0x64: {  	_ =	shalt  }
0x65: {  	_ =	shalt  }
0x66: {  	_ =	shalt  }
0x67: {  	_ =	shalt  }
0x68: {  	_ =	shalt  }
0x69: {  	_ =	shalt  }
0x6a: {  	_ =	shalt  }
0x6b: {  	_ =	shalt  }
0x6c: {  	_ =	shalt  }
0x6d: {  	_ =	shalt  }
0x6e: {  	_ =	shalt  }
0x6f: {  	_ =	shalt  }
0x70: {  	_ =	shalt  }
0x71: {  	_ =	shalt  }
0x72: {  	_ =	shalt  }
0x73: {  	_ =	shalt  }
0x74: {  	_ =	shalt  }
0x75: {  	_ =	shalt  }
0x76: {  	_ =	shalt  }
0x77: {  	_ =	shalt  }
0x78: {  	_ =	shalt  }
0x79: {  	_ =	shalt  }
0x7a: {  	_ =	shalt  }
0x7b: {  	_ =	shalt  }
0x7c: {  	_ =	shalt  }
0x7d: {  	_ =	shalt  }
0x7e: {  	_ =	shalt  }
0x7f: {  	_ =	shalt  }
0x80: {  	_ =	shalt  }
0x81: {  	_ =	shalt  }
0x82: {  	_ =	shalt  }
0x83: {  	_ =	shalt  }
0x84: {  	_ =	shalt  }
0x85: {  	_ =	shalt  }
0x86: {  	_ =	shalt  }
0x87: {  	_ =	shalt  }
.Lfunc_end0:
.L_simem_size_0:
called_computation.4_lowered:
.L_overlay_start_0:
0x88: {  	s2 =	sld [smem:$0x3FD9]  }
0x89: {  	s3 =	sld [smem:$0x3FFE];
	_ =	sdelay $0x1  }
0x8a: {  	s1 =	srdreg.scid  }
0x8b: {  	s0 =	sand.u32 $0x1, s1  }
0x8c: {  	s16 =	sshll.u32 s0, $0xA;
	s2 =	sadd.s32 s3, s2  }
0x8d: {  	s2 =	sadd.s32 s2, s16  }
0x8e: {  	[smem:$0x3FAD] =	sst s2  }
0x8f: {  	_ = 	snop  }
0x90: {  	(tm) =	ssettm $0x1  }
0x91: {  	s17 =	sld [smem:$0x3FFB];
	_ =	sdelay $0x3  }
0x92: {  	_ =	strace s17  }
0x93: {  	s2 =	sld [smem:$0x3FFC];
	_ =	sdelay $0x3  }
0x94: {  	_ =	strace s2  }
0x95: {  	s2 =	sld [smem:$0x3FFD];
	_ =	sdelay $0x3  }
0x96: {  	_ =	strace s2  }
0x97: {  	_ =	strace $0x8FFFFFFF  }
0x98: {  	s18 =	sld [smem:$0x3FDB];
	_ =	sdelay $0x1  }
0x99: {  	s19 =	simm.s32 $_scs_section_size  }
0x9a: {  	s4 =	simm.s32 $_size__tile_overlayer_lowered;
	s5 =	simm.s32 $_tile_overlayer_lowered  }
0x9b: {  	s22 =	simm.s32 $0x1BFF;
	s21 =	sshll.u32 s5, $0x1;
	s2 =	sadd.s32 s19, s18  }
0x9c: {  	s6 =	simm.s32 $0x0;
	s20 =	sshll.u32 s4, $0x1;
	s4 =	sadd.s32 s21, s2  }
0x9d: {  	[timem:s6], [sflag:s22] =	dma.local [hbm:s4], s20  }
0x9e: {  	_ =	swait.ge [sflag:s22], s20  }
0x9f: {  	s3 =	ssub.s32 $0x0, s20;
	[sflag:s22] =	ssyncset.done $0x0  }
0xa0: {  	[sflag:s22] =	ssyncadd.s32 s3;
	_ =	sdelay $0x1  }
0xa1: {  	s23 =	simm.s32 $0x1B8B  }
0xa2: {  	_ =	swait.ge [sflag:s23], $0x1  }
0xa3: {  	[sflag:s23] =	ssyncset.done $0x0  }
0xa4: {  	s25 =	simm.s32 $0x1B8E;
	s24 =	sld [smem:$0x3FFE];
	[sflag:s23] =	ssyncadd.s32 $0xFFFFFFFF  }
0xa5: {  	s26 =	simm.s32 $execute0_lowered;
	[smem:$0x3FD2] =	sst s25  }
0xa6: {  	s4 =	sshll.u32 s26, $0x1;
	_ =	strace $0x80000052;
	[dreg:$0x1] =	wrdreg $0xFFFFFFFF  }
0xa7: {  	s28 =	simm.s32 $_size_execute0_lowered;
	s2 =	sadd.s32 s2, s4;
	[dreg:$0x0] =	wrdreg $0x0  }
0xa8: {  	s4 =	sshll.u32 s28, $0x1;
	[dreg:$0x2] =	wrdreg s2  }
0xa9: {  	[dreg:$0x3] =	wrdreg s4  }
0xaa: {  	[dreg:$0x4] =	wrdreg $0xC0  }
0xab: {  	_ =	task [dreg:s6], $0x5FFFF  }
0xac: {  	[dreg:$0x1] =	wrdreg $0xFFFFFFFF  }
0xad: {  	[dreg:$0x0] =	wrdreg $0x60  }
0xae: {  	[dreg:$0x2] =	wrdreg s24  }
0xaf: {  	[dreg:$0x3] =	wrdreg $0x41000  }
0xb0: {  	[dreg:$0x4] =	wrdreg $0x9  }
0xb1: {  	_ =	task.clear_ibuf [dreg:s6], $0x5FFFF;
	_ =	strace $0x90000052  }
0xb2: {  	s29 =	simm.s32 $0x9;
	_ =	strace $0x80000054  }
0xb3: {  	_ =	swait.ge [sflag:s29], $0x1  }
0xb4: {  	[sflag:s29] =	ssyncadd.s32 $0xFFFFFFFF  }
0xb5: {  	_ =	strace $0x90000054  }
0xb6: {  	_ =	sfence  }
0xb7: {  	s30 =	sld [smem:$0x0];
	_ =	sdelay $0x2  }
0xb8: {  	s31 =	sshll.u32 s1, $0xD;
	s1 =	sshrl.u32 s1, $0x2  }
0xb9: {  	s3 =	sand.u32 $0x4000, s31;
	s1 =	sadd.s32 s1, s30  }
0xba: {  	s0 =	sor.u32 s3, s0;
	s1 =	sshll.u32 s1, $0x11  }
0xbb: {  	s0 =	sor.u32 s1, s0  }
0xbc: {  	s0 =	sadd.s32 $0x8F2B, s0  }
0xbd: {  	[sflag:s0] =	ssyncadd.remote.s32 $0x1  }
0xbe: {  	_ =	sfence.sel $0xFFFF  }
0xbf: {  	[dreg:$0x0] =	wrdreg $0xFFFFFFFF;
	(pc) =	sbr.abs _section_cstart, $3  }
0xc0: {  	[dreg:$0x1] =	wrdreg $0xFFFFFFFF  }
0xc1: {  	_ =	task.clear_ibuf [dreg:s6], $0x2FFFF;
	_ =	strace $0x9FFFFFFF  }
0xc2: {  	(tm) =	ssettm $0x7FFFFFFF  }
0xc3: {  	_ =	shalt  }
tec
execute0_lowered:
.L_overlay_start_1:
0x0: {  	(tag) =	ssettag $0x1  }
0x1: {  	s5 =	rddreg [dreg:$0x0];
	s0 =	srdreg.scid  }
0x2: {  	s2 =	rddreg [dreg:$0x1];
	s1 =	stileid.u32  }
0x3: {  	s3 =	simm.s32 $0x0;
	s13 =	simm.s32 $0x80;
	s8 =	smul.u32 $0x13C00, s1  }
0x4: {  	s14 =	simm.s32 $0x100;
	s15 =	simm.s32 $0x1;
	s26 =	smul.u32 $0x4F000, s1  }
0x5: {  	s6 =	sand.u32 $0x1, s0;
	s0 =	rddreg [dreg:$0x2];
	s30 =	smul.u32 $0x280, s1  }
0x6: {  	s16 =	simm.s32 $0x0;
	[smem:$0x7FF] =	sst s3;
	s7 =	smul.u32 $0x2800, s6  }
0x7: {  	s4 =	sadd.s32 $0xFC00, s5;
	s31 =	sshll.u32 s1, $0x6;
	s9 =	smul.u32 $0x13C000, s6  }
0x8: {  	_ =	strace $0x80000053;
	s6 =	ssub.s32 $0x2, s6;
	s25 =	sshrl.u32 s8, $0x3  }
0x9: {  	s28 =	sshrl.u32 s6, $0x1;
	s29 =	sshrl.u32 s26, $0x2;
	s10 =	sadd.s32 s7, s5  }
0xa: {  	s8 =	sadd.s32 s8, s9;
	s7 =	sadd.s32 s25, s5;
	s11 =	ssub.s32 s6, s28  }
0xb: {  	s12 =	sadd.s32 s29, s2;
	s6 =	sor.u32 $0x1C02, s31;
	s8 =	sshrl.u32 s8, $0x3  }
0xc: {  	s10 =	sadd.s32 s30, s10;
	s8 =	sadd.s32 s8, s5;
	s5 =	sadd.s32 $0x37400, s7  }
0xd: {  	s9 =	sadd.s32 $0xAC00, s10;
	s10 =	sadd.s32 $0x5C00, s10;
	s7 =	sadd.s32 $0xADC00, s8  }
0xe: {  	s8 =	smax.u32 s11, $0x1;
	s11 =	sshrl.u32 s12, $0x3;
	s12 =	simm.s32 $0x2  }
.LBB2_1:
0xf: {  	[spmem:s11], [sflag:s6] =	dma.local [hbm:s5], $0x2780  }
0x10: {  	_ =	swait.ge [sflag:s12], $0x2780  }
0x11: {  	[sflag:s12] =	ssyncset.done $0x0  }
0x12: {  	[sflag:s12] =	ssyncadd.s32 $0xFFFFD880  }
0x13: {  	s17 =	sadd.s32 $0x0, s10;
	[bflag:$0x0] =	sbarrier.arrive $0xFFFF  }
0x14: {  	[tilespmem:s3], [sflag:$0x2] =	stream.linear.gather [hbm4b:s17+s3], $0x80, $0x38;
	[tilespmem:$0x17D00] =	vst v63  }
0x15: {  	_ =	swait.ge [sflag:s12], $0x80  }
0x16: {  	[sflag:s12] =	ssyncset.done $0x0  }
0x17: {  	s31 =	sadd.s32 $0x0, s9;
	[sflag:s12] =	ssyncadd.s32 $0xFFFFFF80  }
0x18: {  	[tilespmem:s13], [sflag:$0x2] =	stream.linear.gather [hbm4b:s31+s3], $0x80, $0x38;
	[tilespmem:$0x17D00] =	vst v63  }
0x19: {  	_ =	swait.ge [sflag:s12], $0x80  }
0x1a: {  	[sflag:s12] =	ssyncset.done $0x0  }
0x1b: {  	[sflag:s12] =	ssyncadd.s32 $0xFFFFFF80  }
0x1c: {  	[tilespmem:s14], [sflag:$0x1] =	stream.indirect.gather [hbm4b:s4+s13], $0x80, s3, s13, $0xb8;
	[tilespmem:$0x17D00] =	vst v63  }
0x1d: {  	_ =	swait.ge [sflag:s15], $0x4000  }
0x1e: {  	[sflag:s15] =	ssyncset.done $0x0  }
0x1f: {  	[sflag:s15] =	ssyncadd.s32 $0xFFFFC000  }
0x20: {  	[spmem:s2] =	stream.indirect.scatter.add.f32 [tilespmem:s14], [sflag:$0x2], $0x80, s13, s13, $0xb8;
	[tilespmem:$0x17D00] =	vst v63  }
0x21: {  	_ =	swait.ge [sflag:s12], $0x4000  }
0x22: {  	s18 =	simm.s32 $0x20;
	s17 =	simm.s32 $0x10;
	[sflag:s12] =	ssyncset.done $0x0  }
.LBB2_2:
0x23: {  	s19 =	sadd.s32 s17, s10  }
0x24: {  	[sflag:s12] =	ssyncadd.s32 $0xFFFFC000;
	s20 =	smov.u32 s18;
	s21 =	sadd.s32 $0x10, s18  }
0x25: {  	[tilespmem:s3], [sflag:$0x2] =	stream.linear.gather [hbm4b:s19+s3], $0x80, $0x38;
	[tilespmem:$0x17D00] =	vst v63  }
0x26: {  	p0 =	sne.s32 s18, $0x270;
	_ =	swait.ge [sflag:s12], $0x80  }
0x27: {  	[sflag:s12] =	ssyncset.done $0x0  }
0x28: {  	s18 =	sadd.s32 s17, s9;
	s17 =	smov.u32 s20;
	[sflag:s12] =	ssyncadd.s32 $0xFFFFFF80  }
0x29: {  	[tilespmem:s13], [sflag:$0x2] =	stream.linear.gather [hbm4b:s18+s3], $0x80, $0x38;
	[tilespmem:$0x17D00] =	vst v63  }
0x2a: {  	_ =	swait.ge [sflag:s12], $0x80  }
0x2b: {  	[sflag:s12] =	ssyncset.done $0x0  }
0x2c: {  	[sflag:s12] =	ssyncadd.s32 $0xFFFFFF80  }
0x2d: {  	[tilespmem:s14], [sflag:$0x1] =	stream.indirect.gather [hbm4b:s4+s13], $0x80, s3, s13, $0xb8;
	[tilespmem:$0x17D00] =	vst v63  }
0x2e: {  	_ =	swait.ge [sflag:s15], $0x4000  }
.Ltmp0:
0x2f: {  	[sflag:s15] =	ssyncset.done $0x0;
	(pc) =	sbr.rel @p0 .LBB2_2-.Ltmp0, $4  }
0x30: {  	[sflag:s15] =	ssyncadd.s32 $0xFFFFC000  }
0x31: {  	[spmem:s2] =	stream.indirect.scatter.add.f32 [tilespmem:s14], [sflag:$0x2], $0x80, s13, s13, $0xb8;
	[tilespmem:$0x17D00] =	vst v63  }
0x32: {  	_ =	swait.ge [sflag:s12], $0x4000  }
0x33: {  	s18 =	smov.u32 s21;
	[sflag:s12] =	ssyncset.done $0x0  }
0x34: {  	s18 =	sadd.s32 s17, s10;
	[sflag:s12] =	ssyncadd.s32 $0xFFFFC000  }
0x35: {  	[tilespmem:s3], [sflag:$0x2] =	stream.linear.gather [hbm4b:s18+s3], $0x80, $0x38;
	[tilespmem:$0x17D00] =	vst v63  }
0x36: {  	_ =	swait.ge [sflag:s12], $0x80  }
0x37: {  	[sflag:s12] =	ssyncset.done $0x0  }
0x38: {  	s31 =	sadd.s32 s17, s9;
	[sflag:s12] =	ssyncadd.s32 $0xFFFFFF80  }
0x39: {  	[tilespmem:s13], [sflag:$0x2] =	stream.linear.gather [hbm4b:s31+s3], $0x80, $0x38;
	[tilespmem:$0x17D00] =	vst v63  }
0x3a: {  	_ =	swait.ge [sflag:s12], $0x80  }
0x3b: {  	[sflag:s12] =	ssyncset.done $0x0  }
0x3c: {  	[sflag:s12] =	ssyncadd.s32 $0xFFFFFF80  }
0x3d: {  	[tilespmem:s14], [sflag:$0x1] =	stream.indirect.gather [hbm4b:s4+s13], $0x80, s3, s13, $0xb8;
	[tilespmem:$0x17D00] =	vst v63  }
0x3e: {  	_ =	swait.ge [sflag:s15], $0x4000  }
0x3f: {  	[sflag:s15] =	ssyncset.done $0x0  }
0x40: {  	[sflag:s15] =	ssyncadd.s32 $0xFFFFC000  }
0x41: {  	[spmem:s2] =	stream.indirect.scatter.add.f32 [tilespmem:s14], [sflag:$0x2], $0x80, s13, s13, $0xb8;
	[tilespmem:$0x17D00] =	vst v63  }
0x42: {  	_ =	swait.ge [sflag:s12], $0x4000  }
0x43: {  	s16 =	sadd.s32 $0x1, s16;
	[sflag:s12] =	ssyncset.done $0x0  }
0x44: {  	p0 =	sne.s32 s16, s8;
	[sflag:s12] =	ssyncadd.s32 $0xFFFFC000  }
.Ltmp1:
0x45: {  	[bflag:$0x0] =	sbarrier.arrive $0xFFFF;
	(pc) =	sbr.rel @p0 .LBB2_1-.Ltmp1, $4  }
0x46: {  	[hbm:s7], [sflag:s6] =	dma.local [spmem:s11], $0x2780  }
0x47: {  	_ =	swait.ge [sflag:s12], $0x2780  }
0x48: {  	[sflag:s12] =	ssyncset.done $0x0  }
0x49: {  	[sflag:s12] =	ssyncadd.s32 $0xFFFFD880  }
0x4a: {  	_ =	sfence.sel $0x180000  }
0x4b: {  	[bflag:$0x0] =	sbarrier.arrive $0xFFFF  }
0x4c: {  	p0 =	sne.s32 s1, $0x0;
	_ =	strace $0x90000053  }
0x4d: {  	s0 =	sadd.s32 @!p0 $0x100000, s0;
	[bflag:$0x2] =	sbarrier.arrive $0xFFFF  }
0x4e: {  	[sflag:s0] =	ssyncadd.tile.s32 @!p0 $0x1;
	_ =	shalt  }
.Lfunc_end2:
_tile_overlayer_lowered:
.L_overlay_start_2:
0x4f: {  	(tag) =	ssettag $0x2  }
0x50: {  	s0 =	rddreg [dreg:$0x0];
	s2 =	stileid.u32  }
0x51: {  	s1 =	rddreg [dreg:$0x1];
	p0 =	sne.s32 s2, $0x0  }
0x52: {  	s3 =	rddreg [dreg:$0x2];
	[bflag:$0x3] =	sbarrier.arrive $0xFFFF;
	s2 =	simm.s32 @!p0 $0x1C02  }
0x53: {  	[timem:s3], [sflag:s2] =	dma.local @!p0 [hbm:s0], s1  }
0x54: {  	s0 =	simm.s32 @!p0 $0x2  }
0x55: {  	_ =	swait.ge @!p0 [sflag:s0], s1  }
0x56: {  	s1 =	ssub.s32 @!p0 $0x0, s1;
	[sflag:s0] =	ssyncset.done @!p0 $0x0  }
0x57: {  	[sflag:s0] =	ssyncadd.s32 @!p0 s1  }
0x58: {  	[bflag:$0x3] =	sbarrier.arrive $0xFFFF  }
0x59: {  	_ =	shalt  }

</sc_bundles>
